<compile_context>
chip_gen: v7x
topology: tpu7x:2x2x1
jax: 0.10.2.dev20260603
libtpu: 0.0.44.dev20260713+nightly
codegen_flags: <defaults>
</compile_context>

<pallas_src>
import functools

import jax
import jax.numpy as jnp
from jax import lax
from jax.experimental import pallas as pl
from jax.experimental.pallas import tpu as pltpu
from jax.experimental.pallas import tpu_sc as plsc

f32 = jnp.float32
i32 = jnp.int32

N_NODES = 10000
HIDDEN = 768
N_EDGES = 100000
N_PAIRS = 8192
W = 16

NC = 2
NS = 16
NW = NC * NS
NPAD = 10240
ROWS_PER_SUB = NPAD // NS
EPAD = 102400
ECH = EPAD // (NW * 128)
PCH = N_PAIRS // (NW * 128)

BLK = 2000


def _dense_body(ne_ref, w1_ref, b1_ref, wl_ref, wr_ref, wc_ref, bs_ref,
                bc_ref, x_ref, xm_ref, k_ref, c_vmem, w1b_vmem):
    i = pl.program_id(0)

    @pl.when(i == 0)
    def _():
        w1b_vmem[...] = w1_ref[...].astype(jnp.bfloat16)
        wc6 = jnp.concatenate([wc_ref[0:HIDDEN, :], wc_ref[HIDDEN:, :]], axis=1)
        z = jnp.zeros((HIDDEN, 2), f32)
        wcm = jnp.concatenate([wc6, z, z, z, z, z], axis=1)
        wcr = jnp.concatenate([z, z, z, z, wc6, z], axis=1)
        c_vmem[...] = (jnp.dot(wl_ref[...], wcm, preferred_element_type=f32)
                       + jnp.dot(wr_ref[...], wcr, preferred_element_type=f32)
                       + wcr)
        kv = jnp.dot(bs_ref[...], wcm, preferred_element_type=f32)
        r16 = lax.broadcasted_iota(i32, (16, 16), 0)
        c16 = lax.broadcasted_iota(i32, (16, 16), 1)
        shift3 = jnp.where(r16 == c16 + 3, 1.0, 0.0).astype(f32)
        ksh = jnp.dot(kv, shift3, preferred_element_type=f32)
        bcp = jnp.concatenate([bc_ref[...], jnp.zeros((1, 13), f32)], axis=1)
        col = lax.broadcasted_iota(i32, (1, 16), 1)
        k_ref[...] = jnp.where(col < 3, kv + ksh + bcp, 0.0)

    lhs = ne_ref[...].astype(jnp.bfloat16)
    h = jnp.dot(lhs, w1b_vmem[...], preferred_element_type=f32)
    h = jnp.maximum(h + b1_ref[...], 0.0)
    x = jnp.dot(h.astype(jnp.bfloat16), c_vmem[...].astype(jnp.bfloat16),
                preferred_element_type=f32)
    col = lax.broadcasted_iota(i32, x.shape, 1)
    x = jnp.where(col == 6, 1.0, x)
    x_ref[...] = x
    xm_ref[...] = x[:, 0:8]


def _dense(ne, W1b, b1r, Wl, Wr, Wc, bsr, bcp):
    nblk = N_NODES // BLK
    zero = lambda i: (0, 0)
    return pl.pallas_call(
        _dense_body,
        grid=(nblk,),
        in_specs=[
            pl.BlockSpec((BLK, HIDDEN), lambda i: (i, 0)),
            pl.BlockSpec((HIDDEN, HIDDEN), zero),
            pl.BlockSpec((1, HIDDEN), zero),
            pl.BlockSpec((HIDDEN, HIDDEN), zero),
            pl.BlockSpec((HIDDEN, HIDDEN), zero),
            pl.BlockSpec((2 * HIDDEN, 3), zero),
            pl.BlockSpec((1, HIDDEN), zero),
            pl.BlockSpec((1, 3), zero),
        ],
        out_specs=[pl.BlockSpec((BLK, W), lambda i: (i, 0)),
                   pl.BlockSpec((BLK, 8), lambda i: (i, 0)),
                   pl.BlockSpec((1, 16), zero)],
        out_shape=[jax.ShapeDtypeStruct((N_NODES, W), f32),
                   jax.ShapeDtypeStruct((N_NODES, 8), f32),
                   jax.ShapeDtypeStruct((1, 16), f32)],
        scratch_shapes=[pltpu.VMEM((HIDDEN, W), f32),
                        pltpu.VMEM((HIDDEN, HIDDEN), jnp.bfloat16)],
    )(ne, W1b, b1r, Wl, Wr, Wc, bsr, bcp)


_MESH = plsc.VectorSubcoreMesh(core_axis_name="c", subcore_axis_name="s")
_SC_PARAMS = pltpu.CompilerParams(use_tc_tiling_on_sc=False)


@functools.partial(
    pl.kernel,
    out_type=jax.ShapeDtypeStruct((NPAD, W), f32),
    mesh=_MESH,
    scratch_types=[
        pltpu.VMEM((ECH, 128), i32),
        pltpu.VMEM((ECH, 128), i32),
        pltpu.VMEM((ECH, 128, 8), f32),
        pltpu.VMEM_SHARED((NPAD, 8), f32),
        pltpu.SemaphoreType.DMA,
        pltpu.SemaphoreType.DMA,
    ],
    compiler_params=_SC_PARAMS,
)
def _s1(ei_hbm, x_hbm, zeros_hbm, p_hbm,
        src_v, dst_v, rows_v, seg_sh, sem, sem2):
    cid = lax.axis_index("c")
    sid = lax.axis_index("s")
    wid = sid * NC + cid

    zrows = pl.ds(sid * ROWS_PER_SUB, ROWS_PER_SUB)
    pltpu.sync_copy(zeros_hbm.at[zrows], seg_sh.at[zrows])

    pltpu.sync_copy(ei_hbm.at[0, wid], src_v)
    pltpu.sync_copy(ei_hbm.at[1, wid], dst_v)
    plsc.subcore_barrier()

    gds = [pltpu.async_copy(x_hbm.at[src_v.at[j]], rows_v.at[j], sem)
           for j in range(ECH)]
    sds = []
    for j in range(ECH):
        gds[j].wait()
        sds.append(pltpu.async_copy(rows_v.at[j], seg_sh.at[dst_v.at[j]],
                                    sem2, add=True))
    for d in sds:
        d.wait()
    plsc.subcore_barrier()

    rows = pl.ds(sid * ROWS_PER_SUB, ROWS_PER_SUB)

    @pl.when(cid == 0)
    def _():
        pltpu.sync_copy(seg_sh.at[rows], p_hbm.at[rows, pl.ds(0, 8)])

    @pl.when(cid == 1)
    def _():
        pltpu.sync_copy(seg_sh.at[rows], p_hbm.at[rows, pl.ds(8, 8)])


_TAKE_DN = lax.GatherDimensionNumbers(
    offset_dims=(), collapsed_slice_dims=(0,), start_index_map=(0,))


def _lane_take(x, idxv):
    return lax.gather(x, idxv[:, None], _TAKE_DN, slice_sizes=(1,),
                      mode=lax.GatherScatterMode.PROMISE_IN_BOUNDS)


@functools.partial(
    pl.kernel,
    out_type=jax.ShapeDtypeStruct((N_PAIRS, W), f32),
    mesh=_MESH,
    scratch_types=[
        pltpu.VMEM((PCH, 128), i32),
        pltpu.VMEM((PCH, 128), i32),
        pltpu.VMEM((128, W), f32),
        pltpu.VMEM((128, W), f32),
        pltpu.VMEM((128, W), f32),
        pltpu.VMEM((128, W), f32),
        pltpu.VMEM((128, W), f32),
        pltpu.VMEM((16,), f32),
        pltpu.SemaphoreType.DMA,
    ],
    compiler_params=_SC_PARAMS,
)
def _s2(idx_hbm, x_hbm, p_hbm, k_hbm, out_hbm,
        i0_v, i1_v, x0_v, a0_v, x1_v, a1_v, out_v, kv, sem):
    cid = lax.axis_index("c")
    sid = lax.axis_index("s")
    wid = sid * NC + cid

    pltpu.sync_copy(k_hbm, kv)
    pltpu.sync_copy(idx_hbm.at[0, wid], i0_v)
    pltpu.sync_copy(idx_hbm.at[1, wid], i1_v)

    lanes = lax.iota(i32, 16)
    six = jnp.full((16,), 6, i32)
    sh8 = jnp.minimum(lanes + 8, 15)
    sh3 = jnp.minimum(lanes + 3, 15)

    for j in range(PCH):
        d0 = pltpu.async_copy(x_hbm.at[i0_v.at[j]], x0_v, sem)
        d1 = pltpu.async_copy(p_hbm.at[i0_v.at[j]], a0_v, sem)
        d2 = pltpu.async_copy(x_hbm.at[i1_v.at[j]], x1_v, sem)
        d3 = pltpu.async_copy(p_hbm.at[i1_v.at[j]], a1_v, sem)
        d0.wait(); d1.wait(); d2.wait(); d3.wait()

        kcst = kv[...]

        def _pair(p, carry):
            v0 = a0_v[p, :]
            s0 = v0 + _lane_take(v0, sh8)
            rec0 = 1.0 / jnp.maximum(_lane_take(s0, six), 1.0)
            tl = s0 * rec0 + _lane_take(x0_v[p, :], sh8)
            v1 = a1_v[p, :]
            s1 = v1 + _lane_take(v1, sh8)
            rec1 = 1.0 / jnp.maximum(_lane_take(s1, six), 1.0)
            tr = s1 * rec1 + _lane_take(x1_v[p, :], sh8)
            out_v[p, :] = tl + _lane_take(tr, sh3) + kcst
            return carry
        lax.fori_loop(0, 128, _pair, 0)

        base = (wid * PCH + j) * 128
        pltpu.sync_copy(out_v, out_hbm.at[pl.ds(base, 128)])


def kernel(node_embeddings, W1, b1, Wl, Wr, b_sage, Wc, bc, idx, edge_index):
    ne = node_embeddings.astype(f32)
    X, Xm, K = _dense(ne, W1, b1.reshape(1, HIDDEN),
                      Wl, Wr, Wc, b_sage.reshape(1, HIDDEN), bc.reshape(1, 3))

    pad = EPAD - N_EDGES
    padv = jnp.broadcast_to(jnp.array([[0], [NPAD - 1]], i32), (2, pad))
    ei = jnp.concatenate([edge_index.astype(i32), padv], axis=1
                         ).reshape(2, NW, ECH, 128)
    zeros8 = jnp.zeros((NPAD, 8), f32)
    p = _s1(ei, Xm, zeros8)

    idxT = idx.astype(i32).T.reshape(2, NW, PCH, 128)
    out = _s2(idxT, X, p, K.reshape(16))
    return out[:, :3]

# --- scband reference (transcript-rebuilt; emitter-appended) ---
"""Pipeline reference for scband-graph-conv-classification-54915451846932 (READ-ONLY COPY).

The authoritative reference and input builder live on the scoring server;
editing this copy changes nothing except your own understanding.
"""

import jax, jax.numpy as jnp
import numpy as np

N_NODES = 10000
DIM_EMB = 768
HIDDEN = 768
NUM_LABELS = 3
N_EDGES = 100000
N_PAIRS = 8192


def setup_inputs(seed: int = 0) -> dict:
    key = jax.random.key(seed)
    ks = jax.random.split(key, 12)
    node_embeddings = jax.random.normal(ks[0], (N_NODES, HIDDEN), dtype=jnp.float32)
    edge_index = jax.random.randint(ks[1], (2, N_EDGES), 0, N_NODES, dtype=jnp.int64)
    idx = jax.random.randint(ks[2], (N_PAIRS, 2), 0, N_NODES, dtype=jnp.int64)
    s = 1.0 / np.sqrt(HIDDEN)
    # linear: hidden_size -> dim_emb
    W1 = jax.random.uniform(ks[3], (HIDDEN, DIM_EMB), jnp.float32, -s, s)
    b1 = jax.random.uniform(ks[4], (DIM_EMB,), jnp.float32, -s, s)
    # SAGEConv(dim_emb, dim_emb, aggr='mean'): lin_l (on aggregated neighbors), lin_r (root)
    Wl = jax.random.uniform(ks[5], (DIM_EMB, DIM_EMB), jnp.float32, -s, s)
    Wr = jax.random.uniform(ks[6], (DIM_EMB, DIM_EMB), jnp.float32, -s, s)
    b_sage = jax.random.uniform(ks[7], (DIM_EMB,), jnp.float32, -s, s)
    # classifier: 2*dim_emb -> num_labels
    sc = 1.0 / np.sqrt(2 * DIM_EMB)
    Wc = jax.random.uniform(ks[8], (2 * DIM_EMB, NUM_LABELS), jnp.float32, -sc, sc)
    bc = jax.random.uniform(ks[9], (NUM_LABELS,), jnp.float32, -sc, sc)
    return {"node_embeddings": node_embeddings, "W1": W1, "b1": b1, "Wl": Wl,
            "Wr": Wr, "b_sage": b_sage, "Wc": Wc, "bc": bc,
            "idx": idx, "edge_index": edge_index}


def reference(node_embeddings, W1, b1, Wl, Wr, b_sage, Wc, bc, idx, edge_index):
    # h = relu(linear(node_embeddings))
    h = jax.nn.relu(node_embeddings @ W1 + b1)
    src = edge_index[0]
    dst = edge_index[1]
    # SAGEConv with mean aggregation: out = lin_l(mean_{j in N(i)} h_j) + lin_r(h_i)
    msg = jnp.take(h, src, axis=0)
    summed = jax.ops.segment_sum(msg, dst, num_segments=N_NODES)
    cnt = jax.ops.segment_sum(jnp.ones((msg.shape[0],), dtype=h.dtype), dst,
                              num_segments=N_NODES)
    agg = summed / jnp.clip(cnt, 1.0, None)[:, None]
    node_out = agg @ Wl + h @ Wr + b_sage
    # residual
    h2 = node_out + h
    # gather node pairs and concatenate
    left = jnp.take(h2, idx[:, 0], axis=0)
    right = jnp.take(h2, idx[:, 1], axis=0)
    pairs = jnp.concatenate([left, right], axis=1)
    # dropout is identity in eval mode
    logits = pairs @ Wc + bc
    return logits

if __name__ == "__main__":
    import jax
    _d = setup_inputs()
    print(jax.jit(kernel)(*tuple(_d.values())))

</pallas_src>

<mosaic_0001>
#map = affine_map<(d0, d1) -> (0, 0, 0, 0)>
#map1 = affine_map<(d0, d1) -> (0, 0)>
#map2 = affine_map<(d0, d1) -> (0)>
module attributes {stable_mosaic.version = 14 : i64} {
  func.func @_s2(%arg0: i32, %arg1: i32, %arg2: memref<2x32x2x128xi32, #tpu.memory_space<hbm>>, %arg3: memref<10000x16xf32, #tpu.memory_space<hbm>>, %arg4: memref<10240x16xf32, #tpu.memory_space<hbm>>, %arg5: memref<16xf32, #tpu.memory_space<hbm>>, %arg6: memref<8192x16xf32, #tpu.memory_space<hbm>>, %arg7: memref<2x128xi32, #tpu.memory_space<vmem>>, %arg8: memref<2x128xi32, #tpu.memory_space<vmem>>, %arg9: memref<128x16xf32, #tpu.memory_space<vmem>>, %arg10: memref<128x16xf32, #tpu.memory_space<vmem>>, %arg11: memref<128x16xf32, #tpu.memory_space<vmem>>, %arg12: memref<128x16xf32, #tpu.memory_space<vmem>>, %arg13: memref<128x16xf32, #tpu.memory_space<vmem>>, %arg14: memref<16xf32, #tpu.memory_space<vmem>>, %arg15: memref<!tpu.dma_semaphore, #tpu.memory_space<semaphore_mem>>) attributes {dimension_semantics = [#tpu.dimension_semantics<core_parallel>, #tpu.dimension_semantics<subcore_parallel>], iteration_bounds = array<i64: 2, 16>, scalar_prefetch = 0 : i64, scratch_operands = 9 : i64, tpu.core_type = #tpu.core_type<sc_vector_subcore>, window_params = [{transform_indices = #map}, {transform_indices = #map1}, {transform_indices = #map1}, {transform_indices = #map2}, {transform_indices = #map1}]} {
    %mul3A = arith.constant 2 : i32
    %mul3A_0 = arith.muli %arg1, %mul3A : i32
    %add3A = arith.addi %mul3A_0, %arg0 : i32
    "tpu.region"() ({
      %run_scoped3A_152 = tpu.sem_alloc : memref<!tpu.dma_semaphore, #tpu.memory_space<semaphore_mem>>
      tpu.enqueue_dma source(%arg5 : memref<16xf32, #tpu.memory_space<hbm>>) target(%arg14 : memref<16xf32, #tpu.memory_space<vmem>>) target_semaphore(%run_scoped3A_152 : memref<!tpu.dma_semaphore, #tpu.memory_space<semaphore_mem>>)
      tpu.wait_dma2 semaphore(%run_scoped3A_152 : memref<!tpu.dma_semaphore, #tpu.memory_space<semaphore_mem>>) src(%arg5 : memref<16xf32, #tpu.memory_space<hbm>>) dst(%arg14 : memref<16xf32, #tpu.memory_space<vmem>>)
      tpu.yield
    }) : () -> ()
    %run_scoped3A = arith.constant 0 : i32
    "tpu.region"() ({
      %run_scoped3A_152 = tpu.sem_alloc : memref<!tpu.dma_semaphore, #tpu.memory_space<semaphore_mem>>
      %dma_start3A_153 = arith.constant 0 : i32
      %dma_start3A_154 = arith.constant 0 : i32
      %dma_start3A_155 = tpu.memref_slice %arg2[%run_scoped3A, %add3A, %dma_start3A_153, %dma_start3A_154] : memref<2x32x2x128xi32, #tpu.memory_space<hbm>> -> memref<1x1x2x128xi32, #tpu.memory_space<hbm>>
      %dma_start3A_156 = tpu.memref_squeeze %dma_start3A_155 : memref<1x1x2x128xi32, #tpu.memory_space<hbm>> -> memref<2x128xi32, #tpu.memory_space<hbm>>
      %dma_start3A_157 = arith.constant 0 : i32
      %dma_start3A_158 = arith.constant 0 : i32
      %dma_start3A_159 = tpu.memref_slice %arg2[%run_scoped3A, %add3A, %dma_start3A_157, %dma_start3A_158] : memref<2x32x2x128xi32, #tpu.memory_space<hbm>> -> memref<1x1x2x128xi32, #tpu.memory_space<hbm>>
      %dma_start3A_160 = tpu.memref_squeeze %dma_start3A_159 : memref<1x1x2x128xi32, #tpu.memory_space<hbm>> -> memref<2x128xi32, #tpu.memory_space<hbm>>
      tpu.enqueue_dma source(%dma_start3A_160 : memref<2x128xi32, #tpu.memory_space<hbm>>) target(%arg7 : memref<2x128xi32, #tpu.memory_space<vmem>>) target_semaphore(%run_scoped3A_152 : memref<!tpu.dma_semaphore, #tpu.memory_space<semaphore_mem>>)
      %dma_wait3A_161 = arith.constant 0 : i32
      %dma_wait3A_162 = arith.constant 0 : i32
      %dma_wait3A_163 = tpu.memref_slice %arg2[%run_scoped3A, %add3A, %dma_wait3A_161, %dma_wait3A_162] : memref<2x32x2x128xi32, #tpu.memory_space<hbm>> -> memref<1x1x2x128xi32, #tpu.memory_space<hbm>>
      %dma_wait3A_164 = tpu.memref_squeeze %dma_wait3A_163 : memref<1x1x2x128xi32, #tpu.memory_space<hbm>> -> memref<2x128xi32, #tpu.memory_space<hbm>>
      %dma_wait3A_165 = arith.constant 0 : i32
      %dma_wait3A_166 = arith.constant 0 : i32
      %dma_wait3A_167 = tpu.memref_slice %arg2[%run_scoped3A, %add3A, %dma_wait3A_165, %dma_wait3A_166] : memref<2x32x2x128xi32, #tpu.memory_space<hbm>> -> memref<1x1x2x128xi32, #tpu.memory_space<hbm>>
      %dma_wait3A_168 = tpu.memref_squeeze %dma_wait3A_167 : memref<1x1x2x128xi32, #tpu.memory_space<hbm>> -> memref<2x128xi32, #tpu.memory_space<hbm>>
      tpu.wait_dma2 semaphore(%run_scoped3A_152 : memref<!tpu.dma_semaphore, #tpu.memory_space<semaphore_mem>>) src(%dma_wait3A_168 : memref<2x128xi32, #tpu.memory_space<hbm>>) dst(%arg7 : memref<2x128xi32, #tpu.memory_space<vmem>>)
      tpu.yield
    }) : () -> ()
    %run_scoped3A_1 = arith.constant 1 : i32
    "tpu.region"() ({
      %run_scoped3A_152 = tpu.sem_alloc : memref<!tpu.dma_semaphore, #tpu.memory_space<semaphore_mem>>
      %dma_start3A_153 = arith.constant 0 : i32
      %dma_start3A_154 = arith.constant 0 : i32
      %dma_start3A_155 = tpu.memref_slice %arg2[%run_scoped3A_1, %add3A, %dma_start3A_153, %dma_start3A_154] : memref<2x32x2x128xi32, #tpu.memory_space<hbm>> -> memref<1x1x2x128xi32, #tpu.memory_space<hbm>>
      %dma_start3A_156 = tpu.memref_squeeze %dma_start3A_155 : memref<1x1x2x128xi32, #tpu.memory_space<hbm>> -> memref<2x128xi32, #tpu.memory_space<hbm>>
      %dma_start3A_157 = arith.constant 0 : i32
      %dma_start3A_158 = arith.constant 0 : i32
      %dma_start3A_159 = tpu.memref_slice %arg2[%run_scoped3A_1, %add3A, %dma_start3A_157, %dma_start3A_158] : memref<2x32x2x128xi32, #tpu.memory_space<hbm>> -> memref<1x1x2x128xi32, #tpu.memory_space<hbm>>
      %dma_start3A_160 = tpu.memref_squeeze %dma_start3A_159 : memref<1x1x2x128xi32, #tpu.memory_space<hbm>> -> memref<2x128xi32, #tpu.memory_space<hbm>>
      tpu.enqueue_dma source(%dma_start3A_160 : memref<2x128xi32, #tpu.memory_space<hbm>>) target(%arg8 : memref<2x128xi32, #tpu.memory_space<vmem>>) target_semaphore(%run_scoped3A_152 : memref<!tpu.dma_semaphore, #tpu.memory_space<semaphore_mem>>)
      %dma_wait3A_161 = arith.constant 0 : i32
      %dma_wait3A_162 = arith.constant 0 : i32
      %dma_wait3A_163 = tpu.memref_slice %arg2[%run_scoped3A_1, %add3A, %dma_wait3A_161, %dma_wait3A_162] : memref<2x32x2x128xi32, #tpu.memory_space<hbm>> -> memref<1x1x2x128xi32, #tpu.memory_space<hbm>>
      %dma_wait3A_164 = tpu.memref_squeeze %dma_wait3A_163 : memref<1x1x2x128xi32, #tpu.memory_space<hbm>> -> memref<2x128xi32, #tpu.memory_space<hbm>>
      %dma_wait3A_165 = arith.constant 0 : i32
      %dma_wait3A_166 = arith.constant 0 : i32
      %dma_wait3A_167 = tpu.memref_slice %arg2[%run_scoped3A_1, %add3A, %dma_wait3A_165, %dma_wait3A_166] : memref<2x32x2x128xi32, #tpu.memory_space<hbm>> -> memref<1x1x2x128xi32, #tpu.memory_space<hbm>>
      %dma_wait3A_168 = tpu.memref_squeeze %dma_wait3A_167 : memref<1x1x2x128xi32, #tpu.memory_space<hbm>> -> memref<2x128xi32, #tpu.memory_space<hbm>>
      tpu.wait_dma2 semaphore(%run_scoped3A_152 : memref<!tpu.dma_semaphore, #tpu.memory_space<semaphore_mem>>) src(%dma_wait3A_168 : memref<2x128xi32, #tpu.memory_space<hbm>>) dst(%arg8 : memref<2x128xi32, #tpu.memory_space<vmem>>)
      tpu.yield
    }) : () -> ()
    %iota3A = tpu.iota {dimensions = array<i32: 0>} : vector<16xi32>
    %broadcast_in_dim3A = arith.constant 6 : i32
    %broadcast_in_dim3A_2 = vector.broadcast %broadcast_in_dim3A : i32 to vector<16xi32>
    %add3A_3 = arith.constant 8 : i32
    %add3A_4 = vector.broadcast %add3A_3 : i32 to vector<16xi32>
    %add3A_5 = arith.addi %iota3A, %add3A_4 : vector<16xi32>
    %min3A = arith.constant 15 : i32
    %min3A_6 = vector.broadcast %min3A : i32 to vector<16xi32>
    %min3A_7 = arith.minsi %add3A_5, %min3A_6 : vector<16xi32>
    %add3A_8 = arith.constant 3 : i32
    %add3A_9 = vector.broadcast %add3A_8 : i32 to vector<16xi32>
    %add3A_10 = arith.addi %iota3A, %add3A_9 : vector<16xi32>
    %min3A_11 = arith.constant 15 : i32
    %min3A_12 = vector.broadcast %min3A_11 : i32 to vector<16xi32>
    %min3A_13 = arith.minsi %add3A_10, %min3A_12 : vector<16xi32>
    %dma_start3A = arith.constant 0 : i32
    %dma_start3A_14 = arith.constant 0 : i32
    %dma_start3A_15 = tpu.memref_slice %arg7[%dma_start3A, %dma_start3A_14] : memref<2x128xi32, #tpu.memory_space<vmem>> -> memref<1x128xi32, #tpu.memory_space<vmem>>
    %dma_start3A_16 = tpu.memref_squeeze %dma_start3A_15 : memref<1x128xi32, #tpu.memory_space<vmem>> -> memref<128xi32, #tpu.memory_space<vmem>>
    %dma_start3A_17 = arith.constant 0 : i32
    %dma_start3A_18 = arith.constant 0 : i32
    %dma_start3A_19 = tpu.memref_slice %arg3[%dma_start3A_17, %dma_start3A_18] : memref<10000x16xf32, #tpu.memory_space<hbm>> -> memref<10000x16xf32, #tpu.memory_space<hbm>>
    tpu.enqueue_indirect_dma source(%dma_start3A_19 : memref<10000x16xf32, #tpu.memory_space<hbm>>) target(%arg9 : memref<128x16xf32, #tpu.memory_space<vmem>>) offsets(%dma_start3A_16 : memref<128xi32, #tpu.memory_space<vmem>>) semaphore(%arg15 : memref<!tpu.dma_semaphore, #tpu.memory_space<semaphore_mem>>)
    %dma_start3A_20 = arith.constant 0 : i32
    %dma_start3A_21 = arith.constant 0 : i32
    %dma_start3A_22 = tpu.memref_slice %arg7[%dma_start3A_20, %dma_start3A_21] : memref<2x128xi32, #tpu.memory_space<vmem>> -> memref<1x128xi32, #tpu.memory_space<vmem>>
    %dma_start3A_23 = tpu.memref_squeeze %dma_start3A_22 : memref<1x128xi32, #tpu.memory_space<vmem>> -> memref<128xi32, #tpu.memory_space<vmem>>
    %dma_start3A_24 = arith.constant 0 : i32
    %dma_start3A_25 = arith.constant 0 : i32
    %dma_start3A_26 = tpu.memref_slice %arg4[%dma_start3A_24, %dma_start3A_25] : memref<10240x16xf32, #tpu.memory_space<hbm>> -> memref<10240x16xf32, #tpu.memory_space<hbm>>
    tpu.enqueue_indirect_dma source(%dma_start3A_26 : memref<10240x16xf32, #tpu.memory_space<hbm>>) target(%arg10 : memref<128x16xf32, #tpu.memory_space<vmem>>) offsets(%dma_start3A_23 : memref<128xi32, #tpu.memory_space<vmem>>) semaphore(%arg15 : memref<!tpu.dma_semaphore, #tpu.memory_space<semaphore_mem>>)
    %dma_start3A_27 = arith.constant 0 : i32
    %dma_start3A_28 = arith.constant 0 : i32
    %dma_start3A_29 = tpu.memref_slice %arg8[%dma_start3A_27, %dma_start3A_28] : memref<2x128xi32, #tpu.memory_space<vmem>> -> memref<1x128xi32, #tpu.memory_space<vmem>>
    %dma_start3A_30 = tpu.memref_squeeze %dma_start3A_29 : memref<1x128xi32, #tpu.memory_space<vmem>> -> memref<128xi32, #tpu.memory_space<vmem>>
    %dma_start3A_31 = arith.constant 0 : i32
    %dma_start3A_32 = arith.constant 0 : i32
    %dma_start3A_33 = tpu.memref_slice %arg3[%dma_start3A_31, %dma_start3A_32] : memref<10000x16xf32, #tpu.memory_space<hbm>> -> memref<10000x16xf32, #tpu.memory_space<hbm>>
    tpu.enqueue_indirect_dma source(%dma_start3A_33 : memref<10000x16xf32, #tpu.memory_space<hbm>>) target(%arg11 : memref<128x16xf32, #tpu.memory_space<vmem>>) offsets(%dma_start3A_30 : memref<128xi32, #tpu.memory_space<vmem>>) semaphore(%arg15 : memref<!tpu.dma_semaphore, #tpu.memory_space<semaphore_mem>>)
    %dma_start3A_34 = arith.constant 0 : i32
    %dma_start3A_35 = arith.constant 0 : i32
    %dma_start3A_36 = tpu.memref_slice %arg8[%dma_start3A_34, %dma_start3A_35] : memref<2x128xi32, #tpu.memory_space<vmem>> -> memref<1x128xi32, #tpu.memory_space<vmem>>
    %dma_start3A_37 = tpu.memref_squeeze %dma_start3A_36 : memref<1x128xi32, #tpu.memory_space<vmem>> -> memref<128xi32, #tpu.memory_space<vmem>>
    %dma_start3A_38 = arith.constant 0 : i32
    %dma_start3A_39 = arith.constant 0 : i32
    %dma_start3A_40 = tpu.memref_slice %arg4[%dma_start3A_38, %dma_start3A_39] : memref<10240x16xf32, #tpu.memory_space<hbm>> -> memref<10240x16xf32, #tpu.memory_space<hbm>>
    tpu.enqueue_indirect_dma source(%dma_start3A_40 : memref<10240x16xf32, #tpu.memory_space<hbm>>) target(%arg12 : memref<128x16xf32, #tpu.memory_space<vmem>>) offsets(%dma_start3A_37 : memref<128xi32, #tpu.memory_space<vmem>>) semaphore(%arg15 : memref<!tpu.dma_semaphore, #tpu.memory_space<semaphore_mem>>)
    %dma_wait3A = arith.constant 0 : i32
    %dma_wait3A_41 = arith.constant 0 : i32
    %dma_wait3A_42 = tpu.memref_slice %arg7[%dma_wait3A, %dma_wait3A_41] : memref<2x128xi32, #tpu.memory_space<vmem>> -> memref<1x128xi32, #tpu.memory_space<vmem>>
    %dma_wait3A_43 = tpu.memref_squeeze %dma_wait3A_42 : memref<1x128xi32, #tpu.memory_space<vmem>> -> memref<128xi32, #tpu.memory_space<vmem>>
    %dma_wait3A_44 = arith.constant 0 : i32
    %dma_wait3A_45 = arith.constant 0 : i32
    %dma_wait3A_46 = tpu.memref_slice %arg3[%dma_wait3A_44, %dma_wait3A_45] : memref<10000x16xf32, #tpu.memory_space<hbm>> -> memref<10000x16xf32, #tpu.memory_space<hbm>>
    tpu.wait_indirect_dma semaphore(%arg15 : memref<!tpu.dma_semaphore, #tpu.memory_space<semaphore_mem>>) src(%dma_wait3A_46 : memref<10000x16xf32, #tpu.memory_space<hbm>>) dst(%arg9 : memref<128x16xf32, #tpu.memory_space<vmem>>)
    %dma_wait3A_47 = arith.constant 0 : i32
    %dma_wait3A_48 = arith.constant 0 : i32
    %dma_wait3A_49 = tpu.memref_slice %arg7[%dma_wait3A_47, %dma_wait3A_48] : memref<2x128xi32, #tpu.memory_space<vmem>> -> memref<1x128xi32, #tpu.memory_space<vmem>>
    %dma_wait3A_50 = tpu.memref_squeeze %dma_wait3A_49 : memref<1x128xi32, #tpu.memory_space<vmem>> -> memref<128xi32, #tpu.memory_space<vmem>>
    %dma_wait3A_51 = arith.constant 0 : i32
    %dma_wait3A_52 = arith.constant 0 : i32
    %dma_wait3A_53 = tpu.memref_slice %arg4[%dma_wait3A_51, %dma_wait3A_52] : memref<10240x16xf32, #tpu.memory_space<hbm>> -> memref<10240x16xf32, #tpu.memory_space<hbm>>
    tpu.wait_indirect_dma semaphore(%arg15 : memref<!tpu.dma_semaphore, #tpu.memory_space<semaphore_mem>>) src(%dma_wait3A_53 : memref<10240x16xf32, #tpu.memory_space<hbm>>) dst(%arg10 : memref<128x16xf32, #tpu.memory_space<vmem>>)
    %dma_wait3A_54 = arith.constant 0 : i32
    %dma_wait3A_55 = arith.constant 0 : i32
    %dma_wait3A_56 = tpu.memref_slice %arg8[%dma_wait3A_54, %dma_wait3A_55] : memref<2x128xi32, #tpu.memory_space<vmem>> -> memref<1x128xi32, #tpu.memory_space<vmem>>
    %dma_wait3A_57 = tpu.memref_squeeze %dma_wait3A_56 : memref<1x128xi32, #tpu.memory_space<vmem>> -> memref<128xi32, #tpu.memory_space<vmem>>
    %dma_wait3A_58 = arith.constant 0 : i32
    %dma_wait3A_59 = arith.constant 0 : i32
    %dma_wait3A_60 = tpu.memref_slice %arg3[%dma_wait3A_58, %dma_wait3A_59] : memref<10000x16xf32, #tpu.memory_space<hbm>> -> memref<10000x16xf32, #tpu.memory_space<hbm>>
    tpu.wait_indirect_dma semaphore(%arg15 : memref<!tpu.dma_semaphore, #tpu.memory_space<semaphore_mem>>) src(%dma_wait3A_60 : memref<10000x16xf32, #tpu.memory_space<hbm>>) dst(%arg11 : memref<128x16xf32, #tpu.memory_space<vmem>>)
    %dma_wait3A_61 = arith.constant 0 : i32
    %dma_wait3A_62 = arith.constant 0 : i32
    %dma_wait3A_63 = tpu.memref_slice %arg8[%dma_wait3A_61, %dma_wait3A_62] : memref<2x128xi32, #tpu.memory_space<vmem>> -> memref<1x128xi32, #tpu.memory_space<vmem>>
    %dma_wait3A_64 = tpu.memref_squeeze %dma_wait3A_63 : memref<1x128xi32, #tpu.memory_space<vmem>> -> memref<128xi32, #tpu.memory_space<vmem>>
    %dma_wait3A_65 = arith.constant 0 : i32
    %dma_wait3A_66 = arith.constant 0 : i32
    %dma_wait3A_67 = tpu.memref_slice %arg4[%dma_wait3A_65, %dma_wait3A_66] : memref<10240x16xf32, #tpu.memory_space<hbm>> -> memref<10240x16xf32, #tpu.memory_space<hbm>>
    tpu.wait_indirect_dma semaphore(%arg15 : memref<!tpu.dma_semaphore, #tpu.memory_space<semaphore_mem>>) src(%dma_wait3A_67 : memref<10240x16xf32, #tpu.memory_space<hbm>>) dst(%arg12 : memref<128x16xf32, #tpu.memory_space<vmem>>)
    %get3A = arith.constant 0 : index
    %get3A_68 = tpu.vector_load %arg14[%get3A] {strides = array<i32>} : memref<16xf32, #tpu.memory_space<vmem>>, vector<16xf32>,
    %get3A_69 = vector.shape_cast %get3A_68 : vector<16xf32> to vector<16xf32>
    %scan3A = arith.constant 0 : i32
    %scan3A_70 = arith.constant 0 : i32
    %scan3A_71 = arith.constant 128 : i32
    %scan3A_72 = arith.addi %scan3A_70, %scan3A_71 : i32
    %scan3A_73 = arith.constant 1 : i32
    scf.for %scan3A_152 = %scan3A_70 to %scan3A_72 step %scan3A_73  : i32 {
      %get3A_153 = arith.index_cast %scan3A_152 : i32 to index
      %get3A_154 = arith.constant 0 : index
      %get3A_155 = tpu.vector_load %arg10[%get3A_153, %get3A_154] {strides = array<i32>} : memref<128x16xf32, #tpu.memory_space<vmem>>, vector<1x16xf32>,
      %get3A_156 = vector.shape_cast %get3A_155 : vector<1x16xf32> to vector<16xf32>
      %broadcast_in_dim3A_157 = vector.shape_cast %min3A_7 : vector<16xi32> to vector<16x1xi32>
      %gather3A = vector.shape_cast %broadcast_in_dim3A_157 : vector<16x1xi32> to vector<16xi32>
      %gather3A_158 = tpu.dynamic_gather %get3A_156[%gather3A] in [0] : vector<16xf32>, vector<16xi32> -> vector<16xf32>
      %add3A_159 = arith.addf %get3A_156, %gather3A_158 : vector<16xf32>
      %broadcast_in_dim3A_160 = vector.shape_cast %broadcast_in_dim3A_2 : vector<16xi32> to vector<16x1xi32>
      %gather3A_161 = vector.shape_cast %broadcast_in_dim3A_160 : vector<16x1xi32> to vector<16xi32>
      %gather3A_162 = tpu.dynamic_gather %add3A_159[%gather3A_161] in [0] : vector<16xf32>, vector<16xi32> -> vector<16xf32>
      %max3A = arith.constant 1.000000e+00 : f32
      %max3A_163 = vector.broadcast %max3A : f32 to vector<16xf32>
      %max3A_164 = arith.maximumf %gather3A_162, %max3A_163 : vector<16xf32>
      %div3A = arith.constant 1.000000e+00 : f32
      %div3A_165 = vector.broadcast %div3A : f32 to vector<16xf32>
      %div3A_166 = arith.divf %div3A_165, %max3A_164 : vector<16xf32>
      %mul3A_167 = arith.mulf %add3A_159, %div3A_166 : vector<16xf32>
      %get3A_168 = arith.index_cast %scan3A_152 : i32 to index
      %get3A_169 = arith.constant 0 : index
      %get3A_170 = tpu.vector_load %arg9[%get3A_168, %get3A_169] {strides = array<i32>} : memref<128x16xf32, #tpu.memory_space<vmem>>, vector<1x16xf32>,
      %get3A_171 = vector.shape_cast %get3A_170 : vector<1x16xf32> to vector<16xf32>
      %broadcast_in_dim3A_172 = vector.shape_cast %min3A_7 : vector<16xi32> to vector<16x1xi32>
      %gather3A_173 = vector.shape_cast %broadcast_in_dim3A_172 : vector<16x1xi32> to vector<16xi32>
      %gather3A_174 = tpu.dynamic_gather %get3A_171[%gather3A_173] in [0] : vector<16xf32>, vector<16xi32> -> vector<16xf32>
      %add3A_175 = arith.addf %mul3A_167, %gather3A_174 : vector<16xf32>
      %get3A_176 = arith.index_cast %scan3A_152 : i32 to index
      %get3A_177 = arith.constant 0 : index
      %get3A_178 = tpu.vector_load %arg12[%get3A_176, %get3A_177] {strides = array<i32>} : memref<128x16xf32, #tpu.memory_space<vmem>>, vector<1x16xf32>,
      %get3A_179 = vector.shape_cast %get3A_178 : vector<1x16xf32> to vector<16xf32>
      %broadcast_in_dim3A_180 = vector.shape_cast %min3A_7 : vector<16xi32> to vector<16x1xi32>
      %gather3A_181 = vector.shape_cast %broadcast_in_dim3A_180 : vector<16x1xi32> to vector<16xi32>
      %gather3A_182 = tpu.dynamic_gather %get3A_179[%gather3A_181] in [0] : vector<16xf32>, vector<16xi32> -> vector<16xf32>
      %add3A_183 = arith.addf %get3A_179, %gather3A_182 : vector<16xf32>
      %broadcast_in_dim3A_184 = vector.shape_cast %broadcast_in_dim3A_2 : vector<16xi32> to vector<16x1xi32>
      %gather3A_185 = vector.shape_cast %broadcast_in_dim3A_184 : vector<16x1xi32> to vector<16xi32>
      %gather3A_186 = tpu.dynamic_gather %add3A_183[%gather3A_185] in [0] : vector<16xf32>, vector<16xi32> -> vector<16xf32>
      %max3A_187 = arith.constant 1.000000e+00 : f32
      %max3A_188 = vector.broadcast %max3A_187 : f32 to vector<16xf32>
      %max3A_189 = arith.maximumf %gather3A_186, %max3A_188 : vector<16xf32>
      %div3A_190 = arith.constant 1.000000e+00 : f32
      %div3A_191 = vector.broadcast %div3A_190 : f32 to vector<16xf32>
      %div3A_192 = arith.divf %div3A_191, %max3A_189 : vector<16xf32>
      %mul3A_193 = arith.mulf %add3A_183, %div3A_192 : vector<16xf32>
      %get3A_194 = arith.index_cast %scan3A_152 : i32 to index
      %get3A_195 = arith.constant 0 : index
      %get3A_196 = tpu.vector_load %arg11[%get3A_194, %get3A_195] {strides = array<i32>} : memref<128x16xf32, #tpu.memory_space<vmem>>, vector<1x16xf32>,
      %get3A_197 = vector.shape_cast %get3A_196 : vector<1x16xf32> to vector<16xf32>
      %broadcast_in_dim3A_198 = vector.shape_cast %min3A_7 : vector<16xi32> to vector<16x1xi32>
      %gather3A_199 = vector.shape_cast %broadcast_in_dim3A_198 : vector<16x1xi32> to vector<16xi32>
      %gather3A_200 = tpu.dynamic_gather %get3A_197[%gather3A_199] in [0] : vector<16xf32>, vector<16xi32> -> vector<16xf32>
      %add3A_201 = arith.addf %mul3A_193, %gather3A_200 : vector<16xf32>
      %broadcast_in_dim3A_202 = vector.shape_cast %min3A_13 : vector<16xi32> to vector<16x1xi32>
      %gather3A_203 = vector.shape_cast %broadcast_in_dim3A_202 : vector<16x1xi32> to vector<16xi32>
      %gather3A_204 = tpu.dynamic_gather %add3A_201[%gather3A_203] in [0] : vector<16xf32>, vector<16xi32> -> vector<16xf32>
      %add3A_205 = arith.addf %add3A_175, %gather3A_204 : vector<16xf32>
      %add3A_206 = arith.addf %add3A_205, %get3A_69 : vector<16xf32>
      %swap3A = arith.index_cast %scan3A_152 : i32 to index
      %swap3A_207 = arith.constant 0 : index
      %swap3A_208 = tpu.vector_load %arg13[%swap3A, %swap3A_207] {strides = array<i32>} : memref<128x16xf32, #tpu.memory_space<vmem>>, vector<1x16xf32>,
      %swap3A_209 = vector.shape_cast %swap3A_208 : vector<1x16xf32> to vector<16xf32>
      %swap3A_210 = vector.shape_cast %add3A_206 : vector<16xf32> to vector<1x16xf32>
      tpu.vector_store %arg13[%swap3A, %swap3A_207], %swap3A_210 {strides = array<i32>} : memref<128x16xf32, #tpu.memory_space<vmem>>, vector<1x16xf32>,
    }
    %scan3A_74 = arith.constant 128 : i32
    %mul3A_75 = arith.constant 2 : i32
    %mul3A_76 = arith.muli %add3A, %mul3A_75 : i32
    %add3A_77 = arith.constant 0 : i32
    %add3A_78 = arith.addi %mul3A_76, %add3A_77 : i32
    %mul3A_79 = arith.constant 128 : i32
    %mul3A_80 = arith.muli %add3A_78, %mul3A_79 : i32
    "tpu.region"() ({
      %run_scoped3A_152 = tpu.sem_alloc : memref<!tpu.dma_semaphore, #tpu.memory_space<semaphore_mem>>
      %dma_start3A_153 = arith.constant 0 : i32
      %dma_start3A_154 = tpu.memref_slice %arg6[%mul3A_80, %dma_start3A_153] : memref<8192x16xf32, #tpu.memory_space<hbm>> -> memref<128x16xf32, #tpu.memory_space<hbm>>
      %dma_start3A_155 = arith.constant 0 : i32
      %dma_start3A_156 = tpu.memref_slice %arg6[%mul3A_80, %dma_start3A_155] : memref<8192x16xf32, #tpu.memory_space<hbm>> -> memref<128x16xf32, #tpu.memory_space<hbm>>
      tpu.enqueue_dma source(%arg13 : memref<128x16xf32, #tpu.memory_space<vmem>>) target(%dma_start3A_156 : memref<128x16xf32, #tpu.memory_space<hbm>>) target_semaphore(%run_scoped3A_152 : memref<!tpu.dma_semaphore, #tpu.memory_space<semaphore_mem>>)
      %dma_wait3A_157 = arith.constant 0 : i32
      %dma_wait3A_158 = tpu.memref_slice %arg6[%mul3A_80, %dma_wait3A_157] : memref<8192x16xf32, #tpu.memory_space<hbm>> -> memref<128x16xf32, #tpu.memory_space<hbm>>
      %dma_wait3A_159 = arith.constant 0 : i32
      %dma_wait3A_160 = tpu.memref_slice %arg6[%mul3A_80, %dma_wait3A_159] : memref<8192x16xf32, #tpu.memory_space<hbm>> -> memref<128x16xf32, #tpu.memory_space<hbm>>
      tpu.wait_dma2 semaphore(%run_scoped3A_152 : memref<!tpu.dma_semaphore, #tpu.memory_space<semaphore_mem>>) src(%arg13 : memref<128x16xf32, #tpu.memory_space<vmem>>) dst(%dma_wait3A_160 : memref<128x16xf32, #tpu.memory_space<hbm>>)
      tpu.yield
    }) : () -> ()
    %dma_start3A_81 = arith.constant 1 : i32
    %dma_start3A_82 = arith.constant 0 : i32
    %dma_start3A_83 = tpu.memref_slice %arg7[%dma_start3A_81, %dma_start3A_82] : memref<2x128xi32, #tpu.memory_space<vmem>> -> memref<1x128xi32, #tpu.memory_space<vmem>>
    %dma_start3A_84 = tpu.memref_squeeze %dma_start3A_83 : memref<1x128xi32, #tpu.memory_space<vmem>> -> memref<128xi32, #tpu.memory_space<vmem>>
    %dma_start3A_85 = arith.constant 0 : i32
    %dma_start3A_86 = arith.constant 0 : i32
    %dma_start3A_87 = tpu.memref_slice %arg3[%dma_start3A_85, %dma_start3A_86] : memref<10000x16xf32, #tpu.memory_space<hbm>> -> memref<10000x16xf32, #tpu.memory_space<hbm>>
    tpu.enqueue_indirect_dma source(%dma_start3A_87 : memref<10000x16xf32, #tpu.memory_space<hbm>>) target(%arg9 : memref<128x16xf32, #tpu.memory_space<vmem>>) offsets(%dma_start3A_84 : memref<128xi32, #tpu.memory_space<vmem>>) semaphore(%arg15 : memref<!tpu.dma_semaphore, #tpu.memory_space<semaphore_mem>>)
    %dma_start3A_88 = arith.constant 1 : i32
    %dma_start3A_89 = arith.constant 0 : i32
    %dma_start3A_90 = tpu.memref_slice %arg7[%dma_start3A_88, %dma_start3A_89] : memref<2x128xi32, #tpu.memory_space<vmem>> -> memref<1x128xi32, #tpu.memory_space<vmem>>
    %dma_start3A_91 = tpu.memref_squeeze %dma_start3A_90 : memref<1x128xi32, #tpu.memory_space<vmem>> -> memref<128xi32, #tpu.memory_space<vmem>>
    %dma_start3A_92 = arith.constant 0 : i32
    %dma_start3A_93 = arith.constant 0 : i32
    %dma_start3A_94 = tpu.memref_slice %arg4[%dma_start3A_92, %dma_start3A_93] : memref<10240x16xf32, #tpu.memory_space<hbm>> -> memref<10240x16xf32, #tpu.memory_space<hbm>>
    tpu.enqueue_indirect_dma source(%dma_start3A_94 : memref<10240x16xf32, #tpu.memory_space<hbm>>) target(%arg10 : memref<128x16xf32, #tpu.memory_space<vmem>>) offsets(%dma_start3A_91 : memref<128xi32, #tpu.memory_space<vmem>>) semaphore(%arg15 : memref<!tpu.dma_semaphore, #tpu.memory_space<semaphore_mem>>)
    %dma_start3A_95 = arith.constant 1 : i32
    %dma_start3A_96 = arith.constant 0 : i32
    %dma_start3A_97 = tpu.memref_slice %arg8[%dma_start3A_95, %dma_start3A_96] : memref<2x128xi32, #tpu.memory_space<vmem>> -> memref<1x128xi32, #tpu.memory_space<vmem>>
    %dma_start3A_98 = tpu.memref_squeeze %dma_start3A_97 : memref<1x128xi32, #tpu.memory_space<vmem>> -> memref<128xi32, #tpu.memory_space<vmem>>
    %dma_start3A_99 = arith.constant 0 : i32
    %dma_start3A_100 = arith.constant 0 : i32
    %dma_start3A_101 = tpu.memref_slice %arg3[%dma_start3A_99, %dma_start3A_100] : memref<10000x16xf32, #tpu.memory_space<hbm>> -> memref<10000x16xf32, #tpu.memory_space<hbm>>
    tpu.enqueue_indirect_dma source(%dma_start3A_101 : memref<10000x16xf32, #tpu.memory_space<hbm>>) target(%arg11 : memref<128x16xf32, #tpu.memory_space<vmem>>) offsets(%dma_start3A_98 : memref<128xi32, #tpu.memory_space<vmem>>) semaphore(%arg15 : memref<!tpu.dma_semaphore, #tpu.memory_space<semaphore_mem>>)
    %dma_start3A_102 = arith.constant 1 : i32
    %dma_start3A_103 = arith.constant 0 : i32
    %dma_start3A_104 = tpu.memref_slice %arg8[%dma_start3A_102, %dma_start3A_103] : memref<2x128xi32, #tpu.memory_space<vmem>> -> memref<1x128xi32, #tpu.memory_space<vmem>>
    %dma_start3A_105 = tpu.memref_squeeze %dma_start3A_104 : memref<1x128xi32, #tpu.memory_space<vmem>> -> memref<128xi32, #tpu.memory_space<vmem>>
    %dma_start3A_106 = arith.constant 0 : i32
    %dma_start3A_107 = arith.constant 0 : i32
    %dma_start3A_108 = tpu.memref_slice %arg4[%dma_start3A_106, %dma_start3A_107] : memref<10240x16xf32, #tpu.memory_space<hbm>> -> memref<10240x16xf32, #tpu.memory_space<hbm>>
    tpu.enqueue_indirect_dma source(%dma_start3A_108 : memref<10240x16xf32, #tpu.memory_space<hbm>>) target(%arg12 : memref<128x16xf32, #tpu.memory_space<vmem>>) offsets(%dma_start3A_105 : memref<128xi32, #tpu.memory_space<vmem>>) semaphore(%arg15 : memref<!tpu.dma_semaphore, #tpu.memory_space<semaphore_mem>>)
    %dma_wait3A_109 = arith.constant 1 : i32
    %dma_wait3A_110 = arith.constant 0 : i32
    %dma_wait3A_111 = tpu.memref_slice %arg7[%dma_wait3A_109, %dma_wait3A_110] : memref<2x128xi32, #tpu.memory_space<vmem>> -> memref<1x128xi32, #tpu.memory_space<vmem>>
    %dma_wait3A_112 = tpu.memref_squeeze %dma_wait3A_111 : memref<1x128xi32, #tpu.memory_space<vmem>> -> memref<128xi32, #tpu.memory_space<vmem>>
    %dma_wait3A_113 = arith.constant 0 : i32
    %dma_wait3A_114 = arith.constant 0 : i32
    %dma_wait3A_115 = tpu.memref_slice %arg3[%dma_wait3A_113, %dma_wait3A_114] : memref<10000x16xf32, #tpu.memory_space<hbm>> -> memref<10000x16xf32, #tpu.memory_space<hbm>>
    tpu.wait_indirect_dma semaphore(%arg15 : memref<!tpu.dma_semaphore, #tpu.memory_space<semaphore_mem>>) src(%dma_wait3A_115 : memref<10000x16xf32, #tpu.memory_space<hbm>>) dst(%arg9 : memref<128x16xf32, #tpu.memory_space<vmem>>)
    %dma_wait3A_116 = arith.constant 1 : i32
    %dma_wait3A_117 = arith.constant 0 : i32
    %dma_wait3A_118 = tpu.memref_slice %arg7[%dma_wait3A_116, %dma_wait3A_117] : memref<2x128xi32, #tpu.memory_space<vmem>> -> memref<1x128xi32, #tpu.memory_space<vmem>>
    %dma_wait3A_119 = tpu.memref_squeeze %dma_wait3A_118 : memref<1x128xi32, #tpu.memory_space<vmem>> -> memref<128xi32, #tpu.memory_space<vmem>>
    %dma_wait3A_120 = arith.constant 0 : i32
    %dma_wait3A_121 = arith.constant 0 : i32
    %dma_wait3A_122 = tpu.memref_slice %arg4[%dma_wait3A_120, %dma_wait3A_121] : memref<10240x16xf32, #tpu.memory_space<hbm>> -> memref<10240x16xf32, #tpu.memory_space<hbm>>
    tpu.wait_indirect_dma semaphore(%arg15 : memref<!tpu.dma_semaphore, #tpu.memory_space<semaphore_mem>>) src(%dma_wait3A_122 : memref<10240x16xf32, #tpu.memory_space<hbm>>) dst(%arg10 : memref<128x16xf32, #tpu.memory_space<vmem>>)
    %dma_wait3A_123 = arith.constant 1 : i32
    %dma_wait3A_124 = arith.constant 0 : i32
    %dma_wait3A_125 = tpu.memref_slice %arg8[%dma_wait3A_123, %dma_wait3A_124] : memref<2x128xi32, #tpu.memory_space<vmem>> -> memref<1x128xi32, #tpu.memory_space<vmem>>
    %dma_wait3A_126 = tpu.memref_squeeze %dma_wait3A_125 : memref<1x128xi32, #tpu.memory_space<vmem>> -> memref<128xi32, #tpu.memory_space<vmem>>
    %dma_wait3A_127 = arith.constant 0 : i32
    %dma_wait3A_128 = arith.constant 0 : i32
    %dma_wait3A_129 = tpu.memref_slice %arg3[%dma_wait3A_127, %dma_wait3A_128] : memref<10000x16xf32, #tpu.memory_space<hbm>> -> memref<10000x16xf32, #tpu.memory_space<hbm>>
    tpu.wait_indirect_dma semaphore(%arg15 : memref<!tpu.dma_semaphore, #tpu.memory_space<semaphore_mem>>) src(%dma_wait3A_129 : memref<10000x16xf32, #tpu.memory_space<hbm>>) dst(%arg11 : memref<128x16xf32, #tpu.memory_space<vmem>>)
    %dma_wait3A_130 = arith.constant 1 : i32
    %dma_wait3A_131 = arith.constant 0 : i32
    %dma_wait3A_132 = tpu.memref_slice %arg8[%dma_wait3A_130, %dma_wait3A_131] : memref<2x128xi32, #tpu.memory_space<vmem>> -> memref<1x128xi32, #tpu.memory_space<vmem>>
    %dma_wait3A_133 = tpu.memref_squeeze %dma_wait3A_132 : memref<1x128xi32, #tpu.memory_space<vmem>> -> memref<128xi32, #tpu.memory_space<vmem>>
    %dma_wait3A_134 = arith.constant 0 : i32
    %dma_wait3A_135 = arith.constant 0 : i32
    %dma_wait3A_136 = tpu.memref_slice %arg4[%dma_wait3A_134, %dma_wait3A_135] : memref<10240x16xf32, #tpu.memory_space<hbm>> -> memref<10240x16xf32, #tpu.memory_space<hbm>>
    tpu.wait_indirect_dma semaphore(%arg15 : memref<!tpu.dma_semaphore, #tpu.memory_space<semaphore_mem>>) src(%dma_wait3A_136 : memref<10240x16xf32, #tpu.memory_space<hbm>>) dst(%arg12 : memref<128x16xf32, #tpu.memory_space<vmem>>)
    %get3A_137 = arith.constant 0 : index
    %get3A_138 = tpu.vector_load %arg14[%get3A_137] {strides = array<i32>} : memref<16xf32, #tpu.memory_space<vmem>>, vector<16xf32>,
    %get3A_139 = vector.shape_cast %get3A_138 : vector<16xf32> to vector<16xf32>
    %scan3A_140 = arith.constant 0 : i32
    %scan3A_141 = arith.constant 0 : i32
    %scan3A_142 = arith.constant 128 : i32
    %scan3A_143 = arith.addi %scan3A_141, %scan3A_142 : i32
    %scan3A_144 = arith.constant 1 : i32
    scf.for %scan3A_152 = %scan3A_141 to %scan3A_143 step %scan3A_144  : i32 {
      %get3A_153 = arith.index_cast %scan3A_152 : i32 to index
      %get3A_154 = arith.constant 0 : index
      %get3A_155 = tpu.vector_load %arg10[%get3A_153, %get3A_154] {strides = array<i32>} : memref<128x16xf32, #tpu.memory_space<vmem>>, vector<1x16xf32>,
      %get3A_156 = vector.shape_cast %get3A_155 : vector<1x16xf32> to vector<16xf32>
      %broadcast_in_dim3A_157 = vector.shape_cast %min3A_7 : vector<16xi32> to vector<16x1xi32>
      %gather3A = vector.shape_cast %broadcast_in_dim3A_157 : vector<16x1xi32> to vector<16xi32>
      %gather3A_158 = tpu.dynamic_gather %get3A_156[%gather3A] in [0] : vector<16xf32>, vector<16xi32> -> vector<16xf32>
      %add3A_159 = arith.addf %get3A_156, %gather3A_158 : vector<16xf32>
      %broadcast_in_dim3A_160 = vector.shape_cast %broadcast_in_dim3A_2 : vector<16xi32> to vector<16x1xi32>
      %gather3A_161 = vector.shape_cast %broadcast_in_dim3A_160 : vector<16x1xi32> to vector<16xi32>
      %gather3A_162 = tpu.dynamic_gather %add3A_159[%gather3A_161] in [0] : vector<16xf32>, vector<16xi32> -> vector<16xf32>
      %max3A = arith.constant 1.000000e+00 : f32
      %max3A_163 = vector.broadcast %max3A : f32 to vector<16xf32>
      %max3A_164 = arith.maximumf %gather3A_162, %max3A_163 : vector<16xf32>
      %div3A = arith.constant 1.000000e+00 : f32
      %div3A_165 = vector.broadcast %div3A : f32 to vector<16xf32>
      %div3A_166 = arith.divf %div3A_165, %max3A_164 : vector<16xf32>
      %mul3A_167 = arith.mulf %add3A_159, %div3A_166 : vector<16xf32>
      %get3A_168 = arith.index_cast %scan3A_152 : i32 to index
      %get3A_169 = arith.constant 0 : index
      %get3A_170 = tpu.vector_load %arg9[%get3A_168, %get3A_169] {strides = array<i32>} : memref<128x16xf32, #tpu.memory_space<vmem>>, vector<1x16xf32>,
      %get3A_171 = vector.shape_cast %get3A_170 : vector<1x16xf32> to vector<16xf32>
      %broadcast_in_dim3A_172 = vector.shape_cast %min3A_7 : vector<16xi32> to vector<16x1xi32>
      %gather3A_173 = vector.shape_cast %broadcast_in_dim3A_172 : vector<16x1xi32> to vector<16xi32>
      %gather3A_174 = tpu.dynamic_gather %get3A_171[%gather3A_173] in [0] : vector<16xf32>, vector<16xi32> -> vector<16xf32>
      %add3A_175 = arith.addf %mul3A_167, %gather3A_174 : vector<16xf32>
      %get3A_176 = arith.index_cast %scan3A_152 : i32 to index
      %get3A_177 = arith.constant 0 : index
      %get3A_178 = tpu.vector_load %arg12[%get3A_176, %get3A_177] {strides = array<i32>} : memref<128x16xf32, #tpu.memory_space<vmem>>, vector<1x16xf32>,
      %get3A_179 = vector.shape_cast %get3A_178 : vector<1x16xf32> to vector<16xf32>
      %broadcast_in_dim3A_180 = vector.shape_cast %min3A_7 : vector<16xi32> to vector<16x1xi32>
      %gather3A_181 = vector.shape_cast %broadcast_in_dim3A_180 : vector<16x1xi32> to vector<16xi32>
      %gather3A_182 = tpu.dynamic_gather %get3A_179[%gather3A_181] in [0] : vector<16xf32>, vector<16xi32> -> vector<16xf32>
      %add3A_183 = arith.addf %get3A_179, %gather3A_182 : vector<16xf32>
      %broadcast_in_dim3A_184 = vector.shape_cast %broadcast_in_dim3A_2 : vector<16xi32> to vector<16x1xi32>
      %gather3A_185 = vector.shape_cast %broadcast_in_dim3A_184 : vector<16x1xi32> to vector<16xi32>
      %gather3A_186 = tpu.dynamic_gather %add3A_183[%gather3A_185] in [0] : vector<16xf32>, vector<16xi32> -> vector<16xf32>
      %max3A_187 = arith.constant 1.000000e+00 : f32
      %max3A_188 = vector.broadcast %max3A_187 : f32 to vector<16xf32>
      %max3A_189 = arith.maximumf %gather3A_186, %max3A_188 : vector<16xf32>
      %div3A_190 = arith.constant 1.000000e+00 : f32
      %div3A_191 = vector.broadcast %div3A_190 : f32 to vector<16xf32>
      %div3A_192 = arith.divf %div3A_191, %max3A_189 : vector<16xf32>
      %mul3A_193 = arith.mulf %add3A_183, %div3A_192 : vector<16xf32>
      %get3A_194 = arith.index_cast %scan3A_152 : i32 to index
      %get3A_195 = arith.constant 0 : index
      %get3A_196 = tpu.vector_load %arg11[%get3A_194, %get3A_195] {strides = array<i32>} : memref<128x16xf32, #tpu.memory_space<vmem>>, vector<1x16xf32>,
      %get3A_197 = vector.shape_cast %get3A_196 : vector<1x16xf32> to vector<16xf32>
      %broadcast_in_dim3A_198 = vector.shape_cast %min3A_7 : vector<16xi32> to vector<16x1xi32>
      %gather3A_199 = vector.shape_cast %broadcast_in_dim3A_198 : vector<16x1xi32> to vector<16xi32>
      %gather3A_200 = tpu.dynamic_gather %get3A_197[%gather3A_199] in [0] : vector<16xf32>, vector<16xi32> -> vector<16xf32>
      %add3A_201 = arith.addf %mul3A_193, %gather3A_200 : vector<16xf32>
      %broadcast_in_dim3A_202 = vector.shape_cast %min3A_13 : vector<16xi32> to vector<16x1xi32>
      %gather3A_203 = vector.shape_cast %broadcast_in_dim3A_202 : vector<16x1xi32> to vector<16xi32>
      %gather3A_204 = tpu.dynamic_gather %add3A_201[%gather3A_203] in [0] : vector<16xf32>, vector<16xi32> -> vector<16xf32>
      %add3A_205 = arith.addf %add3A_175, %gather3A_204 : vector<16xf32>
      %add3A_206 = arith.addf %add3A_205, %get3A_139 : vector<16xf32>
      %swap3A = arith.index_cast %scan3A_152 : i32 to index
      %swap3A_207 = arith.constant 0 : index
      %swap3A_208 = tpu.vector_load %arg13[%swap3A, %swap3A_207] {strides = array<i32>} : memref<128x16xf32, #tpu.memory_space<vmem>>, vector<1x16xf32>,
      %swap3A_209 = vector.shape_cast %swap3A_208 : vector<1x16xf32> to vector<16xf32>
      %swap3A_210 = vector.shape_cast %add3A_206 : vector<16xf32> to vector<1x16xf32>
      tpu.vector_store %arg13[%swap3A, %swap3A_207], %swap3A_210 {strides = array<i32>} : memref<128x16xf32, #tpu.memory_space<vmem>>, vector<1x16xf32>,
    }
    %scan3A_145 = arith.constant 128 : i32
    %mul3A_146 = arith.constant 2 : i32
    %mul3A_147 = arith.muli %add3A, %mul3A_146 : i32
    %add3A_148 = arith.constant 1 : i32
    %add3A_149 = arith.addi %mul3A_147, %add3A_148 : i32
    %mul3A_150 = arith.constant 128 : i32
    %mul3A_151 = arith.muli %add3A_149, %mul3A_150 : i32
    "tpu.region"() ({
      %run_scoped3A_152 = tpu.sem_alloc : memref<!tpu.dma_semaphore, #tpu.memory_space<semaphore_mem>>
      %dma_start3A_153 = arith.constant 0 : i32
      %dma_start3A_154 = tpu.memref_slice %arg6[%mul3A_151, %dma_start3A_153] : memref<8192x16xf32, #tpu.memory_space<hbm>> -> memref<128x16xf32, #tpu.memory_space<hbm>>
      %dma_start3A_155 = arith.constant 0 : i32
      %dma_start3A_156 = tpu.memref_slice %arg6[%mul3A_151, %dma_start3A_155] : memref<8192x16xf32, #tpu.memory_space<hbm>> -> memref<128x16xf32, #tpu.memory_space<hbm>>
      tpu.enqueue_dma source(%arg13 : memref<128x16xf32, #tpu.memory_space<vmem>>) target(%dma_start3A_156 : memref<128x16xf32, #tpu.memory_space<hbm>>) target_semaphore(%run_scoped3A_152 : memref<!tpu.dma_semaphore, #tpu.memory_space<semaphore_mem>>)
      %dma_wait3A_157 = arith.constant 0 : i32
      %dma_wait3A_158 = tpu.memref_slice %arg6[%mul3A_151, %dma_wait3A_157] : memref<8192x16xf32, #tpu.memory_space<hbm>> -> memref<128x16xf32, #tpu.memory_space<hbm>>
      %dma_wait3A_159 = arith.constant 0 : i32
      %dma_wait3A_160 = tpu.memref_slice %arg6[%mul3A_151, %dma_wait3A_159] : memref<8192x16xf32, #tpu.memory_space<hbm>> -> memref<128x16xf32, #tpu.memory_space<hbm>>
      tpu.wait_dma2 semaphore(%run_scoped3A_152 : memref<!tpu.dma_semaphore, #tpu.memory_space<semaphore_mem>>) src(%arg13 : memref<128x16xf32, #tpu.memory_space<vmem>>) dst(%dma_wait3A_160 : memref<128x16xf32, #tpu.memory_space<hbm>>)
      tpu.yield
    }) : () -> ()
    return
  }
}

#map = affine_map<(d0, d1) -> (0, 0, 0, 0)>
#map1 = affine_map<(d0, d1) -> (0, 0)>
module attributes {stable_mosaic.version = 14 : i64} {
  func.func @_s1(%arg0: i32, %arg1: i32, %arg2: memref<2x32x25x128xi32, #tpu.memory_space<hbm>>, %arg3: memref<10000x8xf32, #tpu.memory_space<hbm>>, %arg4: memref<10240x8xf32, #tpu.memory_space<hbm>>, %arg5: memref<10240x16xf32, #tpu.memory_space<hbm>>, %arg6: memref<25x128xi32, #tpu.memory_space<vmem>>, %arg7: memref<25x128xi32, #tpu.memory_space<vmem>>, %arg8: memref<25x128x8xf32, #tpu.memory_space<vmem>>, %arg9: memref<10240x8xf32, #tpu.memory_space<vmem_shared>>, %arg10: memref<!tpu.dma_semaphore, #tpu.memory_space<semaphore_mem>>, %arg11: memref<!tpu.dma_semaphore, #tpu.memory_space<semaphore_mem>>) attributes {dimension_semantics = [#tpu.dimension_semantics<core_parallel>, #tpu.dimension_semantics<subcore_parallel>], iteration_bounds = array<i64: 2, 16>, scalar_prefetch = 0 : i64, scratch_operands = 6 : i64, tpu.core_type = #tpu.core_type<sc_vector_subcore>, window_params = [{transform_indices = #map}, {transform_indices = #map1}, {transform_indices = #map1}, {transform_indices = #map1}]} {
    %mul3A = arith.constant 2 : i32
    %mul3A_0 = arith.muli %arg1, %mul3A : i32
    %add3A = arith.addi %mul3A_0, %arg0 : i32
    %mul3A_1 = arith.constant 640 : i32
    %mul3A_2 = arith.muli %arg1, %mul3A_1 : i32
    "tpu.region"() ({
      %run_scoped3A_1212 = tpu.sem_alloc : memref<!tpu.dma_semaphore, #tpu.memory_space<semaphore_mem>>
      %dma_start3A_1213 = arith.constant 0 : i32
      %dma_start3A_1214 = tpu.memref_slice %arg9[%mul3A_2, %dma_start3A_1213] : memref<10240x8xf32, #tpu.memory_space<vmem_shared>> -> memref<640x8xf32, #tpu.memory_space<vmem_shared>>
      %dma_start3A_1215 = arith.constant 0 : i32
      %dma_start3A_1216 = tpu.memref_slice %arg4[%mul3A_2, %dma_start3A_1215] : memref<10240x8xf32, #tpu.memory_space<hbm>> -> memref<640x8xf32, #tpu.memory_space<hbm>>
      tpu.enqueue_dma source(%dma_start3A_1216 : memref<640x8xf32, #tpu.memory_space<hbm>>) target(%dma_start3A_1214 : memref<640x8xf32, #tpu.memory_space<vmem_shared>>) target_semaphore(%run_scoped3A_1212 : memref<!tpu.dma_semaphore, #tpu.memory_space<semaphore_mem>>)
      %dma_wait3A_1217 = arith.constant 0 : i32
      %dma_wait3A_1218 = tpu.memref_slice %arg9[%mul3A_2, %dma_wait3A_1217] : memref<10240x8xf32, #tpu.memory_space<vmem_shared>> -> memref<640x8xf32, #tpu.memory_space<vmem_shared>>
      %dma_wait3A_1219 = arith.constant 0 : i32
      %dma_wait3A_1220 = tpu.memref_slice %arg4[%mul3A_2, %dma_wait3A_1219] : memref<10240x8xf32, #tpu.memory_space<hbm>> -> memref<640x8xf32, #tpu.memory_space<hbm>>
      tpu.wait_dma2 semaphore(%run_scoped3A_1212 : memref<!tpu.dma_semaphore, #tpu.memory_space<semaphore_mem>>) src(%dma_wait3A_1220 : memref<640x8xf32, #tpu.memory_space<hbm>>) dst(%dma_wait3A_1218 : memref<640x8xf32, #tpu.memory_space<vmem_shared>>)
      tpu.yield
    }) : () -> ()
    %run_scoped3A = arith.constant 0 : i32
    "tpu.region"() ({
      %run_scoped3A_1212 = tpu.sem_alloc : memref<!tpu.dma_semaphore, #tpu.memory_space<semaphore_mem>>
      %dma_start3A_1213 = arith.constant 0 : i32
      %dma_start3A_1214 = arith.constant 0 : i32
      %dma_start3A_1215 = tpu.memref_slice %arg2[%run_scoped3A, %add3A, %dma_start3A_1213, %dma_start3A_1214] : memref<2x32x25x128xi32, #tpu.memory_space<hbm>> -> memref<1x1x25x128xi32, #tpu.memory_space<hbm>>
      %dma_start3A_1216 = tpu.memref_squeeze %dma_start3A_1215 : memref<1x1x25x128xi32, #tpu.memory_space<hbm>> -> memref<25x128xi32, #tpu.memory_space<hbm>>
      %dma_start3A_1217 = arith.constant 0 : i32
      %dma_start3A_1218 = arith.constant 0 : i32
      %dma_start3A_1219 = tpu.memref_slice %arg2[%run_scoped3A, %add3A, %dma_start3A_1217, %dma_start3A_1218] : memref<2x32x25x128xi32, #tpu.memory_space<hbm>> -> memref<1x1x25x128xi32, #tpu.memory_space<hbm>>
      %dma_start3A_1220 = tpu.memref_squeeze %dma_start3A_1219 : memref<1x1x25x128xi32, #tpu.memory_space<hbm>> -> memref<25x128xi32, #tpu.memory_space<hbm>>
      tpu.enqueue_dma source(%dma_start3A_1220 : memref<25x128xi32, #tpu.memory_space<hbm>>) target(%arg6 : memref<25x128xi32, #tpu.memory_space<vmem>>) target_semaphore(%run_scoped3A_1212 : memref<!tpu.dma_semaphore, #tpu.memory_space<semaphore_mem>>)
      %dma_wait3A_1221 = arith.constant 0 : i32
      %dma_wait3A_1222 = arith.constant 0 : i32
      %dma_wait3A_1223 = tpu.memref_slice %arg2[%run_scoped3A, %add3A, %dma_wait3A_1221, %dma_wait3A_1222] : memref<2x32x25x128xi32, #tpu.memory_space<hbm>> -> memref<1x1x25x128xi32, #tpu.memory_space<hbm>>
      %dma_wait3A_1224 = tpu.memref_squeeze %dma_wait3A_1223 : memref<1x1x25x128xi32, #tpu.memory_space<hbm>> -> memref<25x128xi32, #tpu.memory_space<hbm>>
      %dma_wait3A_1225 = arith.constant 0 : i32
      %dma_wait3A_1226 = arith.constant 0 : i32
      %dma_wait3A_1227 = tpu.memref_slice %arg2[%run_scoped3A, %add3A, %dma_wait3A_1225, %dma_wait3A_1226] : memref<2x32x25x128xi32, #tpu.memory_space<hbm>> -> memref<1x1x25x128xi32, #tpu.memory_space<hbm>>
      %dma_wait3A_1228 = tpu.memref_squeeze %dma_wait3A_1227 : memref<1x1x25x128xi32, #tpu.memory_space<hbm>> -> memref<25x128xi32, #tpu.memory_space<hbm>>
      tpu.wait_dma2 semaphore(%run_scoped3A_1212 : memref<!tpu.dma_semaphore, #tpu.memory_space<semaphore_mem>>) src(%dma_wait3A_1228 : memref<25x128xi32, #tpu.memory_space<hbm>>) dst(%arg6 : memref<25x128xi32, #tpu.memory_space<vmem>>)
      tpu.yield
    }) : () -> ()
    %run_scoped3A_3 = arith.constant 1 : i32
    "tpu.region"() ({
      %run_scoped3A_1212 = tpu.sem_alloc : memref<!tpu.dma_semaphore, #tpu.memory_space<semaphore_mem>>
      %dma_start3A_1213 = arith.constant 0 : i32
      %dma_start3A_1214 = arith.constant 0 : i32
      %dma_start3A_1215 = tpu.memref_slice %arg2[%run_scoped3A_3, %add3A, %dma_start3A_1213, %dma_start3A_1214] : memref<2x32x25x128xi32, #tpu.memory_space<hbm>> -> memref<1x1x25x128xi32, #tpu.memory_space<hbm>>
      %dma_start3A_1216 = tpu.memref_squeeze %dma_start3A_1215 : memref<1x1x25x128xi32, #tpu.memory_space<hbm>> -> memref<25x128xi32, #tpu.memory_space<hbm>>
      %dma_start3A_1217 = arith.constant 0 : i32
      %dma_start3A_1218 = arith.constant 0 : i32
      %dma_start3A_1219 = tpu.memref_slice %arg2[%run_scoped3A_3, %add3A, %dma_start3A_1217, %dma_start3A_1218] : memref<2x32x25x128xi32, #tpu.memory_space<hbm>> -> memref<1x1x25x128xi32, #tpu.memory_space<hbm>>
      %dma_start3A_1220 = tpu.memref_squeeze %dma_start3A_1219 : memref<1x1x25x128xi32, #tpu.memory_space<hbm>> -> memref<25x128xi32, #tpu.memory_space<hbm>>
      tpu.enqueue_dma source(%dma_start3A_1220 : memref<25x128xi32, #tpu.memory_space<hbm>>) target(%arg7 : memref<25x128xi32, #tpu.memory_space<vmem>>) target_semaphore(%run_scoped3A_1212 : memref<!tpu.dma_semaphore, #tpu.memory_space<semaphore_mem>>)
      %dma_wait3A_1221 = arith.constant 0 : i32
      %dma_wait3A_1222 = arith.constant 0 : i32
      %dma_wait3A_1223 = tpu.memref_slice %arg2[%run_scoped3A_3, %add3A, %dma_wait3A_1221, %dma_wait3A_1222] : memref<2x32x25x128xi32, #tpu.memory_space<hbm>> -> memref<1x1x25x128xi32, #tpu.memory_space<hbm>>
      %dma_wait3A_1224 = tpu.memref_squeeze %dma_wait3A_1223 : memref<1x1x25x128xi32, #tpu.memory_space<hbm>> -> memref<25x128xi32, #tpu.memory_space<hbm>>
      %dma_wait3A_1225 = arith.constant 0 : i32
      %dma_wait3A_1226 = arith.constant 0 : i32
      %dma_wait3A_1227 = tpu.memref_slice %arg2[%run_scoped3A_3, %add3A, %dma_wait3A_1225, %dma_wait3A_1226] : memref<2x32x25x128xi32, #tpu.memory_space<hbm>> -> memref<1x1x25x128xi32, #tpu.memory_space<hbm>>
      %dma_wait3A_1228 = tpu.memref_squeeze %dma_wait3A_1227 : memref<1x1x25x128xi32, #tpu.memory_space<hbm>> -> memref<25x128xi32, #tpu.memory_space<hbm>>
      tpu.wait_dma2 semaphore(%run_scoped3A_1212 : memref<!tpu.dma_semaphore, #tpu.memory_space<semaphore_mem>>) src(%dma_wait3A_1228 : memref<25x128xi32, #tpu.memory_space<hbm>>) dst(%arg7 : memref<25x128xi32, #tpu.memory_space<vmem>>)
      tpu.yield
    }) : () -> ()
    %barrier3A = arith.constant 0 : index
    tpu.barrier barrier_id(%barrier3A)
    %dma_start3A = arith.constant 0 : i32
    %dma_start3A_4 = arith.constant 0 : i32
    %dma_start3A_5 = arith.constant 0 : i32
    %dma_start3A_6 = arith.constant 0 : i32
    %dma_start3A_7 = tpu.memref_slice %arg8[%dma_start3A_4, %dma_start3A_5, %dma_start3A_6] : memref<25x128x8xf32, #tpu.memory_space<vmem>> -> memref<1x128x8xf32, #tpu.memory_space<vmem>>
    %dma_start3A_8 = tpu.memref_squeeze %dma_start3A_7 : memref<1x128x8xf32, #tpu.memory_space<vmem>> -> memref<128x8xf32, #tpu.memory_space<vmem>>
    %dma_start3A_9 = arith.constant 0 : i32
    %dma_start3A_10 = tpu.memref_slice %arg6[%dma_start3A, %dma_start3A_9] : memref<25x128xi32, #tpu.memory_space<vmem>> -> memref<1x128xi32, #tpu.memory_space<vmem>>
    %dma_start3A_11 = tpu.memref_squeeze %dma_start3A_10 : memref<1x128xi32, #tpu.memory_space<vmem>> -> memref<128xi32, #tpu.memory_space<vmem>>
    %dma_start3A_12 = arith.constant 0 : i32
    %dma_start3A_13 = arith.constant 0 : i32
    %dma_start3A_14 = tpu.memref_slice %arg3[%dma_start3A_12, %dma_start3A_13] : memref<10000x8xf32, #tpu.memory_space<hbm>> -> memref<10000x8xf32, #tpu.memory_space<hbm>>
    tpu.enqueue_indirect_dma source(%dma_start3A_14 : memref<10000x8xf32, #tpu.memory_space<hbm>>) target(%dma_start3A_8 : memref<128x8xf32, #tpu.memory_space<vmem>>) offsets(%dma_start3A_11 : memref<128xi32, #tpu.memory_space<vmem>>) semaphore(%arg10 : memref<!tpu.dma_semaphore, #tpu.memory_space<semaphore_mem>>)
    %dma_start3A_15 = arith.constant 1 : i32
    %dma_start3A_16 = arith.constant 1 : i32
    %dma_start3A_17 = arith.constant 0 : i32
    %dma_start3A_18 = arith.constant 0 : i32
    %dma_start3A_19 = tpu.memref_slice %arg8[%dma_start3A_16, %dma_start3A_17, %dma_start3A_18] : memref<25x128x8xf32, #tpu.memory_space<vmem>> -> memref<1x128x8xf32, #tpu.memory_space<vmem>>
    %dma_start3A_20 = tpu.memref_squeeze %dma_start3A_19 : memref<1x128x8xf32, #tpu.memory_space<vmem>> -> memref<128x8xf32, #tpu.memory_space<vmem>>
    %dma_start3A_21 = arith.constant 0 : i32
    %dma_start3A_22 = tpu.memref_slice %arg6[%dma_start3A_15, %dma_start3A_21] : memref<25x128xi32, #tpu.memory_space<vmem>> -> memref<1x128xi32, #tpu.memory_space<vmem>>
    %dma_start3A_23 = tpu.memref_squeeze %dma_start3A_22 : memref<1x128xi32, #tpu.memory_space<vmem>> -> memref<128xi32, #tpu.memory_space<vmem>>
    %dma_start3A_24 = arith.constant 0 : i32
    %dma_start3A_25 = arith.constant 0 : i32
    %dma_start3A_26 = tpu.memref_slice %arg3[%dma_start3A_24, %dma_start3A_25] : memref<10000x8xf32, #tpu.memory_space<hbm>> -> memref<10000x8xf32, #tpu.memory_space<hbm>>
    tpu.enqueue_indirect_dma source(%dma_start3A_26 : memref<10000x8xf32, #tpu.memory_space<hbm>>) target(%dma_start3A_20 : memref<128x8xf32, #tpu.memory_space<vmem>>) offsets(%dma_start3A_23 : memref<128xi32, #tpu.memory_space<vmem>>) semaphore(%arg10 : memref<!tpu.dma_semaphore, #tpu.memory_space<semaphore_mem>>)
    %dma_start3A_27 = arith.constant 2 : i32
    %dma_start3A_28 = arith.constant 2 : i32
    %dma_start3A_29 = arith.constant 0 : i32
    %dma_start3A_30 = arith.constant 0 : i32
    %dma_start3A_31 = tpu.memref_slice %arg8[%dma_start3A_28, %dma_start3A_29, %dma_start3A_30] : memref<25x128x8xf32, #tpu.memory_space<vmem>> -> memref<1x128x8xf32, #tpu.memory_space<vmem>>
    %dma_start3A_32 = tpu.memref_squeeze %dma_start3A_31 : memref<1x128x8xf32, #tpu.memory_space<vmem>> -> memref<128x8xf32, #tpu.memory_space<vmem>>
    %dma_start3A_33 = arith.constant 0 : i32
    %dma_start3A_34 = tpu.memref_slice %arg6[%dma_start3A_27, %dma_start3A_33] : memref<25x128xi32, #tpu.memory_space<vmem>> -> memref<1x128xi32, #tpu.memory_space<vmem>>
    %dma_start3A_35 = tpu.memref_squeeze %dma_start3A_34 : memref<1x128xi32, #tpu.memory_space<vmem>> -> memref<128xi32, #tpu.memory_space<vmem>>
    %dma_start3A_36 = arith.constant 0 : i32
    %dma_start3A_37 = arith.constant 0 : i32
    %dma_start3A_38 = tpu.memref_slice %arg3[%dma_start3A_36, %dma_start3A_37] : memref<10000x8xf32, #tpu.memory_space<hbm>> -> memref<10000x8xf32, #tpu.memory_space<hbm>>
    tpu.enqueue_indirect_dma source(%dma_start3A_38 : memref<10000x8xf32, #tpu.memory_space<hbm>>) target(%dma_start3A_32 : memref<128x8xf32, #tpu.memory_space<vmem>>) offsets(%dma_start3A_35 : memref<128xi32, #tpu.memory_space<vmem>>) semaphore(%arg10 : memref<!tpu.dma_semaphore, #tpu.memory_space<semaphore_mem>>)
    %dma_start3A_39 = arith.constant 3 : i32
    %dma_start3A_40 = arith.constant 3 : i32
    %dma_start3A_41 = arith.constant 0 : i32
    %dma_start3A_42 = arith.constant 0 : i32
    %dma_start3A_43 = tpu.memref_slice %arg8[%dma_start3A_40, %dma_start3A_41, %dma_start3A_42] : memref<25x128x8xf32, #tpu.memory_space<vmem>> -> memref<1x128x8xf32, #tpu.memory_space<vmem>>
    %dma_start3A_44 = tpu.memref_squeeze %dma_start3A_43 : memref<1x128x8xf32, #tpu.memory_space<vmem>> -> memref<128x8xf32, #tpu.memory_space<vmem>>
    %dma_start3A_45 = arith.constant 0 : i32
    %dma_start3A_46 = tpu.memref_slice %arg6[%dma_start3A_39, %dma_start3A_45] : memref<25x128xi32, #tpu.memory_space<vmem>> -> memref<1x128xi32, #tpu.memory_space<vmem>>
    %dma_start3A_47 = tpu.memref_squeeze %dma_start3A_46 : memref<1x128xi32, #tpu.memory_space<vmem>> -> memref<128xi32, #tpu.memory_space<vmem>>
    %dma_start3A_48 = arith.constant 0 : i32
    %dma_start3A_49 = arith.constant 0 : i32
    %dma_start3A_50 = tpu.memref_slice %arg3[%dma_start3A_48, %dma_start3A_49] : memref<10000x8xf32, #tpu.memory_space<hbm>> -> memref<10000x8xf32, #tpu.memory_space<hbm>>
    tpu.enqueue_indirect_dma source(%dma_start3A_50 : memref<10000x8xf32, #tpu.memory_space<hbm>>) target(%dma_start3A_44 : memref<128x8xf32, #tpu.memory_space<vmem>>) offsets(%dma_start3A_47 : memref<128xi32, #tpu.memory_space<vmem>>) semaphore(%arg10 : memref<!tpu.dma_semaphore, #tpu.memory_space<semaphore_mem>>)
    %dma_start3A_51 = arith.constant 4 : i32
    %dma_start3A_52 = arith.constant 4 : i32
    %dma_start3A_53 = arith.constant 0 : i32
    %dma_start3A_54 = arith.constant 0 : i32
    %dma_start3A_55 = tpu.memref_slice %arg8[%dma_start3A_52, %dma_start3A_53, %dma_start3A_54] : memref<25x128x8xf32, #tpu.memory_space<vmem>> -> memref<1x128x8xf32, #tpu.memory_space<vmem>>
    %dma_start3A_56 = tpu.memref_squeeze %dma_start3A_55 : memref<1x128x8xf32, #tpu.memory_space<vmem>> -> memref<128x8xf32, #tpu.memory_space<vmem>>
    %dma_start3A_57 = arith.constant 0 : i32
    %dma_start3A_58 = tpu.memref_slice %arg6[%dma_start3A_51, %dma_start3A_57] : memref<25x128xi32, #tpu.memory_space<vmem>> -> memref<1x128xi32, #tpu.memory_space<vmem>>
    %dma_start3A_59 = tpu.memref_squeeze %dma_start3A_58 : memref<1x128xi32, #tpu.memory_space<vmem>> -> memref<128xi32, #tpu.memory_space<vmem>>
    %dma_start3A_60 = arith.constant 0 : i32
    %dma_start3A_61 = arith.constant 0 : i32
    %dma_start3A_62 = tpu.memref_slice %arg3[%dma_start3A_60, %dma_start3A_61] : memref<10000x8xf32, #tpu.memory_space<hbm>> -> memref<10000x8xf32, #tpu.memory_space<hbm>>
    tpu.enqueue_indirect_dma source(%dma_start3A_62 : memref<10000x8xf32, #tpu.memory_space<hbm>>) target(%dma_start3A_56 : memref<128x8xf32, #tpu.memory_space<vmem>>) offsets(%dma_start3A_59 : memref<128xi32, #tpu.memory_space<vmem>>) semaphore(%arg10 : memref<!tpu.dma_semaphore, #tpu.memory_space<semaphore_mem>>)
    %dma_start3A_63 = arith.constant 5 : i32
    %dma_start3A_64 = arith.constant 5 : i32
    %dma_start3A_65 = arith.constant 0 : i32
    %dma_start3A_66 = arith.constant 0 : i32
    %dma_start3A_67 = tpu.memref_slice %arg8[%dma_start3A_64, %dma_start3A_65, %dma_start3A_66] : memref<25x128x8xf32, #tpu.memory_space<vmem>> -> memref<1x128x8xf32, #tpu.memory_space<vmem>>
    %dma_start3A_68 = tpu.memref_squeeze %dma_start3A_67 : memref<1x128x8xf32, #tpu.memory_space<vmem>> -> memref<128x8xf32, #tpu.memory_space<vmem>>
    %dma_start3A_69 = arith.constant 0 : i32
    %dma_start3A_70 = tpu.memref_slice %arg6[%dma_start3A_63, %dma_start3A_69] : memref<25x128xi32, #tpu.memory_space<vmem>> -> memref<1x128xi32, #tpu.memory_space<vmem>>
    %dma_start3A_71 = tpu.memref_squeeze %dma_start3A_70 : memref<1x128xi32, #tpu.memory_space<vmem>> -> memref<128xi32, #tpu.memory_space<vmem>>
    %dma_start3A_72 = arith.constant 0 : i32
    %dma_start3A_73 = arith.constant 0 : i32
    %dma_start3A_74 = tpu.memref_slice %arg3[%dma_start3A_72, %dma_start3A_73] : memref<10000x8xf32, #tpu.memory_space<hbm>> -> memref<10000x8xf32, #tpu.memory_space<hbm>>
    tpu.enqueue_indirect_dma source(%dma_start3A_74 : memref<10000x8xf32, #tpu.memory_space<hbm>>) target(%dma_start3A_68 : memref<128x8xf32, #tpu.memory_space<vmem>>) offsets(%dma_start3A_71 : memref<128xi32, #tpu.memory_space<vmem>>) semaphore(%arg10 : memref<!tpu.dma_semaphore, #tpu.memory_space<semaphore_mem>>)
    %dma_start3A_75 = arith.constant 6 : i32
    %dma_start3A_76 = arith.constant 6 : i32
    %dma_start3A_77 = arith.constant 0 : i32
    %dma_start3A_78 = arith.constant 0 : i32
    %dma_start3A_79 = tpu.memref_slice %arg8[%dma_start3A_76, %dma_start3A_77, %dma_start3A_78] : memref<25x128x8xf32, #tpu.memory_space<vmem>> -> memref<1x128x8xf32, #tpu.memory_space<vmem>>
    %dma_start3A_80 = tpu.memref_squeeze %dma_start3A_79 : memref<1x128x8xf32, #tpu.memory_space<vmem>> -> memref<128x8xf32, #tpu.memory_space<vmem>>
    %dma_start3A_81 = arith.constant 0 : i32
    %dma_start3A_82 = tpu.memref_slice %arg6[%dma_start3A_75, %dma_start3A_81] : memref<25x128xi32, #tpu.memory_space<vmem>> -> memref<1x128xi32, #tpu.memory_space<vmem>>
    %dma_start3A_83 = tpu.memref_squeeze %dma_start3A_82 : memref<1x128xi32, #tpu.memory_space<vmem>> -> memref<128xi32, #tpu.memory_space<vmem>>
    %dma_start3A_84 = arith.constant 0 : i32
    %dma_start3A_85 = arith.constant 0 : i32
    %dma_start3A_86 = tpu.memref_slice %arg3[%dma_start3A_84, %dma_start3A_85] : memref<10000x8xf32, #tpu.memory_space<hbm>> -> memref<10000x8xf32, #tpu.memory_space<hbm>>
    tpu.enqueue_indirect_dma source(%dma_start3A_86 : memref<10000x8xf32, #tpu.memory_space<hbm>>) target(%dma_start3A_80 : memref<128x8xf32, #tpu.memory_space<vmem>>) offsets(%dma_start3A_83 : memref<128xi32, #tpu.memory_space<vmem>>) semaphore(%arg10 : memref<!tpu.dma_semaphore, #tpu.memory_space<semaphore_mem>>)
    %dma_start3A_87 = arith.constant 7 : i32
    %dma_start3A_88 = arith.constant 7 : i32
    %dma_start3A_89 = arith.constant 0 : i32
    %dma_start3A_90 = arith.constant 0 : i32
    %dma_start3A_91 = tpu.memref_slice %arg8[%dma_start3A_88, %dma_start3A_89, %dma_start3A_90] : memref<25x128x8xf32, #tpu.memory_space<vmem>> -> memref<1x128x8xf32, #tpu.memory_space<vmem>>
    %dma_start3A_92 = tpu.memref_squeeze %dma_start3A_91 : memref<1x128x8xf32, #tpu.memory_space<vmem>> -> memref<128x8xf32, #tpu.memory_space<vmem>>
    %dma_start3A_93 = arith.constant 0 : i32
    %dma_start3A_94 = tpu.memref_slice %arg6[%dma_start3A_87, %dma_start3A_93] : memref<25x128xi32, #tpu.memory_space<vmem>> -> memref<1x128xi32, #tpu.memory_space<vmem>>
    %dma_start3A_95 = tpu.memref_squeeze %dma_start3A_94 : memref<1x128xi32, #tpu.memory_space<vmem>> -> memref<128xi32, #tpu.memory_space<vmem>>
    %dma_start3A_96 = arith.constant 0 : i32
    %dma_start3A_97 = arith.constant 0 : i32
    %dma_start3A_98 = tpu.memref_slice %arg3[%dma_start3A_96, %dma_start3A_97] : memref<10000x8xf32, #tpu.memory_space<hbm>> -> memref<10000x8xf32, #tpu.memory_space<hbm>>
    tpu.enqueue_indirect_dma source(%dma_start3A_98 : memref<10000x8xf32, #tpu.memory_space<hbm>>) target(%dma_start3A_92 : memref<128x8xf32, #tpu.memory_space<vmem>>) offsets(%dma_start3A_95 : memref<128xi32, #tpu.memory_space<vmem>>) semaphore(%arg10 : memref<!tpu.dma_semaphore, #tpu.memory_space<semaphore_mem>>)
    %dma_start3A_99 = arith.constant 8 : i32
    %dma_start3A_100 = arith.constant 8 : i32
    %dma_start3A_101 = arith.constant 0 : i32
    %dma_start3A_102 = arith.constant 0 : i32
    %dma_start3A_103 = tpu.memref_slice %arg8[%dma_start3A_100, %dma_start3A_101, %dma_start3A_102] : memref<25x128x8xf32, #tpu.memory_space<vmem>> -> memref<1x128x8xf32, #tpu.memory_space<vmem>>
    %dma_start3A_104 = tpu.memref_squeeze %dma_start3A_103 : memref<1x128x8xf32, #tpu.memory_space<vmem>> -> memref<128x8xf32, #tpu.memory_space<vmem>>
    %dma_start3A_105 = arith.constant 0 : i32
    %dma_start3A_106 = tpu.memref_slice %arg6[%dma_start3A_99, %dma_start3A_105] : memref<25x128xi32, #tpu.memory_space<vmem>> -> memref<1x128xi32, #tpu.memory_space<vmem>>
    %dma_start3A_107 = tpu.memref_squeeze %dma_start3A_106 : memref<1x128xi32, #tpu.memory_space<vmem>> -> memref<128xi32, #tpu.memory_space<vmem>>
    %dma_start3A_108 = arith.constant 0 : i32
    %dma_start3A_109 = arith.constant 0 : i32
    %dma_start3A_110 = tpu.memref_slice %arg3[%dma_start3A_108, %dma_start3A_109] : memref<10000x8xf32, #tpu.memory_space<hbm>> -> memref<10000x8xf32, #tpu.memory_space<hbm>>
    tpu.enqueue_indirect_dma source(%dma_start3A_110 : memref<10000x8xf32, #tpu.memory_space<hbm>>) target(%dma_start3A_104 : memref<128x8xf32, #tpu.memory_space<vmem>>) offsets(%dma_start3A_107 : memref<128xi32, #tpu.memory_space<vmem>>) semaphore(%arg10 : memref<!tpu.dma_semaphore, #tpu.memory_space<semaphore_mem>>)
    %dma_start3A_111 = arith.constant 9 : i32
    %dma_start3A_112 = arith.constant 9 : i32
    %dma_start3A_113 = arith.constant 0 : i32
    %dma_start3A_114 = arith.constant 0 : i32
    %dma_start3A_115 = tpu.memref_slice %arg8[%dma_start3A_112, %dma_start3A_113, %dma_start3A_114] : memref<25x128x8xf32, #tpu.memory_space<vmem>> -> memref<1x128x8xf32, #tpu.memory_space<vmem>>
    %dma_start3A_116 = tpu.memref_squeeze %dma_start3A_115 : memref<1x128x8xf32, #tpu.memory_space<vmem>> -> memref<128x8xf32, #tpu.memory_space<vmem>>
    %dma_start3A_117 = arith.constant 0 : i32
    %dma_start3A_118 = tpu.memref_slice %arg6[%dma_start3A_111, %dma_start3A_117] : memref<25x128xi32, #tpu.memory_space<vmem>> -> memref<1x128xi32, #tpu.memory_space<vmem>>
    %dma_start3A_119 = tpu.memref_squeeze %dma_start3A_118 : memref<1x128xi32, #tpu.memory_space<vmem>> -> memref<128xi32, #tpu.memory_space<vmem>>
    %dma_start3A_120 = arith.constant 0 : i32
    %dma_start3A_121 = arith.constant 0 : i32
    %dma_start3A_122 = tpu.memref_slice %arg3[%dma_start3A_120, %dma_start3A_121] : memref<10000x8xf32, #tpu.memory_space<hbm>> -> memref<10000x8xf32, #tpu.memory_space<hbm>>
    tpu.enqueue_indirect_dma source(%dma_start3A_122 : memref<10000x8xf32, #tpu.memory_space<hbm>>) target(%dma_start3A_116 : memref<128x8xf32, #tpu.memory_space<vmem>>) offsets(%dma_start3A_119 : memref<128xi32, #tpu.memory_space<vmem>>) semaphore(%arg10 : memref<!tpu.dma_semaphore, #tpu.memory_space<semaphore_mem>>)
    %dma_start3A_123 = arith.constant 10 : i32
    %dma_start3A_124 = arith.constant 10 : i32
    %dma_start3A_125 = arith.constant 0 : i32
    %dma_start3A_126 = arith.constant 0 : i32
    %dma_start3A_127 = tpu.memref_slice %arg8[%dma_start3A_124, %dma_start3A_125, %dma_start3A_126] : memref<25x128x8xf32, #tpu.memory_space<vmem>> -> memref<1x128x8xf32, #tpu.memory_space<vmem>>
    %dma_start3A_128 = tpu.memref_squeeze %dma_start3A_127 : memref<1x128x8xf32, #tpu.memory_space<vmem>> -> memref<128x8xf32, #tpu.memory_space<vmem>>
    %dma_start3A_129 = arith.constant 0 : i32
    %dma_start3A_130 = tpu.memref_slice %arg6[%dma_start3A_123, %dma_start3A_129] : memref<25x128xi32, #tpu.memory_space<vmem>> -> memref<1x128xi32, #tpu.memory_space<vmem>>
    %dma_start3A_131 = tpu.memref_squeeze %dma_start3A_130 : memref<1x128xi32, #tpu.memory_space<vmem>> -> memref<128xi32, #tpu.memory_space<vmem>>
    %dma_start3A_132 = arith.constant 0 : i32
    %dma_start3A_133 = arith.constant 0 : i32
    %dma_start3A_134 = tpu.memref_slice %arg3[%dma_start3A_132, %dma_start3A_133] : memref<10000x8xf32, #tpu.memory_space<hbm>> -> memref<10000x8xf32, #tpu.memory_space<hbm>>
    tpu.enqueue_indirect_dma source(%dma_start3A_134 : memref<10000x8xf32, #tpu.memory_space<hbm>>) target(%dma_start3A_128 : memref<128x8xf32, #tpu.memory_space<vmem>>) offsets(%dma_start3A_131 : memref<128xi32, #tpu.memory_space<vmem>>) semaphore(%arg10 : memref<!tpu.dma_semaphore, #tpu.memory_space<semaphore_mem>>)
    %dma_start3A_135 = arith.constant 11 : i32
    %dma_start3A_136 = arith.constant 11 : i32
    %dma_start3A_137 = arith.constant 0 : i32
    %dma_start3A_138 = arith.constant 0 : i32
    %dma_start3A_139 = tpu.memref_slice %arg8[%dma_start3A_136, %dma_start3A_137, %dma_start3A_138] : memref<25x128x8xf32, #tpu.memory_space<vmem>> -> memref<1x128x8xf32, #tpu.memory_space<vmem>>
    %dma_start3A_140 = tpu.memref_squeeze %dma_start3A_139 : memref<1x128x8xf32, #tpu.memory_space<vmem>> -> memref<128x8xf32, #tpu.memory_space<vmem>>
    %dma_start3A_141 = arith.constant 0 : i32
    %dma_start3A_142 = tpu.memref_slice %arg6[%dma_start3A_135, %dma_start3A_141] : memref<25x128xi32, #tpu.memory_space<vmem>> -> memref<1x128xi32, #tpu.memory_space<vmem>>
    %dma_start3A_143 = tpu.memref_squeeze %dma_start3A_142 : memref<1x128xi32, #tpu.memory_space<vmem>> -> memref<128xi32, #tpu.memory_space<vmem>>
    %dma_start3A_144 = arith.constant 0 : i32
    %dma_start3A_145 = arith.constant 0 : i32
    %dma_start3A_146 = tpu.memref_slice %arg3[%dma_start3A_144, %dma_start3A_145] : memref<10000x8xf32, #tpu.memory_space<hbm>> -> memref<10000x8xf32, #tpu.memory_space<hbm>>
    tpu.enqueue_indirect_dma source(%dma_start3A_146 : memref<10000x8xf32, #tpu.memory_space<hbm>>) target(%dma_start3A_140 : memref<128x8xf32, #tpu.memory_space<vmem>>) offsets(%dma_start3A_143 : memref<128xi32, #tpu.memory_space<vmem>>) semaphore(%arg10 : memref<!tpu.dma_semaphore, #tpu.memory_space<semaphore_mem>>)
    %dma_start3A_147 = arith.constant 12 : i32
    %dma_start3A_148 = arith.constant 12 : i32
    %dma_start3A_149 = arith.constant 0 : i32
    %dma_start3A_150 = arith.constant 0 : i32
    %dma_start3A_151 = tpu.memref_slice %arg8[%dma_start3A_148, %dma_start3A_149, %dma_start3A_150] : memref<25x128x8xf32, #tpu.memory_space<vmem>> -> memref<1x128x8xf32, #tpu.memory_space<vmem>>
    %dma_start3A_152 = tpu.memref_squeeze %dma_start3A_151 : memref<1x128x8xf32, #tpu.memory_space<vmem>> -> memref<128x8xf32, #tpu.memory_space<vmem>>
    %dma_start3A_153 = arith.constant 0 : i32
    %dma_start3A_154 = tpu.memref_slice %arg6[%dma_start3A_147, %dma_start3A_153] : memref<25x128xi32, #tpu.memory_space<vmem>> -> memref<1x128xi32, #tpu.memory_space<vmem>>
    %dma_start3A_155 = tpu.memref_squeeze %dma_start3A_154 : memref<1x128xi32, #tpu.memory_space<vmem>> -> memref<128xi32, #tpu.memory_space<vmem>>
    %dma_start3A_156 = arith.constant 0 : i32
    %dma_start3A_157 = arith.constant 0 : i32
    %dma_start3A_158 = tpu.memref_slice %arg3[%dma_start3A_156, %dma_start3A_157] : memref<10000x8xf32, #tpu.memory_space<hbm>> -> memref<10000x8xf32, #tpu.memory_space<hbm>>
    tpu.enqueue_indirect_dma source(%dma_start3A_158 : memref<10000x8xf32, #tpu.memory_space<hbm>>) target(%dma_start3A_152 : memref<128x8xf32, #tpu.memory_space<vmem>>) offsets(%dma_start3A_155 : memref<128xi32, #tpu.memory_space<vmem>>) semaphore(%arg10 : memref<!tpu.dma_semaphore, #tpu.memory_space<semaphore_mem>>)
    %dma_start3A_159 = arith.constant 13 : i32
    %dma_start3A_160 = arith.constant 13 : i32
    %dma_start3A_161 = arith.constant 0 : i32
    %dma_start3A_162 = arith.constant 0 : i32
    %dma_start3A_163 = tpu.memref_slice %arg8[%dma_start3A_160, %dma_start3A_161, %dma_start3A_162] : memref<25x128x8xf32, #tpu.memory_space<vmem>> -> memref<1x128x8xf32, #tpu.memory_space<vmem>>
    %dma_start3A_164 = tpu.memref_squeeze %dma_start3A_163 : memref<1x128x8xf32, #tpu.memory_space<vmem>> -> memref<128x8xf32, #tpu.memory_space<vmem>>
    %dma_start3A_165 = arith.constant 0 : i32
    %dma_start3A_166 = tpu.memref_slice %arg6[%dma_start3A_159, %dma_start3A_165] : memref<25x128xi32, #tpu.memory_space<vmem>> -> memref<1x128xi32, #tpu.memory_space<vmem>>
    %dma_start3A_167 = tpu.memref_squeeze %dma_start3A_166 : memref<1x128xi32, #tpu.memory_space<vmem>> -> memref<128xi32, #tpu.memory_space<vmem>>
    %dma_start3A_168 = arith.constant 0 : i32
    %dma_start3A_169 = arith.constant 0 : i32
    %dma_start3A_170 = tpu.memref_slice %arg3[%dma_start3A_168, %dma_start3A_169] : memref<10000x8xf32, #tpu.memory_space<hbm>> -> memref<10000x8xf32, #tpu.memory_space<hbm>>
    tpu.enqueue_indirect_dma source(%dma_start3A_170 : memref<10000x8xf32, #tpu.memory_space<hbm>>) target(%dma_start3A_164 : memref<128x8xf32, #tpu.memory_space<vmem>>) offsets(%dma_start3A_167 : memref<128xi32, #tpu.memory_space<vmem>>) semaphore(%arg10 : memref<!tpu.dma_semaphore, #tpu.memory_space<semaphore_mem>>)
    %dma_start3A_171 = arith.constant 14 : i32
    %dma_start3A_172 = arith.constant 14 : i32
    %dma_start3A_173 = arith.constant 0 : i32
    %dma_start3A_174 = arith.constant 0 : i32
    %dma_start3A_175 = tpu.memref_slice %arg8[%dma_start3A_172, %dma_start3A_173, %dma_start3A_174] : memref<25x128x8xf32, #tpu.memory_space<vmem>> -> memref<1x128x8xf32, #tpu.memory_space<vmem>>
    %dma_start3A_176 = tpu.memref_squeeze %dma_start3A_175 : memref<1x128x8xf32, #tpu.memory_space<vmem>> -> memref<128x8xf32, #tpu.memory_space<vmem>>
    %dma_start3A_177 = arith.constant 0 : i32
    %dma_start3A_178 = tpu.memref_slice %arg6[%dma_start3A_171, %dma_start3A_177] : memref<25x128xi32, #tpu.memory_space<vmem>> -> memref<1x128xi32, #tpu.memory_space<vmem>>
    %dma_start3A_179 = tpu.memref_squeeze %dma_start3A_178 : memref<1x128xi32, #tpu.memory_space<vmem>> -> memref<128xi32, #tpu.memory_space<vmem>>
    %dma_start3A_180 = arith.constant 0 : i32
    %dma_start3A_181 = arith.constant 0 : i32
    %dma_start3A_182 = tpu.memref_slice %arg3[%dma_start3A_180, %dma_start3A_181] : memref<10000x8xf32, #tpu.memory_space<hbm>> -> memref<10000x8xf32, #tpu.memory_space<hbm>>
    tpu.enqueue_indirect_dma source(%dma_start3A_182 : memref<10000x8xf32, #tpu.memory_space<hbm>>) target(%dma_start3A_176 : memref<128x8xf32, #tpu.memory_space<vmem>>) offsets(%dma_start3A_179 : memref<128xi32, #tpu.memory_space<vmem>>) semaphore(%arg10 : memref<!tpu.dma_semaphore, #tpu.memory_space<semaphore_mem>>)
    %dma_start3A_183 = arith.constant 15 : i32
    %dma_start3A_184 = arith.constant 15 : i32
    %dma_start3A_185 = arith.constant 0 : i32
    %dma_start3A_186 = arith.constant 0 : i32
    %dma_start3A_187 = tpu.memref_slice %arg8[%dma_start3A_184, %dma_start3A_185, %dma_start3A_186] : memref<25x128x8xf32, #tpu.memory_space<vmem>> -> memref<1x128x8xf32, #tpu.memory_space<vmem>>
    %dma_start3A_188 = tpu.memref_squeeze %dma_start3A_187 : memref<1x128x8xf32, #tpu.memory_space<vmem>> -> memref<128x8xf32, #tpu.memory_space<vmem>>
    %dma_start3A_189 = arith.constant 0 : i32
    %dma_start3A_190 = tpu.memref_slice %arg6[%dma_start3A_183, %dma_start3A_189] : memref<25x128xi32, #tpu.memory_space<vmem>> -> memref<1x128xi32, #tpu.memory_space<vmem>>
    %dma_start3A_191 = tpu.memref_squeeze %dma_start3A_190 : memref<1x128xi32, #tpu.memory_space<vmem>> -> memref<128xi32, #tpu.memory_space<vmem>>
    %dma_start3A_192 = arith.constant 0 : i32
    %dma_start3A_193 = arith.constant 0 : i32
    %dma_start3A_194 = tpu.memref_slice %arg3[%dma_start3A_192, %dma_start3A_193] : memref<10000x8xf32, #tpu.memory_space<hbm>> -> memref<10000x8xf32, #tpu.memory_space<hbm>>
    tpu.enqueue_indirect_dma source(%dma_start3A_194 : memref<10000x8xf32, #tpu.memory_space<hbm>>) target(%dma_start3A_188 : memref<128x8xf32, #tpu.memory_space<vmem>>) offsets(%dma_start3A_191 : memref<128xi32, #tpu.memory_space<vmem>>) semaphore(%arg10 : memref<!tpu.dma_semaphore, #tpu.memory_space<semaphore_mem>>)
    %dma_start3A_195 = arith.constant 16 : i32
    %dma_start3A_196 = arith.constant 16 : i32
    %dma_start3A_197 = arith.constant 0 : i32
    %dma_start3A_198 = arith.constant 0 : i32
    %dma_start3A_199 = tpu.memref_slice %arg8[%dma_start3A_196, %dma_start3A_197, %dma_start3A_198] : memref<25x128x8xf32, #tpu.memory_space<vmem>> -> memref<1x128x8xf32, #tpu.memory_space<vmem>>
    %dma_start3A_200 = tpu.memref_squeeze %dma_start3A_199 : memref<1x128x8xf32, #tpu.memory_space<vmem>> -> memref<128x8xf32, #tpu.memory_space<vmem>>
    %dma_start3A_201 = arith.constant 0 : i32
    %dma_start3A_202 = tpu.memref_slice %arg6[%dma_start3A_195, %dma_start3A_201] : memref<25x128xi32, #tpu.memory_space<vmem>> -> memref<1x128xi32, #tpu.memory_space<vmem>>
    %dma_start3A_203 = tpu.memref_squeeze %dma_start3A_202 : memref<1x128xi32, #tpu.memory_space<vmem>> -> memref<128xi32, #tpu.memory_space<vmem>>
    %dma_start3A_204 = arith.constant 0 : i32
    %dma_start3A_205 = arith.constant 0 : i32
    %dma_start3A_206 = tpu.memref_slice %arg3[%dma_start3A_204, %dma_start3A_205] : memref<10000x8xf32, #tpu.memory_space<hbm>> -> memref<10000x8xf32, #tpu.memory_space<hbm>>
    tpu.enqueue_indirect_dma source(%dma_start3A_206 : memref<10000x8xf32, #tpu.memory_space<hbm>>) target(%dma_start3A_200 : memref<128x8xf32, #tpu.memory_space<vmem>>) offsets(%dma_start3A_203 : memref<128xi32, #tpu.memory_space<vmem>>) semaphore(%arg10 : memref<!tpu.dma_semaphore, #tpu.memory_space<semaphore_mem>>)
    %dma_start3A_207 = arith.constant 17 : i32
    %dma_start3A_208 = arith.constant 17 : i32
    %dma_start3A_209 = arith.constant 0 : i32
    %dma_start3A_210 = arith.constant 0 : i32
    %dma_start3A_211 = tpu.memref_slice %arg8[%dma_start3A_208, %dma_start3A_209, %dma_start3A_210] : memref<25x128x8xf32, #tpu.memory_space<vmem>> -> memref<1x128x8xf32, #tpu.memory_space<vmem>>
    %dma_start3A_212 = tpu.memref_squeeze %dma_start3A_211 : memref<1x128x8xf32, #tpu.memory_space<vmem>> -> memref<128x8xf32, #tpu.memory_space<vmem>>
    %dma_start3A_213 = arith.constant 0 : i32
    %dma_start3A_214 = tpu.memref_slice %arg6[%dma_start3A_207, %dma_start3A_213] : memref<25x128xi32, #tpu.memory_space<vmem>> -> memref<1x128xi32, #tpu.memory_space<vmem>>
    %dma_start3A_215 = tpu.memref_squeeze %dma_start3A_214 : memref<1x128xi32, #tpu.memory_space<vmem>> -> memref<128xi32, #tpu.memory_space<vmem>>
    %dma_start3A_216 = arith.constant 0 : i32
    %dma_start3A_217 = arith.constant 0 : i32
    %dma_start3A_218 = tpu.memref_slice %arg3[%dma_start3A_216, %dma_start3A_217] : memref<10000x8xf32, #tpu.memory_space<hbm>> -> memref<10000x8xf32, #tpu.memory_space<hbm>>
    tpu.enqueue_indirect_dma source(%dma_start3A_218 : memref<10000x8xf32, #tpu.memory_space<hbm>>) target(%dma_start3A_212 : memref<128x8xf32, #tpu.memory_space<vmem>>) offsets(%dma_start3A_215 : memref<128xi32, #tpu.memory_space<vmem>>) semaphore(%arg10 : memref<!tpu.dma_semaphore, #tpu.memory_space<semaphore_mem>>)
    %dma_start3A_219 = arith.constant 18 : i32
    %dma_start3A_220 = arith.constant 18 : i32
    %dma_start3A_221 = arith.constant 0 : i32
    %dma_start3A_222 = arith.constant 0 : i32
    %dma_start3A_223 = tpu.memref_slice %arg8[%dma_start3A_220, %dma_start3A_221, %dma_start3A_222] : memref<25x128x8xf32, #tpu.memory_space<vmem>> -> memref<1x128x8xf32, #tpu.memory_space<vmem>>
    %dma_start3A_224 = tpu.memref_squeeze %dma_start3A_223 : memref<1x128x8xf32, #tpu.memory_space<vmem>> -> memref<128x8xf32, #tpu.memory_space<vmem>>
    %dma_start3A_225 = arith.constant 0 : i32
    %dma_start3A_226 = tpu.memref_slice %arg6[%dma_start3A_219, %dma_start3A_225] : memref<25x128xi32, #tpu.memory_space<vmem>> -> memref<1x128xi32, #tpu.memory_space<vmem>>
    %dma_start3A_227 = tpu.memref_squeeze %dma_start3A_226 : memref<1x128xi32, #tpu.memory_space<vmem>> -> memref<128xi32, #tpu.memory_space<vmem>>
    %dma_start3A_228 = arith.constant 0 : i32
    %dma_start3A_229 = arith.constant 0 : i32
    %dma_start3A_230 = tpu.memref_slice %arg3[%dma_start3A_228, %dma_start3A_229] : memref<10000x8xf32, #tpu.memory_space<hbm>> -> memref<10000x8xf32, #tpu.memory_space<hbm>>
    tpu.enqueue_indirect_dma source(%dma_start3A_230 : memref<10000x8xf32, #tpu.memory_space<hbm>>) target(%dma_start3A_224 : memref<128x8xf32, #tpu.memory_space<vmem>>) offsets(%dma_start3A_227 : memref<128xi32, #tpu.memory_space<vmem>>) semaphore(%arg10 : memref<!tpu.dma_semaphore, #tpu.memory_space<semaphore_mem>>)
    %dma_start3A_231 = arith.constant 19 : i32
    %dma_start3A_232 = arith.constant 19 : i32
    %dma_start3A_233 = arith.constant 0 : i32
    %dma_start3A_234 = arith.constant 0 : i32
    %dma_start3A_235 = tpu.memref_slice %arg8[%dma_start3A_232, %dma_start3A_233, %dma_start3A_234] : memref<25x128x8xf32, #tpu.memory_space<vmem>> -> memref<1x128x8xf32, #tpu.memory_space<vmem>>
    %dma_start3A_236 = tpu.memref_squeeze %dma_start3A_235 : memref<1x128x8xf32, #tpu.memory_space<vmem>> -> memref<128x8xf32, #tpu.memory_space<vmem>>
    %dma_start3A_237 = arith.constant 0 : i32
    %dma_start3A_238 = tpu.memref_slice %arg6[%dma_start3A_231, %dma_start3A_237] : memref<25x128xi32, #tpu.memory_space<vmem>> -> memref<1x128xi32, #tpu.memory_space<vmem>>
    %dma_start3A_239 = tpu.memref_squeeze %dma_start3A_238 : memref<1x128xi32, #tpu.memory_space<vmem>> -> memref<128xi32, #tpu.memory_space<vmem>>
    %dma_start3A_240 = arith.constant 0 : i32
    %dma_start3A_241 = arith.constant 0 : i32
    %dma_start3A_242 = tpu.memref_slice %arg3[%dma_start3A_240, %dma_start3A_241] : memref<10000x8xf32, #tpu.memory_space<hbm>> -> memref<10000x8xf32, #tpu.memory_space<hbm>>
    tpu.enqueue_indirect_dma source(%dma_start3A_242 : memref<10000x8xf32, #tpu.memory_space<hbm>>) target(%dma_start3A_236 : memref<128x8xf32, #tpu.memory_space<vmem>>) offsets(%dma_start3A_239 : memref<128xi32, #tpu.memory_space<vmem>>) semaphore(%arg10 : memref<!tpu.dma_semaphore, #tpu.memory_space<semaphore_mem>>)
    %dma_start3A_243 = arith.constant 20 : i32
    %dma_start3A_244 = arith.constant 20 : i32
    %dma_start3A_245 = arith.constant 0 : i32
    %dma_start3A_246 = arith.constant 0 : i32
    %dma_start3A_247 = tpu.memref_slice %arg8[%dma_start3A_244, %dma_start3A_245, %dma_start3A_246] : memref<25x128x8xf32, #tpu.memory_space<vmem>> -> memref<1x128x8xf32, #tpu.memory_space<vmem>>
    %dma_start3A_248 = tpu.memref_squeeze %dma_start3A_247 : memref<1x128x8xf32, #tpu.memory_space<vmem>> -> memref<128x8xf32, #tpu.memory_space<vmem>>
    %dma_start3A_249 = arith.constant 0 : i32
    %dma_start3A_250 = tpu.memref_slice %arg6[%dma_start3A_243, %dma_start3A_249] : memref<25x128xi32, #tpu.memory_space<vmem>> -> memref<1x128xi32, #tpu.memory_space<vmem>>
    %dma_start3A_251 = tpu.memref_squeeze %dma_start3A_250 : memref<1x128xi32, #tpu.memory_space<vmem>> -> memref<128xi32, #tpu.memory_space<vmem>>
    %dma_start3A_252 = arith.constant 0 : i32
    %dma_start3A_253 = arith.constant 0 : i32
    %dma_start3A_254 = tpu.memref_slice %arg3[%dma_start3A_252, %dma_start3A_253] : memref<10000x8xf32, #tpu.memory_space<hbm>> -> memref<10000x8xf32, #tpu.memory_space<hbm>>
    tpu.enqueue_indirect_dma source(%dma_start3A_254 : memref<10000x8xf32, #tpu.memory_space<hbm>>) target(%dma_start3A_248 : memref<128x8xf32, #tpu.memory_space<vmem>>) offsets(%dma_start3A_251 : memref<128xi32, #tpu.memory_space<vmem>>) semaphore(%arg10 : memref<!tpu.dma_semaphore, #tpu.memory_space<semaphore_mem>>)
    %dma_start3A_255 = arith.constant 21 : i32
    %dma_start3A_256 = arith.constant 21 : i32
    %dma_start3A_257 = arith.constant 0 : i32
    %dma_start3A_258 = arith.constant 0 : i32
    %dma_start3A_259 = tpu.memref_slice %arg8[%dma_start3A_256, %dma_start3A_257, %dma_start3A_258] : memref<25x128x8xf32, #tpu.memory_space<vmem>> -> memref<1x128x8xf32, #tpu.memory_space<vmem>>
    %dma_start3A_260 = tpu.memref_squeeze %dma_start3A_259 : memref<1x128x8xf32, #tpu.memory_space<vmem>> -> memref<128x8xf32, #tpu.memory_space<vmem>>
    %dma_start3A_261 = arith.constant 0 : i32
    %dma_start3A_262 = tpu.memref_slice %arg6[%dma_start3A_255, %dma_start3A_261] : memref<25x128xi32, #tpu.memory_space<vmem>> -> memref<1x128xi32, #tpu.memory_space<vmem>>
    %dma_start3A_263 = tpu.memref_squeeze %dma_start3A_262 : memref<1x128xi32, #tpu.memory_space<vmem>> -> memref<128xi32, #tpu.memory_space<vmem>>
    %dma_start3A_264 = arith.constant 0 : i32
    %dma_start3A_265 = arith.constant 0 : i32
    %dma_start3A_266 = tpu.memref_slice %arg3[%dma_start3A_264, %dma_start3A_265] : memref<10000x8xf32, #tpu.memory_space<hbm>> -> memref<10000x8xf32, #tpu.memory_space<hbm>>
    tpu.enqueue_indirect_dma source(%dma_start3A_266 : memref<10000x8xf32, #tpu.memory_space<hbm>>) target(%dma_start3A_260 : memref<128x8xf32, #tpu.memory_space<vmem>>) offsets(%dma_start3A_263 : memref<128xi32, #tpu.memory_space<vmem>>) semaphore(%arg10 : memref<!tpu.dma_semaphore, #tpu.memory_space<semaphore_mem>>)
    %dma_start3A_267 = arith.constant 22 : i32
    %dma_start3A_268 = arith.constant 22 : i32
    %dma_start3A_269 = arith.constant 0 : i32
    %dma_start3A_270 = arith.constant 0 : i32
    %dma_start3A_271 = tpu.memref_slice %arg8[%dma_start3A_268, %dma_start3A_269, %dma_start3A_270] : memref<25x128x8xf32, #tpu.memory_space<vmem>> -> memref<1x128x8xf32, #tpu.memory_space<vmem>>
    %dma_start3A_272 = tpu.memref_squeeze %dma_start3A_271 : memref<1x128x8xf32, #tpu.memory_space<vmem>> -> memref<128x8xf32, #tpu.memory_space<vmem>>
    %dma_start3A_273 = arith.constant 0 : i32
    %dma_start3A_274 = tpu.memref_slice %arg6[%dma_start3A_267, %dma_start3A_273] : memref<25x128xi32, #tpu.memory_space<vmem>> -> memref<1x128xi32, #tpu.memory_space<vmem>>
    %dma_start3A_275 = tpu.memref_squeeze %dma_start3A_274 : memref<1x128xi32, #tpu.memory_space<vmem>> -> memref<128xi32, #tpu.memory_space<vmem>>
    %dma_start3A_276 = arith.constant 0 : i32
    %dma_start3A_277 = arith.constant 0 : i32
    %dma_start3A_278 = tpu.memref_slice %arg3[%dma_start3A_276, %dma_start3A_277] : memref<10000x8xf32, #tpu.memory_space<hbm>> -> memref<10000x8xf32, #tpu.memory_space<hbm>>
    tpu.enqueue_indirect_dma source(%dma_start3A_278 : memref<10000x8xf32, #tpu.memory_space<hbm>>) target(%dma_start3A_272 : memref<128x8xf32, #tpu.memory_space<vmem>>) offsets(%dma_start3A_275 : memref<128xi32, #tpu.memory_space<vmem>>) semaphore(%arg10 : memref<!tpu.dma_semaphore, #tpu.memory_space<semaphore_mem>>)
    %dma_start3A_279 = arith.constant 23 : i32
    %dma_start3A_280 = arith.constant 23 : i32
    %dma_start3A_281 = arith.constant 0 : i32
    %dma_start3A_282 = arith.constant 0 : i32
    %dma_start3A_283 = tpu.memref_slice %arg8[%dma_start3A_280, %dma_start3A_281, %dma_start3A_282] : memref<25x128x8xf32, #tpu.memory_space<vmem>> -> memref<1x128x8xf32, #tpu.memory_space<vmem>>
    %dma_start3A_284 = tpu.memref_squeeze %dma_start3A_283 : memref<1x128x8xf32, #tpu.memory_space<vmem>> -> memref<128x8xf32, #tpu.memory_space<vmem>>
    %dma_start3A_285 = arith.constant 0 : i32
    %dma_start3A_286 = tpu.memref_slice %arg6[%dma_start3A_279, %dma_start3A_285] : memref<25x128xi32, #tpu.memory_space<vmem>> -> memref<1x128xi32, #tpu.memory_space<vmem>>
    %dma_start3A_287 = tpu.memref_squeeze %dma_start3A_286 : memref<1x128xi32, #tpu.memory_space<vmem>> -> memref<128xi32, #tpu.memory_space<vmem>>
    %dma_start3A_288 = arith.constant 0 : i32
    %dma_start3A_289 = arith.constant 0 : i32
    %dma_start3A_290 = tpu.memref_slice %arg3[%dma_start3A_288, %dma_start3A_289] : memref<10000x8xf32, #tpu.memory_space<hbm>> -> memref<10000x8xf32, #tpu.memory_space<hbm>>
    tpu.enqueue_indirect_dma source(%dma_start3A_290 : memref<10000x8xf32, #tpu.memory_space<hbm>>) target(%dma_start3A_284 : memref<128x8xf32, #tpu.memory_space<vmem>>) offsets(%dma_start3A_287 : memref<128xi32, #tpu.memory_space<vmem>>) semaphore(%arg10 : memref<!tpu.dma_semaphore, #tpu.memory_space<semaphore_mem>>)
    %dma_start3A_291 = arith.constant 24 : i32
    %dma_start3A_292 = arith.constant 24 : i32
    %dma_start3A_293 = arith.constant 0 : i32
    %dma_start3A_294 = arith.constant 0 : i32
    %dma_start3A_295 = tpu.memref_slice %arg8[%dma_start3A_292, %dma_start3A_293, %dma_start3A_294] : memref<25x128x8xf32, #tpu.memory_space<vmem>> -> memref<1x128x8xf32, #tpu.memory_space<vmem>>
    %dma_start3A_296 = tpu.memref_squeeze %dma_start3A_295 : memref<1x128x8xf32, #tpu.memory_space<vmem>> -> memref<128x8xf32, #tpu.memory_space<vmem>>
    %dma_start3A_297 = arith.constant 0 : i32
    %dma_start3A_298 = tpu.memref_slice %arg6[%dma_start3A_291, %dma_start3A_297] : memref<25x128xi32, #tpu.memory_space<vmem>> -> memref<1x128xi32, #tpu.memory_space<vmem>>
    %dma_start3A_299 = tpu.memref_squeeze %dma_start3A_298 : memref<1x128xi32, #tpu.memory_space<vmem>> -> memref<128xi32, #tpu.memory_space<vmem>>
    %dma_start3A_300 = arith.constant 0 : i32
    %dma_start3A_301 = arith.constant 0 : i32
    %dma_start3A_302 = tpu.memref_slice %arg3[%dma_start3A_300, %dma_start3A_301] : memref<10000x8xf32, #tpu.memory_space<hbm>> -> memref<10000x8xf32, #tpu.memory_space<hbm>>
    tpu.enqueue_indirect_dma source(%dma_start3A_302 : memref<10000x8xf32, #tpu.memory_space<hbm>>) target(%dma_start3A_296 : memref<128x8xf32, #tpu.memory_space<vmem>>) offsets(%dma_start3A_299 : memref<128xi32, #tpu.memory_space<vmem>>) semaphore(%arg10 : memref<!tpu.dma_semaphore, #tpu.memory_space<semaphore_mem>>)
    %dma_wait3A = arith.constant 0 : i32
    %dma_wait3A_303 = arith.constant 0 : i32
    %dma_wait3A_304 = arith.constant 0 : i32
    %dma_wait3A_305 = arith.constant 0 : i32
    %dma_wait3A_306 = tpu.memref_slice %arg8[%dma_wait3A_303, %dma_wait3A_304, %dma_wait3A_305] : memref<25x128x8xf32, #tpu.memory_space<vmem>> -> memref<1x128x8xf32, #tpu.memory_space<vmem>>
    %dma_wait3A_307 = tpu.memref_squeeze %dma_wait3A_306 : memref<1x128x8xf32, #tpu.memory_space<vmem>> -> memref<128x8xf32, #tpu.memory_space<vmem>>
    %dma_wait3A_308 = arith.constant 0 : i32
    %dma_wait3A_309 = tpu.memref_slice %arg6[%dma_wait3A, %dma_wait3A_308] : memref<25x128xi32, #tpu.memory_space<vmem>> -> memref<1x128xi32, #tpu.memory_space<vmem>>
    %dma_wait3A_310 = tpu.memref_squeeze %dma_wait3A_309 : memref<1x128xi32, #tpu.memory_space<vmem>> -> memref<128xi32, #tpu.memory_space<vmem>>
    %dma_wait3A_311 = arith.constant 0 : i32
    %dma_wait3A_312 = arith.constant 0 : i32
    %dma_wait3A_313 = tpu.memref_slice %arg3[%dma_wait3A_311, %dma_wait3A_312] : memref<10000x8xf32, #tpu.memory_space<hbm>> -> memref<10000x8xf32, #tpu.memory_space<hbm>>
    tpu.wait_indirect_dma semaphore(%arg10 : memref<!tpu.dma_semaphore, #tpu.memory_space<semaphore_mem>>) src(%dma_wait3A_313 : memref<10000x8xf32, #tpu.memory_space<hbm>>) dst(%dma_wait3A_307 : memref<128x8xf32, #tpu.memory_space<vmem>>)
    %dma_start3A_314 = arith.constant 0 : i32
    %dma_start3A_315 = arith.constant 0 : i32
    %dma_start3A_316 = arith.constant 0 : i32
    %dma_start3A_317 = arith.constant 0 : i32
    %dma_start3A_318 = tpu.memref_slice %arg8[%dma_start3A_314, %dma_start3A_316, %dma_start3A_317] : memref<25x128x8xf32, #tpu.memory_space<vmem>> -> memref<1x128x8xf32, #tpu.memory_space<vmem>>
    %dma_start3A_319 = tpu.memref_squeeze %dma_start3A_318 : memref<1x128x8xf32, #tpu.memory_space<vmem>> -> memref<128x8xf32, #tpu.memory_space<vmem>>
    %dma_start3A_320 = arith.constant 0 : i32
    %dma_start3A_321 = tpu.memref_slice %arg7[%dma_start3A_315, %dma_start3A_320] : memref<25x128xi32, #tpu.memory_space<vmem>> -> memref<1x128xi32, #tpu.memory_space<vmem>>
    %dma_start3A_322 = tpu.memref_squeeze %dma_start3A_321 : memref<1x128xi32, #tpu.memory_space<vmem>> -> memref<128xi32, #tpu.memory_space<vmem>>
    %dma_start3A_323 = arith.constant 0 : i32
    %dma_start3A_324 = arith.constant 0 : i32
    %dma_start3A_325 = tpu.memref_slice %arg9[%dma_start3A_323, %dma_start3A_324] : memref<10240x8xf32, #tpu.memory_space<vmem_shared>> -> memref<10240x8xf32, #tpu.memory_space<vmem_shared>>
    tpu.enqueue_indirect_dma source(%dma_start3A_319 : memref<128x8xf32, #tpu.memory_space<vmem>>) target(%dma_start3A_325 : memref<10240x8xf32, #tpu.memory_space<vmem_shared>>) offsets(%dma_start3A_322 : memref<128xi32, #tpu.memory_space<vmem>>) semaphore(%arg11 : memref<!tpu.dma_semaphore, #tpu.memory_space<semaphore_mem>>) {add = true}
    %dma_wait3A_326 = arith.constant 1 : i32
    %dma_wait3A_327 = arith.constant 1 : i32
    %dma_wait3A_328 = arith.constant 0 : i32
    %dma_wait3A_329 = arith.constant 0 : i32
    %dma_wait3A_330 = tpu.memref_slice %arg8[%dma_wait3A_327, %dma_wait3A_328, %dma_wait3A_329] : memref<25x128x8xf32, #tpu.memory_space<vmem>> -> memref<1x128x8xf32, #tpu.memory_space<vmem>>
    %dma_wait3A_331 = tpu.memref_squeeze %dma_wait3A_330 : memref<1x128x8xf32, #tpu.memory_space<vmem>> -> memref<128x8xf32, #tpu.memory_space<vmem>>
    %dma_wait3A_332 = arith.constant 0 : i32
    %dma_wait3A_333 = tpu.memref_slice %arg6[%dma_wait3A_326, %dma_wait3A_332] : memref<25x128xi32, #tpu.memory_space<vmem>> -> memref<1x128xi32, #tpu.memory_space<vmem>>
    %dma_wait3A_334 = tpu.memref_squeeze %dma_wait3A_333 : memref<1x128xi32, #tpu.memory_space<vmem>> -> memref<128xi32, #tpu.memory_space<vmem>>
    %dma_wait3A_335 = arith.constant 0 : i32
    %dma_wait3A_336 = arith.constant 0 : i32
    %dma_wait3A_337 = tpu.memref_slice %arg3[%dma_wait3A_335, %dma_wait3A_336] : memref<10000x8xf32, #tpu.memory_space<hbm>> -> memref<10000x8xf32, #tpu.memory_space<hbm>>
    tpu.wait_indirect_dma semaphore(%arg10 : memref<!tpu.dma_semaphore, #tpu.memory_space<semaphore_mem>>) src(%dma_wait3A_337 : memref<10000x8xf32, #tpu.memory_space<hbm>>) dst(%dma_wait3A_331 : memref<128x8xf32, #tpu.memory_space<vmem>>)
    %dma_start3A_338 = arith.constant 1 : i32
    %dma_start3A_339 = arith.constant 1 : i32
    %dma_start3A_340 = arith.constant 0 : i32
    %dma_start3A_341 = arith.constant 0 : i32
    %dma_start3A_342 = tpu.memref_slice %arg8[%dma_start3A_338, %dma_start3A_340, %dma_start3A_341] : memref<25x128x8xf32, #tpu.memory_space<vmem>> -> memref<1x128x8xf32, #tpu.memory_space<vmem>>
    %dma_start3A_343 = tpu.memref_squeeze %dma_start3A_342 : memref<1x128x8xf32, #tpu.memory_space<vmem>> -> memref<128x8xf32, #tpu.memory_space<vmem>>
    %dma_start3A_344 = arith.constant 0 : i32
    %dma_start3A_345 = tpu.memref_slice %arg7[%dma_start3A_339, %dma_start3A_344] : memref<25x128xi32, #tpu.memory_space<vmem>> -> memref<1x128xi32, #tpu.memory_space<vmem>>
    %dma_start3A_346 = tpu.memref_squeeze %dma_start3A_345 : memref<1x128xi32, #tpu.memory_space<vmem>> -> memref<128xi32, #tpu.memory_space<vmem>>
    %dma_start3A_347 = arith.constant 0 : i32
    %dma_start3A_348 = arith.constant 0 : i32
    %dma_start3A_349 = tpu.memref_slice %arg9[%dma_start3A_347, %dma_start3A_348] : memref<10240x8xf32, #tpu.memory_space<vmem_shared>> -> memref<10240x8xf32, #tpu.memory_space<vmem_shared>>
    tpu.enqueue_indirect_dma source(%dma_start3A_343 : memref<128x8xf32, #tpu.memory_space<vmem>>) target(%dma_start3A_349 : memref<10240x8xf32, #tpu.memory_space<vmem_shared>>) offsets(%dma_start3A_346 : memref<128xi32, #tpu.memory_space<vmem>>) semaphore(%arg11 : memref<!tpu.dma_semaphore, #tpu.memory_space<semaphore_mem>>) {add = true}
    %dma_wait3A_350 = arith.constant 2 : i32
    %dma_wait3A_351 = arith.constant 2 : i32
    %dma_wait3A_352 = arith.constant 0 : i32
    %dma_wait3A_353 = arith.constant 0 : i32
    %dma_wait3A_354 = tpu.memref_slice %arg8[%dma_wait3A_351, %dma_wait3A_352, %dma_wait3A_353] : memref<25x128x8xf32, #tpu.memory_space<vmem>> -> memref<1x128x8xf32, #tpu.memory_space<vmem>>
    %dma_wait3A_355 = tpu.memref_squeeze %dma_wait3A_354 : memref<1x128x8xf32, #tpu.memory_space<vmem>> -> memref<128x8xf32, #tpu.memory_space<vmem>>
    %dma_wait3A_356 = arith.constant 0 : i32
    %dma_wait3A_357 = tpu.memref_slice %arg6[%dma_wait3A_350, %dma_wait3A_356] : memref<25x128xi32, #tpu.memory_space<vmem>> -> memref<1x128xi32, #tpu.memory_space<vmem>>
    %dma_wait3A_358 = tpu.memref_squeeze %dma_wait3A_357 : memref<1x128xi32, #tpu.memory_space<vmem>> -> memref<128xi32, #tpu.memory_space<vmem>>
    %dma_wait3A_359 = arith.constant 0 : i32
    %dma_wait3A_360 = arith.constant 0 : i32
    %dma_wait3A_361 = tpu.memref_slice %arg3[%dma_wait3A_359, %dma_wait3A_360] : memref<10000x8xf32, #tpu.memory_space<hbm>> -> memref<10000x8xf32, #tpu.memory_space<hbm>>
    tpu.wait_indirect_dma semaphore(%arg10 : memref<!tpu.dma_semaphore, #tpu.memory_space<semaphore_mem>>) src(%dma_wait3A_361 : memref<10000x8xf32, #tpu.memory_space<hbm>>) dst(%dma_wait3A_355 : memref<128x8xf32, #tpu.memory_space<vmem>>)
    %dma_start3A_362 = arith.constant 2 : i32
    %dma_start3A_363 = arith.constant 2 : i32
    %dma_start3A_364 = arith.constant 0 : i32
    %dma_start3A_365 = arith.constant 0 : i32
    %dma_start3A_366 = tpu.memref_slice %arg8[%dma_start3A_362, %dma_start3A_364, %dma_start3A_365] : memref<25x128x8xf32, #tpu.memory_space<vmem>> -> memref<1x128x8xf32, #tpu.memory_space<vmem>>
    %dma_start3A_367 = tpu.memref_squeeze %dma_start3A_366 : memref<1x128x8xf32, #tpu.memory_space<vmem>> -> memref<128x8xf32, #tpu.memory_space<vmem>>
    %dma_start3A_368 = arith.constant 0 : i32
    %dma_start3A_369 = tpu.memref_slice %arg7[%dma_start3A_363, %dma_start3A_368] : memref<25x128xi32, #tpu.memory_space<vmem>> -> memref<1x128xi32, #tpu.memory_space<vmem>>
    %dma_start3A_370 = tpu.memref_squeeze %dma_start3A_369 : memref<1x128xi32, #tpu.memory_space<vmem>> -> memref<128xi32, #tpu.memory_space<vmem>>
    %dma_start3A_371 = arith.constant 0 : i32
    %dma_start3A_372 = arith.constant 0 : i32
    %dma_start3A_373 = tpu.memref_slice %arg9[%dma_start3A_371, %dma_start3A_372] : memref<10240x8xf32, #tpu.memory_space<vmem_shared>> -> memref<10240x8xf32, #tpu.memory_space<vmem_shared>>
    tpu.enqueue_indirect_dma source(%dma_start3A_367 : memref<128x8xf32, #tpu.memory_space<vmem>>) target(%dma_start3A_373 : memref<10240x8xf32, #tpu.memory_space<vmem_shared>>) offsets(%dma_start3A_370 : memref<128xi32, #tpu.memory_space<vmem>>) semaphore(%arg11 : memref<!tpu.dma_semaphore, #tpu.memory_space<semaphore_mem>>) {add = true}
    %dma_wait3A_374 = arith.constant 3 : i32
    %dma_wait3A_375 = arith.constant 3 : i32
    %dma_wait3A_376 = arith.constant 0 : i32
    %dma_wait3A_377 = arith.constant 0 : i32
    %dma_wait3A_378 = tpu.memref_slice %arg8[%dma_wait3A_375, %dma_wait3A_376, %dma_wait3A_377] : memref<25x128x8xf32, #tpu.memory_space<vmem>> -> memref<1x128x8xf32, #tpu.memory_space<vmem>>
    %dma_wait3A_379 = tpu.memref_squeeze %dma_wait3A_378 : memref<1x128x8xf32, #tpu.memory_space<vmem>> -> memref<128x8xf32, #tpu.memory_space<vmem>>
    %dma_wait3A_380 = arith.constant 0 : i32
    %dma_wait3A_381 = tpu.memref_slice %arg6[%dma_wait3A_374, %dma_wait3A_380] : memref<25x128xi32, #tpu.memory_space<vmem>> -> memref<1x128xi32, #tpu.memory_space<vmem>>
    %dma_wait3A_382 = tpu.memref_squeeze %dma_wait3A_381 : memref<1x128xi32, #tpu.memory_space<vmem>> -> memref<128xi32, #tpu.memory_space<vmem>>
    %dma_wait3A_383 = arith.constant 0 : i32
    %dma_wait3A_384 = arith.constant 0 : i32
    %dma_wait3A_385 = tpu.memref_slice %arg3[%dma_wait3A_383, %dma_wait3A_384] : memref<10000x8xf32, #tpu.memory_space<hbm>> -> memref<10000x8xf32, #tpu.memory_space<hbm>>
    tpu.wait_indirect_dma semaphore(%arg10 : memref<!tpu.dma_semaphore, #tpu.memory_space<semaphore_mem>>) src(%dma_wait3A_385 : memref<10000x8xf32, #tpu.memory_space<hbm>>) dst(%dma_wait3A_379 : memref<128x8xf32, #tpu.memory_space<vmem>>)
    %dma_start3A_386 = arith.constant 3 : i32
    %dma_start3A_387 = arith.constant 3 : i32
    %dma_start3A_388 = arith.constant 0 : i32
    %dma_start3A_389 = arith.constant 0 : i32
    %dma_start3A_390 = tpu.memref_slice %arg8[%dma_start3A_386, %dma_start3A_388, %dma_start3A_389] : memref<25x128x8xf32, #tpu.memory_space<vmem>> -> memref<1x128x8xf32, #tpu.memory_space<vmem>>
    %dma_start3A_391 = tpu.memref_squeeze %dma_start3A_390 : memref<1x128x8xf32, #tpu.memory_space<vmem>> -> memref<128x8xf32, #tpu.memory_space<vmem>>
    %dma_start3A_392 = arith.constant 0 : i32
    %dma_start3A_393 = tpu.memref_slice %arg7[%dma_start3A_387, %dma_start3A_392] : memref<25x128xi32, #tpu.memory_space<vmem>> -> memref<1x128xi32, #tpu.memory_space<vmem>>
    %dma_start3A_394 = tpu.memref_squeeze %dma_start3A_393 : memref<1x128xi32, #tpu.memory_space<vmem>> -> memref<128xi32, #tpu.memory_space<vmem>>
    %dma_start3A_395 = arith.constant 0 : i32
    %dma_start3A_396 = arith.constant 0 : i32
    %dma_start3A_397 = tpu.memref_slice %arg9[%dma_start3A_395, %dma_start3A_396] : memref<10240x8xf32, #tpu.memory_space<vmem_shared>> -> memref<10240x8xf32, #tpu.memory_space<vmem_shared>>
    tpu.enqueue_indirect_dma source(%dma_start3A_391 : memref<128x8xf32, #tpu.memory_space<vmem>>) target(%dma_start3A_397 : memref<10240x8xf32, #tpu.memory_space<vmem_shared>>) offsets(%dma_start3A_394 : memref<128xi32, #tpu.memory_space<vmem>>) semaphore(%arg11 : memref<!tpu.dma_semaphore, #tpu.memory_space<semaphore_mem>>) {add = true}
    %dma_wait3A_398 = arith.constant 4 : i32
    %dma_wait3A_399 = arith.constant 4 : i32
    %dma_wait3A_400 = arith.constant 0 : i32
    %dma_wait3A_401 = arith.constant 0 : i32
    %dma_wait3A_402 = tpu.memref_slice %arg8[%dma_wait3A_399, %dma_wait3A_400, %dma_wait3A_401] : memref<25x128x8xf32, #tpu.memory_space<vmem>> -> memref<1x128x8xf32, #tpu.memory_space<vmem>>
    %dma_wait3A_403 = tpu.memref_squeeze %dma_wait3A_402 : memref<1x128x8xf32, #tpu.memory_space<vmem>> -> memref<128x8xf32, #tpu.memory_space<vmem>>
    %dma_wait3A_404 = arith.constant 0 : i32
    %dma_wait3A_405 = tpu.memref_slice %arg6[%dma_wait3A_398, %dma_wait3A_404] : memref<25x128xi32, #tpu.memory_space<vmem>> -> memref<1x128xi32, #tpu.memory_space<vmem>>
    %dma_wait3A_406 = tpu.memref_squeeze %dma_wait3A_405 : memref<1x128xi32, #tpu.memory_space<vmem>> -> memref<128xi32, #tpu.memory_space<vmem>>
    %dma_wait3A_407 = arith.constant 0 : i32
    %dma_wait3A_408 = arith.constant 0 : i32
    %dma_wait3A_409 = tpu.memref_slice %arg3[%dma_wait3A_407, %dma_wait3A_408] : memref<10000x8xf32, #tpu.memory_space<hbm>> -> memref<10000x8xf32, #tpu.memory_space<hbm>>
    tpu.wait_indirect_dma semaphore(%arg10 : memref<!tpu.dma_semaphore, #tpu.memory_space<semaphore_mem>>) src(%dma_wait3A_409 : memref<10000x8xf32, #tpu.memory_space<hbm>>) dst(%dma_wait3A_403 : memref<128x8xf32, #tpu.memory_space<vmem>>)
    %dma_start3A_410 = arith.constant 4 : i32
    %dma_start3A_411 = arith.constant 4 : i32
    %dma_start3A_412 = arith.constant 0 : i32
    %dma_start3A_413 = arith.constant 0 : i32
    %dma_start3A_414 = tpu.memref_slice %arg8[%dma_start3A_410, %dma_start3A_412, %dma_start3A_413] : memref<25x128x8xf32, #tpu.memory_space<vmem>> -> memref<1x128x8xf32, #tpu.memory_space<vmem>>
    %dma_start3A_415 = tpu.memref_squeeze %dma_start3A_414 : memref<1x128x8xf32, #tpu.memory_space<vmem>> -> memref<128x8xf32, #tpu.memory_space<vmem>>
    %dma_start3A_416 = arith.constant 0 : i32
    %dma_start3A_417 = tpu.memref_slice %arg7[%dma_start3A_411, %dma_start3A_416] : memref<25x128xi32, #tpu.memory_space<vmem>> -> memref<1x128xi32, #tpu.memory_space<vmem>>
    %dma_start3A_418 = tpu.memref_squeeze %dma_start3A_417 : memref<1x128xi32, #tpu.memory_space<vmem>> -> memref<128xi32, #tpu.memory_space<vmem>>
    %dma_start3A_419 = arith.constant 0 : i32
    %dma_start3A_420 = arith.constant 0 : i32
    %dma_start3A_421 = tpu.memref_slice %arg9[%dma_start3A_419, %dma_start3A_420] : memref<10240x8xf32, #tpu.memory_space<vmem_shared>> -> memref<10240x8xf32, #tpu.memory_space<vmem_shared>>
    tpu.enqueue_indirect_dma source(%dma_start3A_415 : memref<128x8xf32, #tpu.memory_space<vmem>>) target(%dma_start3A_421 : memref<10240x8xf32, #tpu.memory_space<vmem_shared>>) offsets(%dma_start3A_418 : memref<128xi32, #tpu.memory_space<vmem>>) semaphore(%arg11 : memref<!tpu.dma_semaphore, #tpu.memory_space<semaphore_mem>>) {add = true}
    %dma_wait3A_422 = arith.constant 5 : i32
    %dma_wait3A_423 = arith.constant 5 : i32
    %dma_wait3A_424 = arith.constant 0 : i32
    %dma_wait3A_425 = arith.constant 0 : i32
    %dma_wait3A_426 = tpu.memref_slice %arg8[%dma_wait3A_423, %dma_wait3A_424, %dma_wait3A_425] : memref<25x128x8xf32, #tpu.memory_space<vmem>> -> memref<1x128x8xf32, #tpu.memory_space<vmem>>
    %dma_wait3A_427 = tpu.memref_squeeze %dma_wait3A_426 : memref<1x128x8xf32, #tpu.memory_space<vmem>> -> memref<128x8xf32, #tpu.memory_space<vmem>>
    %dma_wait3A_428 = arith.constant 0 : i32
    %dma_wait3A_429 = tpu.memref_slice %arg6[%dma_wait3A_422, %dma_wait3A_428] : memref<25x128xi32, #tpu.memory_space<vmem>> -> memref<1x128xi32, #tpu.memory_space<vmem>>
    %dma_wait3A_430 = tpu.memref_squeeze %dma_wait3A_429 : memref<1x128xi32, #tpu.memory_space<vmem>> -> memref<128xi32, #tpu.memory_space<vmem>>
    %dma_wait3A_431 = arith.constant 0 : i32
    %dma_wait3A_432 = arith.constant 0 : i32
    %dma_wait3A_433 = tpu.memref_slice %arg3[%dma_wait3A_431, %dma_wait3A_432] : memref<10000x8xf32, #tpu.memory_space<hbm>> -> memref<10000x8xf32, #tpu.memory_space<hbm>>
    tpu.wait_indirect_dma semaphore(%arg10 : memref<!tpu.dma_semaphore, #tpu.memory_space<semaphore_mem>>) src(%dma_wait3A_433 : memref<10000x8xf32, #tpu.memory_space<hbm>>) dst(%dma_wait3A_427 : memref<128x8xf32, #tpu.memory_space<vmem>>)
    %dma_start3A_434 = arith.constant 5 : i32
    %dma_start3A_435 = arith.constant 5 : i32
    %dma_start3A_436 = arith.constant 0 : i32
    %dma_start3A_437 = arith.constant 0 : i32
    %dma_start3A_438 = tpu.memref_slice %arg8[%dma_start3A_434, %dma_start3A_436, %dma_start3A_437] : memref<25x128x8xf32, #tpu.memory_space<vmem>> -> memref<1x128x8xf32, #tpu.memory_space<vmem>>
    %dma_start3A_439 = tpu.memref_squeeze %dma_start3A_438 : memref<1x128x8xf32, #tpu.memory_space<vmem>> -> memref<128x8xf32, #tpu.memory_space<vmem>>
    %dma_start3A_440 = arith.constant 0 : i32
    %dma_start3A_441 = tpu.memref_slice %arg7[%dma_start3A_435, %dma_start3A_440] : memref<25x128xi32, #tpu.memory_space<vmem>> -> memref<1x128xi32, #tpu.memory_space<vmem>>
    %dma_start3A_442 = tpu.memref_squeeze %dma_start3A_441 : memref<1x128xi32, #tpu.memory_space<vmem>> -> memref<128xi32, #tpu.memory_space<vmem>>
    %dma_start3A_443 = arith.constant 0 : i32
    %dma_start3A_444 = arith.constant 0 : i32
    %dma_start3A_445 = tpu.memref_slice %arg9[%dma_start3A_443, %dma_start3A_444] : memref<10240x8xf32, #tpu.memory_space<vmem_shared>> -> memref<10240x8xf32, #tpu.memory_space<vmem_shared>>
    tpu.enqueue_indirect_dma source(%dma_start3A_439 : memref<128x8xf32, #tpu.memory_space<vmem>>) target(%dma_start3A_445 : memref<10240x8xf32, #tpu.memory_space<vmem_shared>>) offsets(%dma_start3A_442 : memref<128xi32, #tpu.memory_space<vmem>>) semaphore(%arg11 : memref<!tpu.dma_semaphore, #tpu.memory_space<semaphore_mem>>) {add = true}
    %dma_wait3A_446 = arith.constant 6 : i32
    %dma_wait3A_447 = arith.constant 6 : i32
    %dma_wait3A_448 = arith.constant 0 : i32
    %dma_wait3A_449 = arith.constant 0 : i32
    %dma_wait3A_450 = tpu.memref_slice %arg8[%dma_wait3A_447, %dma_wait3A_448, %dma_wait3A_449] : memref<25x128x8xf32, #tpu.memory_space<vmem>> -> memref<1x128x8xf32, #tpu.memory_space<vmem>>
    %dma_wait3A_451 = tpu.memref_squeeze %dma_wait3A_450 : memref<1x128x8xf32, #tpu.memory_space<vmem>> -> memref<128x8xf32, #tpu.memory_space<vmem>>
    %dma_wait3A_452 = arith.constant 0 : i32
    %dma_wait3A_453 = tpu.memref_slice %arg6[%dma_wait3A_446, %dma_wait3A_452] : memref<25x128xi32, #tpu.memory_space<vmem>> -> memref<1x128xi32, #tpu.memory_space<vmem>>
    %dma_wait3A_454 = tpu.memref_squeeze %dma_wait3A_453 : memref<1x128xi32, #tpu.memory_space<vmem>> -> memref<128xi32, #tpu.memory_space<vmem>>
    %dma_wait3A_455 = arith.constant 0 : i32
    %dma_wait3A_456 = arith.constant 0 : i32
    %dma_wait3A_457 = tpu.memref_slice %arg3[%dma_wait3A_455, %dma_wait3A_456] : memref<10000x8xf32, #tpu.memory_space<hbm>> -> memref<10000x8xf32, #tpu.memory_space<hbm>>
    tpu.wait_indirect_dma semaphore(%arg10 : memref<!tpu.dma_semaphore, #tpu.memory_space<semaphore_mem>>) src(%dma_wait3A_457 : memref<10000x8xf32, #tpu.memory_space<hbm>>) dst(%dma_wait3A_451 : memref<128x8xf32, #tpu.memory_space<vmem>>)
    %dma_start3A_458 = arith.constant 6 : i32
    %dma_start3A_459 = arith.constant 6 : i32
    %dma_start3A_460 = arith.constant 0 : i32
    %dma_start3A_461 = arith.constant 0 : i32
    %dma_start3A_462 = tpu.memref_slice %arg8[%dma_start3A_458, %dma_start3A_460, %dma_start3A_461] : memref<25x128x8xf32, #tpu.memory_space<vmem>> -> memref<1x128x8xf32, #tpu.memory_space<vmem>>
    %dma_start3A_463 = tpu.memref_squeeze %dma_start3A_462 : memref<1x128x8xf32, #tpu.memory_space<vmem>> -> memref<128x8xf32, #tpu.memory_space<vmem>>
    %dma_start3A_464 = arith.constant 0 : i32
    %dma_start3A_465 = tpu.memref_slice %arg7[%dma_start3A_459, %dma_start3A_464] : memref<25x128xi32, #tpu.memory_space<vmem>> -> memref<1x128xi32, #tpu.memory_space<vmem>>
    %dma_start3A_466 = tpu.memref_squeeze %dma_start3A_465 : memref<1x128xi32, #tpu.memory_space<vmem>> -> memref<128xi32, #tpu.memory_space<vmem>>
    %dma_start3A_467 = arith.constant 0 : i32
    %dma_start3A_468 = arith.constant 0 : i32
    %dma_start3A_469 = tpu.memref_slice %arg9[%dma_start3A_467, %dma_start3A_468] : memref<10240x8xf32, #tpu.memory_space<vmem_shared>> -> memref<10240x8xf32, #tpu.memory_space<vmem_shared>>
    tpu.enqueue_indirect_dma source(%dma_start3A_463 : memref<128x8xf32, #tpu.memory_space<vmem>>) target(%dma_start3A_469 : memref<10240x8xf32, #tpu.memory_space<vmem_shared>>) offsets(%dma_start3A_466 : memref<128xi32, #tpu.memory_space<vmem>>) semaphore(%arg11 : memref<!tpu.dma_semaphore, #tpu.memory_space<semaphore_mem>>) {add = true}
    %dma_wait3A_470 = arith.constant 7 : i32
    %dma_wait3A_471 = arith.constant 7 : i32
    %dma_wait3A_472 = arith.constant 0 : i32
    %dma_wait3A_473 = arith.constant 0 : i32
    %dma_wait3A_474 = tpu.memref_slice %arg8[%dma_wait3A_471, %dma_wait3A_472, %dma_wait3A_473] : memref<25x128x8xf32, #tpu.memory_space<vmem>> -> memref<1x128x8xf32, #tpu.memory_space<vmem>>
    %dma_wait3A_475 = tpu.memref_squeeze %dma_wait3A_474 : memref<1x128x8xf32, #tpu.memory_space<vmem>> -> memref<128x8xf32, #tpu.memory_space<vmem>>
    %dma_wait3A_476 = arith.constant 0 : i32
    %dma_wait3A_477 = tpu.memref_slice %arg6[%dma_wait3A_470, %dma_wait3A_476] : memref<25x128xi32, #tpu.memory_space<vmem>> -> memref<1x128xi32, #tpu.memory_space<vmem>>
    %dma_wait3A_478 = tpu.memref_squeeze %dma_wait3A_477 : memref<1x128xi32, #tpu.memory_space<vmem>> -> memref<128xi32, #tpu.memory_space<vmem>>
    %dma_wait3A_479 = arith.constant 0 : i32
    %dma_wait3A_480 = arith.constant 0 : i32
    %dma_wait3A_481 = tpu.memref_slice %arg3[%dma_wait3A_479, %dma_wait3A_480] : memref<10000x8xf32, #tpu.memory_space<hbm>> -> memref<10000x8xf32, #tpu.memory_space<hbm>>
    tpu.wait_indirect_dma semaphore(%arg10 : memref<!tpu.dma_semaphore, #tpu.memory_space<semaphore_mem>>) src(%dma_wait3A_481 : memref<10000x8xf32, #tpu.memory_space<hbm>>) dst(%dma_wait3A_475 : memref<128x8xf32, #tpu.memory_space<vmem>>)
    %dma_start3A_482 = arith.constant 7 : i32
    %dma_start3A_483 = arith.constant 7 : i32
    %dma_start3A_484 = arith.constant 0 : i32
    %dma_start3A_485 = arith.constant 0 : i32
    %dma_start3A_486 = tpu.memref_slice %arg8[%dma_start3A_482, %dma_start3A_484, %dma_start3A_485] : memref<25x128x8xf32, #tpu.memory_space<vmem>> -> memref<1x128x8xf32, #tpu.memory_space<vmem>>
    %dma_start3A_487 = tpu.memref_squeeze %dma_start3A_486 : memref<1x128x8xf32, #tpu.memory_space<vmem>> -> memref<128x8xf32, #tpu.memory_space<vmem>>
    %dma_start3A_488 = arith.constant 0 : i32
    %dma_start3A_489 = tpu.memref_slice %arg7[%dma_start3A_483, %dma_start3A_488] : memref<25x128xi32, #tpu.memory_space<vmem>> -> memref<1x128xi32, #tpu.memory_space<vmem>>
    %dma_start3A_490 = tpu.memref_squeeze %dma_start3A_489 : memref<1x128xi32, #tpu.memory_space<vmem>> -> memref<128xi32, #tpu.memory_space<vmem>>
    %dma_start3A_491 = arith.constant 0 : i32
    %dma_start3A_492 = arith.constant 0 : i32
    %dma_start3A_493 = tpu.memref_slice %arg9[%dma_start3A_491, %dma_start3A_492] : memref<10240x8xf32, #tpu.memory_space<vmem_shared>> -> memref<10240x8xf32, #tpu.memory_space<vmem_shared>>
    tpu.enqueue_indirect_dma source(%dma_start3A_487 : memref<128x8xf32, #tpu.memory_space<vmem>>) target(%dma_start3A_493 : memref<10240x8xf32, #tpu.memory_space<vmem_shared>>) offsets(%dma_start3A_490 : memref<128xi32, #tpu.memory_space<vmem>>) semaphore(%arg11 : memref<!tpu.dma_semaphore, #tpu.memory_space<semaphore_mem>>) {add = true}
    %dma_wait3A_494 = arith.constant 8 : i32
    %dma_wait3A_495 = arith.constant 8 : i32
    %dma_wait3A_496 = arith.constant 0 : i32
    %dma_wait3A_497 = arith.constant 0 : i32
    %dma_wait3A_498 = tpu.memref_slice %arg8[%dma_wait3A_495, %dma_wait3A_496, %dma_wait3A_497] : memref<25x128x8xf32, #tpu.memory_space<vmem>> -> memref<1x128x8xf32, #tpu.memory_space<vmem>>
    %dma_wait3A_499 = tpu.memref_squeeze %dma_wait3A_498 : memref<1x128x8xf32, #tpu.memory_space<vmem>> -> memref<128x8xf32, #tpu.memory_space<vmem>>
    %dma_wait3A_500 = arith.constant 0 : i32
    %dma_wait3A_501 = tpu.memref_slice %arg6[%dma_wait3A_494, %dma_wait3A_500] : memref<25x128xi32, #tpu.memory_space<vmem>> -> memref<1x128xi32, #tpu.memory_space<vmem>>
    %dma_wait3A_502 = tpu.memref_squeeze %dma_wait3A_501 : memref<1x128xi32, #tpu.memory_space<vmem>> -> memref<128xi32, #tpu.memory_space<vmem>>
    %dma_wait3A_503 = arith.constant 0 : i32
    %dma_wait3A_504 = arith.constant 0 : i32
    %dma_wait3A_505 = tpu.memref_slice %arg3[%dma_wait3A_503, %dma_wait3A_504] : memref<10000x8xf32, #tpu.memory_space<hbm>> -> memref<10000x8xf32, #tpu.memory_space<hbm>>
    tpu.wait_indirect_dma semaphore(%arg10 : memref<!tpu.dma_semaphore, #tpu.memory_space<semaphore_mem>>) src(%dma_wait3A_505 : memref<10000x8xf32, #tpu.memory_space<hbm>>) dst(%dma_wait3A_499 : memref<128x8xf32, #tpu.memory_space<vmem>>)
    %dma_start3A_506 = arith.constant 8 : i32
    %dma_start3A_507 = arith.constant 8 : i32
    %dma_start3A_508 = arith.constant 0 : i32
    %dma_start3A_509 = arith.constant 0 : i32
    %dma_start3A_510 = tpu.memref_slice %arg8[%dma_start3A_506, %dma_start3A_508, %dma_start3A_509] : memref<25x128x8xf32, #tpu.memory_space<vmem>> -> memref<1x128x8xf32, #tpu.memory_space<vmem>>
    %dma_start3A_511 = tpu.memref_squeeze %dma_start3A_510 : memref<1x128x8xf32, #tpu.memory_space<vmem>> -> memref<128x8xf32, #tpu.memory_space<vmem>>
    %dma_start3A_512 = arith.constant 0 : i32
    %dma_start3A_513 = tpu.memref_slice %arg7[%dma_start3A_507, %dma_start3A_512] : memref<25x128xi32, #tpu.memory_space<vmem>> -> memref<1x128xi32, #tpu.memory_space<vmem>>
    %dma_start3A_514 = tpu.memref_squeeze %dma_start3A_513 : memref<1x128xi32, #tpu.memory_space<vmem>> -> memref<128xi32, #tpu.memory_space<vmem>>
    %dma_start3A_515 = arith.constant 0 : i32
    %dma_start3A_516 = arith.constant 0 : i32
    %dma_start3A_517 = tpu.memref_slice %arg9[%dma_start3A_515, %dma_start3A_516] : memref<10240x8xf32, #tpu.memory_space<vmem_shared>> -> memref<10240x8xf32, #tpu.memory_space<vmem_shared>>
    tpu.enqueue_indirect_dma source(%dma_start3A_511 : memref<128x8xf32, #tpu.memory_space<vmem>>) target(%dma_start3A_517 : memref<10240x8xf32, #tpu.memory_space<vmem_shared>>) offsets(%dma_start3A_514 : memref<128xi32, #tpu.memory_space<vmem>>) semaphore(%arg11 : memref<!tpu.dma_semaphore, #tpu.memory_space<semaphore_mem>>) {add = true}
    %dma_wait3A_518 = arith.constant 9 : i32
    %dma_wait3A_519 = arith.constant 9 : i32
    %dma_wait3A_520 = arith.constant 0 : i32
    %dma_wait3A_521 = arith.constant 0 : i32
    %dma_wait3A_522 = tpu.memref_slice %arg8[%dma_wait3A_519, %dma_wait3A_520, %dma_wait3A_521] : memref<25x128x8xf32, #tpu.memory_space<vmem>> -> memref<1x128x8xf32, #tpu.memory_space<vmem>>
    %dma_wait3A_523 = tpu.memref_squeeze %dma_wait3A_522 : memref<1x128x8xf32, #tpu.memory_space<vmem>> -> memref<128x8xf32, #tpu.memory_space<vmem>>
    %dma_wait3A_524 = arith.constant 0 : i32
    %dma_wait3A_525 = tpu.memref_slice %arg6[%dma_wait3A_518, %dma_wait3A_524] : memref<25x128xi32, #tpu.memory_space<vmem>> -> memref<1x128xi32, #tpu.memory_space<vmem>>
    %dma_wait3A_526 = tpu.memref_squeeze %dma_wait3A_525 : memref<1x128xi32, #tpu.memory_space<vmem>> -> memref<128xi32, #tpu.memory_space<vmem>>
    %dma_wait3A_527 = arith.constant 0 : i32
    %dma_wait3A_528 = arith.constant 0 : i32
    %dma_wait3A_529 = tpu.memref_slice %arg3[%dma_wait3A_527, %dma_wait3A_528] : memref<10000x8xf32, #tpu.memory_space<hbm>> -> memref<10000x8xf32, #tpu.memory_space<hbm>>
    tpu.wait_indirect_dma semaphore(%arg10 : memref<!tpu.dma_semaphore, #tpu.memory_space<semaphore_mem>>) src(%dma_wait3A_529 : memref<10000x8xf32, #tpu.memory_space<hbm>>) dst(%dma_wait3A_523 : memref<128x8xf32, #tpu.memory_space<vmem>>)
    %dma_start3A_530 = arith.constant 9 : i32
    %dma_start3A_531 = arith.constant 9 : i32
    %dma_start3A_532 = arith.constant 0 : i32
    %dma_start3A_533 = arith.constant 0 : i32
    %dma_start3A_534 = tpu.memref_slice %arg8[%dma_start3A_530, %dma_start3A_532, %dma_start3A_533] : memref<25x128x8xf32, #tpu.memory_space<vmem>> -> memref<1x128x8xf32, #tpu.memory_space<vmem>>
    %dma_start3A_535 = tpu.memref_squeeze %dma_start3A_534 : memref<1x128x8xf32, #tpu.memory_space<vmem>> -> memref<128x8xf32, #tpu.memory_space<vmem>>
    %dma_start3A_536 = arith.constant 0 : i32
    %dma_start3A_537 = tpu.memref_slice %arg7[%dma_start3A_531, %dma_start3A_536] : memref<25x128xi32, #tpu.memory_space<vmem>> -> memref<1x128xi32, #tpu.memory_space<vmem>>
    %dma_start3A_538 = tpu.memref_squeeze %dma_start3A_537 : memref<1x128xi32, #tpu.memory_space<vmem>> -> memref<128xi32, #tpu.memory_space<vmem>>
    %dma_start3A_539 = arith.constant 0 : i32
    %dma_start3A_540 = arith.constant 0 : i32
    %dma_start3A_541 = tpu.memref_slice %arg9[%dma_start3A_539, %dma_start3A_540] : memref<10240x8xf32, #tpu.memory_space<vmem_shared>> -> memref<10240x8xf32, #tpu.memory_space<vmem_shared>>
    tpu.enqueue_indirect_dma source(%dma_start3A_535 : memref<128x8xf32, #tpu.memory_space<vmem>>) target(%dma_start3A_541 : memref<10240x8xf32, #tpu.memory_space<vmem_shared>>) offsets(%dma_start3A_538 : memref<128xi32, #tpu.memory_space<vmem>>) semaphore(%arg11 : memref<!tpu.dma_semaphore, #tpu.memory_space<semaphore_mem>>) {add = true}
    %dma_wait3A_542 = arith.constant 10 : i32
    %dma_wait3A_543 = arith.constant 10 : i32
    %dma_wait3A_544 = arith.constant 0 : i32
    %dma_wait3A_545 = arith.constant 0 : i32
    %dma_wait3A_546 = tpu.memref_slice %arg8[%dma_wait3A_543, %dma_wait3A_544, %dma_wait3A_545] : memref<25x128x8xf32, #tpu.memory_space<vmem>> -> memref<1x128x8xf32, #tpu.memory_space<vmem>>
    %dma_wait3A_547 = tpu.memref_squeeze %dma_wait3A_546 : memref<1x128x8xf32, #tpu.memory_space<vmem>> -> memref<128x8xf32, #tpu.memory_space<vmem>>
    %dma_wait3A_548 = arith.constant 0 : i32
    %dma_wait3A_549 = tpu.memref_slice %arg6[%dma_wait3A_542, %dma_wait3A_548] : memref<25x128xi32, #tpu.memory_space<vmem>> -> memref<1x128xi32, #tpu.memory_space<vmem>>
    %dma_wait3A_550 = tpu.memref_squeeze %dma_wait3A_549 : memref<1x128xi32, #tpu.memory_space<vmem>> -> memref<128xi32, #tpu.memory_space<vmem>>
    %dma_wait3A_551 = arith.constant 0 : i32
    %dma_wait3A_552 = arith.constant 0 : i32
    %dma_wait3A_553 = tpu.memref_slice %arg3[%dma_wait3A_551, %dma_wait3A_552] : memref<10000x8xf32, #tpu.memory_space<hbm>> -> memref<10000x8xf32, #tpu.memory_space<hbm>>
    tpu.wait_indirect_dma semaphore(%arg10 : memref<!tpu.dma_semaphore, #tpu.memory_space<semaphore_mem>>) src(%dma_wait3A_553 : memref<10000x8xf32, #tpu.memory_space<hbm>>) dst(%dma_wait3A_547 : memref<128x8xf32, #tpu.memory_space<vmem>>)
    %dma_start3A_554 = arith.constant 10 : i32
    %dma_start3A_555 = arith.constant 10 : i32
    %dma_start3A_556 = arith.constant 0 : i32
    %dma_start3A_557 = arith.constant 0 : i32
    %dma_start3A_558 = tpu.memref_slice %arg8[%dma_start3A_554, %dma_start3A_556, %dma_start3A_557] : memref<25x128x8xf32, #tpu.memory_space<vmem>> -> memref<1x128x8xf32, #tpu.memory_space<vmem>>
    %dma_start3A_559 = tpu.memref_squeeze %dma_start3A_558 : memref<1x128x8xf32, #tpu.memory_space<vmem>> -> memref<128x8xf32, #tpu.memory_space<vmem>>
    %dma_start3A_560 = arith.constant 0 : i32
    %dma_start3A_561 = tpu.memref_slice %arg7[%dma_start3A_555, %dma_start3A_560] : memref<25x128xi32, #tpu.memory_space<vmem>> -> memref<1x128xi32, #tpu.memory_space<vmem>>
    %dma_start3A_562 = tpu.memref_squeeze %dma_start3A_561 : memref<1x128xi32, #tpu.memory_space<vmem>> -> memref<128xi32, #tpu.memory_space<vmem>>
    %dma_start3A_563 = arith.constant 0 : i32
    %dma_start3A_564 = arith.constant 0 : i32
    %dma_start3A_565 = tpu.memref_slice %arg9[%dma_start3A_563, %dma_start3A_564] : memref<10240x8xf32, #tpu.memory_space<vmem_shared>> -> memref<10240x8xf32, #tpu.memory_space<vmem_shared>>
    tpu.enqueue_indirect_dma source(%dma_start3A_559 : memref<128x8xf32, #tpu.memory_space<vmem>>) target(%dma_start3A_565 : memref<10240x8xf32, #tpu.memory_space<vmem_shared>>) offsets(%dma_start3A_562 : memref<128xi32, #tpu.memory_space<vmem>>) semaphore(%arg11 : memref<!tpu.dma_semaphore, #tpu.memory_space<semaphore_mem>>) {add = true}
    %dma_wait3A_566 = arith.constant 11 : i32
    %dma_wait3A_567 = arith.constant 11 : i32
    %dma_wait3A_568 = arith.constant 0 : i32
    %dma_wait3A_569 = arith.constant 0 : i32
    %dma_wait3A_570 = tpu.memref_slice %arg8[%dma_wait3A_567, %dma_wait3A_568, %dma_wait3A_569] : memref<25x128x8xf32, #tpu.memory_space<vmem>> -> memref<1x128x8xf32, #tpu.memory_space<vmem>>
    %dma_wait3A_571 = tpu.memref_squeeze %dma_wait3A_570 : memref<1x128x8xf32, #tpu.memory_space<vmem>> -> memref<128x8xf32, #tpu.memory_space<vmem>>
    %dma_wait3A_572 = arith.constant 0 : i32
    %dma_wait3A_573 = tpu.memref_slice %arg6[%dma_wait3A_566, %dma_wait3A_572] : memref<25x128xi32, #tpu.memory_space<vmem>> -> memref<1x128xi32, #tpu.memory_space<vmem>>
    %dma_wait3A_574 = tpu.memref_squeeze %dma_wait3A_573 : memref<1x128xi32, #tpu.memory_space<vmem>> -> memref<128xi32, #tpu.memory_space<vmem>>
    %dma_wait3A_575 = arith.constant 0 : i32
    %dma_wait3A_576 = arith.constant 0 : i32
    %dma_wait3A_577 = tpu.memref_slice %arg3[%dma_wait3A_575, %dma_wait3A_576] : memref<10000x8xf32, #tpu.memory_space<hbm>> -> memref<10000x8xf32, #tpu.memory_space<hbm>>
    tpu.wait_indirect_dma semaphore(%arg10 : memref<!tpu.dma_semaphore, #tpu.memory_space<semaphore_mem>>) src(%dma_wait3A_577 : memref<10000x8xf32, #tpu.memory_space<hbm>>) dst(%dma_wait3A_571 : memref<128x8xf32, #tpu.memory_space<vmem>>)
    %dma_start3A_578 = arith.constant 11 : i32
    %dma_start3A_579 = arith.constant 11 : i32
    %dma_start3A_580 = arith.constant 0 : i32
    %dma_start3A_581 = arith.constant 0 : i32
    %dma_start3A_582 = tpu.memref_slice %arg8[%dma_start3A_578, %dma_start3A_580, %dma_start3A_581] : memref<25x128x8xf32, #tpu.memory_space<vmem>> -> memref<1x128x8xf32, #tpu.memory_space<vmem>>
    %dma_start3A_583 = tpu.memref_squeeze %dma_start3A_582 : memref<1x128x8xf32, #tpu.memory_space<vmem>> -> memref<128x8xf32, #tpu.memory_space<vmem>>
    %dma_start3A_584 = arith.constant 0 : i32
    %dma_start3A_585 = tpu.memref_slice %arg7[%dma_start3A_579, %dma_start3A_584] : memref<25x128xi32, #tpu.memory_space<vmem>> -> memref<1x128xi32, #tpu.memory_space<vmem>>
    %dma_start3A_586 = tpu.memref_squeeze %dma_start3A_585 : memref<1x128xi32, #tpu.memory_space<vmem>> -> memref<128xi32, #tpu.memory_space<vmem>>
    %dma_start3A_587 = arith.constant 0 : i32
    %dma_start3A_588 = arith.constant 0 : i32
    %dma_start3A_589 = tpu.memref_slice %arg9[%dma_start3A_587, %dma_start3A_588] : memref<10240x8xf32, #tpu.memory_space<vmem_shared>> -> memref<10240x8xf32, #tpu.memory_space<vmem_shared>>
    tpu.enqueue_indirect_dma source(%dma_start3A_583 : memref<128x8xf32, #tpu.memory_space<vmem>>) target(%dma_start3A_589 : memref<10240x8xf32, #tpu.memory_space<vmem_shared>>) offsets(%dma_start3A_586 : memref<128xi32, #tpu.memory_space<vmem>>) semaphore(%arg11 : memref<!tpu.dma_semaphore, #tpu.memory_space<semaphore_mem>>) {add = true}
    %dma_wait3A_590 = arith.constant 12 : i32
    %dma_wait3A_591 = arith.constant 12 : i32
    %dma_wait3A_592 = arith.constant 0 : i32
    %dma_wait3A_593 = arith.constant 0 : i32
    %dma_wait3A_594 = tpu.memref_slice %arg8[%dma_wait3A_591, %dma_wait3A_592, %dma_wait3A_593] : memref<25x128x8xf32, #tpu.memory_space<vmem>> -> memref<1x128x8xf32, #tpu.memory_space<vmem>>
    %dma_wait3A_595 = tpu.memref_squeeze %dma_wait3A_594 : memref<1x128x8xf32, #tpu.memory_space<vmem>> -> memref<128x8xf32, #tpu.memory_space<vmem>>
    %dma_wait3A_596 = arith.constant 0 : i32
    %dma_wait3A_597 = tpu.memref_slice %arg6[%dma_wait3A_590, %dma_wait3A_596] : memref<25x128xi32, #tpu.memory_space<vmem>> -> memref<1x128xi32, #tpu.memory_space<vmem>>
    %dma_wait3A_598 = tpu.memref_squeeze %dma_wait3A_597 : memref<1x128xi32, #tpu.memory_space<vmem>> -> memref<128xi32, #tpu.memory_space<vmem>>
    %dma_wait3A_599 = arith.constant 0 : i32
    %dma_wait3A_600 = arith.constant 0 : i32
    %dma_wait3A_601 = tpu.memref_slice %arg3[%dma_wait3A_599, %dma_wait3A_600] : memref<10000x8xf32, #tpu.memory_space<hbm>> -> memref<10000x8xf32, #tpu.memory_space<hbm>>
    tpu.wait_indirect_dma semaphore(%arg10 : memref<!tpu.dma_semaphore, #tpu.memory_space<semaphore_mem>>) src(%dma_wait3A_601 : memref<10000x8xf32, #tpu.memory_space<hbm>>) dst(%dma_wait3A_595 : memref<128x8xf32, #tpu.memory_space<vmem>>)
    %dma_start3A_602 = arith.constant 12 : i32
    %dma_start3A_603 = arith.constant 12 : i32
    %dma_start3A_604 = arith.constant 0 : i32
    %dma_start3A_605 = arith.constant 0 : i32
    %dma_start3A_606 = tpu.memref_slice %arg8[%dma_start3A_602, %dma_start3A_604, %dma_start3A_605] : memref<25x128x8xf32, #tpu.memory_space<vmem>> -> memref<1x128x8xf32, #tpu.memory_space<vmem>>
    %dma_start3A_607 = tpu.memref_squeeze %dma_start3A_606 : memref<1x128x8xf32, #tpu.memory_space<vmem>> -> memref<128x8xf32, #tpu.memory_space<vmem>>
    %dma_start3A_608 = arith.constant 0 : i32
    %dma_start3A_609 = tpu.memref_slice %arg7[%dma_start3A_603, %dma_start3A_608] : memref<25x128xi32, #tpu.memory_space<vmem>> -> memref<1x128xi32, #tpu.memory_space<vmem>>
    %dma_start3A_610 = tpu.memref_squeeze %dma_start3A_609 : memref<1x128xi32, #tpu.memory_space<vmem>> -> memref<128xi32, #tpu.memory_space<vmem>>
    %dma_start3A_611 = arith.constant 0 : i32
    %dma_start3A_612 = arith.constant 0 : i32
    %dma_start3A_613 = tpu.memref_slice %arg9[%dma_start3A_611, %dma_start3A_612] : memref<10240x8xf32, #tpu.memory_space<vmem_shared>> -> memref<10240x8xf32, #tpu.memory_space<vmem_shared>>
    tpu.enqueue_indirect_dma source(%dma_start3A_607 : memref<128x8xf32, #tpu.memory_space<vmem>>) target(%dma_start3A_613 : memref<10240x8xf32, #tpu.memory_space<vmem_shared>>) offsets(%dma_start3A_610 : memref<128xi32, #tpu.memory_space<vmem>>) semaphore(%arg11 : memref<!tpu.dma_semaphore, #tpu.memory_space<semaphore_mem>>) {add = true}
    %dma_wait3A_614 = arith.constant 13 : i32
    %dma_wait3A_615 = arith.constant 13 : i32
    %dma_wait3A_616 = arith.constant 0 : i32
    %dma_wait3A_617 = arith.constant 0 : i32
    %dma_wait3A_618 = tpu.memref_slice %arg8[%dma_wait3A_615, %dma_wait3A_616, %dma_wait3A_617] : memref<25x128x8xf32, #tpu.memory_space<vmem>> -> memref<1x128x8xf32, #tpu.memory_space<vmem>>
    %dma_wait3A_619 = tpu.memref_squeeze %dma_wait3A_618 : memref<1x128x8xf32, #tpu.memory_space<vmem>> -> memref<128x8xf32, #tpu.memory_space<vmem>>
    %dma_wait3A_620 = arith.constant 0 : i32
    %dma_wait3A_621 = tpu.memref_slice %arg6[%dma_wait3A_614, %dma_wait3A_620] : memref<25x128xi32, #tpu.memory_space<vmem>> -> memref<1x128xi32, #tpu.memory_space<vmem>>
    %dma_wait3A_622 = tpu.memref_squeeze %dma_wait3A_621 : memref<1x128xi32, #tpu.memory_space<vmem>> -> memref<128xi32, #tpu.memory_space<vmem>>
    %dma_wait3A_623 = arith.constant 0 : i32
    %dma_wait3A_624 = arith.constant 0 : i32
    %dma_wait3A_625 = tpu.memref_slice %arg3[%dma_wait3A_623, %dma_wait3A_624] : memref<10000x8xf32, #tpu.memory_space<hbm>> -> memref<10000x8xf32, #tpu.memory_space<hbm>>
    tpu.wait_indirect_dma semaphore(%arg10 : memref<!tpu.dma_semaphore, #tpu.memory_space<semaphore_mem>>) src(%dma_wait3A_625 : memref<10000x8xf32, #tpu.memory_space<hbm>>) dst(%dma_wait3A_619 : memref<128x8xf32, #tpu.memory_space<vmem>>)
    %dma_start3A_626 = arith.constant 13 : i32
    %dma_start3A_627 = arith.constant 13 : i32
    %dma_start3A_628 = arith.constant 0 : i32
    %dma_start3A_629 = arith.constant 0 : i32
    %dma_start3A_630 = tpu.memref_slice %arg8[%dma_start3A_626, %dma_start3A_628, %dma_start3A_629] : memref<25x128x8xf32, #tpu.memory_space<vmem>> -> memref<1x128x8xf32, #tpu.memory_space<vmem>>
    %dma_start3A_631 = tpu.memref_squeeze %dma_start3A_630 : memref<1x128x8xf32, #tpu.memory_space<vmem>> -> memref<128x8xf32, #tpu.memory_space<vmem>>
    %dma_start3A_632 = arith.constant 0 : i32
    %dma_start3A_633 = tpu.memref_slice %arg7[%dma_start3A_627, %dma_start3A_632] : memref<25x128xi32, #tpu.memory_space<vmem>> -> memref<1x128xi32, #tpu.memory_space<vmem>>
    %dma_start3A_634 = tpu.memref_squeeze %dma_start3A_633 : memref<1x128xi32, #tpu.memory_space<vmem>> -> memref<128xi32, #tpu.memory_space<vmem>>
    %dma_start3A_635 = arith.constant 0 : i32
    %dma_start3A_636 = arith.constant 0 : i32
    %dma_start3A_637 = tpu.memref_slice %arg9[%dma_start3A_635, %dma_start3A_636] : memref<10240x8xf32, #tpu.memory_space<vmem_shared>> -> memref<10240x8xf32, #tpu.memory_space<vmem_shared>>
    tpu.enqueue_indirect_dma source(%dma_start3A_631 : memref<128x8xf32, #tpu.memory_space<vmem>>) target(%dma_start3A_637 : memref<10240x8xf32, #tpu.memory_space<vmem_shared>>) offsets(%dma_start3A_634 : memref<128xi32, #tpu.memory_space<vmem>>) semaphore(%arg11 : memref<!tpu.dma_semaphore, #tpu.memory_space<semaphore_mem>>) {add = true}
    %dma_wait3A_638 = arith.constant 14 : i32
    %dma_wait3A_639 = arith.constant 14 : i32
    %dma_wait3A_640 = arith.constant 0 : i32
    %dma_wait3A_641 = arith.constant 0 : i32
    %dma_wait3A_642 = tpu.memref_slice %arg8[%dma_wait3A_639, %dma_wait3A_640, %dma_wait3A_641] : memref<25x128x8xf32, #tpu.memory_space<vmem>> -> memref<1x128x8xf32, #tpu.memory_space<vmem>>
    %dma_wait3A_643 = tpu.memref_squeeze %dma_wait3A_642 : memref<1x128x8xf32, #tpu.memory_space<vmem>> -> memref<128x8xf32, #tpu.memory_space<vmem>>
    %dma_wait3A_644 = arith.constant 0 : i32
    %dma_wait3A_645 = tpu.memref_slice %arg6[%dma_wait3A_638, %dma_wait3A_644] : memref<25x128xi32, #tpu.memory_space<vmem>> -> memref<1x128xi32, #tpu.memory_space<vmem>>
    %dma_wait3A_646 = tpu.memref_squeeze %dma_wait3A_645 : memref<1x128xi32, #tpu.memory_space<vmem>> -> memref<128xi32, #tpu.memory_space<vmem>>
    %dma_wait3A_647 = arith.constant 0 : i32
    %dma_wait3A_648 = arith.constant 0 : i32
    %dma_wait3A_649 = tpu.memref_slice %arg3[%dma_wait3A_647, %dma_wait3A_648] : memref<10000x8xf32, #tpu.memory_space<hbm>> -> memref<10000x8xf32, #tpu.memory_space<hbm>>
    tpu.wait_indirect_dma semaphore(%arg10 : memref<!tpu.dma_semaphore, #tpu.memory_space<semaphore_mem>>) src(%dma_wait3A_649 : memref<10000x8xf32, #tpu.memory_space<hbm>>) dst(%dma_wait3A_643 : memref<128x8xf32, #tpu.memory_space<vmem>>)
    %dma_start3A_650 = arith.constant 14 : i32
    %dma_start3A_651 = arith.constant 14 : i32
    %dma_start3A_652 = arith.constant 0 : i32
    %dma_start3A_653 = arith.constant 0 : i32
    %dma_start3A_654 = tpu.memref_slice %arg8[%dma_start3A_650, %dma_start3A_652, %dma_start3A_653] : memref<25x128x8xf32, #tpu.memory_space<vmem>> -> memref<1x128x8xf32, #tpu.memory_space<vmem>>
    %dma_start3A_655 = tpu.memref_squeeze %dma_start3A_654 : memref<1x128x8xf32, #tpu.memory_space<vmem>> -> memref<128x8xf32, #tpu.memory_space<vmem>>
    %dma_start3A_656 = arith.constant 0 : i32
    %dma_start3A_657 = tpu.memref_slice %arg7[%dma_start3A_651, %dma_start3A_656] : memref<25x128xi32, #tpu.memory_space<vmem>> -> memref<1x128xi32, #tpu.memory_space<vmem>>
    %dma_start3A_658 = tpu.memref_squeeze %dma_start3A_657 : memref<1x128xi32, #tpu.memory_space<vmem>> -> memref<128xi32, #tpu.memory_space<vmem>>
    %dma_start3A_659 = arith.constant 0 : i32
    %dma_start3A_660 = arith.constant 0 : i32
    %dma_start3A_661 = tpu.memref_slice %arg9[%dma_start3A_659, %dma_start3A_660] : memref<10240x8xf32, #tpu.memory_space<vmem_shared>> -> memref<10240x8xf32, #tpu.memory_space<vmem_shared>>
    tpu.enqueue_indirect_dma source(%dma_start3A_655 : memref<128x8xf32, #tpu.memory_space<vmem>>) target(%dma_start3A_661 : memref<10240x8xf32, #tpu.memory_space<vmem_shared>>) offsets(%dma_start3A_658 : memref<128xi32, #tpu.memory_space<vmem>>) semaphore(%arg11 : memref<!tpu.dma_semaphore, #tpu.memory_space<semaphore_mem>>) {add = true}
    %dma_wait3A_662 = arith.constant 15 : i32
    %dma_wait3A_663 = arith.constant 15 : i32
    %dma_wait3A_664 = arith.constant 0 : i32
    %dma_wait3A_665 = arith.constant 0 : i32
    %dma_wait3A_666 = tpu.memref_slice %arg8[%dma_wait3A_663, %dma_wait3A_664, %dma_wait3A_665] : memref<25x128x8xf32, #tpu.memory_space<vmem>> -> memref<1x128x8xf32, #tpu.memory_space<vmem>>
    %dma_wait3A_667 = tpu.memref_squeeze %dma_wait3A_666 : memref<1x128x8xf32, #tpu.memory_space<vmem>> -> memref<128x8xf32, #tpu.memory_space<vmem>>
    %dma_wait3A_668 = arith.constant 0 : i32
    %dma_wait3A_669 = tpu.memref_slice %arg6[%dma_wait3A_662, %dma_wait3A_668] : memref<25x128xi32, #tpu.memory_space<vmem>> -> memref<1x128xi32, #tpu.memory_space<vmem>>
    %dma_wait3A_670 = tpu.memref_squeeze %dma_wait3A_669 : memref<1x128xi32, #tpu.memory_space<vmem>> -> memref<128xi32, #tpu.memory_space<vmem>>
    %dma_wait3A_671 = arith.constant 0 : i32
    %dma_wait3A_672 = arith.constant 0 : i32
    %dma_wait3A_673 = tpu.memref_slice %arg3[%dma_wait3A_671, %dma_wait3A_672] : memref<10000x8xf32, #tpu.memory_space<hbm>> -> memref<10000x8xf32, #tpu.memory_space<hbm>>
    tpu.wait_indirect_dma semaphore(%arg10 : memref<!tpu.dma_semaphore, #tpu.memory_space<semaphore_mem>>) src(%dma_wait3A_673 : memref<10000x8xf32, #tpu.memory_space<hbm>>) dst(%dma_wait3A_667 : memref<128x8xf32, #tpu.memory_space<vmem>>)
    %dma_start3A_674 = arith.constant 15 : i32
    %dma_start3A_675 = arith.constant 15 : i32
    %dma_start3A_676 = arith.constant 0 : i32
    %dma_start3A_677 = arith.constant 0 : i32
    %dma_start3A_678 = tpu.memref_slice %arg8[%dma_start3A_674, %dma_start3A_676, %dma_start3A_677] : memref<25x128x8xf32, #tpu.memory_space<vmem>> -> memref<1x128x8xf32, #tpu.memory_space<vmem>>
    %dma_start3A_679 = tpu.memref_squeeze %dma_start3A_678 : memref<1x128x8xf32, #tpu.memory_space<vmem>> -> memref<128x8xf32, #tpu.memory_space<vmem>>
    %dma_start3A_680 = arith.constant 0 : i32
    %dma_start3A_681 = tpu.memref_slice %arg7[%dma_start3A_675, %dma_start3A_680] : memref<25x128xi32, #tpu.memory_space<vmem>> -> memref<1x128xi32, #tpu.memory_space<vmem>>
    %dma_start3A_682 = tpu.memref_squeeze %dma_start3A_681 : memref<1x128xi32, #tpu.memory_space<vmem>> -> memref<128xi32, #tpu.memory_space<vmem>>
    %dma_start3A_683 = arith.constant 0 : i32
    %dma_start3A_684 = arith.constant 0 : i32
    %dma_start3A_685 = tpu.memref_slice %arg9[%dma_start3A_683, %dma_start3A_684] : memref<10240x8xf32, #tpu.memory_space<vmem_shared>> -> memref<10240x8xf32, #tpu.memory_space<vmem_shared>>
    tpu.enqueue_indirect_dma source(%dma_start3A_679 : memref<128x8xf32, #tpu.memory_space<vmem>>) target(%dma_start3A_685 : memref<10240x8xf32, #tpu.memory_space<vmem_shared>>) offsets(%dma_start3A_682 : memref<128xi32, #tpu.memory_space<vmem>>) semaphore(%arg11 : memref<!tpu.dma_semaphore, #tpu.memory_space<semaphore_mem>>) {add = true}
    %dma_wait3A_686 = arith.constant 16 : i32
    %dma_wait3A_687 = arith.constant 16 : i32
    %dma_wait3A_688 = arith.constant 0 : i32
    %dma_wait3A_689 = arith.constant 0 : i32
    %dma_wait3A_690 = tpu.memref_slice %arg8[%dma_wait3A_687, %dma_wait3A_688, %dma_wait3A_689] : memref<25x128x8xf32, #tpu.memory_space<vmem>> -> memref<1x128x8xf32, #tpu.memory_space<vmem>>
    %dma_wait3A_691 = tpu.memref_squeeze %dma_wait3A_690 : memref<1x128x8xf32, #tpu.memory_space<vmem>> -> memref<128x8xf32, #tpu.memory_space<vmem>>
    %dma_wait3A_692 = arith.constant 0 : i32
    %dma_wait3A_693 = tpu.memref_slice %arg6[%dma_wait3A_686, %dma_wait3A_692] : memref<25x128xi32, #tpu.memory_space<vmem>> -> memref<1x128xi32, #tpu.memory_space<vmem>>
    %dma_wait3A_694 = tpu.memref_squeeze %dma_wait3A_693 : memref<1x128xi32, #tpu.memory_space<vmem>> -> memref<128xi32, #tpu.memory_space<vmem>>
    %dma_wait3A_695 = arith.constant 0 : i32
    %dma_wait3A_696 = arith.constant 0 : i32
    %dma_wait3A_697 = tpu.memref_slice %arg3[%dma_wait3A_695, %dma_wait3A_696] : memref<10000x8xf32, #tpu.memory_space<hbm>> -> memref<10000x8xf32, #tpu.memory_space<hbm>>
    tpu.wait_indirect_dma semaphore(%arg10 : memref<!tpu.dma_semaphore, #tpu.memory_space<semaphore_mem>>) src(%dma_wait3A_697 : memref<10000x8xf32, #tpu.memory_space<hbm>>) dst(%dma_wait3A_691 : memref<128x8xf32, #tpu.memory_space<vmem>>)
    %dma_start3A_698 = arith.constant 16 : i32
    %dma_start3A_699 = arith.constant 16 : i32
    %dma_start3A_700 = arith.constant 0 : i32
    %dma_start3A_701 = arith.constant 0 : i32
    %dma_start3A_702 = tpu.memref_slice %arg8[%dma_start3A_698, %dma_start3A_700, %dma_start3A_701] : memref<25x128x8xf32, #tpu.memory_space<vmem>> -> memref<1x128x8xf32, #tpu.memory_space<vmem>>
    %dma_start3A_703 = tpu.memref_squeeze %dma_start3A_702 : memref<1x128x8xf32, #tpu.memory_space<vmem>> -> memref<128x8xf32, #tpu.memory_space<vmem>>
    %dma_start3A_704 = arith.constant 0 : i32
    %dma_start3A_705 = tpu.memref_slice %arg7[%dma_start3A_699, %dma_start3A_704] : memref<25x128xi32, #tpu.memory_space<vmem>> -> memref<1x128xi32, #tpu.memory_space<vmem>>
    %dma_start3A_706 = tpu.memref_squeeze %dma_start3A_705 : memref<1x128xi32, #tpu.memory_space<vmem>> -> memref<128xi32, #tpu.memory_space<vmem>>
    %dma_start3A_707 = arith.constant 0 : i32
    %dma_start3A_708 = arith.constant 0 : i32
    %dma_start3A_709 = tpu.memref_slice %arg9[%dma_start3A_707, %dma_start3A_708] : memref<10240x8xf32, #tpu.memory_space<vmem_shared>> -> memref<10240x8xf32, #tpu.memory_space<vmem_shared>>
    tpu.enqueue_indirect_dma source(%dma_start3A_703 : memref<128x8xf32, #tpu.memory_space<vmem>>) target(%dma_start3A_709 : memref<10240x8xf32, #tpu.memory_space<vmem_shared>>) offsets(%dma_start3A_706 : memref<128xi32, #tpu.memory_space<vmem>>) semaphore(%arg11 : memref<!tpu.dma_semaphore, #tpu.memory_space<semaphore_mem>>) {add = true}
    %dma_wait3A_710 = arith.constant 17 : i32
    %dma_wait3A_711 = arith.constant 17 : i32
    %dma_wait3A_712 = arith.constant 0 : i32
    %dma_wait3A_713 = arith.constant 0 : i32
    %dma_wait3A_714 = tpu.memref_slice %arg8[%dma_wait3A_711, %dma_wait3A_712, %dma_wait3A_713] : memref<25x128x8xf32, #tpu.memory_space<vmem>> -> memref<1x128x8xf32, #tpu.memory_space<vmem>>
    %dma_wait3A_715 = tpu.memref_squeeze %dma_wait3A_714 : memref<1x128x8xf32, #tpu.memory_space<vmem>> -> memref<128x8xf32, #tpu.memory_space<vmem>>
    %dma_wait3A_716 = arith.constant 0 : i32
    %dma_wait3A_717 = tpu.memref_slice %arg6[%dma_wait3A_710, %dma_wait3A_716] : memref<25x128xi32, #tpu.memory_space<vmem>> -> memref<1x128xi32, #tpu.memory_space<vmem>>
    %dma_wait3A_718 = tpu.memref_squeeze %dma_wait3A_717 : memref<1x128xi32, #tpu.memory_space<vmem>> -> memref<128xi32, #tpu.memory_space<vmem>>
    %dma_wait3A_719 = arith.constant 0 : i32
    %dma_wait3A_720 = arith.constant 0 : i32
    %dma_wait3A_721 = tpu.memref_slice %arg3[%dma_wait3A_719, %dma_wait3A_720] : memref<10000x8xf32, #tpu.memory_space<hbm>> -> memref<10000x8xf32, #tpu.memory_space<hbm>>
    tpu.wait_indirect_dma semaphore(%arg10 : memref<!tpu.dma_semaphore, #tpu.memory_space<semaphore_mem>>) src(%dma_wait3A_721 : memref<10000x8xf32, #tpu.memory_space<hbm>>) dst(%dma_wait3A_715 : memref<128x8xf32, #tpu.memory_space<vmem>>)
    %dma_start3A_722 = arith.constant 17 : i32
    %dma_start3A_723 = arith.constant 17 : i32
    %dma_start3A_724 = arith.constant 0 : i32
    %dma_start3A_725 = arith.constant 0 : i32
    %dma_start3A_726 = tpu.memref_slice %arg8[%dma_start3A_722, %dma_start3A_724, %dma_start3A_725] : memref<25x128x8xf32, #tpu.memory_space<vmem>> -> memref<1x128x8xf32, #tpu.memory_space<vmem>>
    %dma_start3A_727 = tpu.memref_squeeze %dma_start3A_726 : memref<1x128x8xf32, #tpu.memory_space<vmem>> -> memref<128x8xf32, #tpu.memory_space<vmem>>
    %dma_start3A_728 = arith.constant 0 : i32
    %dma_start3A_729 = tpu.memref_slice %arg7[%dma_start3A_723, %dma_start3A_728] : memref<25x128xi32, #tpu.memory_space<vmem>> -> memref<1x128xi32, #tpu.memory_space<vmem>>
    %dma_start3A_730 = tpu.memref_squeeze %dma_start3A_729 : memref<1x128xi32, #tpu.memory_space<vmem>> -> memref<128xi32, #tpu.memory_space<vmem>>
    %dma_start3A_731 = arith.constant 0 : i32
    %dma_start3A_732 = arith.constant 0 : i32
    %dma_start3A_733 = tpu.memref_slice %arg9[%dma_start3A_731, %dma_start3A_732] : memref<10240x8xf32, #tpu.memory_space<vmem_shared>> -> memref<10240x8xf32, #tpu.memory_space<vmem_shared>>
    tpu.enqueue_indirect_dma source(%dma_start3A_727 : memref<128x8xf32, #tpu.memory_space<vmem>>) target(%dma_start3A_733 : memref<10240x8xf32, #tpu.memory_space<vmem_shared>>) offsets(%dma_start3A_730 : memref<128xi32, #tpu.memory_space<vmem>>) semaphore(%arg11 : memref<!tpu.dma_semaphore, #tpu.memory_space<semaphore_mem>>) {add = true}
    %dma_wait3A_734 = arith.constant 18 : i32
    %dma_wait3A_735 = arith.constant 18 : i32
    %dma_wait3A_736 = arith.constant 0 : i32
    %dma_wait3A_737 = arith.constant 0 : i32
    %dma_wait3A_738 = tpu.memref_slice %arg8[%dma_wait3A_735, %dma_wait3A_736, %dma_wait3A_737] : memref<25x128x8xf32, #tpu.memory_space<vmem>> -> memref<1x128x8xf32, #tpu.memory_space<vmem>>
    %dma_wait3A_739 = tpu.memref_squeeze %dma_wait3A_738 : memref<1x128x8xf32, #tpu.memory_space<vmem>> -> memref<128x8xf32, #tpu.memory_space<vmem>>
    %dma_wait3A_740 = arith.constant 0 : i32
    %dma_wait3A_741 = tpu.memref_slice %arg6[%dma_wait3A_734, %dma_wait3A_740] : memref<25x128xi32, #tpu.memory_space<vmem>> -> memref<1x128xi32, #tpu.memory_space<vmem>>
    %dma_wait3A_742 = tpu.memref_squeeze %dma_wait3A_741 : memref<1x128xi32, #tpu.memory_space<vmem>> -> memref<128xi32, #tpu.memory_space<vmem>>
    %dma_wait3A_743 = arith.constant 0 : i32
    %dma_wait3A_744 = arith.constant 0 : i32
    %dma_wait3A_745 = tpu.memref_slice %arg3[%dma_wait3A_743, %dma_wait3A_744] : memref<10000x8xf32, #tpu.memory_space<hbm>> -> memref<10000x8xf32, #tpu.memory_space<hbm>>
    tpu.wait_indirect_dma semaphore(%arg10 : memref<!tpu.dma_semaphore, #tpu.memory_space<semaphore_mem>>) src(%dma_wait3A_745 : memref<10000x8xf32, #tpu.memory_space<hbm>>) dst(%dma_wait3A_739 : memref<128x8xf32, #tpu.memory_space<vmem>>)
    %dma_start3A_746 = arith.constant 18 : i32
    %dma_start3A_747 = arith.constant 18 : i32
    %dma_start3A_748 = arith.constant 0 : i32
    %dma_start3A_749 = arith.constant 0 : i32
    %dma_start3A_750 = tpu.memref_slice %arg8[%dma_start3A_746, %dma_start3A_748, %dma_start3A_749] : memref<25x128x8xf32, #tpu.memory_space<vmem>> -> memref<1x128x8xf32, #tpu.memory_space<vmem>>
    %dma_start3A_751 = tpu.memref_squeeze %dma_start3A_750 : memref<1x128x8xf32, #tpu.memory_space<vmem>> -> memref<128x8xf32, #tpu.memory_space<vmem>>
    %dma_start3A_752 = arith.constant 0 : i32
    %dma_start3A_753 = tpu.memref_slice %arg7[%dma_start3A_747, %dma_start3A_752] : memref<25x128xi32, #tpu.memory_space<vmem>> -> memref<1x128xi32, #tpu.memory_space<vmem>>
    %dma_start3A_754 = tpu.memref_squeeze %dma_start3A_753 : memref<1x128xi32, #tpu.memory_space<vmem>> -> memref<128xi32, #tpu.memory_space<vmem>>
    %dma_start3A_755 = arith.constant 0 : i32
    %dma_start3A_756 = arith.constant 0 : i32
    %dma_start3A_757 = tpu.memref_slice %arg9[%dma_start3A_755, %dma_start3A_756] : memref<10240x8xf32, #tpu.memory_space<vmem_shared>> -> memref<10240x8xf32, #tpu.memory_space<vmem_shared>>
    tpu.enqueue_indirect_dma source(%dma_start3A_751 : memref<128x8xf32, #tpu.memory_space<vmem>>) target(%dma_start3A_757 : memref<10240x8xf32, #tpu.memory_space<vmem_shared>>) offsets(%dma_start3A_754 : memref<128xi32, #tpu.memory_space<vmem>>) semaphore(%arg11 : memref<!tpu.dma_semaphore, #tpu.memory_space<semaphore_mem>>) {add = true}
    %dma_wait3A_758 = arith.constant 19 : i32
    %dma_wait3A_759 = arith.constant 19 : i32
    %dma_wait3A_760 = arith.constant 0 : i32
    %dma_wait3A_761 = arith.constant 0 : i32
    %dma_wait3A_762 = tpu.memref_slice %arg8[%dma_wait3A_759, %dma_wait3A_760, %dma_wait3A_761] : memref<25x128x8xf32, #tpu.memory_space<vmem>> -> memref<1x128x8xf32, #tpu.memory_space<vmem>>
    %dma_wait3A_763 = tpu.memref_squeeze %dma_wait3A_762 : memref<1x128x8xf32, #tpu.memory_space<vmem>> -> memref<128x8xf32, #tpu.memory_space<vmem>>
    %dma_wait3A_764 = arith.constant 0 : i32
    %dma_wait3A_765 = tpu.memref_slice %arg6[%dma_wait3A_758, %dma_wait3A_764] : memref<25x128xi32, #tpu.memory_space<vmem>> -> memref<1x128xi32, #tpu.memory_space<vmem>>
    %dma_wait3A_766 = tpu.memref_squeeze %dma_wait3A_765 : memref<1x128xi32, #tpu.memory_space<vmem>> -> memref<128xi32, #tpu.memory_space<vmem>>
    %dma_wait3A_767 = arith.constant 0 : i32
    %dma_wait3A_768 = arith.constant 0 : i32
    %dma_wait3A_769 = tpu.memref_slice %arg3[%dma_wait3A_767, %dma_wait3A_768] : memref<10000x8xf32, #tpu.memory_space<hbm>> -> memref<10000x8xf32, #tpu.memory_space<hbm>>
    tpu.wait_indirect_dma semaphore(%arg10 : memref<!tpu.dma_semaphore, #tpu.memory_space<semaphore_mem>>) src(%dma_wait3A_769 : memref<10000x8xf32, #tpu.memory_space<hbm>>) dst(%dma_wait3A_763 : memref<128x8xf32, #tpu.memory_space<vmem>>)
    %dma_start3A_770 = arith.constant 19 : i32
    %dma_start3A_771 = arith.constant 19 : i32
    %dma_start3A_772 = arith.constant 0 : i32
    %dma_start3A_773 = arith.constant 0 : i32
    %dma_start3A_774 = tpu.memref_slice %arg8[%dma_start3A_770, %dma_start3A_772, %dma_start3A_773] : memref<25x128x8xf32, #tpu.memory_space<vmem>> -> memref<1x128x8xf32, #tpu.memory_space<vmem>>
    %dma_start3A_775 = tpu.memref_squeeze %dma_start3A_774 : memref<1x128x8xf32, #tpu.memory_space<vmem>> -> memref<128x8xf32, #tpu.memory_space<vmem>>
    %dma_start3A_776 = arith.constant 0 : i32
    %dma_start3A_777 = tpu.memref_slice %arg7[%dma_start3A_771, %dma_start3A_776] : memref<25x128xi32, #tpu.memory_space<vmem>> -> memref<1x128xi32, #tpu.memory_space<vmem>>
    %dma_start3A_778 = tpu.memref_squeeze %dma_start3A_777 : memref<1x128xi32, #tpu.memory_space<vmem>> -> memref<128xi32, #tpu.memory_space<vmem>>
    %dma_start3A_779 = arith.constant 0 : i32
    %dma_start3A_780 = arith.constant 0 : i32
    %dma_start3A_781 = tpu.memref_slice %arg9[%dma_start3A_779, %dma_start3A_780] : memref<10240x8xf32, #tpu.memory_space<vmem_shared>> -> memref<10240x8xf32, #tpu.memory_space<vmem_shared>>
    tpu.enqueue_indirect_dma source(%dma_start3A_775 : memref<128x8xf32, #tpu.memory_space<vmem>>) target(%dma_start3A_781 : memref<10240x8xf32, #tpu.memory_space<vmem_shared>>) offsets(%dma_start3A_778 : memref<128xi32, #tpu.memory_space<vmem>>) semaphore(%arg11 : memref<!tpu.dma_semaphore, #tpu.memory_space<semaphore_mem>>) {add = true}
    %dma_wait3A_782 = arith.constant 20 : i32
    %dma_wait3A_783 = arith.constant 20 : i32
    %dma_wait3A_784 = arith.constant 0 : i32
    %dma_wait3A_785 = arith.constant 0 : i32
    %dma_wait3A_786 = tpu.memref_slice %arg8[%dma_wait3A_783, %dma_wait3A_784, %dma_wait3A_785] : memref<25x128x8xf32, #tpu.memory_space<vmem>> -> memref<1x128x8xf32, #tpu.memory_space<vmem>>
    %dma_wait3A_787 = tpu.memref_squeeze %dma_wait3A_786 : memref<1x128x8xf32, #tpu.memory_space<vmem>> -> memref<128x8xf32, #tpu.memory_space<vmem>>
    %dma_wait3A_788 = arith.constant 0 : i32
    %dma_wait3A_789 = tpu.memref_slice %arg6[%dma_wait3A_782, %dma_wait3A_788] : memref<25x128xi32, #tpu.memory_space<vmem>> -> memref<1x128xi32, #tpu.memory_space<vmem>>
    %dma_wait3A_790 = tpu.memref_squeeze %dma_wait3A_789 : memref<1x128xi32, #tpu.memory_space<vmem>> -> memref<128xi32, #tpu.memory_space<vmem>>
    %dma_wait3A_791 = arith.constant 0 : i32
    %dma_wait3A_792 = arith.constant 0 : i32
    %dma_wait3A_793 = tpu.memref_slice %arg3[%dma_wait3A_791, %dma_wait3A_792] : memref<10000x8xf32, #tpu.memory_space<hbm>> -> memref<10000x8xf32, #tpu.memory_space<hbm>>
    tpu.wait_indirect_dma semaphore(%arg10 : memref<!tpu.dma_semaphore, #tpu.memory_space<semaphore_mem>>) src(%dma_wait3A_793 : memref<10000x8xf32, #tpu.memory_space<hbm>>) dst(%dma_wait3A_787 : memref<128x8xf32, #tpu.memory_space<vmem>>)
    %dma_start3A_794 = arith.constant 20 : i32
    %dma_start3A_795 = arith.constant 20 : i32
    %dma_start3A_796 = arith.constant 0 : i32
    %dma_start3A_797 = arith.constant 0 : i32
    %dma_start3A_798 = tpu.memref_slice %arg8[%dma_start3A_794, %dma_start3A_796, %dma_start3A_797] : memref<25x128x8xf32, #tpu.memory_space<vmem>> -> memref<1x128x8xf32, #tpu.memory_space<vmem>>
    %dma_start3A_799 = tpu.memref_squeeze %dma_start3A_798 : memref<1x128x8xf32, #tpu.memory_space<vmem>> -> memref<128x8xf32, #tpu.memory_space<vmem>>
    %dma_start3A_800 = arith.constant 0 : i32
    %dma_start3A_801 = tpu.memref_slice %arg7[%dma_start3A_795, %dma_start3A_800] : memref<25x128xi32, #tpu.memory_space<vmem>> -> memref<1x128xi32, #tpu.memory_space<vmem>>
    %dma_start3A_802 = tpu.memref_squeeze %dma_start3A_801 : memref<1x128xi32, #tpu.memory_space<vmem>> -> memref<128xi32, #tpu.memory_space<vmem>>
    %dma_start3A_803 = arith.constant 0 : i32
    %dma_start3A_804 = arith.constant 0 : i32
    %dma_start3A_805 = tpu.memref_slice %arg9[%dma_start3A_803, %dma_start3A_804] : memref<10240x8xf32, #tpu.memory_space<vmem_shared>> -> memref<10240x8xf32, #tpu.memory_space<vmem_shared>>
    tpu.enqueue_indirect_dma source(%dma_start3A_799 : memref<128x8xf32, #tpu.memory_space<vmem>>) target(%dma_start3A_805 : memref<10240x8xf32, #tpu.memory_space<vmem_shared>>) offsets(%dma_start3A_802 : memref<128xi32, #tpu.memory_space<vmem>>) semaphore(%arg11 : memref<!tpu.dma_semaphore, #tpu.memory_space<semaphore_mem>>) {add = true}
    %dma_wait3A_806 = arith.constant 21 : i32
    %dma_wait3A_807 = arith.constant 21 : i32
    %dma_wait3A_808 = arith.constant 0 : i32
    %dma_wait3A_809 = arith.constant 0 : i32
    %dma_wait3A_810 = tpu.memref_slice %arg8[%dma_wait3A_807, %dma_wait3A_808, %dma_wait3A_809] : memref<25x128x8xf32, #tpu.memory_space<vmem>> -> memref<1x128x8xf32, #tpu.memory_space<vmem>>
    %dma_wait3A_811 = tpu.memref_squeeze %dma_wait3A_810 : memref<1x128x8xf32, #tpu.memory_space<vmem>> -> memref<128x8xf32, #tpu.memory_space<vmem>>
    %dma_wait3A_812 = arith.constant 0 : i32
    %dma_wait3A_813 = tpu.memref_slice %arg6[%dma_wait3A_806, %dma_wait3A_812] : memref<25x128xi32, #tpu.memory_space<vmem>> -> memref<1x128xi32, #tpu.memory_space<vmem>>
    %dma_wait3A_814 = tpu.memref_squeeze %dma_wait3A_813 : memref<1x128xi32, #tpu.memory_space<vmem>> -> memref<128xi32, #tpu.memory_space<vmem>>
    %dma_wait3A_815 = arith.constant 0 : i32
    %dma_wait3A_816 = arith.constant 0 : i32
    %dma_wait3A_817 = tpu.memref_slice %arg3[%dma_wait3A_815, %dma_wait3A_816] : memref<10000x8xf32, #tpu.memory_space<hbm>> -> memref<10000x8xf32, #tpu.memory_space<hbm>>
    tpu.wait_indirect_dma semaphore(%arg10 : memref<!tpu.dma_semaphore, #tpu.memory_space<semaphore_mem>>) src(%dma_wait3A_817 : memref<10000x8xf32, #tpu.memory_space<hbm>>) dst(%dma_wait3A_811 : memref<128x8xf32, #tpu.memory_space<vmem>>)
    %dma_start3A_818 = arith.constant 21 : i32
    %dma_start3A_819 = arith.constant 21 : i32
    %dma_start3A_820 = arith.constant 0 : i32
    %dma_start3A_821 = arith.constant 0 : i32
    %dma_start3A_822 = tpu.memref_slice %arg8[%dma_start3A_818, %dma_start3A_820, %dma_start3A_821] : memref<25x128x8xf32, #tpu.memory_space<vmem>> -> memref<1x128x8xf32, #tpu.memory_space<vmem>>
    %dma_start3A_823 = tpu.memref_squeeze %dma_start3A_822 : memref<1x128x8xf32, #tpu.memory_space<vmem>> -> memref<128x8xf32, #tpu.memory_space<vmem>>
    %dma_start3A_824 = arith.constant 0 : i32
    %dma_start3A_825 = tpu.memref_slice %arg7[%dma_start3A_819, %dma_start3A_824] : memref<25x128xi32, #tpu.memory_space<vmem>> -> memref<1x128xi32, #tpu.memory_space<vmem>>
    %dma_start3A_826 = tpu.memref_squeeze %dma_start3A_825 : memref<1x128xi32, #tpu.memory_space<vmem>> -> memref<128xi32, #tpu.memory_space<vmem>>
    %dma_start3A_827 = arith.constant 0 : i32
    %dma_start3A_828 = arith.constant 0 : i32
    %dma_start3A_829 = tpu.memref_slice %arg9[%dma_start3A_827, %dma_start3A_828] : memref<10240x8xf32, #tpu.memory_space<vmem_shared>> -> memref<10240x8xf32, #tpu.memory_space<vmem_shared>>
    tpu.enqueue_indirect_dma source(%dma_start3A_823 : memref<128x8xf32, #tpu.memory_space<vmem>>) target(%dma_start3A_829 : memref<10240x8xf32, #tpu.memory_space<vmem_shared>>) offsets(%dma_start3A_826 : memref<128xi32, #tpu.memory_space<vmem>>) semaphore(%arg11 : memref<!tpu.dma_semaphore, #tpu.memory_space<semaphore_mem>>) {add = true}
    %dma_wait3A_830 = arith.constant 22 : i32
    %dma_wait3A_831 = arith.constant 22 : i32
    %dma_wait3A_832 = arith.constant 0 : i32
    %dma_wait3A_833 = arith.constant 0 : i32
    %dma_wait3A_834 = tpu.memref_slice %arg8[%dma_wait3A_831, %dma_wait3A_832, %dma_wait3A_833] : memref<25x128x8xf32, #tpu.memory_space<vmem>> -> memref<1x128x8xf32, #tpu.memory_space<vmem>>
    %dma_wait3A_835 = tpu.memref_squeeze %dma_wait3A_834 : memref<1x128x8xf32, #tpu.memory_space<vmem>> -> memref<128x8xf32, #tpu.memory_space<vmem>>
    %dma_wait3A_836 = arith.constant 0 : i32
    %dma_wait3A_837 = tpu.memref_slice %arg6[%dma_wait3A_830, %dma_wait3A_836] : memref<25x128xi32, #tpu.memory_space<vmem>> -> memref<1x128xi32, #tpu.memory_space<vmem>>
    %dma_wait3A_838 = tpu.memref_squeeze %dma_wait3A_837 : memref<1x128xi32, #tpu.memory_space<vmem>> -> memref<128xi32, #tpu.memory_space<vmem>>
    %dma_wait3A_839 = arith.constant 0 : i32
    %dma_wait3A_840 = arith.constant 0 : i32
    %dma_wait3A_841 = tpu.memref_slice %arg3[%dma_wait3A_839, %dma_wait3A_840] : memref<10000x8xf32, #tpu.memory_space<hbm>> -> memref<10000x8xf32, #tpu.memory_space<hbm>>
    tpu.wait_indirect_dma semaphore(%arg10 : memref<!tpu.dma_semaphore, #tpu.memory_space<semaphore_mem>>) src(%dma_wait3A_841 : memref<10000x8xf32, #tpu.memory_space<hbm>>) dst(%dma_wait3A_835 : memref<128x8xf32, #tpu.memory_space<vmem>>)
    %dma_start3A_842 = arith.constant 22 : i32
    %dma_start3A_843 = arith.constant 22 : i32
    %dma_start3A_844 = arith.constant 0 : i32
    %dma_start3A_845 = arith.constant 0 : i32
    %dma_start3A_846 = tpu.memref_slice %arg8[%dma_start3A_842, %dma_start3A_844, %dma_start3A_845] : memref<25x128x8xf32, #tpu.memory_space<vmem>> -> memref<1x128x8xf32, #tpu.memory_space<vmem>>
    %dma_start3A_847 = tpu.memref_squeeze %dma_start3A_846 : memref<1x128x8xf32, #tpu.memory_space<vmem>> -> memref<128x8xf32, #tpu.memory_space<vmem>>
    %dma_start3A_848 = arith.constant 0 : i32
    %dma_start3A_849 = tpu.memref_slice %arg7[%dma_start3A_843, %dma_start3A_848] : memref<25x128xi32, #tpu.memory_space<vmem>> -> memref<1x128xi32, #tpu.memory_space<vmem>>
    %dma_start3A_850 = tpu.memref_squeeze %dma_start3A_849 : memref<1x128xi32, #tpu.memory_space<vmem>> -> memref<128xi32, #tpu.memory_space<vmem>>
    %dma_start3A_851 = arith.constant 0 : i32
    %dma_start3A_852 = arith.constant 0 : i32
    %dma_start3A_853 = tpu.memref_slice %arg9[%dma_start3A_851, %dma_start3A_852] : memref<10240x8xf32, #tpu.memory_space<vmem_shared>> -> memref<10240x8xf32, #tpu.memory_space<vmem_shared>>
    tpu.enqueue_indirect_dma source(%dma_start3A_847 : memref<128x8xf32, #tpu.memory_space<vmem>>) target(%dma_start3A_853 : memref<10240x8xf32, #tpu.memory_space<vmem_shared>>) offsets(%dma_start3A_850 : memref<128xi32, #tpu.memory_space<vmem>>) semaphore(%arg11 : memref<!tpu.dma_semaphore, #tpu.memory_space<semaphore_mem>>) {add = true}
    %dma_wait3A_854 = arith.constant 23 : i32
    %dma_wait3A_855 = arith.constant 23 : i32
    %dma_wait3A_856 = arith.constant 0 : i32
    %dma_wait3A_857 = arith.constant 0 : i32
    %dma_wait3A_858 = tpu.memref_slice %arg8[%dma_wait3A_855, %dma_wait3A_856, %dma_wait3A_857] : memref<25x128x8xf32, #tpu.memory_space<vmem>> -> memref<1x128x8xf32, #tpu.memory_space<vmem>>
    %dma_wait3A_859 = tpu.memref_squeeze %dma_wait3A_858 : memref<1x128x8xf32, #tpu.memory_space<vmem>> -> memref<128x8xf32, #tpu.memory_space<vmem>>
    %dma_wait3A_860 = arith.constant 0 : i32
    %dma_wait3A_861 = tpu.memref_slice %arg6[%dma_wait3A_854, %dma_wait3A_860] : memref<25x128xi32, #tpu.memory_space<vmem>> -> memref<1x128xi32, #tpu.memory_space<vmem>>
    %dma_wait3A_862 = tpu.memref_squeeze %dma_wait3A_861 : memref<1x128xi32, #tpu.memory_space<vmem>> -> memref<128xi32, #tpu.memory_space<vmem>>
    %dma_wait3A_863 = arith.constant 0 : i32
    %dma_wait3A_864 = arith.constant 0 : i32
    %dma_wait3A_865 = tpu.memref_slice %arg3[%dma_wait3A_863, %dma_wait3A_864] : memref<10000x8xf32, #tpu.memory_space<hbm>> -> memref<10000x8xf32, #tpu.memory_space<hbm>>
    tpu.wait_indirect_dma semaphore(%arg10 : memref<!tpu.dma_semaphore, #tpu.memory_space<semaphore_mem>>) src(%dma_wait3A_865 : memref<10000x8xf32, #tpu.memory_space<hbm>>) dst(%dma_wait3A_859 : memref<128x8xf32, #tpu.memory_space<vmem>>)
    %dma_start3A_866 = arith.constant 23 : i32
    %dma_start3A_867 = arith.constant 23 : i32
    %dma_start3A_868 = arith.constant 0 : i32
    %dma_start3A_869 = arith.constant 0 : i32
    %dma_start3A_870 = tpu.memref_slice %arg8[%dma_start3A_866, %dma_start3A_868, %dma_start3A_869] : memref<25x128x8xf32, #tpu.memory_space<vmem>> -> memref<1x128x8xf32, #tpu.memory_space<vmem>>
    %dma_start3A_871 = tpu.memref_squeeze %dma_start3A_870 : memref<1x128x8xf32, #tpu.memory_space<vmem>> -> memref<128x8xf32, #tpu.memory_space<vmem>>
    %dma_start3A_872 = arith.constant 0 : i32
    %dma_start3A_873 = tpu.memref_slice %arg7[%dma_start3A_867, %dma_start3A_872] : memref<25x128xi32, #tpu.memory_space<vmem>> -> memref<1x128xi32, #tpu.memory_space<vmem>>
    %dma_start3A_874 = tpu.memref_squeeze %dma_start3A_873 : memref<1x128xi32, #tpu.memory_space<vmem>> -> memref<128xi32, #tpu.memory_space<vmem>>
    %dma_start3A_875 = arith.constant 0 : i32
    %dma_start3A_876 = arith.constant 0 : i32
    %dma_start3A_877 = tpu.memref_slice %arg9[%dma_start3A_875, %dma_start3A_876] : memref<10240x8xf32, #tpu.memory_space<vmem_shared>> -> memref<10240x8xf32, #tpu.memory_space<vmem_shared>>
    tpu.enqueue_indirect_dma source(%dma_start3A_871 : memref<128x8xf32, #tpu.memory_space<vmem>>) target(%dma_start3A_877 : memref<10240x8xf32, #tpu.memory_space<vmem_shared>>) offsets(%dma_start3A_874 : memref<128xi32, #tpu.memory_space<vmem>>) semaphore(%arg11 : memref<!tpu.dma_semaphore, #tpu.memory_space<semaphore_mem>>) {add = true}
    %dma_wait3A_878 = arith.constant 24 : i32
    %dma_wait3A_879 = arith.constant 24 : i32
    %dma_wait3A_880 = arith.constant 0 : i32
    %dma_wait3A_881 = arith.constant 0 : i32
    %dma_wait3A_882 = tpu.memref_slice %arg8[%dma_wait3A_879, %dma_wait3A_880, %dma_wait3A_881] : memref<25x128x8xf32, #tpu.memory_space<vmem>> -> memref<1x128x8xf32, #tpu.memory_space<vmem>>
    %dma_wait3A_883 = tpu.memref_squeeze %dma_wait3A_882 : memref<1x128x8xf32, #tpu.memory_space<vmem>> -> memref<128x8xf32, #tpu.memory_space<vmem>>
    %dma_wait3A_884 = arith.constant 0 : i32
    %dma_wait3A_885 = tpu.memref_slice %arg6[%dma_wait3A_878, %dma_wait3A_884] : memref<25x128xi32, #tpu.memory_space<vmem>> -> memref<1x128xi32, #tpu.memory_space<vmem>>
    %dma_wait3A_886 = tpu.memref_squeeze %dma_wait3A_885 : memref<1x128xi32, #tpu.memory_space<vmem>> -> memref<128xi32, #tpu.memory_space<vmem>>
    %dma_wait3A_887 = arith.constant 0 : i32
    %dma_wait3A_888 = arith.constant 0 : i32
    %dma_wait3A_889 = tpu.memref_slice %arg3[%dma_wait3A_887, %dma_wait3A_888] : memref<10000x8xf32, #tpu.memory_space<hbm>> -> memref<10000x8xf32, #tpu.memory_space<hbm>>
    tpu.wait_indirect_dma semaphore(%arg10 : memref<!tpu.dma_semaphore, #tpu.memory_space<semaphore_mem>>) src(%dma_wait3A_889 : memref<10000x8xf32, #tpu.memory_space<hbm>>) dst(%dma_wait3A_883 : memref<128x8xf32, #tpu.memory_space<vmem>>)
    %dma_start3A_890 = arith.constant 24 : i32
    %dma_start3A_891 = arith.constant 24 : i32
    %dma_start3A_892 = arith.constant 0 : i32
    %dma_start3A_893 = arith.constant 0 : i32
    %dma_start3A_894 = tpu.memref_slice %arg8[%dma_start3A_890, %dma_start3A_892, %dma_start3A_893] : memref<25x128x8xf32, #tpu.memory_space<vmem>> -> memref<1x128x8xf32, #tpu.memory_space<vmem>>
    %dma_start3A_895 = tpu.memref_squeeze %dma_start3A_894 : memref<1x128x8xf32, #tpu.memory_space<vmem>> -> memref<128x8xf32, #tpu.memory_space<vmem>>
    %dma_start3A_896 = arith.constant 0 : i32
    %dma_start3A_897 = tpu.memref_slice %arg7[%dma_start3A_891, %dma_start3A_896] : memref<25x128xi32, #tpu.memory_space<vmem>> -> memref<1x128xi32, #tpu.memory_space<vmem>>
    %dma_start3A_898 = tpu.memref_squeeze %dma_start3A_897 : memref<1x128xi32, #tpu.memory_space<vmem>> -> memref<128xi32, #tpu.memory_space<vmem>>
    %dma_start3A_899 = arith.constant 0 : i32
    %dma_start3A_900 = arith.constant 0 : i32
    %dma_start3A_901 = tpu.memref_slice %arg9[%dma_start3A_899, %dma_start3A_900] : memref<10240x8xf32, #tpu.memory_space<vmem_shared>> -> memref<10240x8xf32, #tpu.memory_space<vmem_shared>>
    tpu.enqueue_indirect_dma source(%dma_start3A_895 : memref<128x8xf32, #tpu.memory_space<vmem>>) target(%dma_start3A_901 : memref<10240x8xf32, #tpu.memory_space<vmem_shared>>) offsets(%dma_start3A_898 : memref<128xi32, #tpu.memory_space<vmem>>) semaphore(%arg11 : memref<!tpu.dma_semaphore, #tpu.memory_space<semaphore_mem>>) {add = true}
    %dma_wait3A_902 = arith.constant 0 : i32
    %dma_wait3A_903 = arith.constant 0 : i32
    %dma_wait3A_904 = arith.constant 0 : i32
    %dma_wait3A_905 = arith.constant 0 : i32
    %dma_wait3A_906 = tpu.memref_slice %arg8[%dma_wait3A_902, %dma_wait3A_904, %dma_wait3A_905] : memref<25x128x8xf32, #tpu.memory_space<vmem>> -> memref<1x128x8xf32, #tpu.memory_space<vmem>>
    %dma_wait3A_907 = tpu.memref_squeeze %dma_wait3A_906 : memref<1x128x8xf32, #tpu.memory_space<vmem>> -> memref<128x8xf32, #tpu.memory_space<vmem>>
    %dma_wait3A_908 = arith.constant 0 : i32
    %dma_wait3A_909 = tpu.memref_slice %arg7[%dma_wait3A_903, %dma_wait3A_908] : memref<25x128xi32, #tpu.memory_space<vmem>> -> memref<1x128xi32, #tpu.memory_space<vmem>>
    %dma_wait3A_910 = tpu.memref_squeeze %dma_wait3A_909 : memref<1x128xi32, #tpu.memory_space<vmem>> -> memref<128xi32, #tpu.memory_space<vmem>>
    %dma_wait3A_911 = arith.constant 0 : i32
    %dma_wait3A_912 = arith.constant 0 : i32
    %dma_wait3A_913 = tpu.memref_slice %arg9[%dma_wait3A_911, %dma_wait3A_912] : memref<10240x8xf32, #tpu.memory_space<vmem_shared>> -> memref<10240x8xf32, #tpu.memory_space<vmem_shared>>
    tpu.wait_indirect_dma semaphore(%arg11 : memref<!tpu.dma_semaphore, #tpu.memory_space<semaphore_mem>>) src(%dma_wait3A_907 : memref<128x8xf32, #tpu.memory_space<vmem>>) dst(%dma_wait3A_913 : memref<10240x8xf32, #tpu.memory_space<vmem_shared>>)
    %dma_wait3A_914 = arith.constant 1 : i32
    %dma_wait3A_915 = arith.constant 1 : i32
    %dma_wait3A_916 = arith.constant 0 : i32
    %dma_wait3A_917 = arith.constant 0 : i32
    %dma_wait3A_918 = tpu.memref_slice %arg8[%dma_wait3A_914, %dma_wait3A_916, %dma_wait3A_917] : memref<25x128x8xf32, #tpu.memory_space<vmem>> -> memref<1x128x8xf32, #tpu.memory_space<vmem>>
    %dma_wait3A_919 = tpu.memref_squeeze %dma_wait3A_918 : memref<1x128x8xf32, #tpu.memory_space<vmem>> -> memref<128x8xf32, #tpu.memory_space<vmem>>
    %dma_wait3A_920 = arith.constant 0 : i32
    %dma_wait3A_921 = tpu.memref_slice %arg7[%dma_wait3A_915, %dma_wait3A_920] : memref<25x128xi32, #tpu.memory_space<vmem>> -> memref<1x128xi32, #tpu.memory_space<vmem>>
    %dma_wait3A_922 = tpu.memref_squeeze %dma_wait3A_921 : memref<1x128xi32, #tpu.memory_space<vmem>> -> memref<128xi32, #tpu.memory_space<vmem>>
    %dma_wait3A_923 = arith.constant 0 : i32
    %dma_wait3A_924 = arith.constant 0 : i32
    %dma_wait3A_925 = tpu.memref_slice %arg9[%dma_wait3A_923, %dma_wait3A_924] : memref<10240x8xf32, #tpu.memory_space<vmem_shared>> -> memref<10240x8xf32, #tpu.memory_space<vmem_shared>>
    tpu.wait_indirect_dma semaphore(%arg11 : memref<!tpu.dma_semaphore, #tpu.memory_space<semaphore_mem>>) src(%dma_wait3A_919 : memref<128x8xf32, #tpu.memory_space<vmem>>) dst(%dma_wait3A_925 : memref<10240x8xf32, #tpu.memory_space<vmem_shared>>)
    %dma_wait3A_926 = arith.constant 2 : i32
    %dma_wait3A_927 = arith.constant 2 : i32
    %dma_wait3A_928 = arith.constant 0 : i32
    %dma_wait3A_929 = arith.constant 0 : i32
    %dma_wait3A_930 = tpu.memref_slice %arg8[%dma_wait3A_926, %dma_wait3A_928, %dma_wait3A_929] : memref<25x128x8xf32, #tpu.memory_space<vmem>> -> memref<1x128x8xf32, #tpu.memory_space<vmem>>
    %dma_wait3A_931 = tpu.memref_squeeze %dma_wait3A_930 : memref<1x128x8xf32, #tpu.memory_space<vmem>> -> memref<128x8xf32, #tpu.memory_space<vmem>>
    %dma_wait3A_932 = arith.constant 0 : i32
    %dma_wait3A_933 = tpu.memref_slice %arg7[%dma_wait3A_927, %dma_wait3A_932] : memref<25x128xi32, #tpu.memory_space<vmem>> -> memref<1x128xi32, #tpu.memory_space<vmem>>
    %dma_wait3A_934 = tpu.memref_squeeze %dma_wait3A_933 : memref<1x128xi32, #tpu.memory_space<vmem>> -> memref<128xi32, #tpu.memory_space<vmem>>
    %dma_wait3A_935 = arith.constant 0 : i32
    %dma_wait3A_936 = arith.constant 0 : i32
    %dma_wait3A_937 = tpu.memref_slice %arg9[%dma_wait3A_935, %dma_wait3A_936] : memref<10240x8xf32, #tpu.memory_space<vmem_shared>> -> memref<10240x8xf32, #tpu.memory_space<vmem_shared>>
    tpu.wait_indirect_dma semaphore(%arg11 : memref<!tpu.dma_semaphore, #tpu.memory_space<semaphore_mem>>) src(%dma_wait3A_931 : memref<128x8xf32, #tpu.memory_space<vmem>>) dst(%dma_wait3A_937 : memref<10240x8xf32, #tpu.memory_space<vmem_shared>>)
    %dma_wait3A_938 = arith.constant 3 : i32
    %dma_wait3A_939 = arith.constant 3 : i32
    %dma_wait3A_940 = arith.constant 0 : i32
    %dma_wait3A_941 = arith.constant 0 : i32
    %dma_wait3A_942 = tpu.memref_slice %arg8[%dma_wait3A_938, %dma_wait3A_940, %dma_wait3A_941] : memref<25x128x8xf32, #tpu.memory_space<vmem>> -> memref<1x128x8xf32, #tpu.memory_space<vmem>>
    %dma_wait3A_943 = tpu.memref_squeeze %dma_wait3A_942 : memref<1x128x8xf32, #tpu.memory_space<vmem>> -> memref<128x8xf32, #tpu.memory_space<vmem>>
    %dma_wait3A_944 = arith.constant 0 : i32
    %dma_wait3A_945 = tpu.memref_slice %arg7[%dma_wait3A_939, %dma_wait3A_944] : memref<25x128xi32, #tpu.memory_space<vmem>> -> memref<1x128xi32, #tpu.memory_space<vmem>>
    %dma_wait3A_946 = tpu.memref_squeeze %dma_wait3A_945 : memref<1x128xi32, #tpu.memory_space<vmem>> -> memref<128xi32, #tpu.memory_space<vmem>>
    %dma_wait3A_947 = arith.constant 0 : i32
    %dma_wait3A_948 = arith.constant 0 : i32
    %dma_wait3A_949 = tpu.memref_slice %arg9[%dma_wait3A_947, %dma_wait3A_948] : memref<10240x8xf32, #tpu.memory_space<vmem_shared>> -> memref<10240x8xf32, #tpu.memory_space<vmem_shared>>
    tpu.wait_indirect_dma semaphore(%arg11 : memref<!tpu.dma_semaphore, #tpu.memory_space<semaphore_mem>>) src(%dma_wait3A_943 : memref<128x8xf32, #tpu.memory_space<vmem>>) dst(%dma_wait3A_949 : memref<10240x8xf32, #tpu.memory_space<vmem_shared>>)
    %dma_wait3A_950 = arith.constant 4 : i32
    %dma_wait3A_951 = arith.constant 4 : i32
    %dma_wait3A_952 = arith.constant 0 : i32
    %dma_wait3A_953 = arith.constant 0 : i32
    %dma_wait3A_954 = tpu.memref_slice %arg8[%dma_wait3A_950, %dma_wait3A_952, %dma_wait3A_953] : memref<25x128x8xf32, #tpu.memory_space<vmem>> -> memref<1x128x8xf32, #tpu.memory_space<vmem>>
    %dma_wait3A_955 = tpu.memref_squeeze %dma_wait3A_954 : memref<1x128x8xf32, #tpu.memory_space<vmem>> -> memref<128x8xf32, #tpu.memory_space<vmem>>
    %dma_wait3A_956 = arith.constant 0 : i32
    %dma_wait3A_957 = tpu.memref_slice %arg7[%dma_wait3A_951, %dma_wait3A_956] : memref<25x128xi32, #tpu.memory_space<vmem>> -> memref<1x128xi32, #tpu.memory_space<vmem>>
    %dma_wait3A_958 = tpu.memref_squeeze %dma_wait3A_957 : memref<1x128xi32, #tpu.memory_space<vmem>> -> memref<128xi32, #tpu.memory_space<vmem>>
    %dma_wait3A_959 = arith.constant 0 : i32
    %dma_wait3A_960 = arith.constant 0 : i32
    %dma_wait3A_961 = tpu.memref_slice %arg9[%dma_wait3A_959, %dma_wait3A_960] : memref<10240x8xf32, #tpu.memory_space<vmem_shared>> -> memref<10240x8xf32, #tpu.memory_space<vmem_shared>>
    tpu.wait_indirect_dma semaphore(%arg11 : memref<!tpu.dma_semaphore, #tpu.memory_space<semaphore_mem>>) src(%dma_wait3A_955 : memref<128x8xf32, #tpu.memory_space<vmem>>) dst(%dma_wait3A_961 : memref<10240x8xf32, #tpu.memory_space<vmem_shared>>)
    %dma_wait3A_962 = arith.constant 5 : i32
    %dma_wait3A_963 = arith.constant 5 : i32
    %dma_wait3A_964 = arith.constant 0 : i32
    %dma_wait3A_965 = arith.constant 0 : i32
    %dma_wait3A_966 = tpu.memref_slice %arg8[%dma_wait3A_962, %dma_wait3A_964, %dma_wait3A_965] : memref<25x128x8xf32, #tpu.memory_space<vmem>> -> memref<1x128x8xf32, #tpu.memory_space<vmem>>
    %dma_wait3A_967 = tpu.memref_squeeze %dma_wait3A_966 : memref<1x128x8xf32, #tpu.memory_space<vmem>> -> memref<128x8xf32, #tpu.memory_space<vmem>>
    %dma_wait3A_968 = arith.constant 0 : i32
    %dma_wait3A_969 = tpu.memref_slice %arg7[%dma_wait3A_963, %dma_wait3A_968] : memref<25x128xi32, #tpu.memory_space<vmem>> -> memref<1x128xi32, #tpu.memory_space<vmem>>
    %dma_wait3A_970 = tpu.memref_squeeze %dma_wait3A_969 : memref<1x128xi32, #tpu.memory_space<vmem>> -> memref<128xi32, #tpu.memory_space<vmem>>
    %dma_wait3A_971 = arith.constant 0 : i32
    %dma_wait3A_972 = arith.constant 0 : i32
    %dma_wait3A_973 = tpu.memref_slice %arg9[%dma_wait3A_971, %dma_wait3A_972] : memref<10240x8xf32, #tpu.memory_space<vmem_shared>> -> memref<10240x8xf32, #tpu.memory_space<vmem_shared>>
    tpu.wait_indirect_dma semaphore(%arg11 : memref<!tpu.dma_semaphore, #tpu.memory_space<semaphore_mem>>) src(%dma_wait3A_967 : memref<128x8xf32, #tpu.memory_space<vmem>>) dst(%dma_wait3A_973 : memref<10240x8xf32, #tpu.memory_space<vmem_shared>>)
    %dma_wait3A_974 = arith.constant 6 : i32
    %dma_wait3A_975 = arith.constant 6 : i32
    %dma_wait3A_976 = arith.constant 0 : i32
    %dma_wait3A_977 = arith.constant 0 : i32
    %dma_wait3A_978 = tpu.memref_slice %arg8[%dma_wait3A_974, %dma_wait3A_976, %dma_wait3A_977] : memref<25x128x8xf32, #tpu.memory_space<vmem>> -> memref<1x128x8xf32, #tpu.memory_space<vmem>>
    %dma_wait3A_979 = tpu.memref_squeeze %dma_wait3A_978 : memref<1x128x8xf32, #tpu.memory_space<vmem>> -> memref<128x8xf32, #tpu.memory_space<vmem>>
    %dma_wait3A_980 = arith.constant 0 : i32
    %dma_wait3A_981 = tpu.memref_slice %arg7[%dma_wait3A_975, %dma_wait3A_980] : memref<25x128xi32, #tpu.memory_space<vmem>> -> memref<1x128xi32, #tpu.memory_space<vmem>>
    %dma_wait3A_982 = tpu.memref_squeeze %dma_wait3A_981 : memref<1x128xi32, #tpu.memory_space<vmem>> -> memref<128xi32, #tpu.memory_space<vmem>>
    %dma_wait3A_983 = arith.constant 0 : i32
    %dma_wait3A_984 = arith.constant 0 : i32
    %dma_wait3A_985 = tpu.memref_slice %arg9[%dma_wait3A_983, %dma_wait3A_984] : memref<10240x8xf32, #tpu.memory_space<vmem_shared>> -> memref<10240x8xf32, #tpu.memory_space<vmem_shared>>
    tpu.wait_indirect_dma semaphore(%arg11 : memref<!tpu.dma_semaphore, #tpu.memory_space<semaphore_mem>>) src(%dma_wait3A_979 : memref<128x8xf32, #tpu.memory_space<vmem>>) dst(%dma_wait3A_985 : memref<10240x8xf32, #tpu.memory_space<vmem_shared>>)
    %dma_wait3A_986 = arith.constant 7 : i32
    %dma_wait3A_987 = arith.constant 7 : i32
    %dma_wait3A_988 = arith.constant 0 : i32
    %dma_wait3A_989 = arith.constant 0 : i32
    %dma_wait3A_990 = tpu.memref_slice %arg8[%dma_wait3A_986, %dma_wait3A_988, %dma_wait3A_989] : memref<25x128x8xf32, #tpu.memory_space<vmem>> -> memref<1x128x8xf32, #tpu.memory_space<vmem>>
    %dma_wait3A_991 = tpu.memref_squeeze %dma_wait3A_990 : memref<1x128x8xf32, #tpu.memory_space<vmem>> -> memref<128x8xf32, #tpu.memory_space<vmem>>
    %dma_wait3A_992 = arith.constant 0 : i32
    %dma_wait3A_993 = tpu.memref_slice %arg7[%dma_wait3A_987, %dma_wait3A_992] : memref<25x128xi32, #tpu.memory_space<vmem>> -> memref<1x128xi32, #tpu.memory_space<vmem>>
    %dma_wait3A_994 = tpu.memref_squeeze %dma_wait3A_993 : memref<1x128xi32, #tpu.memory_space<vmem>> -> memref<128xi32, #tpu.memory_space<vmem>>
    %dma_wait3A_995 = arith.constant 0 : i32
    %dma_wait3A_996 = arith.constant 0 : i32
    %dma_wait3A_997 = tpu.memref_slice %arg9[%dma_wait3A_995, %dma_wait3A_996] : memref<10240x8xf32, #tpu.memory_space<vmem_shared>> -> memref<10240x8xf32, #tpu.memory_space<vmem_shared>>
    tpu.wait_indirect_dma semaphore(%arg11 : memref<!tpu.dma_semaphore, #tpu.memory_space<semaphore_mem>>) src(%dma_wait3A_991 : memref<128x8xf32, #tpu.memory_space<vmem>>) dst(%dma_wait3A_997 : memref<10240x8xf32, #tpu.memory_space<vmem_shared>>)
    %dma_wait3A_998 = arith.constant 8 : i32
    %dma_wait3A_999 = arith.constant 8 : i32
    %dma_wait3A_1000 = arith.constant 0 : i32
    %dma_wait3A_1001 = arith.constant 0 : i32
    %dma_wait3A_1002 = tpu.memref_slice %arg8[%dma_wait3A_998, %dma_wait3A_1000, %dma_wait3A_1001] : memref<25x128x8xf32, #tpu.memory_space<vmem>> -> memref<1x128x8xf32, #tpu.memory_space<vmem>>
    %dma_wait3A_1003 = tpu.memref_squeeze %dma_wait3A_1002 : memref<1x128x8xf32, #tpu.memory_space<vmem>> -> memref<128x8xf32, #tpu.memory_space<vmem>>
    %dma_wait3A_1004 = arith.constant 0 : i32
    %dma_wait3A_1005 = tpu.memref_slice %arg7[%dma_wait3A_999, %dma_wait3A_1004] : memref<25x128xi32, #tpu.memory_space<vmem>> -> memref<1x128xi32, #tpu.memory_space<vmem>>
    %dma_wait3A_1006 = tpu.memref_squeeze %dma_wait3A_1005 : memref<1x128xi32, #tpu.memory_space<vmem>> -> memref<128xi32, #tpu.memory_space<vmem>>
    %dma_wait3A_1007 = arith.constant 0 : i32
    %dma_wait3A_1008 = arith.constant 0 : i32
    %dma_wait3A_1009 = tpu.memref_slice %arg9[%dma_wait3A_1007, %dma_wait3A_1008] : memref<10240x8xf32, #tpu.memory_space<vmem_shared>> -> memref<10240x8xf32, #tpu.memory_space<vmem_shared>>
    tpu.wait_indirect_dma semaphore(%arg11 : memref<!tpu.dma_semaphore, #tpu.memory_space<semaphore_mem>>) src(%dma_wait3A_1003 : memref<128x8xf32, #tpu.memory_space<vmem>>) dst(%dma_wait3A_1009 : memref<10240x8xf32, #tpu.memory_space<vmem_shared>>)
    %dma_wait3A_1010 = arith.constant 9 : i32
    %dma_wait3A_1011 = arith.constant 9 : i32
    %dma_wait3A_1012 = arith.constant 0 : i32
    %dma_wait3A_1013 = arith.constant 0 : i32
    %dma_wait3A_1014 = tpu.memref_slice %arg8[%dma_wait3A_1010, %dma_wait3A_1012, %dma_wait3A_1013] : memref<25x128x8xf32, #tpu.memory_space<vmem>> -> memref<1x128x8xf32, #tpu.memory_space<vmem>>
    %dma_wait3A_1015 = tpu.memref_squeeze %dma_wait3A_1014 : memref<1x128x8xf32, #tpu.memory_space<vmem>> -> memref<128x8xf32, #tpu.memory_space<vmem>>
    %dma_wait3A_1016 = arith.constant 0 : i32
    %dma_wait3A_1017 = tpu.memref_slice %arg7[%dma_wait3A_1011, %dma_wait3A_1016] : memref<25x128xi32, #tpu.memory_space<vmem>> -> memref<1x128xi32, #tpu.memory_space<vmem>>
    %dma_wait3A_1018 = tpu.memref_squeeze %dma_wait3A_1017 : memref<1x128xi32, #tpu.memory_space<vmem>> -> memref<128xi32, #tpu.memory_space<vmem>>
    %dma_wait3A_1019 = arith.constant 0 : i32
    %dma_wait3A_1020 = arith.constant 0 : i32
    %dma_wait3A_1021 = tpu.memref_slice %arg9[%dma_wait3A_1019, %dma_wait3A_1020] : memref<10240x8xf32, #tpu.memory_space<vmem_shared>> -> memref<10240x8xf32, #tpu.memory_space<vmem_shared>>
    tpu.wait_indirect_dma semaphore(%arg11 : memref<!tpu.dma_semaphore, #tpu.memory_space<semaphore_mem>>) src(%dma_wait3A_1015 : memref<128x8xf32, #tpu.memory_space<vmem>>) dst(%dma_wait3A_1021 : memref<10240x8xf32, #tpu.memory_space<vmem_shared>>)
    %dma_wait3A_1022 = arith.constant 10 : i32
    %dma_wait3A_1023 = arith.constant 10 : i32
    %dma_wait3A_1024 = arith.constant 0 : i32
    %dma_wait3A_1025 = arith.constant 0 : i32
    %dma_wait3A_1026 = tpu.memref_slice %arg8[%dma_wait3A_1022, %dma_wait3A_1024, %dma_wait3A_1025] : memref<25x128x8xf32, #tpu.memory_space<vmem>> -> memref<1x128x8xf32, #tpu.memory_space<vmem>>
    %dma_wait3A_1027 = tpu.memref_squeeze %dma_wait3A_1026 : memref<1x128x8xf32, #tpu.memory_space<vmem>> -> memref<128x8xf32, #tpu.memory_space<vmem>>
    %dma_wait3A_1028 = arith.constant 0 : i32
    %dma_wait3A_1029 = tpu.memref_slice %arg7[%dma_wait3A_1023, %dma_wait3A_1028] : memref<25x128xi32, #tpu.memory_space<vmem>> -> memref<1x128xi32, #tpu.memory_space<vmem>>
    %dma_wait3A_1030 = tpu.memref_squeeze %dma_wait3A_1029 : memref<1x128xi32, #tpu.memory_space<vmem>> -> memref<128xi32, #tpu.memory_space<vmem>>
    %dma_wait3A_1031 = arith.constant 0 : i32
    %dma_wait3A_1032 = arith.constant 0 : i32
    %dma_wait3A_1033 = tpu.memref_slice %arg9[%dma_wait3A_1031, %dma_wait3A_1032] : memref<10240x8xf32, #tpu.memory_space<vmem_shared>> -> memref<10240x8xf32, #tpu.memory_space<vmem_shared>>
    tpu.wait_indirect_dma semaphore(%arg11 : memref<!tpu.dma_semaphore, #tpu.memory_space<semaphore_mem>>) src(%dma_wait3A_1027 : memref<128x8xf32, #tpu.memory_space<vmem>>) dst(%dma_wait3A_1033 : memref<10240x8xf32, #tpu.memory_space<vmem_shared>>)
    %dma_wait3A_1034 = arith.constant 11 : i32
    %dma_wait3A_1035 = arith.constant 11 : i32
    %dma_wait3A_1036 = arith.constant 0 : i32
    %dma_wait3A_1037 = arith.constant 0 : i32
    %dma_wait3A_1038 = tpu.memref_slice %arg8[%dma_wait3A_1034, %dma_wait3A_1036, %dma_wait3A_1037] : memref<25x128x8xf32, #tpu.memory_space<vmem>> -> memref<1x128x8xf32, #tpu.memory_space<vmem>>
    %dma_wait3A_1039 = tpu.memref_squeeze %dma_wait3A_1038 : memref<1x128x8xf32, #tpu.memory_space<vmem>> -> memref<128x8xf32, #tpu.memory_space<vmem>>
    %dma_wait3A_1040 = arith.constant 0 : i32
    %dma_wait3A_1041 = tpu.memref_slice %arg7[%dma_wait3A_1035, %dma_wait3A_1040] : memref<25x128xi32, #tpu.memory_space<vmem>> -> memref<1x128xi32, #tpu.memory_space<vmem>>
    %dma_wait3A_1042 = tpu.memref_squeeze %dma_wait3A_1041 : memref<1x128xi32, #tpu.memory_space<vmem>> -> memref<128xi32, #tpu.memory_space<vmem>>
    %dma_wait3A_1043 = arith.constant 0 : i32
    %dma_wait3A_1044 = arith.constant 0 : i32
    %dma_wait3A_1045 = tpu.memref_slice %arg9[%dma_wait3A_1043, %dma_wait3A_1044] : memref<10240x8xf32, #tpu.memory_space<vmem_shared>> -> memref<10240x8xf32, #tpu.memory_space<vmem_shared>>
    tpu.wait_indirect_dma semaphore(%arg11 : memref<!tpu.dma_semaphore, #tpu.memory_space<semaphore_mem>>) src(%dma_wait3A_1039 : memref<128x8xf32, #tpu.memory_space<vmem>>) dst(%dma_wait3A_1045 : memref<10240x8xf32, #tpu.memory_space<vmem_shared>>)
    %dma_wait3A_1046 = arith.constant 12 : i32
    %dma_wait3A_1047 = arith.constant 12 : i32
    %dma_wait3A_1048 = arith.constant 0 : i32
    %dma_wait3A_1049 = arith.constant 0 : i32
    %dma_wait3A_1050 = tpu.memref_slice %arg8[%dma_wait3A_1046, %dma_wait3A_1048, %dma_wait3A_1049] : memref<25x128x8xf32, #tpu.memory_space<vmem>> -> memref<1x128x8xf32, #tpu.memory_space<vmem>>
    %dma_wait3A_1051 = tpu.memref_squeeze %dma_wait3A_1050 : memref<1x128x8xf32, #tpu.memory_space<vmem>> -> memref<128x8xf32, #tpu.memory_space<vmem>>
    %dma_wait3A_1052 = arith.constant 0 : i32
    %dma_wait3A_1053 = tpu.memref_slice %arg7[%dma_wait3A_1047, %dma_wait3A_1052] : memref<25x128xi32, #tpu.memory_space<vmem>> -> memref<1x128xi32, #tpu.memory_space<vmem>>
    %dma_wait3A_1054 = tpu.memref_squeeze %dma_wait3A_1053 : memref<1x128xi32, #tpu.memory_space<vmem>> -> memref<128xi32, #tpu.memory_space<vmem>>
    %dma_wait3A_1055 = arith.constant 0 : i32
    %dma_wait3A_1056 = arith.constant 0 : i32
    %dma_wait3A_1057 = tpu.memref_slice %arg9[%dma_wait3A_1055, %dma_wait3A_1056] : memref<10240x8xf32, #tpu.memory_space<vmem_shared>> -> memref<10240x8xf32, #tpu.memory_space<vmem_shared>>
    tpu.wait_indirect_dma semaphore(%arg11 : memref<!tpu.dma_semaphore, #tpu.memory_space<semaphore_mem>>) src(%dma_wait3A_1051 : memref<128x8xf32, #tpu.memory_space<vmem>>) dst(%dma_wait3A_1057 : memref<10240x8xf32, #tpu.memory_space<vmem_shared>>)
    %dma_wait3A_1058 = arith.constant 13 : i32
    %dma_wait3A_1059 = arith.constant 13 : i32
    %dma_wait3A_1060 = arith.constant 0 : i32
    %dma_wait3A_1061 = arith.constant 0 : i32
    %dma_wait3A_1062 = tpu.memref_slice %arg8[%dma_wait3A_1058, %dma_wait3A_1060, %dma_wait3A_1061] : memref<25x128x8xf32, #tpu.memory_space<vmem>> -> memref<1x128x8xf32, #tpu.memory_space<vmem>>
    %dma_wait3A_1063 = tpu.memref_squeeze %dma_wait3A_1062 : memref<1x128x8xf32, #tpu.memory_space<vmem>> -> memref<128x8xf32, #tpu.memory_space<vmem>>
    %dma_wait3A_1064 = arith.constant 0 : i32
    %dma_wait3A_1065 = tpu.memref_slice %arg7[%dma_wait3A_1059, %dma_wait3A_1064] : memref<25x128xi32, #tpu.memory_space<vmem>> -> memref<1x128xi32, #tpu.memory_space<vmem>>
    %dma_wait3A_1066 = tpu.memref_squeeze %dma_wait3A_1065 : memref<1x128xi32, #tpu.memory_space<vmem>> -> memref<128xi32, #tpu.memory_space<vmem>>
    %dma_wait3A_1067 = arith.constant 0 : i32
    %dma_wait3A_1068 = arith.constant 0 : i32
    %dma_wait3A_1069 = tpu.memref_slice %arg9[%dma_wait3A_1067, %dma_wait3A_1068] : memref<10240x8xf32, #tpu.memory_space<vmem_shared>> -> memref<10240x8xf32, #tpu.memory_space<vmem_shared>>
    tpu.wait_indirect_dma semaphore(%arg11 : memref<!tpu.dma_semaphore, #tpu.memory_space<semaphore_mem>>) src(%dma_wait3A_1063 : memref<128x8xf32, #tpu.memory_space<vmem>>) dst(%dma_wait3A_1069 : memref<10240x8xf32, #tpu.memory_space<vmem_shared>>)
    %dma_wait3A_1070 = arith.constant 14 : i32
    %dma_wait3A_1071 = arith.constant 14 : i32
    %dma_wait3A_1072 = arith.constant 0 : i32
    %dma_wait3A_1073 = arith.constant 0 : i32
    %dma_wait3A_1074 = tpu.memref_slice %arg8[%dma_wait3A_1070, %dma_wait3A_1072, %dma_wait3A_1073] : memref<25x128x8xf32, #tpu.memory_space<vmem>> -> memref<1x128x8xf32, #tpu.memory_space<vmem>>
    %dma_wait3A_1075 = tpu.memref_squeeze %dma_wait3A_1074 : memref<1x128x8xf32, #tpu.memory_space<vmem>> -> memref<128x8xf32, #tpu.memory_space<vmem>>
    %dma_wait3A_1076 = arith.constant 0 : i32
    %dma_wait3A_1077 = tpu.memref_slice %arg7[%dma_wait3A_1071, %dma_wait3A_1076] : memref<25x128xi32, #tpu.memory_space<vmem>> -> memref<1x128xi32, #tpu.memory_space<vmem>>
    %dma_wait3A_1078 = tpu.memref_squeeze %dma_wait3A_1077 : memref<1x128xi32, #tpu.memory_space<vmem>> -> memref<128xi32, #tpu.memory_space<vmem>>
    %dma_wait3A_1079 = arith.constant 0 : i32
    %dma_wait3A_1080 = arith.constant 0 : i32
    %dma_wait3A_1081 = tpu.memref_slice %arg9[%dma_wait3A_1079, %dma_wait3A_1080] : memref<10240x8xf32, #tpu.memory_space<vmem_shared>> -> memref<10240x8xf32, #tpu.memory_space<vmem_shared>>
    tpu.wait_indirect_dma semaphore(%arg11 : memref<!tpu.dma_semaphore, #tpu.memory_space<semaphore_mem>>) src(%dma_wait3A_1075 : memref<128x8xf32, #tpu.memory_space<vmem>>) dst(%dma_wait3A_1081 : memref<10240x8xf32, #tpu.memory_space<vmem_shared>>)
    %dma_wait3A_1082 = arith.constant 15 : i32
    %dma_wait3A_1083 = arith.constant 15 : i32
    %dma_wait3A_1084 = arith.constant 0 : i32
    %dma_wait3A_1085 = arith.constant 0 : i32
    %dma_wait3A_1086 = tpu.memref_slice %arg8[%dma_wait3A_1082, %dma_wait3A_1084, %dma_wait3A_1085] : memref<25x128x8xf32, #tpu.memory_space<vmem>> -> memref<1x128x8xf32, #tpu.memory_space<vmem>>
    %dma_wait3A_1087 = tpu.memref_squeeze %dma_wait3A_1086 : memref<1x128x8xf32, #tpu.memory_space<vmem>> -> memref<128x8xf32, #tpu.memory_space<vmem>>
    %dma_wait3A_1088 = arith.constant 0 : i32
    %dma_wait3A_1089 = tpu.memref_slice %arg7[%dma_wait3A_1083, %dma_wait3A_1088] : memref<25x128xi32, #tpu.memory_space<vmem>> -> memref<1x128xi32, #tpu.memory_space<vmem>>
    %dma_wait3A_1090 = tpu.memref_squeeze %dma_wait3A_1089 : memref<1x128xi32, #tpu.memory_space<vmem>> -> memref<128xi32, #tpu.memory_space<vmem>>
    %dma_wait3A_1091 = arith.constant 0 : i32
    %dma_wait3A_1092 = arith.constant 0 : i32
    %dma_wait3A_1093 = tpu.memref_slice %arg9[%dma_wait3A_1091, %dma_wait3A_1092] : memref<10240x8xf32, #tpu.memory_space<vmem_shared>> -> memref<10240x8xf32, #tpu.memory_space<vmem_shared>>
    tpu.wait_indirect_dma semaphore(%arg11 : memref<!tpu.dma_semaphore, #tpu.memory_space<semaphore_mem>>) src(%dma_wait3A_1087 : memref<128x8xf32, #tpu.memory_space<vmem>>) dst(%dma_wait3A_1093 : memref<10240x8xf32, #tpu.memory_space<vmem_shared>>)
    %dma_wait3A_1094 = arith.constant 16 : i32
    %dma_wait3A_1095 = arith.constant 16 : i32
    %dma_wait3A_1096 = arith.constant 0 : i32
    %dma_wait3A_1097 = arith.constant 0 : i32
    %dma_wait3A_1098 = tpu.memref_slice %arg8[%dma_wait3A_1094, %dma_wait3A_1096, %dma_wait3A_1097] : memref<25x128x8xf32, #tpu.memory_space<vmem>> -> memref<1x128x8xf32, #tpu.memory_space<vmem>>
    %dma_wait3A_1099 = tpu.memref_squeeze %dma_wait3A_1098 : memref<1x128x8xf32, #tpu.memory_space<vmem>> -> memref<128x8xf32, #tpu.memory_space<vmem>>
    %dma_wait3A_1100 = arith.constant 0 : i32
    %dma_wait3A_1101 = tpu.memref_slice %arg7[%dma_wait3A_1095, %dma_wait3A_1100] : memref<25x128xi32, #tpu.memory_space<vmem>> -> memref<1x128xi32, #tpu.memory_space<vmem>>
    %dma_wait3A_1102 = tpu.memref_squeeze %dma_wait3A_1101 : memref<1x128xi32, #tpu.memory_space<vmem>> -> memref<128xi32, #tpu.memory_space<vmem>>
    %dma_wait3A_1103 = arith.constant 0 : i32
    %dma_wait3A_1104 = arith.constant 0 : i32
    %dma_wait3A_1105 = tpu.memref_slice %arg9[%dma_wait3A_1103, %dma_wait3A_1104] : memref<10240x8xf32, #tpu.memory_space<vmem_shared>> -> memref<10240x8xf32, #tpu.memory_space<vmem_shared>>
    tpu.wait_indirect_dma semaphore(%arg11 : memref<!tpu.dma_semaphore, #tpu.memory_space<semaphore_mem>>) src(%dma_wait3A_1099 : memref<128x8xf32, #tpu.memory_space<vmem>>) dst(%dma_wait3A_1105 : memref<10240x8xf32, #tpu.memory_space<vmem_shared>>)
    %dma_wait3A_1106 = arith.constant 17 : i32
    %dma_wait3A_1107 = arith.constant 17 : i32
    %dma_wait3A_1108 = arith.constant 0 : i32
    %dma_wait3A_1109 = arith.constant 0 : i32
    %dma_wait3A_1110 = tpu.memref_slice %arg8[%dma_wait3A_1106, %dma_wait3A_1108, %dma_wait3A_1109] : memref<25x128x8xf32, #tpu.memory_space<vmem>> -> memref<1x128x8xf32, #tpu.memory_space<vmem>>
    %dma_wait3A_1111 = tpu.memref_squeeze %dma_wait3A_1110 : memref<1x128x8xf32, #tpu.memory_space<vmem>> -> memref<128x8xf32, #tpu.memory_space<vmem>>
    %dma_wait3A_1112 = arith.constant 0 : i32
    %dma_wait3A_1113 = tpu.memref_slice %arg7[%dma_wait3A_1107, %dma_wait3A_1112] : memref<25x128xi32, #tpu.memory_space<vmem>> -> memref<1x128xi32, #tpu.memory_space<vmem>>
    %dma_wait3A_1114 = tpu.memref_squeeze %dma_wait3A_1113 : memref<1x128xi32, #tpu.memory_space<vmem>> -> memref<128xi32, #tpu.memory_space<vmem>>
    %dma_wait3A_1115 = arith.constant 0 : i32
    %dma_wait3A_1116 = arith.constant 0 : i32
    %dma_wait3A_1117 = tpu.memref_slice %arg9[%dma_wait3A_1115, %dma_wait3A_1116] : memref<10240x8xf32, #tpu.memory_space<vmem_shared>> -> memref<10240x8xf32, #tpu.memory_space<vmem_shared>>
    tpu.wait_indirect_dma semaphore(%arg11 : memref<!tpu.dma_semaphore, #tpu.memory_space<semaphore_mem>>) src(%dma_wait3A_1111 : memref<128x8xf32, #tpu.memory_space<vmem>>) dst(%dma_wait3A_1117 : memref<10240x8xf32, #tpu.memory_space<vmem_shared>>)
    %dma_wait3A_1118 = arith.constant 18 : i32
    %dma_wait3A_1119 = arith.constant 18 : i32
    %dma_wait3A_1120 = arith.constant 0 : i32
    %dma_wait3A_1121 = arith.constant 0 : i32
    %dma_wait3A_1122 = tpu.memref_slice %arg8[%dma_wait3A_1118, %dma_wait3A_1120, %dma_wait3A_1121] : memref<25x128x8xf32, #tpu.memory_space<vmem>> -> memref<1x128x8xf32, #tpu.memory_space<vmem>>
    %dma_wait3A_1123 = tpu.memref_squeeze %dma_wait3A_1122 : memref<1x128x8xf32, #tpu.memory_space<vmem>> -> memref<128x8xf32, #tpu.memory_space<vmem>>
    %dma_wait3A_1124 = arith.constant 0 : i32
    %dma_wait3A_1125 = tpu.memref_slice %arg7[%dma_wait3A_1119, %dma_wait3A_1124] : memref<25x128xi32, #tpu.memory_space<vmem>> -> memref<1x128xi32, #tpu.memory_space<vmem>>
    %dma_wait3A_1126 = tpu.memref_squeeze %dma_wait3A_1125 : memref<1x128xi32, #tpu.memory_space<vmem>> -> memref<128xi32, #tpu.memory_space<vmem>>
    %dma_wait3A_1127 = arith.constant 0 : i32
    %dma_wait3A_1128 = arith.constant 0 : i32
    %dma_wait3A_1129 = tpu.memref_slice %arg9[%dma_wait3A_1127, %dma_wait3A_1128] : memref<10240x8xf32, #tpu.memory_space<vmem_shared>> -> memref<10240x8xf32, #tpu.memory_space<vmem_shared>>
    tpu.wait_indirect_dma semaphore(%arg11 : memref<!tpu.dma_semaphore, #tpu.memory_space<semaphore_mem>>) src(%dma_wait3A_1123 : memref<128x8xf32, #tpu.memory_space<vmem>>) dst(%dma_wait3A_1129 : memref<10240x8xf32, #tpu.memory_space<vmem_shared>>)
    %dma_wait3A_1130 = arith.constant 19 : i32
    %dma_wait3A_1131 = arith.constant 19 : i32
    %dma_wait3A_1132 = arith.constant 0 : i32
    %dma_wait3A_1133 = arith.constant 0 : i32
    %dma_wait3A_1134 = tpu.memref_slice %arg8[%dma_wait3A_1130, %dma_wait3A_1132, %dma_wait3A_1133] : memref<25x128x8xf32, #tpu.memory_space<vmem>> -> memref<1x128x8xf32, #tpu.memory_space<vmem>>
    %dma_wait3A_1135 = tpu.memref_squeeze %dma_wait3A_1134 : memref<1x128x8xf32, #tpu.memory_space<vmem>> -> memref<128x8xf32, #tpu.memory_space<vmem>>
    %dma_wait3A_1136 = arith.constant 0 : i32
    %dma_wait3A_1137 = tpu.memref_slice %arg7[%dma_wait3A_1131, %dma_wait3A_1136] : memref<25x128xi32, #tpu.memory_space<vmem>> -> memref<1x128xi32, #tpu.memory_space<vmem>>
    %dma_wait3A_1138 = tpu.memref_squeeze %dma_wait3A_1137 : memref<1x128xi32, #tpu.memory_space<vmem>> -> memref<128xi32, #tpu.memory_space<vmem>>
    %dma_wait3A_1139 = arith.constant 0 : i32
    %dma_wait3A_1140 = arith.constant 0 : i32
    %dma_wait3A_1141 = tpu.memref_slice %arg9[%dma_wait3A_1139, %dma_wait3A_1140] : memref<10240x8xf32, #tpu.memory_space<vmem_shared>> -> memref<10240x8xf32, #tpu.memory_space<vmem_shared>>
    tpu.wait_indirect_dma semaphore(%arg11 : memref<!tpu.dma_semaphore, #tpu.memory_space<semaphore_mem>>) src(%dma_wait3A_1135 : memref<128x8xf32, #tpu.memory_space<vmem>>) dst(%dma_wait3A_1141 : memref<10240x8xf32, #tpu.memory_space<vmem_shared>>)
    %dma_wait3A_1142 = arith.constant 20 : i32
    %dma_wait3A_1143 = arith.constant 20 : i32
    %dma_wait3A_1144 = arith.constant 0 : i32
    %dma_wait3A_1145 = arith.constant 0 : i32
    %dma_wait3A_1146 = tpu.memref_slice %arg8[%dma_wait3A_1142, %dma_wait3A_1144, %dma_wait3A_1145] : memref<25x128x8xf32, #tpu.memory_space<vmem>> -> memref<1x128x8xf32, #tpu.memory_space<vmem>>
    %dma_wait3A_1147 = tpu.memref_squeeze %dma_wait3A_1146 : memref<1x128x8xf32, #tpu.memory_space<vmem>> -> memref<128x8xf32, #tpu.memory_space<vmem>>
    %dma_wait3A_1148 = arith.constant 0 : i32
    %dma_wait3A_1149 = tpu.memref_slice %arg7[%dma_wait3A_1143, %dma_wait3A_1148] : memref<25x128xi32, #tpu.memory_space<vmem>> -> memref<1x128xi32, #tpu.memory_space<vmem>>
    %dma_wait3A_1150 = tpu.memref_squeeze %dma_wait3A_1149 : memref<1x128xi32, #tpu.memory_space<vmem>> -> memref<128xi32, #tpu.memory_space<vmem>>
    %dma_wait3A_1151 = arith.constant 0 : i32
    %dma_wait3A_1152 = arith.constant 0 : i32
    %dma_wait3A_1153 = tpu.memref_slice %arg9[%dma_wait3A_1151, %dma_wait3A_1152] : memref<10240x8xf32, #tpu.memory_space<vmem_shared>> -> memref<10240x8xf32, #tpu.memory_space<vmem_shared>>
    tpu.wait_indirect_dma semaphore(%arg11 : memref<!tpu.dma_semaphore, #tpu.memory_space<semaphore_mem>>) src(%dma_wait3A_1147 : memref<128x8xf32, #tpu.memory_space<vmem>>) dst(%dma_wait3A_1153 : memref<10240x8xf32, #tpu.memory_space<vmem_shared>>)
    %dma_wait3A_1154 = arith.constant 21 : i32
    %dma_wait3A_1155 = arith.constant 21 : i32
    %dma_wait3A_1156 = arith.constant 0 : i32
    %dma_wait3A_1157 = arith.constant 0 : i32
    %dma_wait3A_1158 = tpu.memref_slice %arg8[%dma_wait3A_1154, %dma_wait3A_1156, %dma_wait3A_1157] : memref<25x128x8xf32, #tpu.memory_space<vmem>> -> memref<1x128x8xf32, #tpu.memory_space<vmem>>
    %dma_wait3A_1159 = tpu.memref_squeeze %dma_wait3A_1158 : memref<1x128x8xf32, #tpu.memory_space<vmem>> -> memref<128x8xf32, #tpu.memory_space<vmem>>
    %dma_wait3A_1160 = arith.constant 0 : i32
    %dma_wait3A_1161 = tpu.memref_slice %arg7[%dma_wait3A_1155, %dma_wait3A_1160] : memref<25x128xi32, #tpu.memory_space<vmem>> -> memref<1x128xi32, #tpu.memory_space<vmem>>
    %dma_wait3A_1162 = tpu.memref_squeeze %dma_wait3A_1161 : memref<1x128xi32, #tpu.memory_space<vmem>> -> memref<128xi32, #tpu.memory_space<vmem>>
    %dma_wait3A_1163 = arith.constant 0 : i32
    %dma_wait3A_1164 = arith.constant 0 : i32
    %dma_wait3A_1165 = tpu.memref_slice %arg9[%dma_wait3A_1163, %dma_wait3A_1164] : memref<10240x8xf32, #tpu.memory_space<vmem_shared>> -> memref<10240x8xf32, #tpu.memory_space<vmem_shared>>
    tpu.wait_indirect_dma semaphore(%arg11 : memref<!tpu.dma_semaphore, #tpu.memory_space<semaphore_mem>>) src(%dma_wait3A_1159 : memref<128x8xf32, #tpu.memory_space<vmem>>) dst(%dma_wait3A_1165 : memref<10240x8xf32, #tpu.memory_space<vmem_shared>>)
    %dma_wait3A_1166 = arith.constant 22 : i32
    %dma_wait3A_1167 = arith.constant 22 : i32
    %dma_wait3A_1168 = arith.constant 0 : i32
    %dma_wait3A_1169 = arith.constant 0 : i32
    %dma_wait3A_1170 = tpu.memref_slice %arg8[%dma_wait3A_1166, %dma_wait3A_1168, %dma_wait3A_1169] : memref<25x128x8xf32, #tpu.memory_space<vmem>> -> memref<1x128x8xf32, #tpu.memory_space<vmem>>
    %dma_wait3A_1171 = tpu.memref_squeeze %dma_wait3A_1170 : memref<1x128x8xf32, #tpu.memory_space<vmem>> -> memref<128x8xf32, #tpu.memory_space<vmem>>
    %dma_wait3A_1172 = arith.constant 0 : i32
    %dma_wait3A_1173 = tpu.memref_slice %arg7[%dma_wait3A_1167, %dma_wait3A_1172] : memref<25x128xi32, #tpu.memory_space<vmem>> -> memref<1x128xi32, #tpu.memory_space<vmem>>
    %dma_wait3A_1174 = tpu.memref_squeeze %dma_wait3A_1173 : memref<1x128xi32, #tpu.memory_space<vmem>> -> memref<128xi32, #tpu.memory_space<vmem>>
    %dma_wait3A_1175 = arith.constant 0 : i32
    %dma_wait3A_1176 = arith.constant 0 : i32
    %dma_wait3A_1177 = tpu.memref_slice %arg9[%dma_wait3A_1175, %dma_wait3A_1176] : memref<10240x8xf32, #tpu.memory_space<vmem_shared>> -> memref<10240x8xf32, #tpu.memory_space<vmem_shared>>
    tpu.wait_indirect_dma semaphore(%arg11 : memref<!tpu.dma_semaphore, #tpu.memory_space<semaphore_mem>>) src(%dma_wait3A_1171 : memref<128x8xf32, #tpu.memory_space<vmem>>) dst(%dma_wait3A_1177 : memref<10240x8xf32, #tpu.memory_space<vmem_shared>>)
    %dma_wait3A_1178 = arith.constant 23 : i32
    %dma_wait3A_1179 = arith.constant 23 : i32
    %dma_wait3A_1180 = arith.constant 0 : i32
    %dma_wait3A_1181 = arith.constant 0 : i32
    %dma_wait3A_1182 = tpu.memref_slice %arg8[%dma_wait3A_1178, %dma_wait3A_1180, %dma_wait3A_1181] : memref<25x128x8xf32, #tpu.memory_space<vmem>> -> memref<1x128x8xf32, #tpu.memory_space<vmem>>
    %dma_wait3A_1183 = tpu.memref_squeeze %dma_wait3A_1182 : memref<1x128x8xf32, #tpu.memory_space<vmem>> -> memref<128x8xf32, #tpu.memory_space<vmem>>
    %dma_wait3A_1184 = arith.constant 0 : i32
    %dma_wait3A_1185 = tpu.memref_slice %arg7[%dma_wait3A_1179, %dma_wait3A_1184] : memref<25x128xi32, #tpu.memory_space<vmem>> -> memref<1x128xi32, #tpu.memory_space<vmem>>
    %dma_wait3A_1186 = tpu.memref_squeeze %dma_wait3A_1185 : memref<1x128xi32, #tpu.memory_space<vmem>> -> memref<128xi32, #tpu.memory_space<vmem>>
    %dma_wait3A_1187 = arith.constant 0 : i32
    %dma_wait3A_1188 = arith.constant 0 : i32
    %dma_wait3A_1189 = tpu.memref_slice %arg9[%dma_wait3A_1187, %dma_wait3A_1188] : memref<10240x8xf32, #tpu.memory_space<vmem_shared>> -> memref<10240x8xf32, #tpu.memory_space<vmem_shared>>
    tpu.wait_indirect_dma semaphore(%arg11 : memref<!tpu.dma_semaphore, #tpu.memory_space<semaphore_mem>>) src(%dma_wait3A_1183 : memref<128x8xf32, #tpu.memory_space<vmem>>) dst(%dma_wait3A_1189 : memref<10240x8xf32, #tpu.memory_space<vmem_shared>>)
    %dma_wait3A_1190 = arith.constant 24 : i32
    %dma_wait3A_1191 = arith.constant 24 : i32
    %dma_wait3A_1192 = arith.constant 0 : i32
    %dma_wait3A_1193 = arith.constant 0 : i32
    %dma_wait3A_1194 = tpu.memref_slice %arg8[%dma_wait3A_1190, %dma_wait3A_1192, %dma_wait3A_1193] : memref<25x128x8xf32, #tpu.memory_space<vmem>> -> memref<1x128x8xf32, #tpu.memory_space<vmem>>
    %dma_wait3A_1195 = tpu.memref_squeeze %dma_wait3A_1194 : memref<1x128x8xf32, #tpu.memory_space<vmem>> -> memref<128x8xf32, #tpu.memory_space<vmem>>
    %dma_wait3A_1196 = arith.constant 0 : i32
    %dma_wait3A_1197 = tpu.memref_slice %arg7[%dma_wait3A_1191, %dma_wait3A_1196] : memref<25x128xi32, #tpu.memory_space<vmem>> -> memref<1x128xi32, #tpu.memory_space<vmem>>
    %dma_wait3A_1198 = tpu.memref_squeeze %dma_wait3A_1197 : memref<1x128xi32, #tpu.memory_space<vmem>> -> memref<128xi32, #tpu.memory_space<vmem>>
    %dma_wait3A_1199 = arith.constant 0 : i32
    %dma_wait3A_1200 = arith.constant 0 : i32
    %dma_wait3A_1201 = tpu.memref_slice %arg9[%dma_wait3A_1199, %dma_wait3A_1200] : memref<10240x8xf32, #tpu.memory_space<vmem_shared>> -> memref<10240x8xf32, #tpu.memory_space<vmem_shared>>
    tpu.wait_indirect_dma semaphore(%arg11 : memref<!tpu.dma_semaphore, #tpu.memory_space<semaphore_mem>>) src(%dma_wait3A_1195 : memref<128x8xf32, #tpu.memory_space<vmem>>) dst(%dma_wait3A_1201 : memref<10240x8xf32, #tpu.memory_space<vmem_shared>>)
    %barrier3A_1202 = arith.constant 0 : index
    tpu.barrier barrier_id(%barrier3A_1202)
    %mul3A_1203 = arith.constant 640 : i32
    %mul3A_1204 = arith.muli %arg1, %mul3A_1203 : i32
    %eq3A = arith.constant 0 : i32
    %eq3A_1205 = arith.cmpi eq, %arg0, %eq3A : i32
    %convert_element_type3A = arith.extui %eq3A_1205 : i1 to i32
    %cond3A = arith.constant 0 : i32
    %cond3A_1206 = arith.cmpi ne, %convert_element_type3A, %cond3A : i32
    scf.if %cond3A_1206 {
      "tpu.region"() ({
        %run_scoped3A_1212 = tpu.sem_alloc : memref<!tpu.dma_semaphore, #tpu.memory_space<semaphore_mem>>
        %dma_start3A_1213 = arith.constant 0 : i32
        %dma_start3A_1214 = tpu.memref_slice %arg5[%mul3A_1204, %dma_start3A_1213] : memref<10240x16xf32, #tpu.memory_space<hbm>> -> memref<640x8xf32, #tpu.memory_space<hbm>>
        %dma_start3A_1215 = arith.constant 0 : i32
        %dma_start3A_1216 = tpu.memref_slice %arg9[%mul3A_1204, %dma_start3A_1215] : memref<10240x8xf32, #tpu.memory_space<vmem_shared>> -> memref<640x8xf32, #tpu.memory_space<vmem_shared>>
        tpu.enqueue_dma source(%dma_start3A_1216 : memref<640x8xf32, #tpu.memory_space<vmem_shared>>) target(%dma_start3A_1214 : memref<640x8xf32, #tpu.memory_space<hbm>>) target_semaphore(%run_scoped3A_1212 : memref<!tpu.dma_semaphore, #tpu.memory_space<semaphore_mem>>)
        %dma_wait3A_1217 = arith.constant 0 : i32
        %dma_wait3A_1218 = tpu.memref_slice %arg5[%mul3A_1204, %dma_wait3A_1217] : memref<10240x16xf32, #tpu.memory_space<hbm>> -> memref<640x8xf32, #tpu.memory_space<hbm>>
        %dma_wait3A_1219 = arith.constant 0 : i32
        %dma_wait3A_1220 = tpu.memref_slice %arg9[%mul3A_1204, %dma_wait3A_1219] : memref<10240x8xf32, #tpu.memory_space<vmem_shared>> -> memref<640x8xf32, #tpu.memory_space<vmem_shared>>
        tpu.wait_dma2 semaphore(%run_scoped3A_1212 : memref<!tpu.dma_semaphore, #tpu.memory_space<semaphore_mem>>) src(%dma_wait3A_1220 : memref<640x8xf32, #tpu.memory_space<vmem_shared>>) dst(%dma_wait3A_1218 : memref<640x8xf32, #tpu.memory_space<hbm>>)
        tpu.yield
      }) : () -> ()
    } else {
    }
    %eq3A_1207 = arith.constant 1 : i32
    %eq3A_1208 = arith.cmpi eq, %arg0, %eq3A_1207 : i32
    %convert_element_type3A_1209 = arith.extui %eq3A_1208 : i1 to i32
    %cond3A_1210 = arith.constant 0 : i32
    %cond3A_1211 = arith.cmpi ne, %convert_element_type3A_1209, %cond3A_1210 : i32
    scf.if %cond3A_1211 {
      "tpu.region"() ({
        %run_scoped3A_1212 = tpu.sem_alloc : memref<!tpu.dma_semaphore, #tpu.memory_space<semaphore_mem>>
        %dma_start3A_1213 = arith.constant 8 : i32
        %dma_start3A_1214 = tpu.memref_slice %arg5[%mul3A_1204, %dma_start3A_1213] : memref<10240x16xf32, #tpu.memory_space<hbm>> -> memref<640x8xf32, #tpu.memory_space<hbm>>
        %dma_start3A_1215 = arith.constant 0 : i32
        %dma_start3A_1216 = tpu.memref_slice %arg9[%mul3A_1204, %dma_start3A_1215] : memref<10240x8xf32, #tpu.memory_space<vmem_shared>> -> memref<640x8xf32, #tpu.memory_space<vmem_shared>>
        tpu.enqueue_dma source(%dma_start3A_1216 : memref<640x8xf32, #tpu.memory_space<vmem_shared>>) target(%dma_start3A_1214 : memref<640x8xf32, #tpu.memory_space<hbm>>) target_semaphore(%run_scoped3A_1212 : memref<!tpu.dma_semaphore, #tpu.memory_space<semaphore_mem>>)
        %dma_wait3A_1217 = arith.constant 8 : i32
        %dma_wait3A_1218 = tpu.memref_slice %arg5[%mul3A_1204, %dma_wait3A_1217] : memref<10240x16xf32, #tpu.memory_space<hbm>> -> memref<640x8xf32, #tpu.memory_space<hbm>>
        %dma_wait3A_1219 = arith.constant 0 : i32
        %dma_wait3A_1220 = tpu.memref_slice %arg9[%mul3A_1204, %dma_wait3A_1219] : memref<10240x8xf32, #tpu.memory_space<vmem_shared>> -> memref<640x8xf32, #tpu.memory_space<vmem_shared>>
        tpu.wait_dma2 semaphore(%run_scoped3A_1212 : memref<!tpu.dma_semaphore, #tpu.memory_space<semaphore_mem>>) src(%dma_wait3A_1220 : memref<640x8xf32, #tpu.memory_space<vmem_shared>>) dst(%dma_wait3A_1218 : memref<640x8xf32, #tpu.memory_space<hbm>>)
        tpu.yield
      }) : () -> ()
    } else {
    }
    return
  }
}

module attributes {stable_mosaic.version = 14 : i64} {
  func.func @_dense_body(%arg0: i32, %arg1: memref<2000x768xf32, #tpu.memory_space<vmem>>, %arg2: memref<768x768xf32, #tpu.memory_space<vmem>>, %arg3: memref<1x768xf32, #tpu.memory_space<vmem>>, %arg4: memref<768x768xf32, #tpu.memory_space<vmem>>, %arg5: memref<768x768xf32, #tpu.memory_space<vmem>>, %arg6: memref<1536x3xf32, #tpu.memory_space<vmem>>, %arg7: memref<1x768xf32, #tpu.memory_space<vmem>>, %arg8: memref<1x3xf32, #tpu.memory_space<vmem>>, %arg9: memref<2000x16xf32, #tpu.memory_space<vmem>>, %arg10: memref<2000x8xf32, #tpu.memory_space<vmem>>, %arg11: memref<1x16xf32, #tpu.memory_space<vmem>>, %arg12: memref<768x16xf32, #tpu.memory_space<vmem>>, %arg13: memref<768x768xbf16, #tpu.memory_space<vmem>>) attributes {dimension_semantics = [#tpu.dimension_semantics<arbitrary>], iteration_bounds = array<i64: 5>, scalar_prefetch = 0 : i64, scratch_operands = 2 : i64, tpu.core_type = #tpu.core_type<tc>, window_params = [{transform_indices = @transform_0, window_bounds = array<i64: 2000, 768>}, {pipeline_mode = #tpu.pipeline_mode<synchronous>, transform_indices = @transform_1, window_bounds = array<i64: 768, 768>}, {pipeline_mode = #tpu.pipeline_mode<synchronous>, transform_indices = @transform_2, window_bounds = array<i64: 1, 768>}, {pipeline_mode = #tpu.pipeline_mode<synchronous>, transform_indices = @transform_3, window_bounds = array<i64: 768, 768>}, {pipeline_mode = #tpu.pipeline_mode<synchronous>, transform_indices = @transform_4, window_bounds = array<i64: 768, 768>}, {pipeline_mode = #tpu.pipeline_mode<synchronous>, transform_indices = @transform_5, window_bounds = array<i64: 1536, 3>}, {pipeline_mode = #tpu.pipeline_mode<synchronous>, transform_indices = @transform_6, window_bounds = array<i64: 1, 768>}, {pipeline_mode = #tpu.pipeline_mode<synchronous>, transform_indices = @transform_7, window_bounds = array<i64: 1, 3>}, {transform_indices = @transform_8, window_bounds = array<i64: 2000, 16>}, {transform_indices = @transform_9, window_bounds = array<i64: 2000, 8>}, {pipeline_mode = #tpu.pipeline_mode<synchronous>, transform_indices = @transform_10, window_bounds = array<i64: 1, 16>}]} {
    %eq3A = arith.constant 0 : i32
    %eq3A_0 = arith.cmpi eq, %arg0, %eq3A : i32
    %convert_element_type3A = arith.extui %eq3A_0 : i1 to i32
    %cond3A = arith.constant 0 : i32
    %cond3A_1 = arith.cmpi ne, %convert_element_type3A, %cond3A : i32
    scf.if %cond3A_1 {
      %get3A_30 = arith.constant 0 : index
      %get3A_31 = arith.constant 0 : index
      %get3A_32 = vector.load %arg2[%get3A_30, %get3A_31] : memref<768x768xf32, #tpu.memory_space<vmem>>, vector<768x768xf32>
      %convert_element_type3A_33 = arith.truncf %get3A_32 : vector<768x768xf32> to vector<768x768xbf16>
      %swap3A_34 = arith.constant 0 : index
      %swap3A_35 = arith.constant 0 : index
      %swap3A_36 = vector.load %arg13[%swap3A_34, %swap3A_35] : memref<768x768xbf16, #tpu.memory_space<vmem>>, vector<768x768xbf16>
      tpu.vector_store %arg13[%swap3A_34, %swap3A_35], %convert_element_type3A_33 {strides = array<i32>} : memref<768x768xbf16, #tpu.memory_space<vmem>>, vector<768x768xbf16>,
      %get3A_37 = arith.constant 0 : index
      %get3A_38 = arith.constant 0 : index
      %get3A_39 = vector.load %arg6[%get3A_37, %get3A_38] : memref<1536x3xf32, #tpu.memory_space<vmem>>, vector<768x3xf32>
      %get3A_40 = arith.constant 768 : index
      %get3A_41 = arith.constant 0 : index
      %get3A_42 = vector.load %arg6[%get3A_40, %get3A_41] : memref<1536x3xf32, #tpu.memory_space<vmem>>, vector<768x3xf32>
      %concatenate3A = tpu.concatenate %get3A_39, %get3A_42 in 1 : vector<768x3xf32>, vector<768x3xf32> -> vector<768x6xf32>
      %broadcast_in_dim3A_43 = arith.constant 0.000000e+00 : f32
      %broadcast_in_dim3A_44 = vector.broadcast %broadcast_in_dim3A_43 : f32 to vector<768x2xf32>
      %concatenate3A_45 = tpu.concatenate %concatenate3A, %broadcast_in_dim3A_44, %broadcast_in_dim3A_44, %broadcast_in_dim3A_44, %broadcast_in_dim3A_44, %broadcast_in_dim3A_44 in 1 : vector<768x6xf32>, vector<768x2xf32>, vector<768x2xf32>, vector<768x2xf32>, vector<768x2xf32>, vector<768x2xf32> -> vector<768x16xf32>
      %concatenate3A_46 = tpu.concatenate %broadcast_in_dim3A_44, %broadcast_in_dim3A_44, %broadcast_in_dim3A_44, %broadcast_in_dim3A_44, %concatenate3A, %broadcast_in_dim3A_44 in 1 : vector<768x2xf32>, vector<768x2xf32>, vector<768x2xf32>, vector<768x2xf32>, vector<768x6xf32>, vector<768x2xf32> -> vector<768x16xf32>
      %get3A_47 = arith.constant 0 : index
      %get3A_48 = arith.constant 0 : index
      %get3A_49 = vector.load %arg4[%get3A_47, %get3A_48] : memref<768x768xf32, #tpu.memory_space<vmem>>, vector<768x768xf32>
      %dot_general3A_50 = arith.constant dense<0.000000e+00> : vector<768x16xf32>
      %dot_general3A_51 = tpu.matmul %get3A_49, %concatenate3A_45, %dot_general3A_50 {dimension_numbers = #tpu.dot_dimension_numbers<[1], [0], [0], [1], [0, 0, 1, 1], [], []>, transpose_lhs_hint = false} : vector<768x768xf32>, vector<768x16xf32>, vector<768x16xf32> -> vector<768x16xf32>
      %get3A_52 = arith.constant 0 : index
      %get3A_53 = arith.constant 0 : index
      %get3A_54 = vector.load %arg5[%get3A_52, %get3A_53] : memref<768x768xf32, #tpu.memory_space<vmem>>, vector<768x768xf32>
      %dot_general3A_55 = arith.constant dense<0.000000e+00> : vector<768x16xf32>
      %dot_general3A_56 = tpu.matmul %get3A_54, %concatenate3A_46, %dot_general3A_55 {dimension_numbers = #tpu.dot_dimension_numbers<[1], [0], [0], [1], [0, 0, 1, 1], [], []>, transpose_lhs_hint = false} : vector<768x768xf32>, vector<768x16xf32>, vector<768x16xf32> -> vector<768x16xf32>
      %add3A_57 = arith.addf %dot_general3A_51, %dot_general3A_56 : vector<768x16xf32>
      %add3A_58 = arith.addf %add3A_57, %concatenate3A_46 : vector<768x16xf32>
      %swap3A_59 = arith.constant 0 : index
      %swap3A_60 = arith.constant 0 : index
      %swap3A_61 = vector.load %arg12[%swap3A_59, %swap3A_60] : memref<768x16xf32, #tpu.memory_space<vmem>>, vector<768x16xf32>
      tpu.vector_store %arg12[%swap3A_59, %swap3A_60], %add3A_58 {strides = array<i32>} : memref<768x16xf32, #tpu.memory_space<vmem>>, vector<768x16xf32>,
      %get3A_62 = arith.constant 0 : index
      %get3A_63 = arith.constant 0 : index
      %get3A_64 = vector.load %arg7[%get3A_62, %get3A_63] : memref<1x768xf32, #tpu.memory_space<vmem>>, vector<1x768xf32>
      %dot_general3A_65 = arith.constant dense<0.000000e+00> : vector<1x16xf32>
      %dot_general3A_66 = tpu.matmul %get3A_64, %concatenate3A_45, %dot_general3A_65 {dimension_numbers = #tpu.dot_dimension_numbers<[1], [0], [0], [1], [0, 0, 1, 1], [], []>, transpose_lhs_hint = false} : vector<1x768xf32>, vector<768x16xf32>, vector<1x16xf32> -> vector<1x16xf32>
      %iota3A_67 = tpu.iota {dimensions = array<i32: 0>} : vector<16x16xi32>
      %iota3A_68 = tpu.iota {dimensions = array<i32: 1>} : vector<16x16xi32>
      %add3A_69 = arith.constant 3 : i32
      %add3A_70 = vector.broadcast %add3A_69 : i32 to vector<16x16xi32>
      %add3A_71 = arith.addi %iota3A_68, %add3A_70 : vector<16x16xi32>
      %eq3A_72 = arith.cmpi eq, %iota3A_67, %add3A_71 : vector<16x16xi32>
      %jit3A_73 = arith.constant 1.000000e+00 : f32
      %jit3A_74 = arith.constant 0.000000e+00 : f32
      %broadcast_in_dim3A_75 = vector.broadcast %jit3A_73 : f32 to vector<16x16xf32>
      %broadcast_in_dim3A_76 = vector.broadcast %jit3A_74 : f32 to vector<16x16xf32>
      %select_n3A_77 = arith.select %eq3A_72, %broadcast_in_dim3A_75, %broadcast_in_dim3A_76 : vector<16x16xi1>, vector<16x16xf32>
      %dot_general3A_78 = arith.constant dense<0.000000e+00> : vector<1x16xf32>
      %dot_general3A_79 = tpu.matmul %dot_general3A_66, %select_n3A_77, %dot_general3A_78 {dimension_numbers = #tpu.dot_dimension_numbers<[1], [0], [0], [1], [0, 0, 1, 1], [], []>, transpose_lhs_hint = false} : vector<1x16xf32>, vector<16x16xf32>, vector<1x16xf32> -> vector<1x16xf32>
      %get3A_80 = arith.constant 0 : index
      %get3A_81 = arith.constant 0 : index
      %get3A_82 = vector.load %arg8[%get3A_80, %get3A_81] : memref<1x3xf32, #tpu.memory_space<vmem>>, vector<1x3xf32>
      %broadcast_in_dim3A_83 = arith.constant 0.000000e+00 : f32
      %broadcast_in_dim3A_84 = vector.broadcast %broadcast_in_dim3A_83 : f32 to vector<1x13xf32>
      %concatenate3A_85 = tpu.concatenate %get3A_82, %broadcast_in_dim3A_84 in 1 : vector<1x3xf32>, vector<1x13xf32> -> vector<1x16xf32>
      %iota3A_86 = tpu.iota {dimensions = array<i32: 1>} : vector<1x16xi32>
      %lt3A = arith.constant 3 : i32
      %lt3A_87 = vector.broadcast %lt3A : i32 to vector<1x16xi32>
      %lt3A_88 = arith.cmpi slt, %iota3A_86, %lt3A_87 : vector<1x16xi32>
      %add3A_89 = arith.addf %dot_general3A_66, %dot_general3A_79 : vector<1x16xf32>
      %add3A_90 = arith.addf %add3A_89, %concatenate3A_85 : vector<1x16xf32>
      %jit3A_91 = arith.constant 0.000000e+00 : f32
      %broadcast_in_dim3A_92 = vector.broadcast %jit3A_91 : f32 to vector<1x16xf32>
      %select_n3A_93 = arith.select %lt3A_88, %add3A_90, %broadcast_in_dim3A_92 : vector<1x16xi1>, vector<1x16xf32>
      %swap3A_94 = arith.constant 0 : index
      %swap3A_95 = arith.constant 0 : index
      %swap3A_96 = vector.load %arg11[%swap3A_94, %swap3A_95] : memref<1x16xf32, #tpu.memory_space<vmem>>, vector<1x16xf32>
      tpu.vector_store %arg11[%swap3A_94, %swap3A_95], %select_n3A_93 {strides = array<i32>} : memref<1x16xf32, #tpu.memory_space<vmem>>, vector<1x16xf32>,
    } else {
    }
    %get3A = arith.constant 0 : index
    %get3A_2 = arith.constant 0 : index
    %get3A_3 = vector.load %arg1[%get3A, %get3A_2] : memref<2000x768xf32, #tpu.memory_space<vmem>>, vector<2000x768xf32>
    %convert_element_type3A_4 = arith.truncf %get3A_3 : vector<2000x768xf32> to vector<2000x768xbf16>
    %get3A_5 = arith.constant 0 : index
    %get3A_6 = arith.constant 0 : index
    %get3A_7 = vector.load %arg13[%get3A_5, %get3A_6] : memref<768x768xbf16, #tpu.memory_space<vmem>>, vector<768x768xbf16>
    %dot_general3A = arith.constant dense<0.000000e+00> : vector<2000x768xf32>
    %dot_general3A_8 = tpu.matmul %convert_element_type3A_4, %get3A_7, %dot_general3A {dimension_numbers = #tpu.dot_dimension_numbers<[1], [0], [0], [1], [0, 0, 1, 1], [], []>, transpose_lhs_hint = false} : vector<2000x768xbf16>, vector<768x768xbf16>, vector<2000x768xf32> -> vector<2000x768xf32>
    %get3A_9 = arith.constant 0 : index
    %get3A_10 = arith.constant 0 : index
    %get3A_11 = vector.load %arg3[%get3A_9, %get3A_10] : memref<1x768xf32, #tpu.memory_space<vmem>>, vector<1x768xf32>
    %add3A = vector.broadcast %get3A_11 : vector<1x768xf32> to vector<2000x768xf32>
    %add3A_12 = arith.addf %dot_general3A_8, %add3A : vector<2000x768xf32>
    %max3A = arith.constant 0.000000e+00 : f32
    %max3A_13 = vector.broadcast %max3A : f32 to vector<2000x768xf32>
    %max3A_14 = arith.maximumf %add3A_12, %max3A_13 : vector<2000x768xf32>
    %convert_element_type3A_15 = arith.truncf %max3A_14 : vector<2000x768xf32> to vector<2000x768xbf16>
    %get3A_16 = arith.constant 0 : index
    %get3A_17 = arith.constant 0 : index
    %get3A_18 = vector.load %arg12[%get3A_16, %get3A_17] : memref<768x16xf32, #tpu.memory_space<vmem>>, vector<768x16xf32>
    %convert_element_type3A_19 = arith.truncf %get3A_18 : vector<768x16xf32> to vector<768x16xbf16>
    %dot_general3A_20 = arith.constant dense<0.000000e+00> : vector<2000x16xf32>
    %dot_general3A_21 = tpu.matmul %convert_element_type3A_15, %convert_element_type3A_19, %dot_general3A_20 {dimension_numbers = #tpu.dot_dimension_numbers<[1], [0], [0], [1], [0, 0, 1, 1], [], []>, transpose_lhs_hint = false} : vector<2000x768xbf16>, vector<768x16xbf16>, vector<2000x16xf32> -> vector<2000x16xf32>
    %iota3A = tpu.iota {dimensions = array<i32: 1>} : vector<2000x16xi32>
    %eq3A_22 = arith.constant 6 : i32
    %eq3A_23 = vector.broadcast %eq3A_22 : i32 to vector<2000x16xi32>
    %eq3A_24 = arith.cmpi eq, %iota3A, %eq3A_23 : vector<2000x16xi32>
    %jit3A = arith.constant 1.000000e+00 : f32
    %broadcast_in_dim3A = vector.broadcast %jit3A : f32 to vector<2000x16xf32>
    %select_n3A = arith.select %eq3A_24, %broadcast_in_dim3A, %dot_general3A_21 : vector<2000x16xi1>, vector<2000x16xf32>
    %swap3A = arith.constant 0 : index
    %swap3A_25 = arith.constant 0 : index
    %swap3A_26 = vector.load %arg9[%swap3A, %swap3A_25] : memref<2000x16xf32, #tpu.memory_space<vmem>>, vector<2000x16xf32>
    tpu.vector_store %arg9[%swap3A, %swap3A_25], %select_n3A {strides = array<i32>} : memref<2000x16xf32, #tpu.memory_space<vmem>>, vector<2000x16xf32>,
    %slice3A = vector.extract_strided_slice %select_n3A {offsets = [0, 0], sizes = [2000, 8], strides = [1, 1]} : vector<2000x16xf32> to vector<2000x8xf32>
    %swap3A_27 = arith.constant 0 : index
    %swap3A_28 = arith.constant 0 : index
    %swap3A_29 = vector.load %arg10[%swap3A_27, %swap3A_28] : memref<2000x8xf32, #tpu.memory_space<vmem>>, vector<2000x8xf32>
    tpu.vector_store %arg10[%swap3A_27, %swap3A_28], %slice3A {strides = array<i32>} : memref<2000x8xf32, #tpu.memory_space<vmem>>, vector<2000x8xf32>,
    return
  }
  func.func @transform_0(%arg0: i32) -> (i32, i32) {
    %c0_i32 = arith.constant 0 : i32
    %c0_i32_0 = arith.constant 0 : i32
    return %arg0, %c0_i32 : i32, i32
  }
  func.func @transform_1(%arg0: i32) -> (i32, i32) {
    %c0_i32 = arith.constant 0 : i32
    %c0_i32_0 = arith.constant 0 : i32
    %c0_i32_1 = arith.constant 0 : i32
    return %c0_i32, %c0_i32_0 : i32, i32
  }
  func.func @transform_2(%arg0: i32) -> (i32, i32) {
    %c0_i32 = arith.constant 0 : i32
    %c0_i32_0 = arith.constant 0 : i32
    %c0_i32_1 = arith.constant 0 : i32
    return %c0_i32, %c0_i32_0 : i32, i32
  }
  func.func @transform_3(%arg0: i32) -> (i32, i32) {
    %c0_i32 = arith.constant 0 : i32
    %c0_i32_0 = arith.constant 0 : i32
    %c0_i32_1 = arith.constant 0 : i32
    return %c0_i32, %c0_i32_0 : i32, i32
  }
  func.func @transform_4(%arg0: i32) -> (i32, i32) {
    %c0_i32 = arith.constant 0 : i32
    %c0_i32_0 = arith.constant 0 : i32
    %c0_i32_1 = arith.constant 0 : i32
    return %c0_i32, %c0_i32_0 : i32, i32
  }
  func.func @transform_5(%arg0: i32) -> (i32, i32) {
    %c0_i32 = arith.constant 0 : i32
    %c0_i32_0 = arith.constant 0 : i32
    %c0_i32_1 = arith.constant 0 : i32
    return %c0_i32, %c0_i32_0 : i32, i32
  }
  func.func @transform_6(%arg0: i32) -> (i32, i32) {
    %c0_i32 = arith.constant 0 : i32
    %c0_i32_0 = arith.constant 0 : i32
    %c0_i32_1 = arith.constant 0 : i32
    return %c0_i32, %c0_i32_0 : i32, i32
  }
  func.func @transform_7(%arg0: i32) -> (i32, i32) {
    %c0_i32 = arith.constant 0 : i32
    %c0_i32_0 = arith.constant 0 : i32
    %c0_i32_1 = arith.constant 0 : i32
    return %c0_i32, %c0_i32_0 : i32, i32
  }
  func.func @transform_8(%arg0: i32) -> (i32, i32) {
    %c0_i32 = arith.constant 0 : i32
    %c0_i32_0 = arith.constant 0 : i32
    return %arg0, %c0_i32 : i32, i32
  }
  func.func @transform_9(%arg0: i32) -> (i32, i32) {
    %c0_i32 = arith.constant 0 : i32
    %c0_i32_0 = arith.constant 0 : i32
    return %arg0, %c0_i32 : i32, i32
  }
  func.func @transform_10(%arg0: i32) -> (i32, i32) {
    %c0_i32 = arith.constant 0 : i32
    %c0_i32_0 = arith.constant 0 : i32
    %c0_i32_1 = arith.constant 0 : i32
    return %c0_i32, %c0_i32_0 : i32, i32
  }
}

</mosaic_0001>

<sc_bundles>
// kernel: kernel.5.cloned.1.call-start
scs
__scs_entry_jumppad:
0x0: {  	(pc) =	sbr.rel $0x88, $3  }
0x1: {  	(tag) =	ssettag $0x0;
	lr =	simm.s32 $0x1  }
0x2: {  	[smem:$0x3F97] =	sst lr;
	_ =	strace $0xD0000000  }
0x3: {  	_ = 	snop  }
0x4: {  	_ = 	snop  }
0x5: {  	_ = 	snop  }
0x6: {  	_ = 	snop  }
0x7: {  	_ = 	snop  }
__scs_overlays_trampoline_lowered:
0x8: {  	[smem:$0x3FA6] =	sst s0  }
0x9: {  	[smem:$0x3FA7] =	sst s1  }
0xa: {  	[smem:$0x3FA8] =	sst s2  }
0xb: {  	[smem:$0x3FA9] =	sst s3  }
0xc: {  	[smem:$0x3FAA] =	sst s4  }
0xd: {  	[smem:$0x3FAB] =	sst s5  }
0xe: {  	[smem:$0x3FAC] =	sst s6  }
0xf: {  	[smem:$0x3FAD] =	sst s7  }
0x10: {  	[smem:$0x3FAE] =	sst s8  }
0x11: {  	[smem:$0x3FAF] =	sst s9;
	s0 =	simm.s32 @!p0 $0x0  }
0x12: {  	s1 =	sld [smem:$0x3F95];
	s0 =	simm.s32 @p0 $0x1  }
0x13: {  	[smem:$0x3FB0] =	sst s0;
	s0 =	simm.s32 @!p1 $0x0  }
0x14: {  	s2 =	sld [smem:$0x3F94];
	s0 =	simm.s32 @p1 $0x1  }
0x15: {  	[smem:$0x3FB1] =	sst s0;
	s0 =	simm.s32 @!p2 $0x0  }
0x16: {  	s3 =	sld [smem:$0x3FDB];
	s0 =	simm.s32 @p2 $0x1  }
0x17: {  	s4 =	simm.s32 $0x1BF5;
	[smem:$0x3FB3] =	sst s0  }
0x18: {  	s0 =	sld [smem:$0x3F96];
	_ =	swait.ge [sflag:s4], $0x0  }
0x19: {  	s7 =	sld [smem:$0x3F97]  }
0x1a: {  	s8 =	sadd.s32 $0xFFFFE003, lr  }
0x1b: {  	s9 =	sadd.s32 $0xFFFFFEF7, lr;
	s5 =	simm.s32 $0xFFFFFFFF;
	p2 =	slt.u32 s8, $0xFFFFF086  }
0x1c: {  	p1 =	slt.u32 s9, $0xF7A;
	s5 =	simm.s32 @!p2 $0x0  }
0x1d: {  	s5 =	simm.s32 @p1 $0x1;
	p0 =	seq.s32 s7, s2  }
0x1e: {  	s7 =	smul.u32 @!p0 $0xF7A, s2;
	p2 =	seq.s32 @!p0 s5, $0x0  }
0x1f: {  	s9 =	smul.u32 $0xF7A, s1;
	s8 =	simm.s32 @!p0 $0x1BF5;
	p2 =	por !p2, p0  }
0x20: {  	[sflag:s8] =	ssyncset.s32 @!p0 $0xFFFFF086;
	s6 =	sadd.s32 @!p0 s3, s7;
	s7 =	simm.s32 @!p0 $0x108  }
0x21: {  	s3 =	sadd.s32 s3, s9;
	s6 =	sadd.s32 @!p0 $0x88, s6;
	s7 =	simm.s32 @p2 $0x1082  }
0x22: {  	[simem:s7], [sflag:s8] =	dma.local @!p0 [hbm:s6], $0xF7A  }
0x23: {  	s9 =	sor.u32 $0xD0000000, s2;
	s6 =	simm.s32 $0x108;
	_ =	swait.ge @!p0 [sflag:s8], $0x0  }
0x24: {  	s3 =	sadd.s32 $0x88, s3;
	s6 =	simm.s32 @!p1 $0x1082;
	[sflag:s4] =	ssyncset.s32 $0xFFFFF086  }
0x25: {  	[simem:s6], [sflag:s4] =	dma.local [hbm:s3], $0xF7A  }
0x26: {  	[smem:$0x3F97] =	sst s1;
	(tag) =	ssettag s2;
	_ =	strace s9  }
0x27: {  	s1 =	sld [smem:$0x3FA7]  }
0x28: {  	s2 =	sld [smem:$0x3FA8]  }
0x29: {  	s4 =	sld [smem:$0x3FAA]  }
0x2a: {  	p0 =	seq.s32 s5, $0x0;
	s5 =	sld [smem:$0x3FAB]  }
0x2b: {  	s6 =	sld [smem:$0x3FAC]  }
0x2c: {  	s7 =	sld [smem:$0x3FAD]  }
0x2d: {  	s3 =	simm.s32 $0x108;
	s8 =	sld [smem:$0x3FAE]  }
0x2e: {  	s3 =	simm.s32 @!p0 $0x1082;
	s9 =	sld [smem:$0x3FAF]  }
0x2f: {  	lr =	sadd.s32 s0, s3;
	s0 =	sld [smem:$0x3FA6]  }
0x30: {  	s3 =	sld [smem:$0x3FA9]  }
0x31: {  	[smem:$0x3FB2] =	sst s10  }
0x32: {  	s10 =	sld [smem:$0x3FB0];
	_ =	sdelay $0x3  }
0x33: {  	p0 =	seq.s32 s10, $0x1;
	s10 =	sld [smem:$0x3FB2];
	_ =	sdelay $0x3  }
0x34: {  	[smem:$0x3FB2] =	sst s10  }
0x35: {  	s10 =	sld [smem:$0x3FB1];
	_ =	sdelay $0x3  }
0x36: {  	p1 =	seq.s32 s10, $0x1;
	s10 =	sld [smem:$0x3FB2];
	_ =	sdelay $0x3  }
0x37: {  	[smem:$0x3FB2] =	sst s10  }
0x38: {  	s10 =	sld [smem:$0x3FB3]  }
0x39: {  	_ = 	snop;
	(pc) =	sbr.ind lr, $3  }
0x3a: {  	_ = 	snop  }
0x3b: {  	_ = 	snop  }
0x3c: {  	p2 =	seq.s32 s10, $0x1;
	s10 =	sld [smem:$0x3FB2]  }
0x3d: {  	_ =	shalt  }
0x3e: {  	_ =	shalt  }
0x3f: {  	_ =	shalt  }
0x40: {  	_ =	shalt  }
0x41: {  	_ =	shalt  }
0x42: {  	_ =	shalt  }
0x43: {  	_ =	shalt  }
0x44: {  	_ =	shalt  }
0x45: {  	_ =	shalt  }
0x46: {  	_ =	shalt  }
0x47: {  	_ =	shalt  }
0x48: {  	_ =	shalt  }
0x49: {  	_ =	shalt  }
0x4a: {  	_ =	shalt  }
0x4b: {  	_ =	shalt  }
0x4c: {  	_ =	shalt  }
0x4d: {  	_ =	shalt  }
0x4e: {  	_ =	shalt  }
0x4f: {  	_ =	shalt  }
0x50: {  	_ =	shalt  }
0x51: {  	_ =	shalt  }
0x52: {  	_ =	shalt  }
0x53: {  	_ =	shalt  }
0x54: {  	_ =	shalt  }
0x55: {  	_ =	shalt  }
0x56: {  	_ =	shalt  }
0x57: {  	_ =	shalt  }
0x58: {  	_ =	shalt  }
0x59: {  	_ =	shalt  }
0x5a: {  	_ =	shalt  }
0x5b: {  	_ =	shalt  }
0x5c: {  	_ =	shalt  }
0x5d: {  	_ =	shalt  }
0x5e: {  	_ =	shalt  }
0x5f: {  	_ =	shalt  }
0x60: {  	_ =	shalt  }
0x61: {  	_ =	shalt  }
0x62: {  	_ =	shalt  }
0x63: {  	_ =	shalt  }
0x64: {  	_ =	shalt  }
0x65: {  	_ =	shalt  }
0x66: {  	_ =	shalt  }
0x67: {  	_ =	shalt  }
0x68: {  	_ =	shalt  }
0x69: {  	_ =	shalt  }
0x6a: {  	_ =	shalt  }
0x6b: {  	_ =	shalt  }
0x6c: {  	_ =	shalt  }
0x6d: {  	_ =	shalt  }
0x6e: {  	_ =	shalt  }
0x6f: {  	_ =	shalt  }
0x70: {  	_ =	shalt  }
0x71: {  	_ =	shalt  }
0x72: {  	_ =	shalt  }
0x73: {  	_ =	shalt  }
0x74: {  	_ =	shalt  }
0x75: {  	_ =	shalt  }
0x76: {  	_ =	shalt  }
0x77: {  	_ =	shalt  }
0x78: {  	_ =	shalt  }
0x79: {  	_ =	shalt  }
0x7a: {  	_ =	shalt  }
0x7b: {  	_ =	shalt  }
0x7c: {  	_ =	shalt  }
0x7d: {  	_ =	shalt  }
0x7e: {  	_ =	shalt  }
0x7f: {  	_ =	shalt  }
0x80: {  	_ =	shalt  }
0x81: {  	_ =	shalt  }
0x82: {  	_ =	shalt  }
0x83: {  	_ =	shalt  }
0x84: {  	_ =	shalt  }
0x85: {  	_ =	shalt  }
0x86: {  	_ =	shalt  }
0x87: {  	_ =	shalt  }
.Lfunc_end0:
.L_simem_size_0:
called_computation_lowered:
.L_overlay_start_0:
0x88: {  	s2 =	sld [smem:$0x3FD9]  }
0x89: {  	s3 =	sld [smem:$0x3FFE];
	_ =	sdelay $0x1  }
0x8a: {  	s1 =	srdreg.scid  }
0x8b: {  	s0 =	sand.u32 $0x1, s1  }
0x8c: {  	s16 =	sshll.u32 s0, $0xA;
	s2 =	sadd.s32 s3, s2  }
0x8d: {  	s2 =	sadd.s32 s2, s16  }
0x8e: {  	[smem:$0x3FBE] =	sst s2  }
0x8f: {  	_ = 	snop  }
0x90: {  	(tm) =	ssettm $0x1  }
0x91: {  	s17 =	sld [smem:$0x3FFB];
	_ =	sdelay $0x3  }
0x92: {  	_ =	strace s17  }
0x93: {  	s2 =	sld [smem:$0x3FFC];
	_ =	sdelay $0x3  }
0x94: {  	_ =	strace s2  }
0x95: {  	s2 =	sld [smem:$0x3FFD];
	_ =	sdelay $0x3  }
0x96: {  	_ =	strace s2  }
0x97: {  	_ =	strace $0x8FFFFFFF  }
0x98: {  	s18 =	sld [smem:$0x3FDB];
	_ =	sdelay $0x1  }
0x99: {  	s19 =	simm.s32 $_scs_section_size  }
0x9a: {  	s4 =	simm.s32 $_size__tile_overlayer_lowered;
	s5 =	simm.s32 $_tile_overlayer_lowered  }
0x9b: {  	s22 =	simm.s32 $0x1BFF;
	s21 =	sshll.u32 s5, $0x1;
	s2 =	sadd.s32 s19, s18  }
0x9c: {  	s6 =	simm.s32 $0x0;
	s20 =	sshll.u32 s4, $0x1;
	s4 =	sadd.s32 s21, s2  }
0x9d: {  	[timem:s6], [sflag:s22] =	dma.local [hbm:s4], s20  }
0x9e: {  	_ =	swait.ge [sflag:s22], s20  }
0x9f: {  	s3 =	ssub.s32 $0x0, s20;
	[sflag:s22] =	ssyncset.done $0x0  }
0xa0: {  	[sflag:s22] =	ssyncadd.s32 s3;
	_ =	sdelay $0x1  }
0xa1: {  	s23 =	simm.s32 $0x1B8B  }
0xa2: {  	_ =	swait.ge [sflag:s23], $0x1  }
0xa3: {  	[sflag:s23] =	ssyncset.done $0x0  }
0xa4: {  	s25 =	simm.s32 $0x1B8E;
	s24 =	sld [smem:$0x3FFE];
	[sflag:s23] =	ssyncadd.s32 $0xFFFFFFFF  }
0xa5: {  	s26 =	simm.s32 $execute0_lowered;
	[smem:$0x3FD2] =	sst s25  }
0xa6: {  	s4 =	sshll.u32 s26, $0x1;
	_ =	strace $0x80000046;
	[dreg:$0x1] =	wrdreg $0xFFFFFFFF  }
0xa7: {  	s28 =	simm.s32 $_size_execute0_lowered;
	s2 =	sadd.s32 s2, s4;
	[dreg:$0x0] =	wrdreg $0x0  }
0xa8: {  	s4 =	sshll.u32 s28, $0x1;
	[dreg:$0x2] =	wrdreg s2  }
0xa9: {  	[dreg:$0x3] =	wrdreg s4  }
0xaa: {  	[dreg:$0x4] =	wrdreg $0xC0  }
0xab: {  	_ =	task [dreg:s6], $0x5FFFF  }
0xac: {  	[dreg:$0x1] =	wrdreg $0xFFFFFFFF  }
0xad: {  	[dreg:$0x0] =	wrdreg $0x60  }
0xae: {  	[dreg:$0x2] =	wrdreg s24  }
0xaf: {  	[dreg:$0x3] =	wrdreg $0x7D000  }
0xb0: {  	[dreg:$0x4] =	wrdreg $0x9  }
0xb1: {  	_ =	task.clear_ibuf [dreg:s6], $0x5FFFF;
	_ =	strace $0x90000046  }
0xb2: {  	s29 =	simm.s32 $0x9;
	_ =	strace $0x80000048  }
0xb3: {  	_ =	swait.ge [sflag:s29], $0x1  }
0xb4: {  	[sflag:s29] =	ssyncadd.s32 $0xFFFFFFFF  }
0xb5: {  	_ =	strace $0x90000048  }
0xb6: {  	_ =	sfence  }
0xb7: {  	s30 =	sld [smem:$0x0];
	_ =	sdelay $0x2  }
0xb8: {  	s31 =	sshll.u32 s1, $0xD;
	s1 =	sshrl.u32 s1, $0x2  }
0xb9: {  	s3 =	sand.u32 $0x4000, s31;
	s1 =	sadd.s32 s1, s30  }
0xba: {  	s0 =	sor.u32 s3, s0;
	s1 =	sshll.u32 s1, $0x11  }
0xbb: {  	s0 =	sor.u32 s1, s0  }
0xbc: {  	s0 =	sadd.s32 $0x8F2B, s0  }
0xbd: {  	[sflag:s0] =	ssyncadd.remote.s32 $0x1  }
0xbe: {  	_ =	sfence.sel $0xFFFF  }
0xbf: {  	[dreg:$0x0] =	wrdreg $0xFFFFFFFF;
	(pc) =	sbr.abs _section_cstart, $3  }
0xc0: {  	[dreg:$0x1] =	wrdreg $0xFFFFFFFF  }
0xc1: {  	_ =	task.clear_ibuf [dreg:s6], $0x2FFFF;
	_ =	strace $0x9FFFFFFF  }
0xc2: {  	(tm) =	ssettm $0x7FFFFFFF  }
0xc3: {  	_ =	shalt  }
tec
execute0_lowered:
.L_overlay_start_1:
0x0: {  	(tag) =	ssettag $0x1  }
0x1: {  	s3 =	rddreg [dreg:$0x0]  }
0x2: {  	s10 =	rddreg [dreg:$0x1];
	s9 =	simm.s32 $0x0  }
0x3: {  	s25 =	simm.s32 $0x100;
	[smem:$0x7FF] =	sst s9  }
0x4: {  	s26 =	simm.s32 $0x180;
	_ =	strace $0x80000047;
	[dreg:$0x7] =	wrdreg s25  }
0x5: {  	s28 =	simm.s32 $0x200;
	[dreg:$0x8] =	wrdreg s26  }
0x6: {  	s29 =	simm.s32 $0x280;
	[dreg:$0x9] =	wrdreg s28  }
0x7: {  	s30 =	simm.s32 $0x300;
	[dreg:$0xa] =	wrdreg s29  }
0x8: {  	s31 =	simm.s32 $0x380;
	[dreg:$0xb] =	wrdreg s30  }
0x9: {  	s8 =	simm.s32 $0x580;
	[dreg:$0xc] =	wrdreg s31  }
0xa: {  	s11 =	simm.s32 $0x600;
	[dreg:$0x10] =	wrdreg s8  }
0xb: {  	s12 =	simm.s32 $0x680;
	[dreg:$0x11] =	wrdreg s11  }
0xc: {  	s13 =	simm.s32 $0x700;
	[dreg:$0x12] =	wrdreg s12  }
0xd: {  	s14 =	simm.s32 $0x780;
	[dreg:$0x13] =	wrdreg s13  }
0xe: {  	s15 =	simm.s32 $0x800;
	[dreg:$0x14] =	wrdreg s14  }
0xf: {  	s16 =	simm.s32 $0x880;
	[dreg:$0x15] =	wrdreg s15  }
0x10: {  	s0 =	srdreg.scid;
	s17 =	simm.s32 $0x900;
	[dreg:$0x16] =	wrdreg s16  }
0x11: {  	s2 =	stileid.u32;
	s18 =	simm.s32 $0x980;
	[dreg:$0x17] =	wrdreg s17  }
0x12: {  	s19 =	simm.s32 $0xA00;
	s20 =	simm.s32 $0xA80;
	[dreg:$0x18] =	wrdreg s18  }
0x13: {  	s1 =	sand.u32 $0x1, s0;
	s21 =	sshll.u32 s2, $0x1;
	[dreg:$0x19] =	wrdreg s19  }
0x14: {  	s4 =	sor.u32 s1, s21;
	[dreg:$0x1a] =	wrdreg s20;
	s21 =	simm.s32 $0xB00  }
0x15: {  	s25 =	simm.s32 $0xD00;
	[dreg:$0x1b] =	wrdreg s21  }
0x16: {  	s26 =	simm.s32 $0xD80;
	[dreg:$0x1e] =	wrdreg s25  }
0x17: {  	s28 =	simm.s32 $0xE00;
	[dreg:$0x1f] =	wrdreg s26  }
0x18: {  	s30 =	simm.s32 $0xE80;
	[smem:$0x7E8] =	sst s28  }
0x19: {  	s31 =	simm.s32 $0xF00;
	[smem:$0x7E9] =	sst s30  }
0x1a: {  	s8 =	simm.s32 $0x1000;
	[smem:$0x7EA] =	sst s31  }
0x1b: {  	s11 =	simm.s32 $0x1080;
	[smem:$0x7EC] =	sst s8  }
0x1c: {  	s13 =	simm.s32 $0x1100;
	[smem:$0x7ED] =	sst s11  }
0x1d: {  	s14 =	simm.s32 $0x1180;
	[smem:$0x7EE] =	sst s13  }
0x1e: {  	p0 =	por $0x0, $0x0;
	s15 =	simm.s32 $0x1200;
	[smem:$0x7EF] =	sst s14  }
0x1f: {  	s0 =	smul.u32 $0x1400, s2;
	s16 =	simm.s32 $0x1280;
	[smem:$0x7F0] =	sst s15  }
0x20: {  	s6 =	smul.u32 $0x500, s2;
	s17 =	simm.s32 $0x1300;
	[smem:$0x7F1] =	sst s16  }
0x21: {  	s7 =	sadd.s32 s1, s3;
	s19 =	simm.s32 $0x1380;
	[smem:$0x7F2] =	sst s17  }
0x22: {  	s18 =	sadd.s32 $0x1A00, s3;
	s20 =	simm.s32 $0x1400;
	[smem:$0x7F3] =	sst s19  }
0x23: {  	s23 =	sadd.s32 s6, s7;
	s6 =	simm.s32 $0x480;
	[smem:$0x7F4] =	sst s20  }
0x24: {  	s1 =	ssub.s32 $0x2, s1;
	s7 =	simm.s32 $0x500;
	[dreg:$0xe] =	wrdreg s6  }
0x25: {  	s29 =	sshll.u32 s2, $0x6;
	s25 =	simm.s32 $0x1600;
	[dreg:$0xf] =	wrdreg s7  }
0x26: {  	s12 =	simm.s32 $0xC80;
	s26 =	simm.s32 $0x1680;
	[smem:$0x7F8] =	sst s25  }
0x27: {  	s4 =	smul.u32 $0xC80, s4;
	s28 =	simm.s32 $0x1700;
	[smem:$0x7F9] =	sst s26  }
0x28: {  	s21 =	sor.u32 $0x1C03, s29;
	s29 =	simm.s32 $0x1780;
	[smem:$0x7FA] =	sst s28  }
0x29: {  	s5 =	sshrl.u32 s0, $0x3;
	s30 =	simm.s32 $0x1800;
	[smem:$0x7FB] =	sst s29  }
0x2a: {  	s0 =	sadd.s32 s0, s10;
	s31 =	simm.s32 $0x1880;
	[smem:$0x7FC] =	sst s30  }
0x2b: {  	s8 =	simm.s32 $0x80;
	s24 =	sadd.s32 $0xCE00, s23;
	[smem:$0x7FD] =	sst s31  }
0x2c: {  	s5 =	sadd.s32 s5, s3;
	s23 =	simm.s32 $0xC00;
	[dreg:$0x6] =	wrdreg s24  }
0x2d: {  	s7 =	simm.s32 $0xF80;
	s6 =	simm.s32 $0x1;
	[dreg:$0x1d] =	wrdreg s23  }
0x2e: {  	s4 =	sshrl.u32 s4, $0x3;
	s5 =	sadd.s32 $0xA600, s5;
	[smem:$0x7EB] =	sst s7  }
0x2f: {  	s24 =	sshrl.u32 s1, $0x1;
	s23 =	simm.s32 $0x1500;
	[dreg:$0x3] =	wrdreg s5  }
0x30: {  	s5 =	simm.s32 $0x400;
	s1 =	ssub.s32 s1, s24;
	[smem:$0x7F6] =	sst s23  }
0x31: {  	s24 =	simm.s32 $0x1580;
	[dreg:$0xd] =	wrdreg s5;
	s2 =	smax.u32 s1, $0x1  }
0x32: {  	s4 =	sadd.s32 s4, s3;
	[smem:$0x7F7] =	sst s24;
	p1 =	sne.s32 s2, $0x1  }
.Ltmp0:
0x33: {  	s22 =	sadd.s32 $0x4200, s4;
	s15 =	rddreg [dreg:$0x3];
	(pc) =	sbr.rel @!p1 .LBB2_5-.Ltmp0, $4  }
0x34: {  	s7 =	simm.s32 $0x2;
	s4 =	sadd.s32 $0x7400, s4;
	[dreg:$0x4] =	wrdreg s22  }
0x35: {  	s3 =	sshrl.u32 s0, $0x3;
	[dreg:$0x5] =	wrdreg s4;
	s22 =	simm.s32 $0xB80  }
0x36: {  	s0 =	simm.s32 $0x1900;
	[dreg:$0x1c] =	wrdreg s22;
	s22 =	simm.s32 $0x1480  }
0x37: {  	s5 =	simm.s32 $0x3;
	s16 =	sadd.s32 $0xFFFFFFFF, s2;
	[smem:$0x7F5] =	sst s22  }
0x38: {  	[spmem:s3], [sflag:s21] =	dma.local [hbm:s15], $0x280  }
0x39: {  	_ =	swait.ge [sflag:s5], $0x280  }
0x3a: {  	[sflag:s5] =	ssyncset.done $0x0  }
0x3b: {  	s13 =	rddreg [dreg:$0x4];
	[sflag:s5] =	ssyncadd.s32 $0xFFFFFD80  }
0x3c: {  	[tilespmem:s9], [sflag:$0x3] =	stream.linear.gather [hbm4b:s13+s9], $0xC80, $0x38;
	[tilespmem:$0x9100] =	vst v63  }
0x3d: {  	_ =	swait.ge [sflag:s5], $0xC80  }
0x3e: {  	[sflag:s5] =	ssyncset.done $0x0  }
0x3f: {  	s14 =	rddreg [dreg:$0x5];
	[sflag:s5] =	ssyncadd.s32 $0xFFFFF380  }
0x40: {  	[tilespmem:s12], [sflag:$0x3] =	stream.linear.gather [hbm4b:s14+s9], $0xC80, $0x38;
	[tilespmem:$0x9100] =	vst v63  }
0x41: {  	_ =	swait.ge [sflag:s5], $0xC80  }
0x42: {  	[sflag:s5] =	ssyncset.done $0x0  }
0x43: {  	[sflag:s5] =	ssyncadd.s32 $0xFFFFF380  }
0x44: {  	[bflag:$0x0] =	sbarrier.arrive $0xFFFF  }
0x45: {  	[tilespmem:s0], [sflag:$0x1] =	stream.indirect.gather [hbm4b:s18+s8], $0x8, s9, s8, $0xb8;
	[tilespmem:$0x9100] =	vst v63  }
0x46: {  	s17 =	rddreg [dreg:$0x7];
	s0 =	simm.s32 $0x1D00  }
0x47: {  	[tilespmem:s0], [sflag:$0x1] =	stream.indirect.gather [hbm4b:s18+s8], $0x8, s8, s8, $0xb8;
	[tilespmem:$0x9100] =	vst v63  }
0x48: {  	s1 =	simm.s32 $0x2100;
	s13 =	rddreg [dreg:$0x8]  }
0x49: {  	[tilespmem:s1], [sflag:$0x1] =	stream.indirect.gather [hbm4b:s18+s8], $0x8, s17, s8, $0xb8;
	[tilespmem:$0x9100] =	vst v63  }
0x4a: {  	[smem:$0x7E7] =	sst s16;
	s9 =	simm.s32 $0x2500  }
0x4b: {  	[tilespmem:s9], [sflag:$0x1] =	stream.indirect.gather [hbm4b:s18+s8], $0x8, s13, s8, $0xb8;
	[tilespmem:$0x9100] =	vst v63  }
0x4c: {  	s12 =	simm.s32 $0x2900;
	s19 =	rddreg [dreg:$0x9]  }
0x4d: {  	[tilespmem:s12], [sflag:$0x1] =	stream.indirect.gather [hbm4b:s18+s8], $0x8, s19, s8, $0xb8;
	[tilespmem:$0x9100] =	vst v63  }
0x4e: {  	s14 =	smov.u32 s3;
	s3 =	simm.s32 $0x2D00;
	s20 =	rddreg [dreg:$0xa]  }
0x4f: {  	[tilespmem:s3], [sflag:$0x1] =	stream.indirect.gather [hbm4b:s18+s8], $0x8, s20, s8, $0xb8;
	[tilespmem:$0x9100] =	vst v63  }
0x50: {  	s11 =	smov.u32 s21;
	s31 =	simm.s32 $0x3100;
	s21 =	rddreg [dreg:$0xb]  }
0x51: {  	[tilespmem:s31], [sflag:$0x1] =	stream.indirect.gather [hbm4b:s18+s8], $0x8, s21, s8, $0xb8;
	[tilespmem:$0x9100] =	vst v63  }
0x52: {  	s30 =	simm.s32 $0x3500;
	s22 =	rddreg [dreg:$0xc]  }
0x53: {  	[tilespmem:s30], [sflag:$0x1] =	stream.indirect.gather [hbm4b:s18+s8], $0x8, s22, s8, $0xb8;
	[tilespmem:$0x9100] =	vst v63  }
0x54: {  	s29 =	simm.s32 $0x3900;
	s23 =	rddreg [dreg:$0xd]  }
0x55: {  	[tilespmem:s29], [sflag:$0x1] =	stream.indirect.gather [hbm4b:s18+s8], $0x8, s23, s8, $0xb8;
	[tilespmem:$0x9100] =	vst v63  }
0x56: {  	s24 =	rddreg [dreg:$0xe];
	s20 =	simm.s32 $0x3D00  }
0x57: {  	[tilespmem:s20], [sflag:$0x1] =	stream.indirect.gather [hbm4b:s18+s8], $0x8, s24, s8, $0xb8;
	[tilespmem:$0x9100] =	vst v63  }
0x58: {  	s25 =	rddreg [dreg:$0xf];
	s21 =	simm.s32 $0x4100  }
0x59: {  	[tilespmem:s21], [sflag:$0x1] =	stream.indirect.gather [hbm4b:s18+s8], $0x8, s25, s8, $0xb8;
	[tilespmem:$0x9100] =	vst v63  }
0x5a: {  	s26 =	rddreg [dreg:$0x10];
	s22 =	simm.s32 $0x4500  }
0x5b: {  	[tilespmem:s22], [sflag:$0x1] =	stream.indirect.gather [hbm4b:s18+s8], $0x8, s26, s8, $0xb8;
	[tilespmem:$0x9100] =	vst v63  }
0x5c: {  	s28 =	rddreg [dreg:$0x11];
	s23 =	simm.s32 $0x4900  }
0x5d: {  	[tilespmem:s23], [sflag:$0x1] =	stream.indirect.gather [hbm4b:s18+s8], $0x8, s28, s8, $0xb8;
	[tilespmem:$0x9100] =	vst v63  }
0x5e: {  	s5 =	rddreg [dreg:$0x12];
	s24 =	simm.s32 $0x4D00  }
0x5f: {  	[tilespmem:s24], [sflag:$0x1] =	stream.indirect.gather [hbm4b:s18+s8], $0x8, s5, s8, $0xb8;
	[tilespmem:$0x9100] =	vst v63  }
0x60: {  	s16 =	rddreg [dreg:$0x13];
	s25 =	simm.s32 $0x5100  }
0x61: {  	[tilespmem:s25], [sflag:$0x1] =	stream.indirect.gather [hbm4b:s18+s8], $0x8, s16, s8, $0xb8;
	[tilespmem:$0x9100] =	vst v63  }
0x62: {  	s17 =	rddreg [dreg:$0x14];
	s19 =	simm.s32 $0x5500  }
0x63: {  	[tilespmem:s19], [sflag:$0x1] =	stream.indirect.gather [hbm4b:s18+s8], $0x8, s17, s8, $0xb8;
	[tilespmem:$0x9100] =	vst v63  }
0x64: {  	s26 =	rddreg [dreg:$0x15];
	s28 =	simm.s32 $0x5900  }
0x65: {  	[tilespmem:s28], [sflag:$0x1] =	stream.indirect.gather [hbm4b:s18+s8], $0x8, s26, s8, $0xb8;
	[tilespmem:$0x9100] =	vst v63  }
0x66: {  	s5 =	rddreg [dreg:$0x16];
	s26 =	simm.s32 $0x5D00  }
0x67: {  	[tilespmem:s26], [sflag:$0x1] =	stream.indirect.gather [hbm4b:s18+s8], $0x8, s5, s8, $0xb8;
	[tilespmem:$0x9100] =	vst v63  }
0x68: {  	s16 =	rddreg [dreg:$0x17];
	s17 =	simm.s32 $0x6100  }
0x69: {  	[tilespmem:s17], [sflag:$0x1] =	stream.indirect.gather [hbm4b:s18+s8], $0x8, s16, s8, $0xb8;
	[tilespmem:$0x9100] =	vst v63  }
0x6a: {  	s5 =	rddreg [dreg:$0x18];
	s16 =	simm.s32 $0x6500  }
0x6b: {  	[tilespmem:s16], [sflag:$0x1] =	stream.indirect.gather [hbm4b:s18+s8], $0x8, s5, s8, $0xb8;
	[tilespmem:$0x9100] =	vst v63  }
0x6c: {  	s15 =	rddreg [dreg:$0x19];
	s5 =	simm.s32 $0x6900  }
0x6d: {  	[tilespmem:s5], [sflag:$0x1] =	stream.indirect.gather [hbm4b:s18+s8], $0x8, s15, s8, $0xb8;
	[tilespmem:$0x9100] =	vst v63  }
0x6e: {  	s13 =	rddreg [dreg:$0x1a];
	s5 =	simm.s32 $0x6D00  }
0x6f: {  	[tilespmem:s5], [sflag:$0x1] =	stream.indirect.gather [hbm4b:s18+s8], $0x8, s13, s8, $0xb8;
	[tilespmem:$0x9100] =	vst v63  }
0x70: {  	s15 =	rddreg [dreg:$0x1b];
	s5 =	simm.s32 $0x7100  }
0x71: {  	[tilespmem:s5], [sflag:$0x1] =	stream.indirect.gather [hbm4b:s18+s8], $0x8, s15, s8, $0xb8;
	[tilespmem:$0x9100] =	vst v63  }
0x72: {  	s13 =	rddreg [dreg:$0x1c];
	s5 =	simm.s32 $0x7500  }
0x73: {  	[tilespmem:s5], [sflag:$0x1] =	stream.indirect.gather [hbm4b:s18+s8], $0x8, s13, s8, $0xb8;
	[tilespmem:$0x9100] =	vst v63  }
0x74: {  	s15 =	rddreg [dreg:$0x1d];
	s5 =	simm.s32 $0x7900  }
0x75: {  	[tilespmem:s5], [sflag:$0x1] =	stream.indirect.gather [hbm4b:s18+s8], $0x8, s15, s8, $0xb8;
	[tilespmem:$0x9100] =	vst v63  }
0x76: {  	_ =	swait.ge [sflag:s6], $0x400  }
0x77: {  	[sflag:s6] =	ssyncset.done $0x0  }
0x78: {  	s4 =	simm.s32 $0xC80;
	s2 =	simm.s32 $0x1900;
	[sflag:s6] =	ssyncadd.s32 $0xFFFFFC00  }
0x79: {  	[spmem:s10] =	stream.indirect.scatter.add.f32 [tilespmem:s2], [sflag:$0x2], $0x8, s4, s8, $0xb8;
	[tilespmem:$0x9100] =	vst v63  }
0x7a: {  	_ =	swait.ge [sflag:s6], $0x400  }
0x7b: {  	[sflag:s6] =	ssyncset.done $0x0  }
0x7c: {  	s5 =	rddreg [dreg:$0x1e];
	[sflag:s6] =	ssyncadd.s32 $0xFFFFFC00  }
0x7d: {  	[spmem:s10] =	stream.indirect.scatter.add.f32 [tilespmem:s0], [sflag:$0x2], $0x8, s5, s8, $0xb8;
	[tilespmem:$0x9100] =	vst v63  }
0x7e: {  	_ =	swait.ge [sflag:s6], $0x400  }
0x7f: {  	[sflag:s6] =	ssyncset.done $0x0  }
0x80: {  	s0 =	rddreg [dreg:$0x1f];
	[sflag:s6] =	ssyncadd.s32 $0xFFFFFC00  }
0x81: {  	[spmem:s10] =	stream.indirect.scatter.add.f32 [tilespmem:s1], [sflag:$0x2], $0x8, s0, s8, $0xb8;
	[tilespmem:$0x9100] =	vst v63  }
0x82: {  	_ =	swait.ge [sflag:s6], $0x400  }
0x83: {  	s1 =	sld [smem:$0x7E8]  }
0x84: {  	[sflag:s6] =	ssyncset.done $0x0  }
0x85: {  	[sflag:s6] =	ssyncadd.s32 $0xFFFFFC00  }
0x86: {  	[spmem:s10] =	stream.indirect.scatter.add.f32 [tilespmem:s9], [sflag:$0x2], $0x8, s1, s8, $0xb8;
	[tilespmem:$0x9100] =	vst v63  }
0x87: {  	_ =	swait.ge [sflag:s6], $0x400  }
0x88: {  	s2 =	sld [smem:$0x7E9]  }
0x89: {  	[sflag:s6] =	ssyncset.done $0x0  }
0x8a: {  	[sflag:s6] =	ssyncadd.s32 $0xFFFFFC00  }
0x8b: {  	[spmem:s10] =	stream.indirect.scatter.add.f32 [tilespmem:s12], [sflag:$0x2], $0x8, s2, s8, $0xb8;
	[tilespmem:$0x9100] =	vst v63  }
0x8c: {  	_ =	swait.ge [sflag:s6], $0x400  }
0x8d: {  	s4 =	sld [smem:$0x7EA]  }
0x8e: {  	[sflag:s6] =	ssyncset.done $0x0  }
0x8f: {  	[sflag:s6] =	ssyncadd.s32 $0xFFFFFC00  }
0x90: {  	[spmem:s10] =	stream.indirect.scatter.add.f32 [tilespmem:s3], [sflag:$0x2], $0x8, s4, s8, $0xb8;
	[tilespmem:$0x9100] =	vst v63  }
0x91: {  	_ =	swait.ge [sflag:s6], $0x400  }
0x92: {  	s5 =	sld [smem:$0x7EB]  }
0x93: {  	[sflag:s6] =	ssyncset.done $0x0  }
0x94: {  	[sflag:s6] =	ssyncadd.s32 $0xFFFFFC00  }
0x95: {  	[spmem:s10] =	stream.indirect.scatter.add.f32 [tilespmem:s31], [sflag:$0x2], $0x8, s5, s8, $0xb8;
	[tilespmem:$0x9100] =	vst v63  }
0x96: {  	_ =	swait.ge [sflag:s6], $0x400  }
0x97: {  	s9 =	sld [smem:$0x7EC]  }
0x98: {  	[sflag:s6] =	ssyncset.done $0x0  }
0x99: {  	[sflag:s6] =	ssyncadd.s32 $0xFFFFFC00  }
0x9a: {  	[spmem:s10] =	stream.indirect.scatter.add.f32 [tilespmem:s30], [sflag:$0x2], $0x8, s9, s8, $0xb8;
	[tilespmem:$0x9100] =	vst v63  }
0x9b: {  	_ =	swait.ge [sflag:s6], $0x400  }
0x9c: {  	s12 =	sld [smem:$0x7ED]  }
0x9d: {  	[sflag:s6] =	ssyncset.done $0x0  }
0x9e: {  	[sflag:s6] =	ssyncadd.s32 $0xFFFFFC00  }
0x9f: {  	[spmem:s10] =	stream.indirect.scatter.add.f32 [tilespmem:s29], [sflag:$0x2], $0x8, s12, s8, $0xb8;
	[tilespmem:$0x9100] =	vst v63  }
0xa0: {  	_ =	swait.ge [sflag:s6], $0x400  }
0xa1: {  	s30 =	sld [smem:$0x7EE]  }
0xa2: {  	[sflag:s6] =	ssyncset.done $0x0  }
0xa3: {  	[sflag:s6] =	ssyncadd.s32 $0xFFFFFC00  }
0xa4: {  	[spmem:s10] =	stream.indirect.scatter.add.f32 [tilespmem:s20], [sflag:$0x2], $0x8, s30, s8, $0xb8;
	[tilespmem:$0x9100] =	vst v63  }
0xa5: {  	_ =	swait.ge [sflag:s6], $0x400  }
0xa6: {  	s31 =	sld [smem:$0x7EF]  }
0xa7: {  	[sflag:s6] =	ssyncset.done $0x0  }
0xa8: {  	[sflag:s6] =	ssyncadd.s32 $0xFFFFFC00  }
0xa9: {  	[spmem:s10] =	stream.indirect.scatter.add.f32 [tilespmem:s21], [sflag:$0x2], $0x8, s31, s8, $0xb8;
	[tilespmem:$0x9100] =	vst v63  }
0xaa: {  	_ =	swait.ge [sflag:s6], $0x400  }
0xab: {  	s0 =	sld [smem:$0x7F0]  }
0xac: {  	[sflag:s6] =	ssyncset.done $0x0  }
0xad: {  	[sflag:s6] =	ssyncadd.s32 $0xFFFFFC00  }
0xae: {  	[spmem:s10] =	stream.indirect.scatter.add.f32 [tilespmem:s22], [sflag:$0x2], $0x8, s0, s8, $0xb8;
	[tilespmem:$0x9100] =	vst v63  }
0xaf: {  	_ =	swait.ge [sflag:s6], $0x400  }
0xb0: {  	s1 =	sld [smem:$0x7F1]  }
0xb1: {  	[sflag:s6] =	ssyncset.done $0x0  }
0xb2: {  	[sflag:s6] =	ssyncadd.s32 $0xFFFFFC00  }
0xb3: {  	[spmem:s10] =	stream.indirect.scatter.add.f32 [tilespmem:s23], [sflag:$0x2], $0x8, s1, s8, $0xb8;
	[tilespmem:$0x9100] =	vst v63  }
0xb4: {  	_ =	swait.ge [sflag:s6], $0x400  }
0xb5: {  	s2 =	sld [smem:$0x7F2]  }
0xb6: {  	[sflag:s6] =	ssyncset.done $0x0  }
0xb7: {  	[sflag:s6] =	ssyncadd.s32 $0xFFFFFC00  }
0xb8: {  	[spmem:s10] =	stream.indirect.scatter.add.f32 [tilespmem:s24], [sflag:$0x2], $0x8, s2, s8, $0xb8;
	[tilespmem:$0x9100] =	vst v63  }
0xb9: {  	_ =	swait.ge [sflag:s6], $0x400  }
0xba: {  	s3 =	sld [smem:$0x7F3]  }
0xbb: {  	[sflag:s6] =	ssyncset.done $0x0  }
0xbc: {  	[sflag:s6] =	ssyncadd.s32 $0xFFFFFC00  }
0xbd: {  	[spmem:s10] =	stream.indirect.scatter.add.f32 [tilespmem:s25], [sflag:$0x2], $0x8, s3, s8, $0xb8;
	[tilespmem:$0x9100] =	vst v63  }
0xbe: {  	_ =	swait.ge [sflag:s6], $0x400  }
0xbf: {  	s4 =	sld [smem:$0x7F4]  }
0xc0: {  	[sflag:s6] =	ssyncset.done $0x0  }
0xc1: {  	[sflag:s6] =	ssyncadd.s32 $0xFFFFFC00  }
0xc2: {  	[spmem:s10] =	stream.indirect.scatter.add.f32 [tilespmem:s19], [sflag:$0x2], $0x8, s4, s8, $0xb8;
	[tilespmem:$0x9100] =	vst v63  }
0xc3: {  	_ =	swait.ge [sflag:s6], $0x400  }
0xc4: {  	s5 =	sld [smem:$0x7F5]  }
0xc5: {  	[sflag:s6] =	ssyncset.done $0x0  }
0xc6: {  	[sflag:s6] =	ssyncadd.s32 $0xFFFFFC00  }
0xc7: {  	[spmem:s10] =	stream.indirect.scatter.add.f32 [tilespmem:s28], [sflag:$0x2], $0x8, s5, s8, $0xb8;
	[tilespmem:$0x9100] =	vst v63  }
0xc8: {  	_ =	swait.ge [sflag:s6], $0x400  }
0xc9: {  	s9 =	sld [smem:$0x7F6]  }
0xca: {  	[sflag:s6] =	ssyncset.done $0x0  }
0xcb: {  	[sflag:s6] =	ssyncadd.s32 $0xFFFFFC00  }
0xcc: {  	[spmem:s10] =	stream.indirect.scatter.add.f32 [tilespmem:s26], [sflag:$0x2], $0x8, s9, s8, $0xb8;
	[tilespmem:$0x9100] =	vst v63  }
0xcd: {  	_ =	swait.ge [sflag:s6], $0x400  }
0xce: {  	s12 =	sld [smem:$0x7F7]  }
0xcf: {  	[sflag:s6] =	ssyncset.done $0x0  }
0xd0: {  	[sflag:s6] =	ssyncadd.s32 $0xFFFFFC00  }
0xd1: {  	[spmem:s10] =	stream.indirect.scatter.add.f32 [tilespmem:s17], [sflag:$0x2], $0x8, s12, s8, $0xb8;
	[tilespmem:$0x9100] =	vst v63  }
0xd2: {  	_ =	swait.ge [sflag:s6], $0x400  }
0xd3: {  	s19 =	sld [smem:$0x7F8]  }
0xd4: {  	[sflag:s6] =	ssyncset.done $0x0  }
0xd5: {  	[sflag:s6] =	ssyncadd.s32 $0xFFFFFC00  }
0xd6: {  	[spmem:s10] =	stream.indirect.scatter.add.f32 [tilespmem:s16], [sflag:$0x2], $0x8, s19, s8, $0xb8;
	[tilespmem:$0x9100] =	vst v63  }
0xd7: {  	_ =	swait.ge [sflag:s6], $0x400  }
0xd8: {  	s20 =	sld [smem:$0x7F9]  }
0xd9: {  	[sflag:s6] =	ssyncset.done $0x0  }
0xda: {  	s21 =	simm.s32 $0x6900;
	[sflag:s6] =	ssyncadd.s32 $0xFFFFFC00  }
0xdb: {  	[spmem:s10] =	stream.indirect.scatter.add.f32 [tilespmem:s21], [sflag:$0x2], $0x8, s20, s8, $0xb8;
	[tilespmem:$0x9100] =	vst v63  }
0xdc: {  	_ =	swait.ge [sflag:s6], $0x400  }
0xdd: {  	s22 =	sld [smem:$0x7FA]  }
0xde: {  	[sflag:s6] =	ssyncset.done $0x0  }
0xdf: {  	s23 =	simm.s32 $0x6D00;
	[sflag:s6] =	ssyncadd.s32 $0xFFFFFC00  }
0xe0: {  	[spmem:s10] =	stream.indirect.scatter.add.f32 [tilespmem:s23], [sflag:$0x2], $0x8, s22, s8, $0xb8;
	[tilespmem:$0x9100] =	vst v63  }
0xe1: {  	_ =	swait.ge [sflag:s6], $0x400  }
0xe2: {  	s24 =	sld [smem:$0x7FB]  }
0xe3: {  	[sflag:s6] =	ssyncset.done $0x0  }
0xe4: {  	s25 =	simm.s32 $0x7100;
	[sflag:s6] =	ssyncadd.s32 $0xFFFFFC00  }
0xe5: {  	[spmem:s10] =	stream.indirect.scatter.add.f32 [tilespmem:s25], [sflag:$0x2], $0x8, s24, s8, $0xb8;
	[tilespmem:$0x9100] =	vst v63  }
0xe6: {  	_ =	swait.ge [sflag:s6], $0x400  }
0xe7: {  	s26 =	sld [smem:$0x7FC]  }
0xe8: {  	[sflag:s6] =	ssyncset.done $0x0  }
0xe9: {  	s28 =	simm.s32 $0x7500;
	[sflag:s6] =	ssyncadd.s32 $0xFFFFFC00  }
0xea: {  	[spmem:s10] =	stream.indirect.scatter.add.f32 [tilespmem:s28], [sflag:$0x2], $0x8, s26, s8, $0xb8;
	[tilespmem:$0x9100] =	vst v63  }
0xeb: {  	_ =	swait.ge [sflag:s6], $0x400  }
0xec: {  	s29 =	sld [smem:$0x7FD]  }
0xed: {  	[sflag:s6] =	ssyncset.done $0x0  }
0xee: {  	s15 =	simm.s32 $0x7900;
	[sflag:s6] =	ssyncadd.s32 $0xFFFFFC00  }
0xef: {  	[spmem:s10] =	stream.indirect.scatter.add.f32 [tilespmem:s15], [sflag:$0x2], $0x8, s29, s8, $0xb8;
	[tilespmem:$0x9100] =	vst v63  }
0xf0: {  	_ =	swait.ge [sflag:s7], $0x400  }
0xf1: {  	[sflag:s7] =	ssyncset.done $0x0  }
0xf2: {  	[sflag:s7] =	ssyncadd.s32 $0xFFFFFC00  }
0xf3: {  	_ =	swait.ge [sflag:s7], $0x400  }
0xf4: {  	[sflag:s7] =	ssyncset.done $0x0  }
0xf5: {  	[sflag:s7] =	ssyncadd.s32 $0xFFFFFC00  }
0xf6: {  	_ =	swait.ge [sflag:s7], $0x400  }
0xf7: {  	[sflag:s7] =	ssyncset.done $0x0  }
0xf8: {  	[sflag:s7] =	ssyncadd.s32 $0xFFFFFC00  }
0xf9: {  	_ =	swait.ge [sflag:s7], $0x400  }
0xfa: {  	[sflag:s7] =	ssyncset.done $0x0  }
0xfb: {  	[sflag:s7] =	ssyncadd.s32 $0xFFFFFC00  }
0xfc: {  	_ =	swait.ge [sflag:s7], $0x400  }
0xfd: {  	[sflag:s7] =	ssyncset.done $0x0  }
0xfe: {  	[sflag:s7] =	ssyncadd.s32 $0xFFFFFC00  }
0xff: {  	_ =	swait.ge [sflag:s7], $0x400  }
0x100: {  	[sflag:s7] =	ssyncset.done $0x0  }
0x101: {  	[sflag:s7] =	ssyncadd.s32 $0xFFFFFC00  }
0x102: {  	_ =	swait.ge [sflag:s7], $0x400  }
0x103: {  	[sflag:s7] =	ssyncset.done $0x0  }
0x104: {  	[sflag:s7] =	ssyncadd.s32 $0xFFFFFC00  }
0x105: {  	_ =	swait.ge [sflag:s7], $0x400  }
0x106: {  	[sflag:s7] =	ssyncset.done $0x0  }
0x107: {  	[sflag:s7] =	ssyncadd.s32 $0xFFFFFC00  }
0x108: {  	_ =	swait.ge [sflag:s7], $0x400  }
0x109: {  	[sflag:s7] =	ssyncset.done $0x0  }
0x10a: {  	[sflag:s7] =	ssyncadd.s32 $0xFFFFFC00  }
0x10b: {  	_ =	swait.ge [sflag:s7], $0x400  }
0x10c: {  	[sflag:s7] =	ssyncset.done $0x0  }
0x10d: {  	[sflag:s7] =	ssyncadd.s32 $0xFFFFFC00  }
0x10e: {  	_ =	swait.ge [sflag:s7], $0x400  }
0x10f: {  	[sflag:s7] =	ssyncset.done $0x0  }
0x110: {  	[sflag:s7] =	ssyncadd.s32 $0xFFFFFC00  }
0x111: {  	_ =	swait.ge [sflag:s7], $0x400  }
0x112: {  	[sflag:s7] =	ssyncset.done $0x0  }
0x113: {  	[sflag:s7] =	ssyncadd.s32 $0xFFFFFC00  }
0x114: {  	_ =	swait.ge [sflag:s7], $0x400  }
0x115: {  	[sflag:s7] =	ssyncset.done $0x0  }
0x116: {  	[sflag:s7] =	ssyncadd.s32 $0xFFFFFC00  }
0x117: {  	_ =	swait.ge [sflag:s7], $0x400  }
0x118: {  	[sflag:s7] =	ssyncset.done $0x0  }
0x119: {  	[sflag:s7] =	ssyncadd.s32 $0xFFFFFC00  }
0x11a: {  	_ =	swait.ge [sflag:s7], $0x400  }
0x11b: {  	[sflag:s7] =	ssyncset.done $0x0  }
0x11c: {  	[sflag:s7] =	ssyncadd.s32 $0xFFFFFC00  }
0x11d: {  	_ =	swait.ge [sflag:s7], $0x400  }
0x11e: {  	[sflag:s7] =	ssyncset.done $0x0  }
0x11f: {  	[sflag:s7] =	ssyncadd.s32 $0xFFFFFC00  }
0x120: {  	_ =	swait.ge [sflag:s7], $0x400  }
0x121: {  	[sflag:s7] =	ssyncset.done $0x0  }
0x122: {  	[sflag:s7] =	ssyncadd.s32 $0xFFFFFC00  }
0x123: {  	_ =	swait.ge [sflag:s7], $0x400  }
0x124: {  	[sflag:s7] =	ssyncset.done $0x0  }
0x125: {  	[sflag:s7] =	ssyncadd.s32 $0xFFFFFC00  }
0x126: {  	_ =	swait.ge [sflag:s7], $0x400  }
0x127: {  	[sflag:s7] =	ssyncset.done $0x0  }
0x128: {  	[sflag:s7] =	ssyncadd.s32 $0xFFFFFC00  }
0x129: {  	_ =	swait.ge [sflag:s7], $0x400  }
0x12a: {  	[sflag:s7] =	ssyncset.done $0x0  }
0x12b: {  	[sflag:s7] =	ssyncadd.s32 $0xFFFFFC00  }
0x12c: {  	_ =	swait.ge [sflag:s7], $0x400  }
0x12d: {  	[sflag:s7] =	ssyncset.done $0x0  }
0x12e: {  	[sflag:s7] =	ssyncadd.s32 $0xFFFFFC00  }
0x12f: {  	_ =	swait.ge [sflag:s7], $0x400  }
0x130: {  	[sflag:s7] =	ssyncset.done $0x0  }
0x131: {  	[sflag:s7] =	ssyncadd.s32 $0xFFFFFC00  }
0x132: {  	_ =	swait.ge [sflag:s7], $0x400  }
0x133: {  	[sflag:s7] =	ssyncset.done $0x0  }
0x134: {  	[sflag:s7] =	ssyncadd.s32 $0xFFFFFC00  }
0x135: {  	_ =	swait.ge [sflag:s7], $0x400  }
0x136: {  	[sflag:s7] =	ssyncset.done $0x0  }
0x137: {  	[sflag:s7] =	ssyncadd.s32 $0xFFFFFC00  }
0x138: {  	_ =	swait.ge [sflag:s7], $0x400  }
0x139: {  	[sflag:s7] =	ssyncset.done $0x0  }
0x13a: {  	[sflag:s7] =	ssyncadd.s32 $0xFFFFFC00  }
0x13b: {  	[bflag:$0x0] =	sbarrier.arrive $0xFFFF  }
0x13c: {  	s30 =	rddreg [dreg:$0x6]  }
0x13d: {  	[smem:$0x7E5] =	sst s14  }
0x13e: {  	[smem:$0x7E6] =	sst s11  }
0x13f: {  	[hbm:s30@s7], [sflag:s11] =	dma.strided [spmem:s14@s6], $0x280, s6, $0x1   }
0x140: {  	s31 =	sld [smem:$0x7E7];
	_ =	sdelay $0x2  }
0x141: {  	p1 =	sne.s32 s31, $0x1  }
.Ltmp1:
0x142: {  	_ = 	snop;
	(pc) =	sbr.rel @!p1 .LBB2_6-.Ltmp1, $4  }
0x143: {  	_ = 	snop  }
0x144: {  	s5 =	simm.s32 $0x3  }
0x145: {  	p0 =	por $0x1, $0x1;
	_ =	swait.ge [sflag:s5], $0x280  }
0x146: {  	s15 =	rddreg [dreg:$0x3];
	[sflag:s5] =	ssyncset.done $0x0;
	s13 =	sadd.s32 $0xFFFFFFFF, s31  }
0x147: {  	s4 =	simm.s32 $0x1D00;
	s9 =	simm.s32 $0x2500  }
0x148: {  	s31 =	simm.s32 $0x3100;
	s30 =	simm.s32 $0x3500;
	s29 =	simm.s32 $0x3900  }
0x149: {  	s20 =	simm.s32 $0x3D00;
	s21 =	simm.s32 $0x4100;
	s22 =	simm.s32 $0x4500  }
0x14a: {  	s23 =	simm.s32 $0x4900;
	s24 =	simm.s32 $0x4D00;
	s25 =	simm.s32 $0x5100  }
0x14b: {  	s19 =	simm.s32 $0x5500;
	s28 =	simm.s32 $0x5900;
	s26 =	simm.s32 $0x5D00  }
0x14c: {  	s17 =	simm.s32 $0x6100;
	s12 =	simm.s32 $0x6500;
	s14 =	simm.s32 $0x6D00  }
.LBB2_3:
0x14d: {  	s1 =	sld [smem:$0x7E5]  }
0x14e: {  	s2 =	sld [smem:$0x7E6];
	_ =	sdelay $0x1  }
0x14f: {  	[sflag:s5] =	ssyncadd.s32 $0xFFFFFD80;
	s0 =	simm.s32 $0x3  }
0x150: {  	[spmem:s1], [sflag:s2] =	dma.local [hbm:s15], $0x280  }
0x151: {  	_ =	swait.ge [sflag:s0], $0x280  }
0x152: {  	[sflag:s0] =	ssyncset.done $0x0  }
0x153: {  	s3 =	simm.s32 $0x0;
	s1 =	rddreg [dreg:$0x4];
	[sflag:s0] =	ssyncadd.s32 $0xFFFFFD80  }
0x154: {  	[tilespmem:s3], [sflag:$0x3] =	stream.linear.gather [hbm4b:s1+s3], $0xC80, $0x38;
	[tilespmem:$0x9100] =	vst v63  }
0x155: {  	_ =	swait.ge [sflag:s0], $0xC80  }
0x156: {  	[sflag:s0] =	ssyncset.done $0x0  }
0x157: {  	s1 =	simm.s32 $0xC80;
	s2 =	rddreg [dreg:$0x5];
	[sflag:s0] =	ssyncadd.s32 $0xFFFFF380  }
0x158: {  	[tilespmem:s1], [sflag:$0x3] =	stream.linear.gather [hbm4b:s2+s3], $0xC80, $0x38;
	[tilespmem:$0x9100] =	vst v63  }
0x159: {  	_ =	swait.ge [sflag:s0], $0xC80  }
0x15a: {  	[sflag:s0] =	ssyncset.done $0x0  }
0x15b: {  	[sflag:s0] =	ssyncadd.s32 $0xFFFFF380  }
0x15c: {  	s2 =	simm.s32 $0x1900;
	[bflag:$0x0] =	sbarrier.arrive $0xFFFF  }
0x15d: {  	[tilespmem:s2], [sflag:$0x1] =	stream.indirect.gather [hbm4b:s18+s8], $0x8, s3, s8, $0xb8;
	[tilespmem:$0x9100] =	vst v63  }
0x15e: {  	s16 =	simm.s32 $0x1D00  }
0x15f: {  	[tilespmem:s16], [sflag:$0x1] =	stream.indirect.gather [hbm4b:s18+s8], $0x8, s8, s8, $0xb8;
	[tilespmem:$0x9100] =	vst v63  }
0x160: {  	s11 =	simm.s32 $0x2100;
	s5 =	rddreg [dreg:$0x7]  }
0x161: {  	[tilespmem:s11], [sflag:$0x1] =	stream.indirect.gather [hbm4b:s18+s8], $0x8, s5, s8, $0xb8;
	[tilespmem:$0x9100] =	vst v63  }
0x162: {  	s16 =	rddreg [dreg:$0x8]  }
0x163: {  	[tilespmem:s9], [sflag:$0x1] =	stream.indirect.gather [hbm4b:s18+s8], $0x8, s16, s8, $0xb8;
	[tilespmem:$0x9100] =	vst v63  }
0x164: {  	s0 =	simm.s32 $0x2900;
	s3 =	rddreg [dreg:$0x9]  }
0x165: {  	[tilespmem:s0], [sflag:$0x1] =	stream.indirect.gather [hbm4b:s18+s8], $0x8, s3, s8, $0xb8;
	[tilespmem:$0x9100] =	vst v63  }
0x166: {  	s5 =	rddreg [dreg:$0xa];
	s3 =	simm.s32 $0x2D00  }
0x167: {  	[tilespmem:s3], [sflag:$0x1] =	stream.indirect.gather [hbm4b:s18+s8], $0x8, s5, s8, $0xb8;
	[tilespmem:$0x9100] =	vst v63  }
0x168: {  	s11 =	rddreg [dreg:$0xb]  }
0x169: {  	[tilespmem:s31], [sflag:$0x1] =	stream.indirect.gather [hbm4b:s18+s8], $0x8, s11, s8, $0xb8;
	[tilespmem:$0x9100] =	vst v63  }
0x16a: {  	s5 =	rddreg [dreg:$0xc]  }
0x16b: {  	[tilespmem:s30], [sflag:$0x1] =	stream.indirect.gather [hbm4b:s18+s8], $0x8, s5, s8, $0xb8;
	[tilespmem:$0x9100] =	vst v63  }
0x16c: {  	s11 =	rddreg [dreg:$0xd]  }
0x16d: {  	[tilespmem:s29], [sflag:$0x1] =	stream.indirect.gather [hbm4b:s18+s8], $0x8, s11, s8, $0xb8;
	[tilespmem:$0x9100] =	vst v63  }
0x16e: {  	s5 =	rddreg [dreg:$0xe]  }
0x16f: {  	[tilespmem:s20], [sflag:$0x1] =	stream.indirect.gather [hbm4b:s18+s8], $0x8, s5, s8, $0xb8;
	[tilespmem:$0x9100] =	vst v63  }
0x170: {  	s11 =	rddreg [dreg:$0xf]  }
0x171: {  	[tilespmem:s21], [sflag:$0x1] =	stream.indirect.gather [hbm4b:s18+s8], $0x8, s11, s8, $0xb8;
	[tilespmem:$0x9100] =	vst v63  }
0x172: {  	s5 =	rddreg [dreg:$0x10]  }
0x173: {  	[tilespmem:s22], [sflag:$0x1] =	stream.indirect.gather [hbm4b:s18+s8], $0x8, s5, s8, $0xb8;
	[tilespmem:$0x9100] =	vst v63  }
0x174: {  	s11 =	rddreg [dreg:$0x11]  }
0x175: {  	[tilespmem:s23], [sflag:$0x1] =	stream.indirect.gather [hbm4b:s18+s8], $0x8, s11, s8, $0xb8;
	[tilespmem:$0x9100] =	vst v63  }
0x176: {  	s5 =	rddreg [dreg:$0x12]  }
0x177: {  	[tilespmem:s24], [sflag:$0x1] =	stream.indirect.gather [hbm4b:s18+s8], $0x8, s5, s8, $0xb8;
	[tilespmem:$0x9100] =	vst v63  }
0x178: {  	s11 =	rddreg [dreg:$0x13]  }
0x179: {  	[tilespmem:s25], [sflag:$0x1] =	stream.indirect.gather [hbm4b:s18+s8], $0x8, s11, s8, $0xb8;
	[tilespmem:$0x9100] =	vst v63  }
0x17a: {  	s5 =	rddreg [dreg:$0x14]  }
0x17b: {  	[tilespmem:s19], [sflag:$0x1] =	stream.indirect.gather [hbm4b:s18+s8], $0x8, s5, s8, $0xb8;
	[tilespmem:$0x9100] =	vst v63  }
0x17c: {  	s11 =	rddreg [dreg:$0x15]  }
0x17d: {  	[tilespmem:s28], [sflag:$0x1] =	stream.indirect.gather [hbm4b:s18+s8], $0x8, s11, s8, $0xb8;
	[tilespmem:$0x9100] =	vst v63  }
0x17e: {  	s5 =	rddreg [dreg:$0x16]  }
0x17f: {  	[tilespmem:s26], [sflag:$0x1] =	stream.indirect.gather [hbm4b:s18+s8], $0x8, s5, s8, $0xb8;
	[tilespmem:$0x9100] =	vst v63  }
0x180: {  	s11 =	rddreg [dreg:$0x17]  }
0x181: {  	[tilespmem:s17], [sflag:$0x1] =	stream.indirect.gather [hbm4b:s18+s8], $0x8, s11, s8, $0xb8;
	[tilespmem:$0x9100] =	vst v63  }
0x182: {  	s5 =	rddreg [dreg:$0x18]  }
0x183: {  	[tilespmem:s12], [sflag:$0x1] =	stream.indirect.gather [hbm4b:s18+s8], $0x8, s5, s8, $0xb8;
	[tilespmem:$0x9100] =	vst v63  }
0x184: {  	s15 =	rddreg [dreg:$0x19];
	s5 =	simm.s32 $0x6900  }
0x185: {  	[tilespmem:s5], [sflag:$0x1] =	stream.indirect.gather [hbm4b:s18+s8], $0x8, s15, s8, $0xb8;
	[tilespmem:$0x9100] =	vst v63  }
0x186: {  	s11 =	rddreg [dreg:$0x1a]  }
0x187: {  	[tilespmem:s14], [sflag:$0x1] =	stream.indirect.gather [hbm4b:s18+s8], $0x8, s11, s8, $0xb8;
	[tilespmem:$0x9100] =	vst v63  }
0x188: {  	s15 =	rddreg [dreg:$0x1b];
	s11 =	simm.s32 $0x7100  }
0x189: {  	[tilespmem:s11], [sflag:$0x1] =	stream.indirect.gather [hbm4b:s18+s8], $0x8, s15, s8, $0xb8;
	[tilespmem:$0x9100] =	vst v63  }
0x18a: {  	s16 =	rddreg [dreg:$0x1c];
	s11 =	simm.s32 $0x7500  }
0x18b: {  	[tilespmem:s11], [sflag:$0x1] =	stream.indirect.gather [hbm4b:s18+s8], $0x8, s16, s8, $0xb8;
	[tilespmem:$0x9100] =	vst v63  }
0x18c: {  	s15 =	rddreg [dreg:$0x1d];
	s11 =	simm.s32 $0x7900  }
0x18d: {  	[tilespmem:s11], [sflag:$0x1] =	stream.indirect.gather [hbm4b:s18+s8], $0x8, s15, s8, $0xb8;
	[tilespmem:$0x9100] =	vst v63  }
0x18e: {  	_ =	swait.ge [sflag:s6], $0x400  }
0x18f: {  	[sflag:s6] =	ssyncset.done $0x0  }
0x190: {  	[sflag:s6] =	ssyncadd.s32 $0xFFFFFC00  }
0x191: {  	[spmem:s10] =	stream.indirect.scatter.add.f32 [tilespmem:s2], [sflag:$0x2], $0x8, s1, s8, $0xb8;
	[tilespmem:$0x9100] =	vst v63  }
0x192: {  	_ =	swait.ge [sflag:s6], $0x400  }
0x193: {  	[sflag:s6] =	ssyncset.done $0x0  }
0x194: {  	s1 =	rddreg [dreg:$0x1e];
	[sflag:s6] =	ssyncadd.s32 $0xFFFFFC00  }
0x195: {  	[spmem:s10] =	stream.indirect.scatter.add.f32 [tilespmem:s4], [sflag:$0x2], $0x8, s1, s8, $0xb8;
	[tilespmem:$0x9100] =	vst v63  }
0x196: {  	_ =	swait.ge [sflag:s6], $0x400  }
0x197: {  	[sflag:s6] =	ssyncset.done $0x0  }
0x198: {  	s16 =	simm.s32 $0x2100;
	s2 =	rddreg [dreg:$0x1f];
	[sflag:s6] =	ssyncadd.s32 $0xFFFFFC00  }
0x199: {  	[spmem:s10] =	stream.indirect.scatter.add.f32 [tilespmem:s16], [sflag:$0x2], $0x8, s2, s8, $0xb8;
	[tilespmem:$0x9100] =	vst v63  }
0x19a: {  	_ =	swait.ge [sflag:s6], $0x400  }
0x19b: {  	s16 =	sld [smem:$0x7E8]  }
0x19c: {  	[sflag:s6] =	ssyncset.done $0x0  }
0x19d: {  	[sflag:s6] =	ssyncadd.s32 $0xFFFFFC00  }
0x19e: {  	[spmem:s10] =	stream.indirect.scatter.add.f32 [tilespmem:s9], [sflag:$0x2], $0x8, s16, s8, $0xb8;
	[tilespmem:$0x9100] =	vst v63  }
0x19f: {  	_ =	swait.ge [sflag:s6], $0x400  }
0x1a0: {  	s1 =	sld [smem:$0x7E9]  }
0x1a1: {  	[sflag:s6] =	ssyncset.done $0x0  }
0x1a2: {  	[sflag:s6] =	ssyncadd.s32 $0xFFFFFC00  }
0x1a3: {  	[spmem:s10] =	stream.indirect.scatter.add.f32 [tilespmem:s0], [sflag:$0x2], $0x8, s1, s8, $0xb8;
	[tilespmem:$0x9100] =	vst v63  }
0x1a4: {  	_ =	swait.ge [sflag:s6], $0x400  }
0x1a5: {  	s2 =	sld [smem:$0x7EA]  }
0x1a6: {  	[sflag:s6] =	ssyncset.done $0x0  }
0x1a7: {  	[sflag:s6] =	ssyncadd.s32 $0xFFFFFC00  }
0x1a8: {  	[spmem:s10] =	stream.indirect.scatter.add.f32 [tilespmem:s3], [sflag:$0x2], $0x8, s2, s8, $0xb8;
	[tilespmem:$0x9100] =	vst v63  }
0x1a9: {  	_ =	swait.ge [sflag:s6], $0x400  }
0x1aa: {  	s3 =	sld [smem:$0x7EB]  }
0x1ab: {  	[sflag:s6] =	ssyncset.done $0x0  }
0x1ac: {  	[sflag:s6] =	ssyncadd.s32 $0xFFFFFC00  }
0x1ad: {  	[spmem:s10] =	stream.indirect.scatter.add.f32 [tilespmem:s31], [sflag:$0x2], $0x8, s3, s8, $0xb8;
	[tilespmem:$0x9100] =	vst v63  }
0x1ae: {  	_ =	swait.ge [sflag:s6], $0x400  }
0x1af: {  	s16 =	sld [smem:$0x7EC]  }
0x1b0: {  	[sflag:s6] =	ssyncset.done $0x0  }
0x1b1: {  	[sflag:s6] =	ssyncadd.s32 $0xFFFFFC00  }
0x1b2: {  	[spmem:s10] =	stream.indirect.scatter.add.f32 [tilespmem:s30], [sflag:$0x2], $0x8, s16, s8, $0xb8;
	[tilespmem:$0x9100] =	vst v63  }
0x1b3: {  	_ =	swait.ge [sflag:s6], $0x400  }
0x1b4: {  	s0 =	sld [smem:$0x7ED]  }
0x1b5: {  	[sflag:s6] =	ssyncset.done $0x0  }
0x1b6: {  	[sflag:s6] =	ssyncadd.s32 $0xFFFFFC00  }
0x1b7: {  	[spmem:s10] =	stream.indirect.scatter.add.f32 [tilespmem:s29], [sflag:$0x2], $0x8, s0, s8, $0xb8;
	[tilespmem:$0x9100] =	vst v63  }
0x1b8: {  	_ =	swait.ge [sflag:s6], $0x400  }
0x1b9: {  	s1 =	sld [smem:$0x7EE]  }
0x1ba: {  	[sflag:s6] =	ssyncset.done $0x0  }
0x1bb: {  	[sflag:s6] =	ssyncadd.s32 $0xFFFFFC00  }
0x1bc: {  	[spmem:s10] =	stream.indirect.scatter.add.f32 [tilespmem:s20], [sflag:$0x2], $0x8, s1, s8, $0xb8;
	[tilespmem:$0x9100] =	vst v63  }
0x1bd: {  	_ =	swait.ge [sflag:s6], $0x400  }
0x1be: {  	s2 =	sld [smem:$0x7EF]  }
0x1bf: {  	[sflag:s6] =	ssyncset.done $0x0  }
0x1c0: {  	[sflag:s6] =	ssyncadd.s32 $0xFFFFFC00  }
0x1c1: {  	[spmem:s10] =	stream.indirect.scatter.add.f32 [tilespmem:s21], [sflag:$0x2], $0x8, s2, s8, $0xb8;
	[tilespmem:$0x9100] =	vst v63  }
0x1c2: {  	_ =	swait.ge [sflag:s6], $0x400  }
0x1c3: {  	s3 =	sld [smem:$0x7F0]  }
0x1c4: {  	[sflag:s6] =	ssyncset.done $0x0  }
0x1c5: {  	[sflag:s6] =	ssyncadd.s32 $0xFFFFFC00  }
0x1c6: {  	[spmem:s10] =	stream.indirect.scatter.add.f32 [tilespmem:s22], [sflag:$0x2], $0x8, s3, s8, $0xb8;
	[tilespmem:$0x9100] =	vst v63  }
0x1c7: {  	_ =	swait.ge [sflag:s6], $0x400  }
0x1c8: {  	s16 =	sld [smem:$0x7F1]  }
0x1c9: {  	[sflag:s6] =	ssyncset.done $0x0  }
0x1ca: {  	[sflag:s6] =	ssyncadd.s32 $0xFFFFFC00  }
0x1cb: {  	[spmem:s10] =	stream.indirect.scatter.add.f32 [tilespmem:s23], [sflag:$0x2], $0x8, s16, s8, $0xb8;
	[tilespmem:$0x9100] =	vst v63  }
0x1cc: {  	_ =	swait.ge [sflag:s6], $0x400  }
0x1cd: {  	s0 =	sld [smem:$0x7F2]  }
0x1ce: {  	[sflag:s6] =	ssyncset.done $0x0  }
0x1cf: {  	[sflag:s6] =	ssyncadd.s32 $0xFFFFFC00  }
0x1d0: {  	[spmem:s10] =	stream.indirect.scatter.add.f32 [tilespmem:s24], [sflag:$0x2], $0x8, s0, s8, $0xb8;
	[tilespmem:$0x9100] =	vst v63  }
0x1d1: {  	_ =	swait.ge [sflag:s6], $0x400  }
0x1d2: {  	s1 =	sld [smem:$0x7F3]  }
0x1d3: {  	[sflag:s6] =	ssyncset.done $0x0  }
0x1d4: {  	[sflag:s6] =	ssyncadd.s32 $0xFFFFFC00  }
0x1d5: {  	[spmem:s10] =	stream.indirect.scatter.add.f32 [tilespmem:s25], [sflag:$0x2], $0x8, s1, s8, $0xb8;
	[tilespmem:$0x9100] =	vst v63  }
0x1d6: {  	_ =	swait.ge [sflag:s6], $0x400  }
0x1d7: {  	s2 =	sld [smem:$0x7F4]  }
0x1d8: {  	[sflag:s6] =	ssyncset.done $0x0  }
0x1d9: {  	[sflag:s6] =	ssyncadd.s32 $0xFFFFFC00  }
0x1da: {  	[spmem:s10] =	stream.indirect.scatter.add.f32 [tilespmem:s19], [sflag:$0x2], $0x8, s2, s8, $0xb8;
	[tilespmem:$0x9100] =	vst v63  }
0x1db: {  	_ =	swait.ge [sflag:s6], $0x400  }
0x1dc: {  	s3 =	sld [smem:$0x7F5]  }
0x1dd: {  	[sflag:s6] =	ssyncset.done $0x0  }
0x1de: {  	[sflag:s6] =	ssyncadd.s32 $0xFFFFFC00  }
0x1df: {  	[spmem:s10] =	stream.indirect.scatter.add.f32 [tilespmem:s28], [sflag:$0x2], $0x8, s3, s8, $0xb8;
	[tilespmem:$0x9100] =	vst v63  }
0x1e0: {  	_ =	swait.ge [sflag:s6], $0x400  }
0x1e1: {  	s16 =	sld [smem:$0x7F6]  }
0x1e2: {  	[sflag:s6] =	ssyncset.done $0x0  }
0x1e3: {  	[sflag:s6] =	ssyncadd.s32 $0xFFFFFC00  }
0x1e4: {  	[spmem:s10] =	stream.indirect.scatter.add.f32 [tilespmem:s26], [sflag:$0x2], $0x8, s16, s8, $0xb8;
	[tilespmem:$0x9100] =	vst v63  }
0x1e5: {  	_ =	swait.ge [sflag:s6], $0x400  }
0x1e6: {  	s0 =	sld [smem:$0x7F7]  }
0x1e7: {  	[sflag:s6] =	ssyncset.done $0x0  }
0x1e8: {  	[sflag:s6] =	ssyncadd.s32 $0xFFFFFC00  }
0x1e9: {  	[spmem:s10] =	stream.indirect.scatter.add.f32 [tilespmem:s17], [sflag:$0x2], $0x8, s0, s8, $0xb8;
	[tilespmem:$0x9100] =	vst v63  }
0x1ea: {  	_ =	swait.ge [sflag:s6], $0x400  }
0x1eb: {  	s1 =	sld [smem:$0x7F8]  }
0x1ec: {  	[sflag:s6] =	ssyncset.done $0x0  }
0x1ed: {  	[sflag:s6] =	ssyncadd.s32 $0xFFFFFC00  }
0x1ee: {  	[spmem:s10] =	stream.indirect.scatter.add.f32 [tilespmem:s12], [sflag:$0x2], $0x8, s1, s8, $0xb8;
	[tilespmem:$0x9100] =	vst v63  }
0x1ef: {  	_ =	swait.ge [sflag:s6], $0x400  }
0x1f0: {  	s2 =	sld [smem:$0x7F9]  }
0x1f1: {  	[sflag:s6] =	ssyncset.done $0x0  }
0x1f2: {  	[sflag:s6] =	ssyncadd.s32 $0xFFFFFC00  }
0x1f3: {  	[spmem:s10] =	stream.indirect.scatter.add.f32 [tilespmem:s5], [sflag:$0x2], $0x8, s2, s8, $0xb8;
	[tilespmem:$0x9100] =	vst v63  }
0x1f4: {  	_ =	swait.ge [sflag:s6], $0x400  }
0x1f5: {  	s3 =	sld [smem:$0x7FA]  }
0x1f6: {  	[sflag:s6] =	ssyncset.done $0x0  }
0x1f7: {  	[sflag:s6] =	ssyncadd.s32 $0xFFFFFC00  }
0x1f8: {  	[spmem:s10] =	stream.indirect.scatter.add.f32 [tilespmem:s14], [sflag:$0x2], $0x8, s3, s8, $0xb8;
	[tilespmem:$0x9100] =	vst v63  }
0x1f9: {  	_ =	swait.ge [sflag:s6], $0x400  }
0x1fa: {  	s5 =	sld [smem:$0x7FB]  }
0x1fb: {  	[sflag:s6] =	ssyncset.done $0x0  }
0x1fc: {  	s16 =	simm.s32 $0x7100;
	[sflag:s6] =	ssyncadd.s32 $0xFFFFFC00  }
0x1fd: {  	[spmem:s10] =	stream.indirect.scatter.add.f32 [tilespmem:s16], [sflag:$0x2], $0x8, s5, s8, $0xb8;
	[tilespmem:$0x9100] =	vst v63  }
0x1fe: {  	_ =	swait.ge [sflag:s6], $0x400  }
0x1ff: {  	s1 =	sld [smem:$0x7FC]  }
0x200: {  	[sflag:s6] =	ssyncset.done $0x0  }
0x201: {  	s2 =	simm.s32 $0x7500;
	[sflag:s6] =	ssyncadd.s32 $0xFFFFFC00  }
0x202: {  	[spmem:s10] =	stream.indirect.scatter.add.f32 [tilespmem:s2], [sflag:$0x2], $0x8, s1, s8, $0xb8;
	[tilespmem:$0x9100] =	vst v63  }
0x203: {  	_ =	swait.ge [sflag:s6], $0x400  }
0x204: {  	s3 =	sld [smem:$0x7FD]  }
0x205: {  	[sflag:s6] =	ssyncset.done $0x0  }
0x206: {  	s11 =	simm.s32 $0x7900;
	[sflag:s6] =	ssyncadd.s32 $0xFFFFFC00  }
0x207: {  	[spmem:s10] =	stream.indirect.scatter.add.f32 [tilespmem:s11], [sflag:$0x2], $0x8, s3, s8, $0xb8;
	[tilespmem:$0x9100] =	vst v63  }
0x208: {  	_ =	swait.ge [sflag:s7], $0x400  }
0x209: {  	[sflag:s7] =	ssyncset.done $0x0  }
0x20a: {  	[sflag:s7] =	ssyncadd.s32 $0xFFFFFC00  }
0x20b: {  	_ =	swait.ge [sflag:s7], $0x400  }
0x20c: {  	[sflag:s7] =	ssyncset.done $0x0  }
0x20d: {  	[sflag:s7] =	ssyncadd.s32 $0xFFFFFC00  }
0x20e: {  	_ =	swait.ge [sflag:s7], $0x400  }
0x20f: {  	[sflag:s7] =	ssyncset.done $0x0  }
0x210: {  	[sflag:s7] =	ssyncadd.s32 $0xFFFFFC00  }
0x211: {  	_ =	swait.ge [sflag:s7], $0x400  }
0x212: {  	[sflag:s7] =	ssyncset.done $0x0  }
0x213: {  	[sflag:s7] =	ssyncadd.s32 $0xFFFFFC00  }
0x214: {  	_ =	swait.ge [sflag:s7], $0x400  }
0x215: {  	[sflag:s7] =	ssyncset.done $0x0  }
0x216: {  	[sflag:s7] =	ssyncadd.s32 $0xFFFFFC00  }
0x217: {  	_ =	swait.ge [sflag:s7], $0x400  }
0x218: {  	[sflag:s7] =	ssyncset.done $0x0  }
0x219: {  	[sflag:s7] =	ssyncadd.s32 $0xFFFFFC00  }
0x21a: {  	_ =	swait.ge [sflag:s7], $0x400  }
0x21b: {  	[sflag:s7] =	ssyncset.done $0x0  }
0x21c: {  	[sflag:s7] =	ssyncadd.s32 $0xFFFFFC00  }
0x21d: {  	_ =	swait.ge [sflag:s7], $0x400  }
0x21e: {  	[sflag:s7] =	ssyncset.done $0x0  }
0x21f: {  	[sflag:s7] =	ssyncadd.s32 $0xFFFFFC00  }
0x220: {  	_ =	swait.ge [sflag:s7], $0x400  }
0x221: {  	[sflag:s7] =	ssyncset.done $0x0  }
0x222: {  	[sflag:s7] =	ssyncadd.s32 $0xFFFFFC00  }
0x223: {  	_ =	swait.ge [sflag:s7], $0x400  }
0x224: {  	[sflag:s7] =	ssyncset.done $0x0  }
0x225: {  	[sflag:s7] =	ssyncadd.s32 $0xFFFFFC00  }
0x226: {  	_ =	swait.ge [sflag:s7], $0x400  }
0x227: {  	[sflag:s7] =	ssyncset.done $0x0  }
0x228: {  	[sflag:s7] =	ssyncadd.s32 $0xFFFFFC00  }
0x229: {  	_ =	swait.ge [sflag:s7], $0x400  }
0x22a: {  	[sflag:s7] =	ssyncset.done $0x0  }
0x22b: {  	[sflag:s7] =	ssyncadd.s32 $0xFFFFFC00  }
0x22c: {  	_ =	swait.ge [sflag:s7], $0x400  }
0x22d: {  	[sflag:s7] =	ssyncset.done $0x0  }
0x22e: {  	[sflag:s7] =	ssyncadd.s32 $0xFFFFFC00  }
0x22f: {  	_ =	swait.ge [sflag:s7], $0x400  }
0x230: {  	[sflag:s7] =	ssyncset.done $0x0  }
0x231: {  	[sflag:s7] =	ssyncadd.s32 $0xFFFFFC00  }
0x232: {  	_ =	swait.ge [sflag:s7], $0x400  }
0x233: {  	[sflag:s7] =	ssyncset.done $0x0  }
0x234: {  	[sflag:s7] =	ssyncadd.s32 $0xFFFFFC00  }
0x235: {  	_ =	swait.ge [sflag:s7], $0x400  }
0x236: {  	[sflag:s7] =	ssyncset.done $0x0  }
0x237: {  	[sflag:s7] =	ssyncadd.s32 $0xFFFFFC00  }
0x238: {  	_ =	swait.ge [sflag:s7], $0x400  }
0x239: {  	[sflag:s7] =	ssyncset.done $0x0  }
0x23a: {  	[sflag:s7] =	ssyncadd.s32 $0xFFFFFC00  }
0x23b: {  	_ =	swait.ge [sflag:s7], $0x400  }
0x23c: {  	[sflag:s7] =	ssyncset.done $0x0  }
0x23d: {  	[sflag:s7] =	ssyncadd.s32 $0xFFFFFC00  }
0x23e: {  	_ =	swait.ge [sflag:s7], $0x400  }
0x23f: {  	[sflag:s7] =	ssyncset.done $0x0  }
0x240: {  	[sflag:s7] =	ssyncadd.s32 $0xFFFFFC00  }
0x241: {  	_ =	swait.ge [sflag:s7], $0x400  }
0x242: {  	[sflag:s7] =	ssyncset.done $0x0  }
0x243: {  	[sflag:s7] =	ssyncadd.s32 $0xFFFFFC00  }
0x244: {  	_ =	swait.ge [sflag:s7], $0x400  }
0x245: {  	[sflag:s7] =	ssyncset.done $0x0  }
0x246: {  	[sflag:s7] =	ssyncadd.s32 $0xFFFFFC00  }
0x247: {  	_ =	swait.ge [sflag:s7], $0x400  }
0x248: {  	[sflag:s7] =	ssyncset.done $0x0  }
0x249: {  	[sflag:s7] =	ssyncadd.s32 $0xFFFFFC00  }
0x24a: {  	_ =	swait.ge [sflag:s7], $0x400  }
0x24b: {  	[sflag:s7] =	ssyncset.done $0x0  }
0x24c: {  	[sflag:s7] =	ssyncadd.s32 $0xFFFFFC00  }
0x24d: {  	_ =	swait.ge [sflag:s7], $0x400  }
0x24e: {  	[sflag:s7] =	ssyncset.done $0x0  }
0x24f: {  	[sflag:s7] =	ssyncadd.s32 $0xFFFFFC00  }
0x250: {  	_ =	swait.ge [sflag:s7], $0x400  }
0x251: {  	[sflag:s7] =	ssyncset.done $0x0  }
0x252: {  	[sflag:s7] =	ssyncadd.s32 $0xFFFFFC00  }
0x253: {  	[bflag:$0x0] =	sbarrier.arrive $0xFFFF  }
0x254: {  	s11 =	sld [smem:$0x7E5]  }
0x255: {  	s16 =	sld [smem:$0x7E6]  }
0x256: {  	p1 =	sne.s32 s13, $0x1  }
.Ltmp2:
0x257: {  	s5 =	rddreg [dreg:$0x6];
	(pc) =	sbr.rel @p1 .LBB2_3-.Ltmp2, $4  }
0x258: {  	[hbm:s5@s7], [sflag:s16] =	dma.strided [spmem:s11@s6], $0x280, s6, $0x1   }
0x259: {  	s5 =	simm.s32 $0x3  }
0x25a: {  	_ =	swait.ge [sflag:s5], $0x280  }
0x25b: {  	s13 =	sadd.s32 $0xFFFFFFFF, s13;
	s15 =	rddreg [dreg:$0x3];
	[sflag:s5] =	ssyncset.done $0x0  }
0x25c: {  	s21 =	sld [smem:$0x7E6]  }
0x25d: {  	s9 =	simm.s32 $0x0;
	s3 =	sld [smem:$0x7E5]  }
.LBB2_5:
0x25e: {  	_ = 	snop  }
0x25f: {  	[sflag:s5] =	ssyncadd.s32 @p0 $0xFFFFFD80  }
0x260: {  	[spmem:s3], [sflag:s21] =	dma.local [hbm:s15], $0x280  }
0x261: {  	_ =	swait.ge [sflag:s5], $0x280  }
0x262: {  	[sflag:s5] =	ssyncset.done $0x0  }
0x263: {  	s13 =	rddreg [dreg:$0x4];
	[sflag:s5] =	ssyncadd.s32 $0xFFFFFD80  }
0x264: {  	[tilespmem:s9], [sflag:$0x3] =	stream.linear.gather [hbm4b:s13+s9], $0xC80, $0x38;
	[tilespmem:$0x9100] =	vst v63  }
0x265: {  	_ =	swait.ge [sflag:s5], $0xC80  }
0x266: {  	[sflag:s5] =	ssyncset.done $0x0  }
0x267: {  	s1 =	simm.s32 $0xC80;
	s15 =	rddreg [dreg:$0x5];
	[sflag:s5] =	ssyncadd.s32 $0xFFFFF380  }
0x268: {  	[tilespmem:s1], [sflag:$0x3] =	stream.linear.gather [hbm4b:s15+s9], $0xC80, $0x38;
	[tilespmem:$0x9100] =	vst v63  }
0x269: {  	_ =	swait.ge [sflag:s5], $0xC80  }
0x26a: {  	[sflag:s5] =	ssyncset.done $0x0  }
0x26b: {  	[sflag:s5] =	ssyncadd.s32 $0xFFFFF380  }
0x26c: {  	s0 =	simm.s32 $0x1900;
	[bflag:$0x0] =	sbarrier.arrive $0xFFFF  }
0x26d: {  	[tilespmem:s0], [sflag:$0x1] =	stream.indirect.gather [hbm4b:s18+s8], $0x8, s9, s8, $0xb8;
	[tilespmem:$0x9100] =	vst v63  }
0x26e: {  	s4 =	simm.s32 $0x1D00  }
0x26f: {  	[tilespmem:s4], [sflag:$0x1] =	stream.indirect.gather [hbm4b:s18+s8], $0x8, s8, s8, $0xb8;
	[tilespmem:$0x9100] =	vst v63  }
0x270: {  	s17 =	simm.s32 $0x2100;
	s16 =	rddreg [dreg:$0x7]  }
0x271: {  	[tilespmem:s17], [sflag:$0x1] =	stream.indirect.gather [hbm4b:s18+s8], $0x8, s16, s8, $0xb8;
	[tilespmem:$0x9100] =	vst v63  }
0x272: {  	s14 =	rddreg [dreg:$0x8];
	s16 =	simm.s32 $0x2500  }
0x273: {  	[tilespmem:s16], [sflag:$0x1] =	stream.indirect.gather [hbm4b:s18+s8], $0x8, s14, s8, $0xb8;
	[tilespmem:$0x9100] =	vst v63  }
0x274: {  	s19 =	rddreg [dreg:$0x9];
	s9 =	simm.s32 $0x2900  }
0x275: {  	[tilespmem:s9], [sflag:$0x1] =	stream.indirect.gather [hbm4b:s18+s8], $0x8, s19, s8, $0xb8;
	[tilespmem:$0x9100] =	vst v63  }
0x276: {  	s31 =	simm.s32 $0x2D00;
	s22 =	rddreg [dreg:$0xa]  }
0x277: {  	[tilespmem:s31], [sflag:$0x1] =	stream.indirect.gather [hbm4b:s18+s8], $0x8, s22, s8, $0xb8;
	[tilespmem:$0x9100] =	vst v63  }
0x278: {  	s12 =	simm.s32 $0x3100;
	s23 =	rddreg [dreg:$0xb]  }
0x279: {  	[tilespmem:s12], [sflag:$0x1] =	stream.indirect.gather [hbm4b:s18+s8], $0x8, s23, s8, $0xb8;
	[tilespmem:$0x9100] =	vst v63  }
0x27a: {  	s11 =	simm.s32 $0x3500;
	s24 =	rddreg [dreg:$0xc]  }
0x27b: {  	[tilespmem:s11], [sflag:$0x1] =	stream.indirect.gather [hbm4b:s18+s8], $0x8, s24, s8, $0xb8;
	[tilespmem:$0x9100] =	vst v63  }
0x27c: {  	s2 =	simm.s32 $0x3900;
	s25 =	rddreg [dreg:$0xd]  }
0x27d: {  	[tilespmem:s2], [sflag:$0x1] =	stream.indirect.gather [hbm4b:s18+s8], $0x8, s25, s8, $0xb8;
	[tilespmem:$0x9100] =	vst v63  }
0x27e: {  	s26 =	rddreg [dreg:$0xe];
	s17 =	simm.s32 $0x3D00  }
0x27f: {  	[tilespmem:s17], [sflag:$0x1] =	stream.indirect.gather [hbm4b:s18+s8], $0x8, s26, s8, $0xb8;
	[tilespmem:$0x9100] =	vst v63  }
0x280: {  	s30 =	simm.s32 $0x4100;
	s28 =	rddreg [dreg:$0xf]  }
0x281: {  	[tilespmem:s30], [sflag:$0x1] =	stream.indirect.gather [hbm4b:s18+s8], $0x8, s28, s8, $0xb8;
	[tilespmem:$0x9100] =	vst v63  }
0x282: {  	s29 =	rddreg [dreg:$0x10];
	s19 =	simm.s32 $0x4500  }
0x283: {  	[tilespmem:s19], [sflag:$0x1] =	stream.indirect.gather [hbm4b:s18+s8], $0x8, s29, s8, $0xb8;
	[tilespmem:$0x9100] =	vst v63  }
0x284: {  	s4 =	rddreg [dreg:$0x11];
	s29 =	simm.s32 $0x4900  }
0x285: {  	[tilespmem:s29], [sflag:$0x1] =	stream.indirect.gather [hbm4b:s18+s8], $0x8, s4, s8, $0xb8;
	[tilespmem:$0x9100] =	vst v63  }
0x286: {  	s22 =	rddreg [dreg:$0x12];
	s28 =	simm.s32 $0x4D00  }
0x287: {  	[tilespmem:s28], [sflag:$0x1] =	stream.indirect.gather [hbm4b:s18+s8], $0x8, s22, s8, $0xb8;
	[tilespmem:$0x9100] =	vst v63  }
0x288: {  	s23 =	rddreg [dreg:$0x13];
	s26 =	simm.s32 $0x5100  }
0x289: {  	[tilespmem:s26], [sflag:$0x1] =	stream.indirect.gather [hbm4b:s18+s8], $0x8, s23, s8, $0xb8;
	[tilespmem:$0x9100] =	vst v63  }
0x28a: {  	s24 =	rddreg [dreg:$0x14];
	s25 =	simm.s32 $0x5500  }
0x28b: {  	[tilespmem:s25], [sflag:$0x1] =	stream.indirect.gather [hbm4b:s18+s8], $0x8, s24, s8, $0xb8;
	[tilespmem:$0x9100] =	vst v63  }
0x28c: {  	s4 =	rddreg [dreg:$0x15];
	s24 =	simm.s32 $0x5900  }
0x28d: {  	[tilespmem:s24], [sflag:$0x1] =	stream.indirect.gather [hbm4b:s18+s8], $0x8, s4, s8, $0xb8;
	[tilespmem:$0x9100] =	vst v63  }
0x28e: {  	s22 =	rddreg [dreg:$0x16];
	s23 =	simm.s32 $0x5D00  }
0x28f: {  	[tilespmem:s23], [sflag:$0x1] =	stream.indirect.gather [hbm4b:s18+s8], $0x8, s22, s8, $0xb8;
	[tilespmem:$0x9100] =	vst v63  }
0x290: {  	s4 =	rddreg [dreg:$0x17];
	s22 =	simm.s32 $0x6100  }
0x291: {  	[tilespmem:s22], [sflag:$0x1] =	stream.indirect.gather [hbm4b:s18+s8], $0x8, s4, s8, $0xb8;
	[tilespmem:$0x9100] =	vst v63  }
0x292: {  	s14 =	rddreg [dreg:$0x18];
	s4 =	simm.s32 $0x6500  }
0x293: {  	[tilespmem:s4], [sflag:$0x1] =	stream.indirect.gather [hbm4b:s18+s8], $0x8, s14, s8, $0xb8;
	[tilespmem:$0x9100] =	vst v63  }
0x294: {  	s13 =	rddreg [dreg:$0x19];
	s4 =	simm.s32 $0x6900  }
0x295: {  	[tilespmem:s4], [sflag:$0x1] =	stream.indirect.gather [hbm4b:s18+s8], $0x8, s13, s8, $0xb8;
	[tilespmem:$0x9100] =	vst v63  }
0x296: {  	s14 =	rddreg [dreg:$0x1a];
	s4 =	simm.s32 $0x6D00  }
0x297: {  	[tilespmem:s4], [sflag:$0x1] =	stream.indirect.gather [hbm4b:s18+s8], $0x8, s14, s8, $0xb8;
	[tilespmem:$0x9100] =	vst v63  }
0x298: {  	s13 =	rddreg [dreg:$0x1b];
	s4 =	simm.s32 $0x7100  }
0x299: {  	[tilespmem:s4], [sflag:$0x1] =	stream.indirect.gather [hbm4b:s18+s8], $0x8, s13, s8, $0xb8;
	[tilespmem:$0x9100] =	vst v63  }
0x29a: {  	s14 =	rddreg [dreg:$0x1c];
	s4 =	simm.s32 $0x7500  }
0x29b: {  	[tilespmem:s4], [sflag:$0x1] =	stream.indirect.gather [hbm4b:s18+s8], $0x8, s14, s8, $0xb8;
	[tilespmem:$0x9100] =	vst v63  }
0x29c: {  	s13 =	rddreg [dreg:$0x1d];
	s14 =	simm.s32 $0x7900  }
0x29d: {  	[tilespmem:s14], [sflag:$0x1] =	stream.indirect.gather [hbm4b:s18+s8], $0x8, s13, s8, $0xb8;
	[tilespmem:$0x9100] =	vst v63  }
0x29e: {  	_ =	swait.ge [sflag:s6], $0x400  }
0x29f: {  	[sflag:s6] =	ssyncset.done $0x0  }
0x2a0: {  	[sflag:s6] =	ssyncadd.s32 $0xFFFFFC00  }
0x2a1: {  	[spmem:s10] =	stream.indirect.scatter.add.f32 [tilespmem:s0], [sflag:$0x2], $0x8, s1, s8, $0xb8;
	[tilespmem:$0x9100] =	vst v63  }
0x2a2: {  	_ =	swait.ge [sflag:s6], $0x400  }
0x2a3: {  	[sflag:s6] =	ssyncset.done $0x0  }
0x2a4: {  	s15 =	simm.s32 $0x1D00;
	s13 =	rddreg [dreg:$0x1e];
	[sflag:s6] =	ssyncadd.s32 $0xFFFFFC00  }
0x2a5: {  	[spmem:s10] =	stream.indirect.scatter.add.f32 [tilespmem:s15], [sflag:$0x2], $0x8, s13, s8, $0xb8;
	[tilespmem:$0x9100] =	vst v63  }
0x2a6: {  	_ =	swait.ge [sflag:s6], $0x400  }
0x2a7: {  	[sflag:s6] =	ssyncset.done $0x0  }
0x2a8: {  	s20 =	simm.s32 $0x2100;
	s18 =	rddreg [dreg:$0x1f];
	[sflag:s6] =	ssyncadd.s32 $0xFFFFFC00  }
0x2a9: {  	[spmem:s10] =	stream.indirect.scatter.add.f32 [tilespmem:s20], [sflag:$0x2], $0x8, s18, s8, $0xb8;
	[tilespmem:$0x9100] =	vst v63  }
0x2aa: {  	_ =	swait.ge [sflag:s6], $0x400  }
0x2ab: {  	s1 =	sld [smem:$0x7E8]  }
0x2ac: {  	[sflag:s6] =	ssyncset.done $0x0  }
0x2ad: {  	[sflag:s6] =	ssyncadd.s32 $0xFFFFFC00  }
0x2ae: {  	[spmem:s10] =	stream.indirect.scatter.add.f32 [tilespmem:s16], [sflag:$0x2], $0x8, s1, s8, $0xb8;
	[tilespmem:$0x9100] =	vst v63  }
0x2af: {  	_ =	swait.ge [sflag:s6], $0x400  }
0x2b0: {  	s13 =	sld [smem:$0x7E9]  }
0x2b1: {  	[sflag:s6] =	ssyncset.done $0x0  }
0x2b2: {  	[sflag:s6] =	ssyncadd.s32 $0xFFFFFC00  }
0x2b3: {  	[spmem:s10] =	stream.indirect.scatter.add.f32 [tilespmem:s9], [sflag:$0x2], $0x8, s13, s8, $0xb8;
	[tilespmem:$0x9100] =	vst v63  }
0x2b4: {  	_ =	swait.ge [sflag:s6], $0x400  }
0x2b5: {  	s15 =	sld [smem:$0x7EA]  }
0x2b6: {  	[sflag:s6] =	ssyncset.done $0x0  }
0x2b7: {  	[sflag:s6] =	ssyncadd.s32 $0xFFFFFC00  }
0x2b8: {  	[spmem:s10] =	stream.indirect.scatter.add.f32 [tilespmem:s31], [sflag:$0x2], $0x8, s15, s8, $0xb8;
	[tilespmem:$0x9100] =	vst v63  }
0x2b9: {  	_ =	swait.ge [sflag:s6], $0x400  }
0x2ba: {  	s16 =	sld [smem:$0x7EB]  }
0x2bb: {  	[sflag:s6] =	ssyncset.done $0x0  }
0x2bc: {  	[sflag:s6] =	ssyncadd.s32 $0xFFFFFC00  }
0x2bd: {  	[spmem:s10] =	stream.indirect.scatter.add.f32 [tilespmem:s12], [sflag:$0x2], $0x8, s16, s8, $0xb8;
	[tilespmem:$0x9100] =	vst v63  }
0x2be: {  	_ =	swait.ge [sflag:s6], $0x400  }
0x2bf: {  	s18 =	sld [smem:$0x7EC]  }
0x2c0: {  	[sflag:s6] =	ssyncset.done $0x0  }
0x2c1: {  	[sflag:s6] =	ssyncadd.s32 $0xFFFFFC00  }
0x2c2: {  	[spmem:s10] =	stream.indirect.scatter.add.f32 [tilespmem:s11], [sflag:$0x2], $0x8, s18, s8, $0xb8;
	[tilespmem:$0x9100] =	vst v63  }
0x2c3: {  	_ =	swait.ge [sflag:s6], $0x400  }
0x2c4: {  	s20 =	sld [smem:$0x7ED]  }
0x2c5: {  	[sflag:s6] =	ssyncset.done $0x0  }
0x2c6: {  	[sflag:s6] =	ssyncadd.s32 $0xFFFFFC00  }
0x2c7: {  	[spmem:s10] =	stream.indirect.scatter.add.f32 [tilespmem:s2], [sflag:$0x2], $0x8, s20, s8, $0xb8;
	[tilespmem:$0x9100] =	vst v63  }
0x2c8: {  	_ =	swait.ge [sflag:s6], $0x400  }
0x2c9: {  	s31 =	sld [smem:$0x7EE]  }
0x2ca: {  	[sflag:s6] =	ssyncset.done $0x0  }
0x2cb: {  	[sflag:s6] =	ssyncadd.s32 $0xFFFFFC00  }
0x2cc: {  	[spmem:s10] =	stream.indirect.scatter.add.f32 [tilespmem:s17], [sflag:$0x2], $0x8, s31, s8, $0xb8;
	[tilespmem:$0x9100] =	vst v63  }
0x2cd: {  	_ =	swait.ge [sflag:s6], $0x400  }
0x2ce: {  	s1 =	sld [smem:$0x7EF]  }
0x2cf: {  	[sflag:s6] =	ssyncset.done $0x0  }
0x2d0: {  	[sflag:s6] =	ssyncadd.s32 $0xFFFFFC00  }
0x2d1: {  	[spmem:s10] =	stream.indirect.scatter.add.f32 [tilespmem:s30], [sflag:$0x2], $0x8, s1, s8, $0xb8;
	[tilespmem:$0x9100] =	vst v63  }
0x2d2: {  	_ =	swait.ge [sflag:s6], $0x400  }
0x2d3: {  	s2 =	sld [smem:$0x7F0]  }
0x2d4: {  	[sflag:s6] =	ssyncset.done $0x0  }
0x2d5: {  	[sflag:s6] =	ssyncadd.s32 $0xFFFFFC00  }
0x2d6: {  	[spmem:s10] =	stream.indirect.scatter.add.f32 [tilespmem:s19], [sflag:$0x2], $0x8, s2, s8, $0xb8;
	[tilespmem:$0x9100] =	vst v63  }
0x2d7: {  	_ =	swait.ge [sflag:s6], $0x400  }
0x2d8: {  	s9 =	sld [smem:$0x7F1]  }
0x2d9: {  	[sflag:s6] =	ssyncset.done $0x0  }
0x2da: {  	[sflag:s6] =	ssyncadd.s32 $0xFFFFFC00  }
0x2db: {  	[spmem:s10] =	stream.indirect.scatter.add.f32 [tilespmem:s29], [sflag:$0x2], $0x8, s9, s8, $0xb8;
	[tilespmem:$0x9100] =	vst v63  }
0x2dc: {  	_ =	swait.ge [sflag:s6], $0x400  }
0x2dd: {  	s11 =	sld [smem:$0x7F2]  }
0x2de: {  	[sflag:s6] =	ssyncset.done $0x0  }
0x2df: {  	[sflag:s6] =	ssyncadd.s32 $0xFFFFFC00  }
0x2e0: {  	[spmem:s10] =	stream.indirect.scatter.add.f32 [tilespmem:s28], [sflag:$0x2], $0x8, s11, s8, $0xb8;
	[tilespmem:$0x9100] =	vst v63  }
0x2e1: {  	_ =	swait.ge [sflag:s6], $0x400  }
0x2e2: {  	s12 =	sld [smem:$0x7F3]  }
0x2e3: {  	[sflag:s6] =	ssyncset.done $0x0  }
0x2e4: {  	[sflag:s6] =	ssyncadd.s32 $0xFFFFFC00  }
0x2e5: {  	[spmem:s10] =	stream.indirect.scatter.add.f32 [tilespmem:s26], [sflag:$0x2], $0x8, s12, s8, $0xb8;
	[tilespmem:$0x9100] =	vst v63  }
0x2e6: {  	_ =	swait.ge [sflag:s6], $0x400  }
0x2e7: {  	s13 =	sld [smem:$0x7F4]  }
0x2e8: {  	[sflag:s6] =	ssyncset.done $0x0  }
0x2e9: {  	[sflag:s6] =	ssyncadd.s32 $0xFFFFFC00  }
0x2ea: {  	[spmem:s10] =	stream.indirect.scatter.add.f32 [tilespmem:s25], [sflag:$0x2], $0x8, s13, s8, $0xb8;
	[tilespmem:$0x9100] =	vst v63  }
0x2eb: {  	_ =	swait.ge [sflag:s6], $0x400  }
0x2ec: {  	s15 =	sld [smem:$0x7F5]  }
0x2ed: {  	[sflag:s6] =	ssyncset.done $0x0  }
0x2ee: {  	[sflag:s6] =	ssyncadd.s32 $0xFFFFFC00  }
0x2ef: {  	[spmem:s10] =	stream.indirect.scatter.add.f32 [tilespmem:s24], [sflag:$0x2], $0x8, s15, s8, $0xb8;
	[tilespmem:$0x9100] =	vst v63  }
0x2f0: {  	_ =	swait.ge [sflag:s6], $0x400  }
0x2f1: {  	s16 =	sld [smem:$0x7F6]  }
0x2f2: {  	[sflag:s6] =	ssyncset.done $0x0  }
0x2f3: {  	[sflag:s6] =	ssyncadd.s32 $0xFFFFFC00  }
0x2f4: {  	[spmem:s10] =	stream.indirect.scatter.add.f32 [tilespmem:s23], [sflag:$0x2], $0x8, s16, s8, $0xb8;
	[tilespmem:$0x9100] =	vst v63  }
0x2f5: {  	_ =	swait.ge [sflag:s6], $0x400  }
0x2f6: {  	s17 =	sld [smem:$0x7F7]  }
0x2f7: {  	[sflag:s6] =	ssyncset.done $0x0  }
0x2f8: {  	[sflag:s6] =	ssyncadd.s32 $0xFFFFFC00  }
0x2f9: {  	[spmem:s10] =	stream.indirect.scatter.add.f32 [tilespmem:s22], [sflag:$0x2], $0x8, s17, s8, $0xb8;
	[tilespmem:$0x9100] =	vst v63  }
0x2fa: {  	_ =	swait.ge [sflag:s6], $0x400  }
0x2fb: {  	s18 =	sld [smem:$0x7F8]  }
0x2fc: {  	[sflag:s6] =	ssyncset.done $0x0  }
0x2fd: {  	s19 =	simm.s32 $0x6500;
	[sflag:s6] =	ssyncadd.s32 $0xFFFFFC00  }
0x2fe: {  	[spmem:s10] =	stream.indirect.scatter.add.f32 [tilespmem:s19], [sflag:$0x2], $0x8, s18, s8, $0xb8;
	[tilespmem:$0x9100] =	vst v63  }
0x2ff: {  	_ =	swait.ge [sflag:s6], $0x400  }
0x300: {  	s20 =	sld [smem:$0x7F9]  }
0x301: {  	[sflag:s6] =	ssyncset.done $0x0  }
0x302: {  	s22 =	simm.s32 $0x6900;
	[sflag:s6] =	ssyncadd.s32 $0xFFFFFC00  }
0x303: {  	[spmem:s10] =	stream.indirect.scatter.add.f32 [tilespmem:s22], [sflag:$0x2], $0x8, s20, s8, $0xb8;
	[tilespmem:$0x9100] =	vst v63  }
0x304: {  	_ =	swait.ge [sflag:s6], $0x400  }
0x305: {  	s23 =	sld [smem:$0x7FA]  }
0x306: {  	[sflag:s6] =	ssyncset.done $0x0  }
0x307: {  	s24 =	simm.s32 $0x6D00;
	[sflag:s6] =	ssyncadd.s32 $0xFFFFFC00  }
0x308: {  	[spmem:s10] =	stream.indirect.scatter.add.f32 [tilespmem:s24], [sflag:$0x2], $0x8, s23, s8, $0xb8;
	[tilespmem:$0x9100] =	vst v63  }
0x309: {  	_ =	swait.ge [sflag:s6], $0x400  }
0x30a: {  	s25 =	sld [smem:$0x7FB]  }
0x30b: {  	[sflag:s6] =	ssyncset.done $0x0  }
0x30c: {  	s26 =	simm.s32 $0x7100;
	[sflag:s6] =	ssyncadd.s32 $0xFFFFFC00  }
0x30d: {  	[spmem:s10] =	stream.indirect.scatter.add.f32 [tilespmem:s26], [sflag:$0x2], $0x8, s25, s8, $0xb8;
	[tilespmem:$0x9100] =	vst v63  }
0x30e: {  	_ =	swait.ge [sflag:s6], $0x400  }
0x30f: {  	s28 =	sld [smem:$0x7FC]  }
0x310: {  	[sflag:s6] =	ssyncset.done $0x0  }
0x311: {  	s4 =	simm.s32 $0x7500;
	[sflag:s6] =	ssyncadd.s32 $0xFFFFFC00  }
0x312: {  	[spmem:s10] =	stream.indirect.scatter.add.f32 [tilespmem:s4], [sflag:$0x2], $0x8, s28, s8, $0xb8;
	[tilespmem:$0x9100] =	vst v63  }
0x313: {  	_ =	swait.ge [sflag:s6], $0x400  }
0x314: {  	s29 =	sld [smem:$0x7FD]  }
0x315: {  	[sflag:s6] =	ssyncset.done $0x0  }
0x316: {  	[sflag:s6] =	ssyncadd.s32 $0xFFFFFC00  }
0x317: {  	[spmem:s10] =	stream.indirect.scatter.add.f32 [tilespmem:s14], [sflag:$0x2], $0x8, s29, s8, $0xb8;
	[tilespmem:$0x9100] =	vst v63  }
0x318: {  	_ =	swait.ge [sflag:s7], $0x400  }
0x319: {  	[sflag:s7] =	ssyncset.done $0x0  }
0x31a: {  	[sflag:s7] =	ssyncadd.s32 $0xFFFFFC00  }
0x31b: {  	_ =	swait.ge [sflag:s7], $0x400  }
0x31c: {  	[sflag:s7] =	ssyncset.done $0x0  }
0x31d: {  	[sflag:s7] =	ssyncadd.s32 $0xFFFFFC00  }
0x31e: {  	_ =	swait.ge [sflag:s7], $0x400  }
0x31f: {  	[sflag:s7] =	ssyncset.done $0x0  }
0x320: {  	[sflag:s7] =	ssyncadd.s32 $0xFFFFFC00  }
0x321: {  	_ =	swait.ge [sflag:s7], $0x400  }
0x322: {  	[sflag:s7] =	ssyncset.done $0x0  }
0x323: {  	[sflag:s7] =	ssyncadd.s32 $0xFFFFFC00  }
0x324: {  	_ =	swait.ge [sflag:s7], $0x400  }
0x325: {  	[sflag:s7] =	ssyncset.done $0x0  }
0x326: {  	[sflag:s7] =	ssyncadd.s32 $0xFFFFFC00  }
0x327: {  	_ =	swait.ge [sflag:s7], $0x400  }
0x328: {  	[sflag:s7] =	ssyncset.done $0x0  }
0x329: {  	[sflag:s7] =	ssyncadd.s32 $0xFFFFFC00  }
0x32a: {  	_ =	swait.ge [sflag:s7], $0x400  }
0x32b: {  	[sflag:s7] =	ssyncset.done $0x0  }
0x32c: {  	[sflag:s7] =	ssyncadd.s32 $0xFFFFFC00  }
0x32d: {  	_ =	swait.ge [sflag:s7], $0x400  }
0x32e: {  	[sflag:s7] =	ssyncset.done $0x0  }
0x32f: {  	[sflag:s7] =	ssyncadd.s32 $0xFFFFFC00  }
0x330: {  	_ =	swait.ge [sflag:s7], $0x400  }
0x331: {  	[sflag:s7] =	ssyncset.done $0x0  }
0x332: {  	[sflag:s7] =	ssyncadd.s32 $0xFFFFFC00  }
0x333: {  	_ =	swait.ge [sflag:s7], $0x400  }
0x334: {  	[sflag:s7] =	ssyncset.done $0x0  }
0x335: {  	[sflag:s7] =	ssyncadd.s32 $0xFFFFFC00  }
0x336: {  	_ =	swait.ge [sflag:s7], $0x400  }
0x337: {  	[sflag:s7] =	ssyncset.done $0x0  }
0x338: {  	[sflag:s7] =	ssyncadd.s32 $0xFFFFFC00  }
0x339: {  	_ =	swait.ge [sflag:s7], $0x400  }
0x33a: {  	[sflag:s7] =	ssyncset.done $0x0  }
0x33b: {  	[sflag:s7] =	ssyncadd.s32 $0xFFFFFC00  }
0x33c: {  	_ =	swait.ge [sflag:s7], $0x400  }
0x33d: {  	[sflag:s7] =	ssyncset.done $0x0  }
0x33e: {  	[sflag:s7] =	ssyncadd.s32 $0xFFFFFC00  }
0x33f: {  	_ =	swait.ge [sflag:s7], $0x400  }
0x340: {  	[sflag:s7] =	ssyncset.done $0x0  }
0x341: {  	[sflag:s7] =	ssyncadd.s32 $0xFFFFFC00  }
0x342: {  	_ =	swait.ge [sflag:s7], $0x400  }
0x343: {  	[sflag:s7] =	ssyncset.done $0x0  }
0x344: {  	[sflag:s7] =	ssyncadd.s32 $0xFFFFFC00  }
0x345: {  	_ =	swait.ge [sflag:s7], $0x400  }
0x346: {  	[sflag:s7] =	ssyncset.done $0x0  }
0x347: {  	[sflag:s7] =	ssyncadd.s32 $0xFFFFFC00  }
0x348: {  	_ =	swait.ge [sflag:s7], $0x400  }
0x349: {  	[sflag:s7] =	ssyncset.done $0x0  }
0x34a: {  	[sflag:s7] =	ssyncadd.s32 $0xFFFFFC00  }
0x34b: {  	_ =	swait.ge [sflag:s7], $0x400  }
0x34c: {  	[sflag:s7] =	ssyncset.done $0x0  }
0x34d: {  	[sflag:s7] =	ssyncadd.s32 $0xFFFFFC00  }
0x34e: {  	_ =	swait.ge [sflag:s7], $0x400  }
0x34f: {  	[sflag:s7] =	ssyncset.done $0x0  }
0x350: {  	[sflag:s7] =	ssyncadd.s32 $0xFFFFFC00  }
0x351: {  	_ =	swait.ge [sflag:s7], $0x400  }
0x352: {  	[sflag:s7] =	ssyncset.done $0x0  }
0x353: {  	[sflag:s7] =	ssyncadd.s32 $0xFFFFFC00  }
0x354: {  	_ =	swait.ge [sflag:s7], $0x400  }
0x355: {  	[sflag:s7] =	ssyncset.done $0x0  }
0x356: {  	[sflag:s7] =	ssyncadd.s32 $0xFFFFFC00  }
0x357: {  	_ =	swait.ge [sflag:s7], $0x400  }
0x358: {  	[sflag:s7] =	ssyncset.done $0x0  }
0x359: {  	[sflag:s7] =	ssyncadd.s32 $0xFFFFFC00  }
0x35a: {  	_ =	swait.ge [sflag:s7], $0x400  }
0x35b: {  	[sflag:s7] =	ssyncset.done $0x0  }
0x35c: {  	[sflag:s7] =	ssyncadd.s32 $0xFFFFFC00  }
0x35d: {  	_ =	swait.ge [sflag:s7], $0x400  }
0x35e: {  	[sflag:s7] =	ssyncset.done $0x0  }
0x35f: {  	[sflag:s7] =	ssyncadd.s32 $0xFFFFFC00  }
0x360: {  	_ =	swait.ge [sflag:s7], $0x400  }
0x361: {  	[sflag:s7] =	ssyncset.done $0x0  }
0x362: {  	[sflag:s7] =	ssyncadd.s32 $0xFFFFFC00  }
0x363: {  	[bflag:$0x0] =	sbarrier.arrive $0xFFFF  }
0x364: {  	s30 =	rddreg [dreg:$0x6]  }
0x365: {  	[hbm:s30@s7], [sflag:s21] =	dma.strided [spmem:s3@s6], $0x280, s6, $0x1   }
0x366: {  	_ =	swait.ge [sflag:s5], $0x280  }
0x367: {  	[sflag:s5] =	ssyncset.done $0x0  }
0x368: {  	[sflag:s5] =	ssyncadd.s32 $0xFFFFFD80  }
0x369: {  	_ =	sfence.sel $0x180000  }
0x36a: {  	[bflag:$0x0] =	sbarrier.arrive $0xFFFF  }
0x36b: {  	_ =	strace $0x90000047  }
0x36c: {  	s31 =	stileid.u32;
	[bflag:$0x2] =	sbarrier.arrive $0xFFFF  }
0x36d: {  	p0 =	sne.s32 s31, $0x0;
	s0 =	rddreg [dreg:$0x2]  }
0x36e: {  	s0 =	sadd.s32 @!p0 $0x100000, s0  }
0x36f: {  	[sflag:s0] =	ssyncadd.tile.s32 @!p0 $0x1;
	_ =	shalt  }
.LBB2_6:
.Ltmp3:
0x370: {  	(pc) =	sbr.rel .LBB2_5-.Ltmp3, $3  }
0x371: {  	_ =	sdelay $0x1  }
0x372: {  	s21 =	sld [smem:$0x7E6]  }
0x373: {  	s9 =	simm.s32 $0x0;
	s3 =	sld [smem:$0x7E5]  }
.Lfunc_end2:
_tile_overlayer_lowered:
.L_overlay_start_2:
0x374: {  	(tag) =	ssettag $0x2  }
0x375: {  	s0 =	rddreg [dreg:$0x0];
	s2 =	stileid.u32  }
0x376: {  	s1 =	rddreg [dreg:$0x1];
	p0 =	sne.s32 s2, $0x0  }
0x377: {  	s3 =	rddreg [dreg:$0x2];
	[bflag:$0x3] =	sbarrier.arrive $0xFFFF;
	s2 =	simm.s32 @!p0 $0x1C03  }
0x378: {  	[timem:s3], [sflag:s2] =	dma.local @!p0 [hbm:s0], s1  }
0x379: {  	s0 =	simm.s32 @!p0 $0x3  }
0x37a: {  	_ =	swait.ge @!p0 [sflag:s0], s1  }
0x37b: {  	s1 =	ssub.s32 @!p0 $0x0, s1;
	[sflag:s0] =	ssyncset.done @!p0 $0x0  }
0x37c: {  	[sflag:s0] =	ssyncadd.s32 @!p0 s1  }
0x37d: {  	[bflag:$0x3] =	sbarrier.arrive $0xFFFF  }
0x37e: {  	_ =	shalt  }

// kernel: kernel.8.cloned.1.call-start
scs
__scs_entry_jumppad:
0x0: {  	(pc) =	sbr.rel $0x88, $3  }
0x1: {  	(tag) =	ssettag $0x0;
	lr =	simm.s32 $0x1  }
0x2: {  	[smem:$0x3F97] =	sst lr;
	_ =	strace $0xD0000000  }
0x3: {  	_ = 	snop  }
0x4: {  	_ = 	snop  }
0x5: {  	_ = 	snop  }
0x6: {  	_ = 	snop  }
0x7: {  	_ = 	snop  }
__scs_overlays_trampoline_lowered:
0x8: {  	[smem:$0x3FA6] =	sst s0  }
0x9: {  	[smem:$0x3FA7] =	sst s1  }
0xa: {  	[smem:$0x3FA8] =	sst s2  }
0xb: {  	[smem:$0x3FA9] =	sst s3  }
0xc: {  	[smem:$0x3FAA] =	sst s4  }
0xd: {  	[smem:$0x3FAB] =	sst s5  }
0xe: {  	[smem:$0x3FAC] =	sst s6  }
0xf: {  	[smem:$0x3FAD] =	sst s7  }
0x10: {  	[smem:$0x3FAE] =	sst s8  }
0x11: {  	[smem:$0x3FAF] =	sst s9;
	s0 =	simm.s32 @!p0 $0x0  }
0x12: {  	s1 =	sld [smem:$0x3F95];
	s0 =	simm.s32 @p0 $0x1  }
0x13: {  	[smem:$0x3FB0] =	sst s0;
	s0 =	simm.s32 @!p1 $0x0  }
0x14: {  	s2 =	sld [smem:$0x3F94];
	s0 =	simm.s32 @p1 $0x1  }
0x15: {  	[smem:$0x3FB1] =	sst s0;
	s0 =	simm.s32 @!p2 $0x0  }
0x16: {  	s3 =	sld [smem:$0x3FDB];
	s0 =	simm.s32 @p2 $0x1  }
0x17: {  	s4 =	simm.s32 $0x1BF5;
	[smem:$0x3FB3] =	sst s0  }
0x18: {  	s0 =	sld [smem:$0x3F96];
	_ =	swait.ge [sflag:s4], $0x0  }
0x19: {  	s7 =	sld [smem:$0x3F97]  }
0x1a: {  	s8 =	sadd.s32 $0xFFFFE003, lr  }
0x1b: {  	s9 =	sadd.s32 $0xFFFFFEF7, lr;
	s5 =	simm.s32 $0xFFFFFFFF;
	p2 =	slt.u32 s8, $0xFFFFF086  }
0x1c: {  	p1 =	slt.u32 s9, $0xF7A;
	s5 =	simm.s32 @!p2 $0x0  }
0x1d: {  	s5 =	simm.s32 @p1 $0x1;
	p0 =	seq.s32 s7, s2  }
0x1e: {  	s7 =	smul.u32 @!p0 $0xF7A, s2;
	p2 =	seq.s32 @!p0 s5, $0x0  }
0x1f: {  	s9 =	smul.u32 $0xF7A, s1;
	s8 =	simm.s32 @!p0 $0x1BF5;
	p2 =	por !p2, p0  }
0x20: {  	[sflag:s8] =	ssyncset.s32 @!p0 $0xFFFFF086;
	s6 =	sadd.s32 @!p0 s3, s7;
	s7 =	simm.s32 @!p0 $0x108  }
0x21: {  	s3 =	sadd.s32 s3, s9;
	s6 =	sadd.s32 @!p0 $0x88, s6;
	s7 =	simm.s32 @p2 $0x1082  }
0x22: {  	[simem:s7], [sflag:s8] =	dma.local @!p0 [hbm:s6], $0xF7A  }
0x23: {  	s9 =	sor.u32 $0xD0000000, s2;
	s6 =	simm.s32 $0x108;
	_ =	swait.ge @!p0 [sflag:s8], $0x0  }
0x24: {  	s3 =	sadd.s32 $0x88, s3;
	s6 =	simm.s32 @!p1 $0x1082;
	[sflag:s4] =	ssyncset.s32 $0xFFFFF086  }
0x25: {  	[simem:s6], [sflag:s4] =	dma.local [hbm:s3], $0xF7A  }
0x26: {  	[smem:$0x3F97] =	sst s1;
	(tag) =	ssettag s2;
	_ =	strace s9  }
0x27: {  	s1 =	sld [smem:$0x3FA7]  }
0x28: {  	s2 =	sld [smem:$0x3FA8]  }
0x29: {  	s4 =	sld [smem:$0x3FAA]  }
0x2a: {  	p0 =	seq.s32 s5, $0x0;
	s5 =	sld [smem:$0x3FAB]  }
0x2b: {  	s6 =	sld [smem:$0x3FAC]  }
0x2c: {  	s7 =	sld [smem:$0x3FAD]  }
0x2d: {  	s3 =	simm.s32 $0x108;
	s8 =	sld [smem:$0x3FAE]  }
0x2e: {  	s3 =	simm.s32 @!p0 $0x1082;
	s9 =	sld [smem:$0x3FAF]  }
0x2f: {  	lr =	sadd.s32 s0, s3;
	s0 =	sld [smem:$0x3FA6]  }
0x30: {  	s3 =	sld [smem:$0x3FA9]  }
0x31: {  	[smem:$0x3FB2] =	sst s10  }
0x32: {  	s10 =	sld [smem:$0x3FB0];
	_ =	sdelay $0x3  }
0x33: {  	p0 =	seq.s32 s10, $0x1;
	s10 =	sld [smem:$0x3FB2];
	_ =	sdelay $0x3  }
0x34: {  	[smem:$0x3FB2] =	sst s10  }
0x35: {  	s10 =	sld [smem:$0x3FB1];
	_ =	sdelay $0x3  }
0x36: {  	p1 =	seq.s32 s10, $0x1;
	s10 =	sld [smem:$0x3FB2];
	_ =	sdelay $0x3  }
0x37: {  	[smem:$0x3FB2] =	sst s10  }
0x38: {  	s10 =	sld [smem:$0x3FB3]  }
0x39: {  	_ = 	snop;
	(pc) =	sbr.ind lr, $3  }
0x3a: {  	_ = 	snop  }
0x3b: {  	_ = 	snop  }
0x3c: {  	p2 =	seq.s32 s10, $0x1;
	s10 =	sld [smem:$0x3FB2]  }
0x3d: {  	_ =	shalt  }
0x3e: {  	_ =	shalt  }
0x3f: {  	_ =	shalt  }
0x40: {  	_ =	shalt  }
0x41: {  	_ =	shalt  }
0x42: {  	_ =	shalt  }
0x43: {  	_ =	shalt  }
0x44: {  	_ =	shalt  }
0x45: {  	_ =	shalt  }
0x46: {  	_ =	shalt  }
0x47: {  	_ =	shalt  }
0x48: {  	_ =	shalt  }
0x49: {  	_ =	shalt  }
0x4a: {  	_ =	shalt  }
0x4b: {  	_ =	shalt  }
0x4c: {  	_ =	shalt  }
0x4d: {  	_ =	shalt  }
0x4e: {  	_ =	shalt  }
0x4f: {  	_ =	shalt  }
0x50: {  	_ =	shalt  }
0x51: {  	_ =	shalt  }
0x52: {  	_ =	shalt  }
0x53: {  	_ =	shalt  }
0x54: {  	_ =	shalt  }
0x55: {  	_ =	shalt  }
0x56: {  	_ =	shalt  }
0x57: {  	_ =	shalt  }
0x58: {  	_ =	shalt  }
0x59: {  	_ =	shalt  }
0x5a: {  	_ =	shalt  }
0x5b: {  	_ =	shalt  }
0x5c: {  	_ =	shalt  }
0x5d: {  	_ =	shalt  }
0x5e: {  	_ =	shalt  }
0x5f: {  	_ =	shalt  }
0x60: {  	_ =	shalt  }
0x61: {  	_ =	shalt  }
0x62: {  	_ =	shalt  }
0x63: {  	_ =	shalt  }
0x64: {  	_ =	shalt  }
0x65: {  	_ =	shalt  }
0x66: {  	_ =	shalt  }
0x67: {  	_ =	shalt  }
0x68: {  	_ =	shalt  }
0x69: {  	_ =	shalt  }
0x6a: {  	_ =	shalt  }
0x6b: {  	_ =	shalt  }
0x6c: {  	_ =	shalt  }
0x6d: {  	_ =	shalt  }
0x6e: {  	_ =	shalt  }
0x6f: {  	_ =	shalt  }
0x70: {  	_ =	shalt  }
0x71: {  	_ =	shalt  }
0x72: {  	_ =	shalt  }
0x73: {  	_ =	shalt  }
0x74: {  	_ =	shalt  }
0x75: {  	_ =	shalt  }
0x76: {  	_ =	shalt  }
0x77: {  	_ =	shalt  }
0x78: {  	_ =	shalt  }
0x79: {  	_ =	shalt  }
0x7a: {  	_ =	shalt  }
0x7b: {  	_ =	shalt  }
0x7c: {  	_ =	shalt  }
0x7d: {  	_ =	shalt  }
0x7e: {  	_ =	shalt  }
0x7f: {  	_ =	shalt  }
0x80: {  	_ =	shalt  }
0x81: {  	_ =	shalt  }
0x82: {  	_ =	shalt  }
0x83: {  	_ =	shalt  }
0x84: {  	_ =	shalt  }
0x85: {  	_ =	shalt  }
0x86: {  	_ =	shalt  }
0x87: {  	_ =	shalt  }
.Lfunc_end0:
.L_simem_size_0:
called_computation.1_lowered:
.L_overlay_start_0:
0x88: {  	s2 =	sld [smem:$0x3FD9]  }
0x89: {  	s3 =	sld [smem:$0x3FFE];
	_ =	sdelay $0x1  }
0x8a: {  	s1 =	srdreg.scid  }
0x8b: {  	s0 =	sand.u32 $0x1, s1  }
0x8c: {  	s17 =	sshll.u32 s0, $0xA;
	s2 =	sadd.s32 s3, s2  }
0x8d: {  	s2 =	sadd.s32 s2, s17  }
0x8e: {  	[smem:$0x3FBE] =	sst s2  }
0x8f: {  	_ = 	snop  }
0x90: {  	s2 =	sld [smem:$0x3FD0];
	(tm) =	ssettm $0x1  }
0x91: {  	s18 =	sld [smem:$0x3FFB];
	_ =	sdelay $0x3  }
0x92: {  	_ =	strace s18  }
0x93: {  	s3 =	sld [smem:$0x3FFC];
	_ =	sdelay $0x3  }
0x94: {  	_ =	strace s3  }
0x95: {  	s3 =	sld [smem:$0x3FFD];
	_ =	sdelay $0x3  }
0x96: {  	_ =	strace s3  }
0x97: {  	_ =	strace $0x8FFFFFFF  }
0x98: {  	s19 =	sld [smem:$0x3FDB];
	_ =	sdelay $0x1  }
0x99: {  	s4 =	simm.s32 $_scs_section_size  }
0x9a: {  	s5 =	simm.s32 $_size__tile_overlayer_lowered;
	s6 =	simm.s32 $_tile_overlayer_lowered  }
0x9b: {  	s22 =	simm.s32 $0x1BFF;
	s21 =	sshll.u32 s6, $0x1;
	s3 =	sadd.s32 s4, s19  }
0x9c: {  	s7 =	simm.s32 $0x0;
	s20 =	sshll.u32 s5, $0x1;
	s5 =	sadd.s32 s21, s3  }
0x9d: {  	[timem:s7], [sflag:s22] =	dma.local [hbm:s5], s20  }
0x9e: {  	_ =	swait.ge [sflag:s22], s20  }
0x9f: {  	s4 =	ssub.s32 $0x0, s20;
	[sflag:s22] =	ssyncset.done $0x0  }
0xa0: {  	[sflag:s22] =	ssyncadd.s32 s4;
	_ =	sdelay $0x1  }
0xa1: {  	s23 =	simm.s32 $0x1B8B  }
0xa2: {  	_ =	swait.ge [sflag:s23], $0x1  }
0xa3: {  	[sflag:s23] =	ssyncset.done $0x0  }
0xa4: {  	s25 =	simm.s32 $0x1B8E;
	s24 =	sld [smem:$0x3FFE];
	[sflag:s23] =	ssyncadd.s32 $0xFFFFFFFF  }
0xa5: {  	s26 =	simm.s32 $execute0_lowered;
	[smem:$0x3FD2] =	sst s25  }
0xa6: {  	s5 =	sshll.u32 s26, $0x1;
	_ =	strace $0x80000049;
	[dreg:$0x1] =	wrdreg $0xFFFFFFFF  }
0xa7: {  	s28 =	simm.s32 $_size_execute0_lowered;
	s3 =	sadd.s32 s3, s5;
	[dreg:$0x0] =	wrdreg $0x0  }
0xa8: {  	s5 =	sshll.u32 s28, $0x1;
	[dreg:$0x2] =	wrdreg s3  }
0xa9: {  	[dreg:$0x3] =	wrdreg s5  }
0xaa: {  	[dreg:$0x4] =	wrdreg $0xC0  }
0xab: {  	_ =	task [dreg:s7], $0x5FFFF  }
0xac: {  	[dreg:$0x1] =	wrdreg $0xFFFFFFFF  }
0xad: {  	[dreg:$0x0] =	wrdreg $0x60  }
0xae: {  	[dreg:$0x2] =	wrdreg s2  }
0xaf: {  	[dreg:$0x3] =	wrdreg s24  }
0xb0: {  	[dreg:$0x4] =	wrdreg $0x9  }
0xb1: {  	_ =	task.clear_ibuf [dreg:s7], $0x5FFFF;
	_ =	strace $0x90000049  }
0xb2: {  	s29 =	simm.s32 $0x9;
	_ =	strace $0x8000004B  }
0xb3: {  	_ =	swait.ge [sflag:s29], $0x1  }
0xb4: {  	[sflag:s29] =	ssyncadd.s32 $0xFFFFFFFF  }
0xb5: {  	_ =	strace $0x9000004B  }
0xb6: {  	_ =	sfence  }
0xb7: {  	s30 =	sld [smem:$0x0];
	_ =	sdelay $0x2  }
0xb8: {  	s31 =	sshll.u32 s1, $0xD;
	s1 =	sshrl.u32 s1, $0x2  }
0xb9: {  	s3 =	sand.u32 $0x4000, s31;
	s1 =	sadd.s32 s1, s30  }
0xba: {  	s0 =	sor.u32 s3, s0;
	s1 =	sshll.u32 s1, $0x11  }
0xbb: {  	s0 =	sor.u32 s1, s0  }
0xbc: {  	s0 =	sadd.s32 $0x8F2B, s0  }
0xbd: {  	[sflag:s0] =	ssyncadd.remote.s32 $0x1  }
0xbe: {  	_ =	sfence.sel $0xFFFF  }
0xbf: {  	[dreg:$0x0] =	wrdreg $0xFFFFFFFF;
	(pc) =	sbr.abs _section_cstart, $3  }
0xc0: {  	[dreg:$0x1] =	wrdreg $0xFFFFFFFF  }
0xc1: {  	_ =	task.clear_ibuf [dreg:s7], $0x2FFFF;
	_ =	strace $0x9FFFFFFF  }
0xc2: {  	(tm) =	ssettm $0x7FFFFFFF  }
0xc3: {  	_ =	shalt  }
tec
execute0_lowered:
.L_overlay_start_1:
0x0: {  	(tag) =	ssettag $0x1  }
0x1: {  	s6 =	rddreg [dreg:$0x0]  }
0x2: {  	s7 =	rddreg [dreg:$0x1]  }
0x3: {  	s0 =	rddreg [dreg:$0x2];
	s2 =	simm.s32 $0x0  }
0x4: {  	s3 =	srdreg.scid;
	s1 =	stileid.u32;
	s12 =	simm.s32 $0x2  }
0x5: {  	s13 =	simm.s32 $0x100;
	s14 =	simm.s32 $0x80;
	s15 =	simm.s32 $0x200  }
0x6: {  	s16 =	simm.s32 $0xA00;
	s17 =	simm.s32 $0x1200;
	s18 =	simm.s32 $0x1A00  }
0x7: {  	s19 =	simm.s32 $0x1;
	s20 =	simm.s32 $0x2200;
	s21 =	simm.s32 $0x180  }
0x8: {  	v0 =	vimm.s32 $0xFEDCBA98;
	v1 =	vimm.s32 $0xA9876543;
	s22 =	simm.s32 $0x0;
	[smem:$0x7FF] =	sst s2;
	s8 =	sand.u32 $0x1, s3  }
0x9: {  	s5 =	sshll.u32 s1, $0x1;
	s3 =	sadd.s32 $0x11E00, s7;
	s4 =	sadd.s32 $0xCE00, s7;
	v0 =	vunpack.c.l.s4.s8 v0;
	v1 =	vunpack.c.l.s4.s8 v1  }
0xa: {  	_ =	strace $0x8000004A;
	s9 =	sor.u32 s8, s5;
	s5 =	sadd.s32 $0x1800, s7  }
0xb: {  	v2 =	vimm.s32 $0xE0D0C0B;
	s8 =	ssub.s32 $0x2, s8;
	s10 =	sshll.u32 s9, $0x5;
	s9 =	sshll.u32 s9, $0x9;
	v0 =	vunpack.c.0.s8.s32 v0;
	v1 =	vunpack.c.0.s8.s32 v1  }
0xc: {  	vm0 =	vcmask $0x1F00;
	v2 =	vunpack.c.0.s8.s32 v2;
	s11 =	sshrl.u32 s8, $0x1;
	s6 =	sadd.s32 s6, s10;
	s9 =	sadd.s32 s9, s7  }
0xd: {  	vm1 =	vcmask $0x2F20;
	s31 =	ssub.s32 s8, s11;
	s11 =	simm.s32 $0x2A00;
	s7 =	sadd.s32 $0x400, s6;
	v0 =	vand.u32 $0xF, v0;
	v3 =	vnsel vm0, $0xF, v1  }
0xe: {  	s8 =	sadd.s32 $0x1A00, s9;
	s9 =	sadd.s32 $0x1B00, s9;
	s10 =	smax.u32 s31, $0x1;
	v1 =	vimm.s32 $0x6;
	v0 =	vnsel vm0, $0xF, v0;
	v2 =	vsel vm1, v2, v3  }
.LBB2_1:
0xf: {  	[tilespmem:s11], [sflag:$0x2] =	stream.linear.gather [hbm4b:s5+s2], $0x10, $0x38;
	[tilespmem:$0x2A10] =	vst v63  }
0x10: {  	_ =	swait.ge [sflag:s12], $0x10  }
0x11: {  	[sflag:s12] =	ssyncset.done $0x0  }
0x12: {  	[sflag:s12] =	ssyncadd.s32 $0xFFFFFFF0  }
0x13: {  	[tilespmem:s2], [sflag:$0x2] =	stream.linear.gather [hbm4b:s6+s2], $0x100, $0x38;
	[tilespmem:$0x2A10] =	vst v63  }
0x14: {  	_ =	swait.ge [sflag:s12], $0x100  }
0x15: {  	[sflag:s12] =	ssyncset.done $0x0  }
0x16: {  	[sflag:s12] =	ssyncadd.s32 $0xFFFFFF00  }
0x17: {  	[tilespmem:s13], [sflag:$0x2] =	stream.linear.gather [hbm4b:s7+s2], $0x100, $0x38;
	[tilespmem:$0x2A10] =	vst v63  }
0x18: {  	_ =	swait.ge [sflag:s12], $0x100  }
0x19: {  	[sflag:s12] =	ssyncset.done $0x0  }
0x1a: {  	[sflag:s12] =	ssyncadd.s32 $0xFFFFFF00  }
0x1b: {  	[tilespmem:s15], [sflag:$0x1] =	stream.indirect.gather [hbm4b:s3+s14], $0x10, s2, s14, $0xb8;
	[tilespmem:$0x2A10] =	vst v63  }
0x1c: {  	_ = 	snop  }
0x1d: {  	[tilespmem:s16], [sflag:$0x1] =	stream.indirect.gather [hbm4b:s4+s14], $0x10, s2, s14, $0xb8;
	[tilespmem:$0x2A10] =	vst v63  }
0x1e: {  	_ = 	snop  }
0x1f: {  	[tilespmem:s17], [sflag:$0x1] =	stream.indirect.gather [hbm4b:s3+s14], $0x10, s13, s14, $0xb8;
	[tilespmem:$0x2A10] =	vst v63  }
0x20: {  	_ = 	snop  }
0x21: {  	[tilespmem:s18], [sflag:$0x1] =	stream.indirect.gather [hbm4b:s4+s14], $0x10, s13, s14, $0xb8;
	[tilespmem:$0x2A10] =	vst v63  }
0x22: {  	_ =	swait.ge [sflag:s19], $0x800  }
0x23: {  	[sflag:s19] =	ssyncset.done $0x0  }
0x24: {  	[sflag:s19] =	ssyncadd.s32 $0xFFFFF800  }
0x25: {  	_ =	swait.ge [sflag:s19], $0x800  }
0x26: {  	[sflag:s19] =	ssyncset.done $0x0  }
0x27: {  	[sflag:s19] =	ssyncadd.s32 $0xFFFFF800  }
0x28: {  	_ =	swait.ge [sflag:s19], $0x800  }
0x29: {  	[sflag:s19] =	ssyncset.done $0x0  }
0x2a: {  	[sflag:s19] =	ssyncadd.s32 $0xFFFFF800  }
0x2b: {  	_ =	swait.ge [sflag:s19], $0x800  }
0x2c: {  	[sflag:s19] =	ssyncset.done $0x0  }
0x2d: {  	s28 =	simm.s32 $0x0;
	[sflag:s19] =	ssyncadd.s32 $0xFFFFF800  }
0x2e: {  	v3 =	vld [tilespmem:s28+$0x1A00];
	_ =	sdelay $0x1  }
0x2f: {  	v4 =	vld [tilespmem:s28+$0xA00];
	_ =	sdelay $0x2  }
0x30: {  	v5 =	vperm.xlane v3, v0  }
0x31: {  	s23 =	simm.s32 $0x10  }
0x32: {  	v6 =	vperm.xlane v4, v0;
	v3 =	vadd.f32 v5, v3;
	v5 =	vld [tilespmem:s23+$0x1A00];
	_ =	sdelay $0x1  }
0x33: {  	v8 =	vadd.f32 v6, v4;
	v6 =	vld [tilespmem:s23+$0xA00];
	v4 =	vperm.xlane v3, v1;
	_ =	sdelay $0x1  }
0x34: {  	v7 =	vperm.xlane v8, v1;
	v4 =	vmax.f32 v4, $1.000000000e+00  }
0x35: {  	s25 =	simm.s32 $0x20;
	(erf) = vrcp.f32 v4;
	v4 =	vperm.xlane v5, v0  }
0x36: {  	v9 =	vld [tilespmem:s25+$0x1A00];
	v7 =	vmax.f32 v7, $1.000000000e+00  }
0x37: {  	(erf) = vrcp.f32 v7;
	v7 =	vperm.xlane v6, v0;
	v5 =	vadd.f32 v4, v5  }
0x38: {  	v4 =	vld [tilespmem:s25+$0xA00]  }
0x39: {  	v10 =	vld [tilespmem:s28+$0x1200];
	v7 =	vadd.f32 v7, v6;
	v6 =	vperm.xlane v5, v1;
	_ =	sdelay $0x1  }
0x3a: {  	v14 =	vld [tilespmem:s28+$0x200];
	v11 =	vperm.xlane v9, v0;
	v13 =	vperm.xlane v7, v1;
	v6 =	vmax.f32 v6, $1.000000000e+00  }
0x3b: {  	(erf) = vrcp.f32 v6  }
0x3c: {  	s24 =	simm.s32 $0x30;
	v15 =	vperm.xlane v4, v0;
	v13 =	vmax.f32 v13, $1.000000000e+00;
	v6 =	vadd.f32 v11, v9  }
0x3d: {  	v12 =	vld [tilespmem:s24+$0x1A00];
	v10 =	vperm.xlane v10, v0;
	v9 =	vpop (erf);
	(erf) = vrcp.f32 v13  }
0x3e: {  	v11 =	vld [tilespmem:s24+$0xA00];
	v4 =	vadd.f32 v15, v4;
	v15 =	vperm.xlane v6, v1;
	v13 =	vmul.f32 v9, v3  }
0x3f: {  	v14 =	vperm.xlane v14, v0;
	v9 =	vpop (erf)  }
0x40: {  	v8 =	vmul.f32 v9, v8;
	v9 =	vld [tilespmem:s23+$0x1200];
	v16 =	vadd.f32 v13, v10;
	v10 =	vmax.f32 v15, $1.000000000e+00  }
0x41: {  	v3 =	vld [tilespmem:$0x2A00];
	v17 =	vperm.xlane v4, v1;
	(erf) = vrcp.f32 v10  }
0x42: {  	s26 =	simm.s32 $0x40;
	v13 =	vperm.xlane v12, v0;
	v10 =	vld [tilespmem:s23+$0x200];
	v15 =	vadd.f32 v8, v14;
	v16 =	vperm.xlane v16, v2  }
0x43: {  	s29 =	simm.s32 $0x140;
	v8 =	vld [tilespmem:s26+$0x1A00];
	v14 =	vperm.xlane v11, v0;
	v17 =	vmax.f32 v17, $1.000000000e+00  }
.LBB2_2:
0x44: {  	p0 =	sne.s32 s29, $0x1FC0;
	v12 =	vadd.f32 v13, v12;
	(erf) = vrcp.f32 v17;
	v13 =	vpop (erf);
	v15 =	vadd.f32 v16, v15  }
0x45: {  	v18 =	vld [tilespmem:s26+$0xA00];
	v13 =	vmul.f32 v13, v5;
	v16 =	vperm.xlane v9, v0;
	v5 =	vmov v6  }
.Ltmp0:
0x46: {  	v11 =	vadd.f32 v14, v11;
	v14 =	vperm.xlane v12, v1;
	v6 =	vpop (erf);
	v15 =	vadd.f32 v15, v3;
	(pc) =	sbr.rel @p0 .LBB2_2-.Ltmp0, $4  }
0x47: {  	v9 =	vld [tilespmem:s25+$0x1200];
	v17 =	vmul.f32 v6, v7;
	v19 =	vperm.xlane v10, v0;
	v16 =	vadd.f32 v13, v16;
	v6 =	vmovc v12  }
0x48: {  	v20 =	vperm.xlane v11, v1;
	v7 =	vmovc v4;
	v13 =	vperm.xlane v8, v0;
	v10 =	vmax.f32 v14, $1.000000000e+00;
	[tilespmem:s28+$0x2200] =	vst v15;
	s28 =	smov.u32 s23;
	s23 =	smov.u32 s25;
	s25 =	smov.u32 s24  }
0x49: {  	v4 =	vmovc v11;
	v12 =	vmovc v8;
	s24 =	smov.u32 s26;
	s26 =	sshra.s32 s29, $0x2;
	(erf) = vrcp.f32 v10;
	v10 =	vld [tilespmem:s23+$0x200];
	v15 =	vadd.f32 v17, v19;
	v16 =	vperm.xlane v16, v2  }
0x4a: {  	s29 =	sadd.s32 $0x40, s29;
	v17 =	vmax.f32 v20, $1.000000000e+00;
	v8 =	vld [tilespmem:s26+$0x1A00];
	v14 =	vperm.xlane v18, v0;
	v11 =	vmov v18  }
0x4b: {  	_ = 	snop  }
0x4c: {  	(erf) = vrcp.f32 v17;
	v15 =	vadd.f32 v16, v15;
	v12 =	vadd.f32 v13, v12;
	v13 =	vpop (erf)  }
0x4d: {  	v5 =	vmul.f32 v13, v5;
	v9 =	vperm.xlane v9, v0  }
0x4e: {  	v16 =	vld [tilespmem:s26+$0xA00];
	v11 =	vadd.f32 v14, v11;
	v13 =	vadd.f32 v15, v3  }
0x4f: {  	v18 =	vld [tilespmem:s25+$0x1200];
	v15 =	vperm.xlane v12, v1;
	v17 =	vpop (erf);
	v5 =	vadd.f32 v5, v9;
	v9 =	vperm.xlane v8, v0  }
0x50: {  	v7 =	vmul.f32 v17, v7;
	v10 =	vperm.xlane v10, v0;
	[tilespmem:s28+$0x2200] =	vst v13  }
0x51: {  	v13 =	vmax.f32 v15, $1.000000000e+00;
	v15 =	vperm.xlane v11, v1;
	v14 =	vld [tilespmem:s25+$0x200]  }
0x52: {  	(erf) = vrcp.f32 v13;
	v7 =	vadd.f32 v7, v10  }
0x53: {  	v5 =	vperm.xlane v5, v2;
	v10 =	vperm.xlane v16, v0;
	v8 =	vadd.f32 v9, v8;
	v9 =	vpop (erf)  }
0x54: {  	v13 =	vmax.f32 v15, $1.000000000e+00;
	v6 =	vmul.f32 v9, v6;
	v9 =	vperm.xlane v18, v0  }
0x55: {  	(erf) = vrcp.f32 v13;
	v10 =	vadd.f32 v10, v16;
	v13 =	vperm.xlane v8, v1;
	v15 =	vpop (erf)  }
0x56: {  	v4 =	vmul.f32 v15, v4;
	v14 =	vperm.xlane v14, v0;
	v6 =	vadd.f32 v6, v9  }
0x57: {  	v5 =	vadd.f32 v5, v7;
	v7 =	vperm.xlane v10, v1  }
0x58: {  	v9 =	vmax.f32 v13, $1.000000000e+00;
	v4 =	vadd.f32 v4, v14;
	v6 =	vperm.xlane v6, v2  }
0x59: {  	(erf) = vrcp.f32 v9  }
0x5a: {  	v7 =	vmax.f32 v7, $1.000000000e+00;
	v4 =	vadd.f32 v6, v4  }
0x5b: {  	v5 =	vadd.f32 v5, v3;
	v9 =	vld [tilespmem:s24+$0x1200];
	(erf) = vrcp.f32 v7  }
0x5c: {  	v4 =	vadd.f32 v4, v3  }
0x5d: {  	[tilespmem:s23+$0x2200] =	vst v5  }
0x5e: {  	v6 =	vld [tilespmem:s26+$0x1200]  }
0x5f: {  	v5 =	vld [tilespmem:s24+$0x200];
	[tilespmem:s25+$0x2200] =	vst v4  }
0x60: {  	v9 =	vperm.xlane v9, v0;
	v7 =	vld [tilespmem:s26+$0x200];
	v4 =	vpop (erf)  }
0x61: {  	v13 =	vpop (erf)  }
0x62: {  	v4 =	vmul.f32 v4, v12;
	v12 =	vpop (erf)  }
0x63: {  	v6 =	vperm.xlane v6, v0;
	v8 =	vmul.f32 v12, v8  }
0x64: {  	v5 =	vperm.xlane v5, v0;
	v11 =	vmul.f32 v13, v11;
	v4 =	vadd.f32 v4, v9;
	v9 =	vpop (erf)  }
0x65: {  	v9 =	vmul.f32 v9, v10;
	v7 =	vperm.xlane v7, v0;
	v6 =	vadd.f32 v8, v6  }
0x66: {  	v5 =	vadd.f32 v11, v5;
	v4 =	vperm.xlane v4, v2  }
0x67: {  	v7 =	vadd.f32 v9, v7;
	v6 =	vperm.xlane v6, v2  }
0x68: {  	v4 =	vadd.f32 v4, v5  }
0x69: {  	v5 =	vadd.f32 v6, v7  }
0x6a: {  	v4 =	vadd.f32 v4, v3  }
0x6b: {  	v3 =	vadd.f32 v5, v3  }
0x6c: {  	[tilespmem:s24+$0x2200] =	vst v4  }
0x6d: {  	s31 =	simm.s32 $0x0;
	[tilespmem:s26+$0x2200] =	vst v3  }
0x6e: {  	[hbm4b:s8+s31] =	stream.linear.scatter [tilespmem:s20], [sflag:$0x2], $0x800, $0x38;
	[tilespmem:$0x2A10] =	vst v63  }
0x6f: {  	_ =	swait.ge [sflag:s12], $0x800  }
0x70: {  	[sflag:s12] =	ssyncset.done $0x0  }
0x71: {  	[sflag:s12] =	ssyncadd.s32 $0xFFFFF800  }
0x72: {  	[tilespmem:s15], [sflag:$0x1] =	stream.indirect.gather [hbm4b:s3+s14], $0x10, s14, s14, $0xb8;
	[tilespmem:$0x2A10] =	vst v63  }
0x73: {  	_ = 	snop  }
0x74: {  	[tilespmem:s16], [sflag:$0x1] =	stream.indirect.gather [hbm4b:s4+s14], $0x10, s14, s14, $0xb8;
	[tilespmem:$0x2A10] =	vst v63  }
0x75: {  	_ = 	snop  }
0x76: {  	[tilespmem:s17], [sflag:$0x1] =	stream.indirect.gather [hbm4b:s3+s14], $0x10, s21, s14, $0xb8;
	[tilespmem:$0x2A10] =	vst v63  }
0x77: {  	_ = 	snop  }
0x78: {  	[tilespmem:s18], [sflag:$0x1] =	stream.indirect.gather [hbm4b:s4+s14], $0x10, s21, s14, $0xb8;
	[tilespmem:$0x2A10] =	vst v63  }
0x79: {  	_ =	swait.ge [sflag:s19], $0x800  }
0x7a: {  	[sflag:s19] =	ssyncset.done $0x0  }
0x7b: {  	[sflag:s19] =	ssyncadd.s32 $0xFFFFF800  }
0x7c: {  	_ =	swait.ge [sflag:s19], $0x800  }
0x7d: {  	[sflag:s19] =	ssyncset.done $0x0  }
0x7e: {  	[sflag:s19] =	ssyncadd.s32 $0xFFFFF800  }
0x7f: {  	_ =	swait.ge [sflag:s19], $0x800  }
0x80: {  	[sflag:s19] =	ssyncset.done $0x0  }
0x81: {  	[sflag:s19] =	ssyncadd.s32 $0xFFFFF800  }
0x82: {  	_ =	swait.ge [sflag:s19], $0x800  }
0x83: {  	[sflag:s19] =	ssyncset.done $0x0  }
0x84: {  	s28 =	simm.s32 $0x0;
	[sflag:s19] =	ssyncadd.s32 $0xFFFFF800  }
0x85: {  	v3 =	vld [tilespmem:s28+$0x1A00];
	_ =	sdelay $0x1  }
0x86: {  	v4 =	vld [tilespmem:s28+$0xA00];
	_ =	sdelay $0x2  }
0x87: {  	v5 =	vperm.xlane v3, v0  }
0x88: {  	s23 =	simm.s32 $0x10  }
0x89: {  	v6 =	vperm.xlane v4, v0;
	v3 =	vadd.f32 v5, v3;
	v5 =	vld [tilespmem:s23+$0x1A00];
	_ =	sdelay $0x1  }
0x8a: {  	v8 =	vadd.f32 v6, v4;
	v6 =	vld [tilespmem:s23+$0xA00];
	v4 =	vperm.xlane v3, v1;
	_ =	sdelay $0x1  }
0x8b: {  	v7 =	vperm.xlane v8, v1;
	v4 =	vmax.f32 v4, $1.000000000e+00  }
0x8c: {  	s25 =	simm.s32 $0x20;
	(erf) = vrcp.f32 v4;
	v4 =	vperm.xlane v5, v0  }
0x8d: {  	v9 =	vld [tilespmem:s25+$0x1A00];
	v7 =	vmax.f32 v7, $1.000000000e+00  }
0x8e: {  	(erf) = vrcp.f32 v7;
	v7 =	vperm.xlane v6, v0;
	v5 =	vadd.f32 v4, v5  }
0x8f: {  	v4 =	vld [tilespmem:s25+$0xA00]  }
0x90: {  	v10 =	vld [tilespmem:s28+$0x1200];
	v7 =	vadd.f32 v7, v6;
	v6 =	vperm.xlane v5, v1;
	_ =	sdelay $0x1  }
0x91: {  	v14 =	vld [tilespmem:s28+$0x200];
	v11 =	vperm.xlane v9, v0;
	v13 =	vperm.xlane v7, v1;
	v6 =	vmax.f32 v6, $1.000000000e+00  }
0x92: {  	(erf) = vrcp.f32 v6  }
0x93: {  	s24 =	simm.s32 $0x30;
	v15 =	vperm.xlane v4, v0;
	v13 =	vmax.f32 v13, $1.000000000e+00;
	v6 =	vadd.f32 v11, v9  }
0x94: {  	v12 =	vld [tilespmem:s24+$0x1A00];
	v10 =	vperm.xlane v10, v0;
	v9 =	vpop (erf);
	(erf) = vrcp.f32 v13  }
0x95: {  	v11 =	vld [tilespmem:s24+$0xA00];
	v4 =	vadd.f32 v15, v4;
	v15 =	vperm.xlane v6, v1;
	v13 =	vmul.f32 v9, v3  }
0x96: {  	v14 =	vperm.xlane v14, v0;
	v9 =	vpop (erf)  }
0x97: {  	v8 =	vmul.f32 v9, v8;
	v9 =	vld [tilespmem:s23+$0x1200];
	v16 =	vadd.f32 v13, v10;
	v10 =	vmax.f32 v15, $1.000000000e+00  }
0x98: {  	v3 =	vld [tilespmem:$0x2A00];
	v17 =	vperm.xlane v4, v1;
	(erf) = vrcp.f32 v10  }
0x99: {  	s26 =	simm.s32 $0x40;
	v13 =	vperm.xlane v12, v0;
	v10 =	vld [tilespmem:s23+$0x200];
	v15 =	vadd.f32 v8, v14;
	v16 =	vperm.xlane v16, v2  }
0x9a: {  	s29 =	simm.s32 $0x140;
	v8 =	vld [tilespmem:s26+$0x1A00];
	v14 =	vperm.xlane v11, v0;
	v17 =	vmax.f32 v17, $1.000000000e+00  }
.LBB2_4:
0x9b: {  	p0 =	sne.s32 s29, $0x1FC0;
	v12 =	vadd.f32 v13, v12;
	(erf) = vrcp.f32 v17;
	v13 =	vpop (erf);
	v15 =	vadd.f32 v16, v15  }
0x9c: {  	v18 =	vld [tilespmem:s26+$0xA00];
	v13 =	vmul.f32 v13, v5;
	v16 =	vperm.xlane v9, v0;
	v5 =	vmov v6  }
.Ltmp1:
0x9d: {  	v11 =	vadd.f32 v14, v11;
	v14 =	vperm.xlane v12, v1;
	v6 =	vpop (erf);
	v15 =	vadd.f32 v15, v3;
	(pc) =	sbr.rel @p0 .LBB2_4-.Ltmp1, $4  }
0x9e: {  	v9 =	vld [tilespmem:s25+$0x1200];
	v17 =	vmul.f32 v6, v7;
	v19 =	vperm.xlane v10, v0;
	v16 =	vadd.f32 v13, v16;
	v6 =	vmovc v12  }
0x9f: {  	v20 =	vperm.xlane v11, v1;
	v7 =	vmovc v4;
	v13 =	vperm.xlane v8, v0;
	v10 =	vmax.f32 v14, $1.000000000e+00;
	[tilespmem:s28+$0x2200] =	vst v15;
	s28 =	smov.u32 s23;
	s23 =	smov.u32 s25;
	s25 =	smov.u32 s24  }
0xa0: {  	v4 =	vmovc v11;
	v12 =	vmovc v8;
	s24 =	smov.u32 s26;
	s26 =	sshra.s32 s29, $0x2;
	(erf) = vrcp.f32 v10;
	v10 =	vld [tilespmem:s23+$0x200];
	v15 =	vadd.f32 v17, v19;
	v16 =	vperm.xlane v16, v2  }
0xa1: {  	s29 =	sadd.s32 $0x40, s29;
	v17 =	vmax.f32 v20, $1.000000000e+00;
	v8 =	vld [tilespmem:s26+$0x1A00];
	v14 =	vperm.xlane v18, v0;
	v11 =	vmov v18  }
0xa2: {  	(erf) = vrcp.f32 v17;
	v15 =	vadd.f32 v16, v15  }
0xa3: {  	v12 =	vadd.f32 v13, v12;
	v39 =	vpop (erf)  }
0xa4: {  	v40 =	vld [tilespmem:s26+$0xA00];
	v5 =	vmul.f32 v39, v5;
	v41 =	vadd.f32 v15, v3  }
0xa5: {  	v18 =	vld [tilespmem:s25+$0x1200];
	v9 =	vperm.xlane v9, v0;
	v42 =	vperm.xlane v12, v1;
	v43 =	vpop (erf)  }
0xa6: {  	v11 =	vadd.f32 v14, v11;
	v7 =	vmul.f32 v43, v7;
	v10 =	vperm.xlane v10, v0;
	[tilespmem:s28+$0x2200] =	vst v41  }
0xa7: {  	v5 =	vadd.f32 v5, v9;
	v44 =	vperm.xlane v8, v0;
	v45 =	vmax.f32 v42, $1.000000000e+00;
	v46 =	vld [tilespmem:s25+$0x200]  }
0xa8: {  	v47 =	vperm.xlane v11, v1;
	(erf) = vrcp.f32 v45;
	v7 =	vadd.f32 v7, v10  }
0xa9: {  	v5 =	vperm.xlane v5, v2;
	v48 =	vperm.xlane v40, v0;
	v8 =	vadd.f32 v44, v8;
	v49 =	vpop (erf)  }
0xaa: {  	v50 =	vmax.f32 v47, $1.000000000e+00;
	v51 =	vperm.xlane v18, v0;
	v6 =	vmul.f32 v49, v6  }
0xab: {  	(erf) = vrcp.f32 v50;
	v10 =	vadd.f32 v48, v40;
	v52 =	vperm.xlane v8, v1;
	v53 =	vpop (erf)  }
0xac: {  	v4 =	vmul.f32 v53, v4;
	v14 =	vperm.xlane v46, v0;
	v6 =	vadd.f32 v6, v51  }
0xad: {  	v5 =	vadd.f32 v5, v7;
	v54 =	vperm.xlane v10, v1;
	v55 =	vmax.f32 v52, $1.000000000e+00  }
0xae: {  	(erf) = vrcp.f32 v55;
	v4 =	vadd.f32 v4, v14;
	v6 =	vperm.xlane v6, v2  }
0xaf: {  	v7 =	vmax.f32 v54, $1.000000000e+00  }
0xb0: {  	v5 =	vadd.f32 v5, v3;
	(erf) = vrcp.f32 v7;
	v4 =	vadd.f32 v6, v4;
	_ =	sdelay $0x1  }
0xb1: {  	v56 =	vld [tilespmem:s24+$0x1200];
	[tilespmem:s23+$0x2200] =	vst v5;
	v4 =	vadd.f32 v4, v3  }
0xb2: {  	v57 =	vld [tilespmem:s26+$0x1200]  }
0xb3: {  	v5 =	vld [tilespmem:s24+$0x200];
	[tilespmem:s25+$0x2200] =	vst v4  }
0xb4: {  	v58 =	vpop (erf);
	v59 =	vld [tilespmem:s26+$0x200]  }
0xb5: {  	v60 =	vpop (erf)  }
0xb6: {  	v9 =	vperm.xlane v56, v0;
	v4 =	vmul.f32 v58, v12;
	v61 =	vpop (erf)  }
0xb7: {  	v6 =	vperm.xlane v57, v0;
	v8 =	vmul.f32 v61, v8  }
0xb8: {  	v11 =	vmul.f32 v60, v11;
	v5 =	vperm.xlane v5, v0;
	v4 =	vadd.f32 v4, v9;
	v62 =	vpop (erf)  }
0xb9: {  	v9 =	vmul.f32 v62, v10;
	v6 =	vadd.f32 v8, v6;
	v7 =	vperm.xlane v59, v0  }
0xba: {  	v5 =	vadd.f32 v11, v5;
	v4 =	vperm.xlane v4, v2  }
0xbb: {  	v6 =	vperm.xlane v6, v2;
	v7 =	vadd.f32 v9, v7  }
0xbc: {  	v4 =	vadd.f32 v4, v5  }
0xbd: {  	v63 =	vadd.f32 v6, v7  }
0xbe: {  	v4 =	vadd.f32 v4, v3  }
0xbf: {  	s22 =	sadd.s32 $0x1, s22;
	v3 =	vadd.f32 v63, v3  }
0xc0: {  	p0 =	sne.s32 s22, s10;
	[tilespmem:s24+$0x2200] =	vst v4  }
.Ltmp2:
0xc1: {  	[tilespmem:s26+$0x2200] =	vst v3;
	(pc) =	sbr.rel @p0 .LBB2_1-.Ltmp2, $4  }
0xc2: {  	[hbm4b:s9+s2] =	stream.linear.scatter [tilespmem:s20], [sflag:$0x2], $0x800, $0x38;
	[tilespmem:$0x2A10] =	vst v63  }
0xc3: {  	_ =	swait.ge [sflag:s12], $0x800  }
0xc4: {  	[sflag:s12] =	ssyncset.done $0x0  }
0xc5: {  	[sflag:s12] =	ssyncadd.s32 $0xFFFFF800  }
0xc6: {  	_ =	sfence.sel $0x180000  }
0xc7: {  	[bflag:$0x0] =	sbarrier.arrive $0xFFFF  }
0xc8: {  	p0 =	sne.s32 s1, $0x0;
	_ =	strace $0x9000004A  }
0xc9: {  	s0 =	sadd.s32 @!p0 $0x100000, s0;
	[bflag:$0x2] =	sbarrier.arrive $0xFFFF  }
0xca: {  	[sflag:s0] =	ssyncadd.tile.s32 @!p0 $0x1;
	_ =	shalt  }
.Lfunc_end2:
_tile_overlayer_lowered:
.L_overlay_start_2:
0xcb: {  	(tag) =	ssettag $0x2  }
0xcc: {  	s0 =	rddreg [dreg:$0x0];
	s2 =	stileid.u32  }
0xcd: {  	s1 =	rddreg [dreg:$0x1];
	p0 =	sne.s32 s2, $0x0  }
0xce: {  	s3 =	rddreg [dreg:$0x2];
	[bflag:$0x3] =	sbarrier.arrive $0xFFFF;
	s2 =	simm.s32 @!p0 $0x1C02  }
0xcf: {  	[timem:s3], [sflag:s2] =	dma.local @!p0 [hbm:s0], s1  }
0xd0: {  	s0 =	simm.s32 @!p0 $0x2  }
0xd1: {  	_ =	swait.ge @!p0 [sflag:s0], s1  }
0xd2: {  	s1 =	ssub.s32 @!p0 $0x0, s1;
	[sflag:s0] =	ssyncset.done @!p0 $0x0  }
0xd3: {  	[sflag:s0] =	ssyncadd.s32 @!p0 s1  }
0xd4: {  	[bflag:$0x3] =	sbarrier.arrive $0xFFFF  }
0xd5: {  	_ =	shalt  }

</sc_bundles>
